<compile_context>
chip_gen: v7x
topology: tpu7x:2x2x1
jax: 0.10.2.dev20260603
libtpu: 0.0.44.dev20260713+nightly
codegen_flags: <defaults>
</compile_context>

<pallas_src>
import functools

import jax
import jax.numpy as jnp
from jax import lax
from jax.experimental import pallas as pl
from jax.experimental.pallas import tpu as pltpu
from jax.experimental.pallas import tpu_sc as plsc

NUM_EXPERTS = 64
TOP_K = 8
TOKEN_BLOCK = 512
NC, NS = 2, 16
NW = NC * NS
L = 16
CHUNK_TOKENS = 8192
TOK_PER_W = CHUNK_TOKENS // NW


def _score_body(x_ref, w_ref, s_ref):
    s_ref[...] = jax.nn.sigmoid(
        jnp.dot(x_ref[...], w_ref[...], preferred_element_type=jnp.float32)
    )


def _hist_body(p_ref, h_ref):
    h_ref[...] = jnp.sum(p_ref[...], axis=0, keepdims=True)


def _vtake(v, idx):
    dn = lax.GatherDimensionNumbers(
        offset_dims=(), collapsed_slice_dims=(0,), start_index_map=(0,)
    )
    return lax.gather(
        v, idx[:, None], dn, (1,), mode=lax.GatherScatterMode.PROMISE_IN_BOUNDS
    )


def _merge16(ak, ai, bk, bi):
    rk = lax.rev(bk, (0,))
    ri = lax.rev(bi, (0,))
    take = (ak > rk) | ((ak == rk) & (ai < ri))
    mk = jnp.where(take, ak, rk)
    mi = jnp.where(take, ai, ri)
    return plsc.sort_key_val(mk, mi, descending=True)


def _route_body(s_hbm, b_hbm, top_hbm, idx_hbm, hist_hbm, slab, biasv, outs, outi, hist):
    wid = lax.axis_index("s") * NC + lax.axis_index("c")
    base = wid * TOK_PER_W
    pltpu.sync_copy(b_hbm, biasv)
    pltpu.sync_copy(s_hbm.at[pl.ds(base, TOK_PER_W)], slab)

    iota = lax.iota(jnp.int32, L)
    lane_lt8 = iota < TOP_K
    ones = jnp.ones((L,), jnp.float32)
    zeros = jnp.zeros((L,), jnp.float32)
    cidx = jnp.maximum(iota - TOP_K, 0)
    for j in range(NUM_EXPERTS // L):
        hist[pl.ds(j * L, L)] = zeros
    biasvs = [biasv[pl.ds(j * L, L)] for j in range(NUM_EXPERTS // L)]
    iotas = [iota + j * L for j in range(NUM_EXPERTS // L)]

    def token(t):
        sk = []
        for j in range(NUM_EXPERTS // L):
            k = slab[t, pl.ds(j * L, L)] + biasvs[j]
            sk.append(plsc.sort_key_val(k, iotas[j], descending=True))
        k01 = _merge16(*sk[0], *sk[1])
        k23 = _merge16(*sk[2], *sk[3])
        bk, bi = _merge16(*k01, *k23)
        tvec = jnp.full((L,), t, jnp.int32)
        g = plsc.load_gather(slab, [tvec, bi])
        g = jnp.where(lane_lt8, g, 0.0)
        gn = g / (jnp.sum(g) + 1e-20)
        plsc.addupdate_scatter(hist, [bi], ones, mask=lane_lt8)
        return gn, bi

    @plsc.parallel_loop(0, TOK_PER_W // 2, 1, unroll=2)
    def pair(p):
        t0 = p * 2
        gn0, bi0 = token(t0)
        gn1, bi1 = token(t0 + 1)
        combs = jnp.where(lane_lt8, gn0, _vtake(gn1, cidx))
        combi = jnp.where(lane_lt8, bi0, _vtake(bi1, cidx))
        outs[pl.ds(p * L, L)] = combs
        outi[pl.ds(p * L, L)] = combi

    pltpu.sync_copy(outs, top_hbm.at[pl.ds(base * TOP_K, TOK_PER_W * TOP_K)])
    pltpu.sync_copy(outi, idx_hbm.at[pl.ds(base * TOP_K, TOK_PER_W * TOP_K)])
    pltpu.sync_copy(hist, hist_hbm.at[wid])


_route = pl.kernel(
    _route_body,
    out_type=[
        jax.ShapeDtypeStruct((CHUNK_TOKENS * TOP_K,), jnp.float32),
        jax.ShapeDtypeStruct((CHUNK_TOKENS * TOP_K,), jnp.int32),
        jax.ShapeDtypeStruct((NW, NUM_EXPERTS), jnp.float32),
    ],
    mesh=plsc.VectorSubcoreMesh(
        core_axis_name="c", subcore_axis_name="s", num_cores=NC, num_subcores=NS
    ),
    compiler_params=pltpu.CompilerParams(needs_layout_passes=False),
    scratch_types=[
        pltpu.VMEM((TOK_PER_W, NUM_EXPERTS), jnp.float32),
        pltpu.VMEM((NUM_EXPERTS,), jnp.float32),
        pltpu.VMEM((TOK_PER_W * TOP_K,), jnp.float32),
        pltpu.VMEM((TOK_PER_W * TOP_K,), jnp.int32),
        pltpu.VMEM((NUM_EXPERTS,), jnp.float32),
    ],
)


@jax.jit
def kernel(x, expert_bias, gate_w):
    tokens, dim = x.shape
    e = gate_w.shape[0]
    w_t = gate_w.T
    t = TOKEN_BLOCK
    tops, idxs, hps = [], [], []
    for h in range(tokens // CHUNK_TOKENS):
        off = h * (CHUNK_TOKENS // t)
        scores_h = pl.pallas_call(
            _score_body,
            grid=(CHUNK_TOKENS // t,),
            in_specs=[
                pl.BlockSpec((t, dim), lambda i, off=off: (i + off, 0)),
                pl.BlockSpec((dim, e), lambda i: (0, 0)),
            ],
            out_specs=pl.BlockSpec((t, e), lambda i: (i, 0)),
            out_shape=jax.ShapeDtypeStruct((CHUNK_TOKENS, e), jnp.float32),
        )(x, w_t)
        top_h, idx_h, hp_h = _route(scores_h, expert_bias)
        tops.append(top_h)
        idxs.append(idx_h)
        hps.append(hp_h)
    hist = pl.pallas_call(
        _hist_body,
        out_shape=jax.ShapeDtypeStruct((1, e), jnp.float32),
    )(jnp.concatenate(hps, axis=0))
    top = jnp.concatenate(tops).reshape(tokens, TOP_K)
    idx = jnp.concatenate(idxs).reshape(tokens, TOP_K)
    return top, idx, hist.reshape(e)

# --- scband reference (transcript-rebuilt; emitter-appended) ---
"""Pipeline reference for scband-token-choice-top-krouter-32701880992123 (READ-ONLY COPY).

The authoritative reference and input builder live on the scoring server;
editing this copy changes nothing except your own understanding.
"""

import jax, jax.numpy as jnp
import numpy as np

DIM = 4096
NUM_EXPERTS = 64
TOP_K = 8
SCORE_FUNC = "sigmoid"
ROUTE_NORM = True
ROUTE_SCALE = 1.0


def setup_inputs(seed: int = 0) -> dict:
    key = jax.random.key(seed)
    k1, k2, k3 = jax.random.split(key, 3)
    x = jax.random.normal(k1, (32768, DIM), dtype=jnp.float32)
    expert_bias = jax.random.normal(k2, (NUM_EXPERTS,), dtype=jnp.float32) * 0.01
    # gate: nn.Linear(dim, num_experts, bias=False) -> weight shape [num_experts, dim]
    gate_w = jax.random.normal(k3, (NUM_EXPERTS, DIM), dtype=jnp.float32) * 0.02
    return {"x": x, "expert_bias": expert_bias, "gate_w": gate_w}


def reference(x, expert_bias, gate_w):
    # scores = self.gate(x)
    scores = jnp.dot(x, gate_w.T)
    if SCORE_FUNC == "sigmoid":
        scores = jax.nn.sigmoid(scores.astype(jnp.float32))
    else:
        scores = jax.nn.softmax(scores.astype(jnp.float32), axis=1)
    # topk over biased scores (expert_bias provided)
    biased = scores + expert_bias[None, :]
    _, selected_experts_indices = jax.lax.top_k(biased, TOP_K)
    # gather original (unbiased) scores at selected indices
    top_scores = jnp.take_along_axis(scores, selected_experts_indices, axis=1)
    if ROUTE_NORM:
        top_scores = top_scores / (jnp.sum(top_scores, axis=-1, keepdims=True) + 1e-20)
    top_scores = top_scores * ROUTE_SCALE
    # torch.histc(idx.float(), bins=E, min=0, max=E) over integer indices in [0, E)
    # is equivalent to a bincount with length E
    num_tokens_per_expert = jnp.bincount(
        selected_experts_indices.reshape(-1), length=NUM_EXPERTS
    ).astype(jnp.float32)
    return (top_scores, selected_experts_indices, num_tokens_per_expert)

if __name__ == "__main__":
    import jax
    _d = setup_inputs()
    print(jax.jit(kernel)(*tuple(_d.values())))

</pallas_src>

<mosaic_0001>
#map = affine_map<(d0, d1) -> (0, 0)>
#map1 = affine_map<(d0, d1) -> (0)>
module attributes {stable_mosaic.version = 14 : i64} {
  func.func @_route_body(%arg0: i32, %arg1: i32, %arg2: memref<8192x64xf32, #tpu.memory_space<hbm>>, %arg3: memref<64xf32, #tpu.memory_space<hbm>>, %arg4: memref<65536xf32, #tpu.memory_space<hbm>>, %arg5: memref<65536xi32, #tpu.memory_space<hbm>>, %arg6: memref<32x64xf32, #tpu.memory_space<hbm>>, %arg7: memref<256x64xf32, #tpu.memory_space<vmem>>, %arg8: memref<64xf32, #tpu.memory_space<vmem>>, %arg9: memref<2048xf32, #tpu.memory_space<vmem>>, %arg10: memref<2048xi32, #tpu.memory_space<vmem>>, %arg11: memref<64xf32, #tpu.memory_space<vmem>>) attributes {dimension_semantics = [#tpu.dimension_semantics<core_parallel>, #tpu.dimension_semantics<subcore_parallel>], iteration_bounds = array<i64: 2, 16>, scalar_prefetch = 0 : i64, scratch_operands = 5 : i64, tpu.core_type = #tpu.core_type<sc_vector_subcore>, window_params = [{transform_indices = #map}, {transform_indices = #map1}, {transform_indices = #map1}, {transform_indices = #map1}, {transform_indices = #map}]} {
    %mul3A = arith.constant 2 : i32
    %mul3A_0 = arith.muli %arg1, %mul3A : i32
    %add3A = arith.addi %mul3A_0, %arg0 : i32
    %mul3A_1 = arith.constant 256 : i32
    %mul3A_2 = arith.muli %add3A, %mul3A_1 : i32
    "tpu.region"() ({
      %run_scoped3A = tpu.sem_alloc : memref<!tpu.dma_semaphore, #tpu.memory_space<semaphore_mem>>
      tpu.enqueue_dma source(%arg3 : memref<64xf32, #tpu.memory_space<hbm>>) target(%arg8 : memref<64xf32, #tpu.memory_space<vmem>>) target_semaphore(%run_scoped3A : memref<!tpu.dma_semaphore, #tpu.memory_space<semaphore_mem>>)
      tpu.wait_dma2 semaphore(%run_scoped3A : memref<!tpu.dma_semaphore, #tpu.memory_space<semaphore_mem>>) src(%arg3 : memref<64xf32, #tpu.memory_space<hbm>>) dst(%arg8 : memref<64xf32, #tpu.memory_space<vmem>>)
      tpu.yield
    }) : () -> ()
    "tpu.region"() ({
      %run_scoped3A = tpu.sem_alloc : memref<!tpu.dma_semaphore, #tpu.memory_space<semaphore_mem>>
      %dma_start3A = arith.constant 0 : i32
      %dma_start3A_44 = tpu.memref_slice %arg2[%mul3A_2, %dma_start3A] : memref<8192x64xf32, #tpu.memory_space<hbm>> -> memref<256x64xf32, #tpu.memory_space<hbm>>
      %dma_start3A_45 = arith.constant 0 : i32
      %dma_start3A_46 = tpu.memref_slice %arg2[%mul3A_2, %dma_start3A_45] : memref<8192x64xf32, #tpu.memory_space<hbm>> -> memref<256x64xf32, #tpu.memory_space<hbm>>
      tpu.enqueue_dma source(%dma_start3A_46 : memref<256x64xf32, #tpu.memory_space<hbm>>) target(%arg7 : memref<256x64xf32, #tpu.memory_space<vmem>>) target_semaphore(%run_scoped3A : memref<!tpu.dma_semaphore, #tpu.memory_space<semaphore_mem>>)
      %dma_wait3A = arith.constant 0 : i32
      %dma_wait3A_47 = tpu.memref_slice %arg2[%mul3A_2, %dma_wait3A] : memref<8192x64xf32, #tpu.memory_space<hbm>> -> memref<256x64xf32, #tpu.memory_space<hbm>>
      %dma_wait3A_48 = arith.constant 0 : i32
      %dma_wait3A_49 = tpu.memref_slice %arg2[%mul3A_2, %dma_wait3A_48] : memref<8192x64xf32, #tpu.memory_space<hbm>> -> memref<256x64xf32, #tpu.memory_space<hbm>>
      tpu.wait_dma2 semaphore(%run_scoped3A : memref<!tpu.dma_semaphore, #tpu.memory_space<semaphore_mem>>) src(%dma_wait3A_49 : memref<256x64xf32, #tpu.memory_space<hbm>>) dst(%arg7 : memref<256x64xf32, #tpu.memory_space<vmem>>)
      tpu.yield
    }) : () -> ()
    %iota3A = tpu.iota {dimensions = array<i32: 0>} : vector<16xi32>
    %lt3A = arith.constant 8 : i32
    %lt3A_3 = vector.broadcast %lt3A : i32 to vector<16xi32>
    %lt3A_4 = arith.cmpi slt, %iota3A, %lt3A_3 : vector<16xi32>
    %broadcast_in_dim3A = arith.constant 1.000000e+00 : f32
    %broadcast_in_dim3A_5 = vector.broadcast %broadcast_in_dim3A : f32 to vector<16xf32>
    %broadcast_in_dim3A_6 = arith.constant 0.000000e+00 : f32
    %broadcast_in_dim3A_7 = vector.broadcast %broadcast_in_dim3A_6 : f32 to vector<16xf32>
    %sub3A = arith.constant 8 : i32
    %sub3A_8 = vector.broadcast %sub3A : i32 to vector<16xi32>
    %sub3A_9 = arith.subi %iota3A, %sub3A_8 : vector<16xi32>
    %max3A = arith.constant 0 : i32
    %max3A_10 = vector.broadcast %max3A : i32 to vector<16xi32>
    %max3A_11 = arith.maxsi %sub3A_9, %max3A_10 : vector<16xi32>
    %swap3A = arith.constant 0 : index
    %swap3A_12 = tpu.vector_load %arg11[%swap3A] {strides = array<i32>} : memref<64xf32, #tpu.memory_space<vmem>>, vector<16xf32>,
    tpu.vector_store %arg11[%swap3A], %broadcast_in_dim3A_7 {strides = array<i32>} : memref<64xf32, #tpu.memory_space<vmem>>, vector<16xf32>,
    %swap3A_13 = arith.constant 16 : index
    %swap3A_14 = tpu.vector_load %arg11[%swap3A_13] {strides = array<i32>} : memref<64xf32, #tpu.memory_space<vmem>>, vector<16xf32>,
    tpu.vector_store %arg11[%swap3A_13], %broadcast_in_dim3A_7 {strides = array<i32>} : memref<64xf32, #tpu.memory_space<vmem>>, vector<16xf32>,
    %swap3A_15 = arith.constant 32 : index
    %swap3A_16 = tpu.vector_load %arg11[%swap3A_15] {strides = array<i32>} : memref<64xf32, #tpu.memory_space<vmem>>, vector<16xf32>,
    tpu.vector_store %arg11[%swap3A_15], %broadcast_in_dim3A_7 {strides = array<i32>} : memref<64xf32, #tpu.memory_space<vmem>>, vector<16xf32>,
    %swap3A_17 = arith.constant 48 : index
    %swap3A_18 = tpu.vector_load %arg11[%swap3A_17] {strides = array<i32>} : memref<64xf32, #tpu.memory_space<vmem>>, vector<16xf32>,
    tpu.vector_store %arg11[%swap3A_17], %broadcast_in_dim3A_7 {strides = array<i32>} : memref<64xf32, #tpu.memory_space<vmem>>, vector<16xf32>,
    %get3A = arith.constant 0 : index
    %get3A_19 = tpu.vector_load %arg8[%get3A] {strides = array<i32>} : memref<64xf32, #tpu.memory_space<vmem>>, vector<16xf32>,
    %get3A_20 = arith.constant 16 : index
    %get3A_21 = tpu.vector_load %arg8[%get3A_20] {strides = array<i32>} : memref<64xf32, #tpu.memory_space<vmem>>, vector<16xf32>,
    %get3A_22 = arith.constant 32 : index
    %get3A_23 = tpu.vector_load %arg8[%get3A_22] {strides = array<i32>} : memref<64xf32, #tpu.memory_space<vmem>>, vector<16xf32>,
    %get3A_24 = arith.constant 48 : index
    %get3A_25 = tpu.vector_load %arg8[%get3A_24] {strides = array<i32>} : memref<64xf32, #tpu.memory_space<vmem>>, vector<16xf32>,
    %add3A_26 = arith.constant 0 : i32
    %add3A_27 = vector.broadcast %add3A_26 : i32 to vector<16xi32>
    %add3A_28 = arith.addi %iota3A, %add3A_27 : vector<16xi32>
    %add3A_29 = arith.constant 16 : i32
    %add3A_30 = vector.broadcast %add3A_29 : i32 to vector<16xi32>
    %add3A_31 = arith.addi %iota3A, %add3A_30 : vector<16xi32>
    %add3A_32 = arith.constant 32 : i32
    %add3A_33 = vector.broadcast %add3A_32 : i32 to vector<16xi32>
    %add3A_34 = arith.addi %iota3A, %add3A_33 : vector<16xi32>
    %add3A_35 = arith.constant 48 : i32
    %add3A_36 = vector.broadcast %add3A_35 : i32 to vector<16xi32>
    %add3A_37 = arith.addi %iota3A, %add3A_36 : vector<16xi32>
    %parallel_loop3A = arith.constant 0 : i32
    %parallel_loop3A_38 = arith.constant 128 : i32
    %parallel_loop3A_39 = arith.constant 1 : i32
    scf.for %parallel_loop3A_44 = %parallel_loop3A to %parallel_loop3A_38 step %parallel_loop3A_39  : i32 {
      %parallel_loop3A_45 = arith.constant 2 : i32
      %parallel_loop3A_46 = arith.muli %parallel_loop3A_44, %parallel_loop3A_45 : i32
      %parallel_loop3A_47 = arith.index_cast %parallel_loop3A_46 : i32 to index
      %parallel_loop3A_48 = arith.constant 0 : index
      %parallel_loop3A_49 = tpu.vector_load %arg7[%parallel_loop3A_47, %parallel_loop3A_48] {strides = array<i32>} : memref<256x64xf32, #tpu.memory_space<vmem>>, vector<16xf32>,
      %parallel_loop3A_50 = arith.addf %parallel_loop3A_49, %get3A_19 : vector<16xf32>
      %parallel_loop3A_51 = arith.constant dense<true> : vector<16xi1>
      %parallel_loop3A_52, %parallel_loop3A_53, %parallel_loop3A_54 = tpu.sort %parallel_loop3A_50, %add3A_28 masked %parallel_loop3A_51 {descending = true} : (vector<16xf32>, vector<16xi32>, vector<16xi1>) -> (vector<16xi1>, vector<16xf32>, vector<16xi32>)
      %parallel_loop3A_55 = arith.index_cast %parallel_loop3A_46 : i32 to index
      %parallel_loop3A_56 = arith.constant 16 : index
      %parallel_loop3A_57 = tpu.vector_load %arg7[%parallel_loop3A_55, %parallel_loop3A_56] {strides = array<i32>} : memref<256x64xf32, #tpu.memory_space<vmem>>, vector<16xf32>,
      %parallel_loop3A_58 = arith.addf %parallel_loop3A_57, %get3A_21 : vector<16xf32>
      %parallel_loop3A_59 = arith.constant dense<true> : vector<16xi1>
      %parallel_loop3A_60, %parallel_loop3A_61, %parallel_loop3A_62 = tpu.sort %parallel_loop3A_58, %add3A_31 masked %parallel_loop3A_59 {descending = true} : (vector<16xf32>, vector<16xi32>, vector<16xi1>) -> (vector<16xi1>, vector<16xf32>, vector<16xi32>)
      %parallel_loop3A_63 = arith.index_cast %parallel_loop3A_46 : i32 to index
      %parallel_loop3A_64 = arith.constant 32 : index
      %parallel_loop3A_65 = tpu.vector_load %arg7[%parallel_loop3A_63, %parallel_loop3A_64] {strides = array<i32>} : memref<256x64xf32, #tpu.memory_space<vmem>>, vector<16xf32>,
      %parallel_loop3A_66 = arith.addf %parallel_loop3A_65, %get3A_23 : vector<16xf32>
      %parallel_loop3A_67 = arith.constant dense<true> : vector<16xi1>
      %parallel_loop3A_68, %parallel_loop3A_69, %parallel_loop3A_70 = tpu.sort %parallel_loop3A_66, %add3A_34 masked %parallel_loop3A_67 {descending = true} : (vector<16xf32>, vector<16xi32>, vector<16xi1>) -> (vector<16xi1>, vector<16xf32>, vector<16xi32>)
      %parallel_loop3A_71 = arith.index_cast %parallel_loop3A_46 : i32 to index
      %parallel_loop3A_72 = arith.constant 48 : index
      %parallel_loop3A_73 = tpu.vector_load %arg7[%parallel_loop3A_71, %parallel_loop3A_72] {strides = array<i32>} : memref<256x64xf32, #tpu.memory_space<vmem>>, vector<16xf32>,
      %parallel_loop3A_74 = arith.addf %parallel_loop3A_73, %get3A_25 : vector<16xf32>
      %parallel_loop3A_75 = arith.constant dense<true> : vector<16xi1>
      %parallel_loop3A_76, %parallel_loop3A_77, %parallel_loop3A_78 = tpu.sort %parallel_loop3A_74, %add3A_37 masked %parallel_loop3A_75 {descending = true} : (vector<16xf32>, vector<16xi32>, vector<16xi1>) -> (vector<16xi1>, vector<16xf32>, vector<16xi32>)
      %parallel_loop3A_79 = arith.constant 15 : i32
      %parallel_loop3A_80 = vector.broadcast %parallel_loop3A_79 : i32 to vector<16xi32>
      %parallel_loop3A_81 = tpu.iota {dimensions = array<i32: 0>} : vector<16xi32>
      %parallel_loop3A_82 = arith.subi %parallel_loop3A_80, %parallel_loop3A_81 : vector<16xi32>
      %parallel_loop3A_83 = tpu.dynamic_gather %parallel_loop3A_61[%parallel_loop3A_82] in [0] : vector<16xf32>, vector<16xi32> -> vector<16xf32>
      %parallel_loop3A_84 = arith.constant 15 : i32
      %parallel_loop3A_85 = vector.broadcast %parallel_loop3A_84 : i32 to vector<16xi32>
      %parallel_loop3A_86 = tpu.iota {dimensions = array<i32: 0>} : vector<16xi32>
      %parallel_loop3A_87 = arith.subi %parallel_loop3A_85, %parallel_loop3A_86 : vector<16xi32>
      %parallel_loop3A_88 = tpu.dynamic_gather %parallel_loop3A_62[%parallel_loop3A_87] in [0] : vector<16xi32>, vector<16xi32> -> vector<16xi32>
      %parallel_loop3A_89 = arith.cmpf ogt, %parallel_loop3A_53, %parallel_loop3A_83 : vector<16xf32>
      %parallel_loop3A_90 = arith.cmpf oeq, %parallel_loop3A_53, %parallel_loop3A_83 : vector<16xf32>
      %parallel_loop3A_91 = arith.cmpi slt, %parallel_loop3A_54, %parallel_loop3A_88 : vector<16xi32>
      %parallel_loop3A_92 = arith.andi %parallel_loop3A_90, %parallel_loop3A_91 : vector<16xi1>
      %parallel_loop3A_93 = arith.ori %parallel_loop3A_89, %parallel_loop3A_92 : vector<16xi1>
      %parallel_loop3A_94 = arith.select %parallel_loop3A_93, %parallel_loop3A_53, %parallel_loop3A_83 : vector<16xi1>, vector<16xf32>
      %parallel_loop3A_95 = arith.select %parallel_loop3A_93, %parallel_loop3A_54, %parallel_loop3A_88 : vector<16xi1>, vector<16xi32>
      %parallel_loop3A_96 = arith.constant dense<true> : vector<16xi1>
      %parallel_loop3A_97, %parallel_loop3A_98, %parallel_loop3A_99 = tpu.sort %parallel_loop3A_94, %parallel_loop3A_95 masked %parallel_loop3A_96 {descending = true} : (vector<16xf32>, vector<16xi32>, vector<16xi1>) -> (vector<16xi1>, vector<16xf32>, vector<16xi32>)
      %parallel_loop3A_100 = arith.constant 15 : i32
      %parallel_loop3A_101 = vector.broadcast %parallel_loop3A_100 : i32 to vector<16xi32>
      %parallel_loop3A_102 = tpu.iota {dimensions = array<i32: 0>} : vector<16xi32>
      %parallel_loop3A_103 = arith.subi %parallel_loop3A_101, %parallel_loop3A_102 : vector<16xi32>
      %parallel_loop3A_104 = tpu.dynamic_gather %parallel_loop3A_77[%parallel_loop3A_103] in [0] : vector<16xf32>, vector<16xi32> -> vector<16xf32>
      %parallel_loop3A_105 = arith.constant 15 : i32
      %parallel_loop3A_106 = vector.broadcast %parallel_loop3A_105 : i32 to vector<16xi32>
      %parallel_loop3A_107 = tpu.iota {dimensions = array<i32: 0>} : vector<16xi32>
      %parallel_loop3A_108 = arith.subi %parallel_loop3A_106, %parallel_loop3A_107 : vector<16xi32>
      %parallel_loop3A_109 = tpu.dynamic_gather %parallel_loop3A_78[%parallel_loop3A_108] in [0] : vector<16xi32>, vector<16xi32> -> vector<16xi32>
      %parallel_loop3A_110 = arith.cmpf ogt, %parallel_loop3A_69, %parallel_loop3A_104 : vector<16xf32>
      %parallel_loop3A_111 = arith.cmpf oeq, %parallel_loop3A_69, %parallel_loop3A_104 : vector<16xf32>
      %parallel_loop3A_112 = arith.cmpi slt, %parallel_loop3A_70, %parallel_loop3A_109 : vector<16xi32>
      %parallel_loop3A_113 = arith.andi %parallel_loop3A_111, %parallel_loop3A_112 : vector<16xi1>
      %parallel_loop3A_114 = arith.ori %parallel_loop3A_110, %parallel_loop3A_113 : vector<16xi1>
      %parallel_loop3A_115 = arith.select %parallel_loop3A_114, %parallel_loop3A_69, %parallel_loop3A_104 : vector<16xi1>, vector<16xf32>
      %parallel_loop3A_116 = arith.select %parallel_loop3A_114, %parallel_loop3A_70, %parallel_loop3A_109 : vector<16xi1>, vector<16xi32>
      %parallel_loop3A_117 = arith.constant dense<true> : vector<16xi1>
      %parallel_loop3A_118, %parallel_loop3A_119, %parallel_loop3A_120 = tpu.sort %parallel_loop3A_115, %parallel_loop3A_116 masked %parallel_loop3A_117 {descending = true} : (vector<16xf32>, vector<16xi32>, vector<16xi1>) -> (vector<16xi1>, vector<16xf32>, vector<16xi32>)
      %parallel_loop3A_121 = arith.constant 15 : i32
      %parallel_loop3A_122 = vector.broadcast %parallel_loop3A_121 : i32 to vector<16xi32>
      %parallel_loop3A_123 = tpu.iota {dimensions = array<i32: 0>} : vector<16xi32>
      %parallel_loop3A_124 = arith.subi %parallel_loop3A_122, %parallel_loop3A_123 : vector<16xi32>
      %parallel_loop3A_125 = tpu.dynamic_gather %parallel_loop3A_119[%parallel_loop3A_124] in [0] : vector<16xf32>, vector<16xi32> -> vector<16xf32>
      %parallel_loop3A_126 = arith.constant 15 : i32
      %parallel_loop3A_127 = vector.broadcast %parallel_loop3A_126 : i32 to vector<16xi32>
      %parallel_loop3A_128 = tpu.iota {dimensions = array<i32: 0>} : vector<16xi32>
      %parallel_loop3A_129 = arith.subi %parallel_loop3A_127, %parallel_loop3A_128 : vector<16xi32>
      %parallel_loop3A_130 = tpu.dynamic_gather %parallel_loop3A_120[%parallel_loop3A_129] in [0] : vector<16xi32>, vector<16xi32> -> vector<16xi32>
      %parallel_loop3A_131 = arith.cmpf ogt, %parallel_loop3A_98, %parallel_loop3A_125 : vector<16xf32>
      %parallel_loop3A_132 = arith.cmpf oeq, %parallel_loop3A_98, %parallel_loop3A_125 : vector<16xf32>
      %parallel_loop3A_133 = arith.cmpi slt, %parallel_loop3A_99, %parallel_loop3A_130 : vector<16xi32>
      %parallel_loop3A_134 = arith.andi %parallel_loop3A_132, %parallel_loop3A_133 : vector<16xi1>
      %parallel_loop3A_135 = arith.ori %parallel_loop3A_131, %parallel_loop3A_134 : vector<16xi1>
      %parallel_loop3A_136 = arith.select %parallel_loop3A_135, %parallel_loop3A_98, %parallel_loop3A_125 : vector<16xi1>, vector<16xf32>
      %parallel_loop3A_137 = arith.select %parallel_loop3A_135, %parallel_loop3A_99, %parallel_loop3A_130 : vector<16xi1>, vector<16xi32>
      %parallel_loop3A_138 = arith.constant dense<true> : vector<16xi1>
      %parallel_loop3A_139, %parallel_loop3A_140, %parallel_loop3A_141 = tpu.sort %parallel_loop3A_136, %parallel_loop3A_137 masked %parallel_loop3A_138 {descending = true} : (vector<16xf32>, vector<16xi32>, vector<16xi1>) -> (vector<16xi1>, vector<16xf32>, vector<16xi32>)
      %parallel_loop3A_142 = vector.broadcast %parallel_loop3A_46 : i32 to vector<16xi32>
      %parallel_loop3A_143 = tpu.vector_load_idx %arg7[%parallel_loop3A_142, %parallel_loop3A_141] : memref<256x64xf32, #tpu.memory_space<vmem>>[vector<16xi32>, vector<16xi32>], vector<16xf32>,
      %parallel_loop3A_144 = arith.constant 0.000000e+00 : f32
      %parallel_loop3A_145 = vector.broadcast %parallel_loop3A_144 : f32 to vector<16xf32>
      %parallel_loop3A_146 = arith.select %lt3A_4, %parallel_loop3A_143, %parallel_loop3A_145 : vector<16xi1>, vector<16xf32>
      %parallel_loop3A_147 = arith.constant true
      %parallel_loop3A_148 = vector.broadcast %parallel_loop3A_147 : i1 to vector<16xi1>
      %parallel_loop3A_149 = tpu.scan <sum>, %parallel_loop3A_146 masked %parallel_loop3A_148 : vector<16xf32>, vector<16xi1> -> vector<16xf32>
      %parallel_loop3A_150 = vector.extract %parallel_loop3A_149[15] : f32 from vector<16xf32>
      %parallel_loop3A_151 = arith.constant 9.99999968E-21 : f32
      %parallel_loop3A_152 = arith.addf %parallel_loop3A_150, %parallel_loop3A_151 : f32
      %parallel_loop3A_153 = vector.broadcast %parallel_loop3A_152 : f32 to vector<16xf32>
      %parallel_loop3A_154 = arith.divf %parallel_loop3A_146, %parallel_loop3A_153 : vector<16xf32>
      tpu.vector_store_idx %arg11[%parallel_loop3A_141], %broadcast_in_dim3A_5 masked %lt3A_4 {add = true} : memref<64xf32, #tpu.memory_space<vmem>>[vector<16xi32>], vector<16xf32>, vector<16xi1>
      %parallel_loop3A_155 = arith.constant 1 : i32
      %parallel_loop3A_156 = arith.addi %parallel_loop3A_46, %parallel_loop3A_155 : i32
      %parallel_loop3A_157 = arith.index_cast %parallel_loop3A_156 : i32 to index
      %parallel_loop3A_158 = arith.constant 0 : index
      %parallel_loop3A_159 = tpu.vector_load %arg7[%parallel_loop3A_157, %parallel_loop3A_158] {strides = array<i32>} : memref<256x64xf32, #tpu.memory_space<vmem>>, vector<16xf32>,
      %parallel_loop3A_160 = arith.addf %parallel_loop3A_159, %get3A_19 : vector<16xf32>
      %parallel_loop3A_161 = arith.constant dense<true> : vector<16xi1>
      %parallel_loop3A_162, %parallel_loop3A_163, %parallel_loop3A_164 = tpu.sort %parallel_loop3A_160, %add3A_28 masked %parallel_loop3A_161 {descending = true} : (vector<16xf32>, vector<16xi32>, vector<16xi1>) -> (vector<16xi1>, vector<16xf32>, vector<16xi32>)
      %parallel_loop3A_165 = arith.index_cast %parallel_loop3A_156 : i32 to index
      %parallel_loop3A_166 = arith.constant 16 : index
      %parallel_loop3A_167 = tpu.vector_load %arg7[%parallel_loop3A_165, %parallel_loop3A_166] {strides = array<i32>} : memref<256x64xf32, #tpu.memory_space<vmem>>, vector<16xf32>,
      %parallel_loop3A_168 = arith.addf %parallel_loop3A_167, %get3A_21 : vector<16xf32>
      %parallel_loop3A_169 = arith.constant dense<true> : vector<16xi1>
      %parallel_loop3A_170, %parallel_loop3A_171, %parallel_loop3A_172 = tpu.sort %parallel_loop3A_168, %add3A_31 masked %parallel_loop3A_169 {descending = true} : (vector<16xf32>, vector<16xi32>, vector<16xi1>) -> (vector<16xi1>, vector<16xf32>, vector<16xi32>)
      %parallel_loop3A_173 = arith.index_cast %parallel_loop3A_156 : i32 to index
      %parallel_loop3A_174 = arith.constant 32 : index
      %parallel_loop3A_175 = tpu.vector_load %arg7[%parallel_loop3A_173, %parallel_loop3A_174] {strides = array<i32>} : memref<256x64xf32, #tpu.memory_space<vmem>>, vector<16xf32>,
      %parallel_loop3A_176 = arith.addf %parallel_loop3A_175, %get3A_23 : vector<16xf32>
      %parallel_loop3A_177 = arith.constant dense<true> : vector<16xi1>
      %parallel_loop3A_178, %parallel_loop3A_179, %parallel_loop3A_180 = tpu.sort %parallel_loop3A_176, %add3A_34 masked %parallel_loop3A_177 {descending = true} : (vector<16xf32>, vector<16xi32>, vector<16xi1>) -> (vector<16xi1>, vector<16xf32>, vector<16xi32>)
      %parallel_loop3A_181 = arith.index_cast %parallel_loop3A_156 : i32 to index
      %parallel_loop3A_182 = arith.constant 48 : index
      %parallel_loop3A_183 = tpu.vector_load %arg7[%parallel_loop3A_181, %parallel_loop3A_182] {strides = array<i32>} : memref<256x64xf32, #tpu.memory_space<vmem>>, vector<16xf32>,
      %parallel_loop3A_184 = arith.addf %parallel_loop3A_183, %get3A_25 : vector<16xf32>
      %parallel_loop3A_185 = arith.constant dense<true> : vector<16xi1>
      %parallel_loop3A_186, %parallel_loop3A_187, %parallel_loop3A_188 = tpu.sort %parallel_loop3A_184, %add3A_37 masked %parallel_loop3A_185 {descending = true} : (vector<16xf32>, vector<16xi32>, vector<16xi1>) -> (vector<16xi1>, vector<16xf32>, vector<16xi32>)
      %parallel_loop3A_189 = arith.constant 15 : i32
      %parallel_loop3A_190 = vector.broadcast %parallel_loop3A_189 : i32 to vector<16xi32>
      %parallel_loop3A_191 = tpu.iota {dimensions = array<i32: 0>} : vector<16xi32>
      %parallel_loop3A_192 = arith.subi %parallel_loop3A_190, %parallel_loop3A_191 : vector<16xi32>
      %parallel_loop3A_193 = tpu.dynamic_gather %parallel_loop3A_171[%parallel_loop3A_192] in [0] : vector<16xf32>, vector<16xi32> -> vector<16xf32>
      %parallel_loop3A_194 = arith.constant 15 : i32
      %parallel_loop3A_195 = vector.broadcast %parallel_loop3A_194 : i32 to vector<16xi32>
      %parallel_loop3A_196 = tpu.iota {dimensions = array<i32: 0>} : vector<16xi32>
      %parallel_loop3A_197 = arith.subi %parallel_loop3A_195, %parallel_loop3A_196 : vector<16xi32>
      %parallel_loop3A_198 = tpu.dynamic_gather %parallel_loop3A_172[%parallel_loop3A_197] in [0] : vector<16xi32>, vector<16xi32> -> vector<16xi32>
      %parallel_loop3A_199 = arith.cmpf ogt, %parallel_loop3A_163, %parallel_loop3A_193 : vector<16xf32>
      %parallel_loop3A_200 = arith.cmpf oeq, %parallel_loop3A_163, %parallel_loop3A_193 : vector<16xf32>
      %parallel_loop3A_201 = arith.cmpi slt, %parallel_loop3A_164, %parallel_loop3A_198 : vector<16xi32>
      %parallel_loop3A_202 = arith.andi %parallel_loop3A_200, %parallel_loop3A_201 : vector<16xi1>
      %parallel_loop3A_203 = arith.ori %parallel_loop3A_199, %parallel_loop3A_202 : vector<16xi1>
      %parallel_loop3A_204 = arith.select %parallel_loop3A_203, %parallel_loop3A_163, %parallel_loop3A_193 : vector<16xi1>, vector<16xf32>
      %parallel_loop3A_205 = arith.select %parallel_loop3A_203, %parallel_loop3A_164, %parallel_loop3A_198 : vector<16xi1>, vector<16xi32>
      %parallel_loop3A_206 = arith.constant dense<true> : vector<16xi1>
      %parallel_loop3A_207, %parallel_loop3A_208, %parallel_loop3A_209 = tpu.sort %parallel_loop3A_204, %parallel_loop3A_205 masked %parallel_loop3A_206 {descending = true} : (vector<16xf32>, vector<16xi32>, vector<16xi1>) -> (vector<16xi1>, vector<16xf32>, vector<16xi32>)
      %parallel_loop3A_210 = arith.constant 15 : i32
      %parallel_loop3A_211 = vector.broadcast %parallel_loop3A_210 : i32 to vector<16xi32>
      %parallel_loop3A_212 = tpu.iota {dimensions = array<i32: 0>} : vector<16xi32>
      %parallel_loop3A_213 = arith.subi %parallel_loop3A_211, %parallel_loop3A_212 : vector<16xi32>
      %parallel_loop3A_214 = tpu.dynamic_gather %parallel_loop3A_187[%parallel_loop3A_213] in [0] : vector<16xf32>, vector<16xi32> -> vector<16xf32>
      %parallel_loop3A_215 = arith.constant 15 : i32
      %parallel_loop3A_216 = vector.broadcast %parallel_loop3A_215 : i32 to vector<16xi32>
      %parallel_loop3A_217 = tpu.iota {dimensions = array<i32: 0>} : vector<16xi32>
      %parallel_loop3A_218 = arith.subi %parallel_loop3A_216, %parallel_loop3A_217 : vector<16xi32>
      %parallel_loop3A_219 = tpu.dynamic_gather %parallel_loop3A_188[%parallel_loop3A_218] in [0] : vector<16xi32>, vector<16xi32> -> vector<16xi32>
      %parallel_loop3A_220 = arith.cmpf ogt, %parallel_loop3A_179, %parallel_loop3A_214 : vector<16xf32>
      %parallel_loop3A_221 = arith.cmpf oeq, %parallel_loop3A_179, %parallel_loop3A_214 : vector<16xf32>
      %parallel_loop3A_222 = arith.cmpi slt, %parallel_loop3A_180, %parallel_loop3A_219 : vector<16xi32>
      %parallel_loop3A_223 = arith.andi %parallel_loop3A_221, %parallel_loop3A_222 : vector<16xi1>
      %parallel_loop3A_224 = arith.ori %parallel_loop3A_220, %parallel_loop3A_223 : vector<16xi1>
      %parallel_loop3A_225 = arith.select %parallel_loop3A_224, %parallel_loop3A_179, %parallel_loop3A_214 : vector<16xi1>, vector<16xf32>
      %parallel_loop3A_226 = arith.select %parallel_loop3A_224, %parallel_loop3A_180, %parallel_loop3A_219 : vector<16xi1>, vector<16xi32>
      %parallel_loop3A_227 = arith.constant dense<true> : vector<16xi1>
      %parallel_loop3A_228, %parallel_loop3A_229, %parallel_loop3A_230 = tpu.sort %parallel_loop3A_225, %parallel_loop3A_226 masked %parallel_loop3A_227 {descending = true} : (vector<16xf32>, vector<16xi32>, vector<16xi1>) -> (vector<16xi1>, vector<16xf32>, vector<16xi32>)
      %parallel_loop3A_231 = arith.constant 15 : i32
      %parallel_loop3A_232 = vector.broadcast %parallel_loop3A_231 : i32 to vector<16xi32>
      %parallel_loop3A_233 = tpu.iota {dimensions = array<i32: 0>} : vector<16xi32>
      %parallel_loop3A_234 = arith.subi %parallel_loop3A_232, %parallel_loop3A_233 : vector<16xi32>
      %parallel_loop3A_235 = tpu.dynamic_gather %parallel_loop3A_229[%parallel_loop3A_234] in [0] : vector<16xf32>, vector<16xi32> -> vector<16xf32>
      %parallel_loop3A_236 = arith.constant 15 : i32
      %parallel_loop3A_237 = vector.broadcast %parallel_loop3A_236 : i32 to vector<16xi32>
      %parallel_loop3A_238 = tpu.iota {dimensions = array<i32: 0>} : vector<16xi32>
      %parallel_loop3A_239 = arith.subi %parallel_loop3A_237, %parallel_loop3A_238 : vector<16xi32>
      %parallel_loop3A_240 = tpu.dynamic_gather %parallel_loop3A_230[%parallel_loop3A_239] in [0] : vector<16xi32>, vector<16xi32> -> vector<16xi32>
      %parallel_loop3A_241 = arith.cmpf ogt, %parallel_loop3A_208, %parallel_loop3A_235 : vector<16xf32>
      %parallel_loop3A_242 = arith.cmpf oeq, %parallel_loop3A_208, %parallel_loop3A_235 : vector<16xf32>
      %parallel_loop3A_243 = arith.cmpi slt, %parallel_loop3A_209, %parallel_loop3A_240 : vector<16xi32>
      %parallel_loop3A_244 = arith.andi %parallel_loop3A_242, %parallel_loop3A_243 : vector<16xi1>
      %parallel_loop3A_245 = arith.ori %parallel_loop3A_241, %parallel_loop3A_244 : vector<16xi1>
      %parallel_loop3A_246 = arith.select %parallel_loop3A_245, %parallel_loop3A_208, %parallel_loop3A_235 : vector<16xi1>, vector<16xf32>
      %parallel_loop3A_247 = arith.select %parallel_loop3A_245, %parallel_loop3A_209, %parallel_loop3A_240 : vector<16xi1>, vector<16xi32>
      %parallel_loop3A_248 = arith.constant dense<true> : vector<16xi1>
      %parallel_loop3A_249, %parallel_loop3A_250, %parallel_loop3A_251 = tpu.sort %parallel_loop3A_246, %parallel_loop3A_247 masked %parallel_loop3A_248 {descending = true} : (vector<16xf32>, vector<16xi32>, vector<16xi1>) -> (vector<16xi1>, vector<16xf32>, vector<16xi32>)
      %parallel_loop3A_252 = vector.broadcast %parallel_loop3A_156 : i32 to vector<16xi32>
      %parallel_loop3A_253 = tpu.vector_load_idx %arg7[%parallel_loop3A_252, %parallel_loop3A_251] : memref<256x64xf32, #tpu.memory_space<vmem>>[vector<16xi32>, vector<16xi32>], vector<16xf32>,
      %parallel_loop3A_254 = arith.constant 0.000000e+00 : f32
      %parallel_loop3A_255 = vector.broadcast %parallel_loop3A_254 : f32 to vector<16xf32>
      %parallel_loop3A_256 = arith.select %lt3A_4, %parallel_loop3A_253, %parallel_loop3A_255 : vector<16xi1>, vector<16xf32>
      %parallel_loop3A_257 = arith.constant true
      %parallel_loop3A_258 = vector.broadcast %parallel_loop3A_257 : i1 to vector<16xi1>
      %parallel_loop3A_259 = tpu.scan <sum>, %parallel_loop3A_256 masked %parallel_loop3A_258 : vector<16xf32>, vector<16xi1> -> vector<16xf32>
      %parallel_loop3A_260 = vector.extract %parallel_loop3A_259[15] : f32 from vector<16xf32>
      %parallel_loop3A_261 = arith.constant 9.99999968E-21 : f32
      %parallel_loop3A_262 = arith.addf %parallel_loop3A_260, %parallel_loop3A_261 : f32
      %parallel_loop3A_263 = vector.broadcast %parallel_loop3A_262 : f32 to vector<16xf32>
      %parallel_loop3A_264 = arith.divf %parallel_loop3A_256, %parallel_loop3A_263 : vector<16xf32>
      tpu.vector_store_idx %arg11[%parallel_loop3A_251], %broadcast_in_dim3A_5 masked %lt3A_4 {add = true} : memref<64xf32, #tpu.memory_space<vmem>>[vector<16xi32>], vector<16xf32>, vector<16xi1>
      %parallel_loop3A_265 = vector.shape_cast %max3A_11 : vector<16xi32> to vector<16x1xi32>
      %parallel_loop3A_266 = vector.shape_cast %parallel_loop3A_265 : vector<16x1xi32> to vector<16xi32>
      %parallel_loop3A_267 = tpu.dynamic_gather %parallel_loop3A_264[%parallel_loop3A_266] in [0] : vector<16xf32>, vector<16xi32> -> vector<16xf32>
      %parallel_loop3A_268 = arith.select %lt3A_4, %parallel_loop3A_154, %parallel_loop3A_267 : vector<16xi1>, vector<16xf32>
      %parallel_loop3A_269 = vector.shape_cast %max3A_11 : vector<16xi32> to vector<16x1xi32>
      %parallel_loop3A_270 = vector.shape_cast %parallel_loop3A_269 : vector<16x1xi32> to vector<16xi32>
      %parallel_loop3A_271 = tpu.dynamic_gather %parallel_loop3A_251[%parallel_loop3A_270] in [0] : vector<16xi32>, vector<16xi32> -> vector<16xi32>
      %parallel_loop3A_272 = arith.select %lt3A_4, %parallel_loop3A_141, %parallel_loop3A_271 : vector<16xi1>, vector<16xi32>
      %parallel_loop3A_273 = arith.constant 16 : i32
      %parallel_loop3A_274 = arith.muli %parallel_loop3A_44, %parallel_loop3A_273 : i32
      %parallel_loop3A_275 = arith.index_cast %parallel_loop3A_274 : i32 to index
      %parallel_loop3A_276 = tpu.vector_load %arg9[%parallel_loop3A_275] {strides = array<i32>} : memref<2048xf32, #tpu.memory_space<vmem>>, vector<16xf32>,
      tpu.vector_store %arg9[%parallel_loop3A_275], %parallel_loop3A_268 {strides = array<i32>} : memref<2048xf32, #tpu.memory_space<vmem>>, vector<16xf32>,
      %parallel_loop3A_277 = arith.constant 16 : i32
      %parallel_loop3A_278 = arith.muli %parallel_loop3A_44, %parallel_loop3A_277 : i32
      %parallel_loop3A_279 = arith.index_cast %parallel_loop3A_278 : i32 to index
      %parallel_loop3A_280 = tpu.vector_load %arg10[%parallel_loop3A_279] {strides = array<i32>} : memref<2048xi32, #tpu.memory_space<vmem>>, vector<16xi32>,
      tpu.vector_store %arg10[%parallel_loop3A_279], %parallel_loop3A_272 {strides = array<i32>} : memref<2048xi32, #tpu.memory_space<vmem>>, vector<16xi32>,
    } {sc.loop_unroll_factor = 2 : i64, sc.parallel_access}
    %mul3A_40 = arith.constant 8 : i32
    %mul3A_41 = arith.muli %mul3A_2, %mul3A_40 : i32
    "tpu.region"() ({
      %run_scoped3A = tpu.sem_alloc : memref<!tpu.dma_semaphore, #tpu.memory_space<semaphore_mem>>
      %dma_start3A = tpu.memref_slice %arg4[%mul3A_41] : memref<65536xf32, #tpu.memory_space<hbm>> -> memref<2048xf32, #tpu.memory_space<hbm>>
      %dma_start3A_44 = tpu.memref_slice %arg4[%mul3A_41] : memref<65536xf32, #tpu.memory_space<hbm>> -> memref<2048xf32, #tpu.memory_space<hbm>>
      tpu.enqueue_dma source(%arg9 : memref<2048xf32, #tpu.memory_space<vmem>>) target(%dma_start3A_44 : memref<2048xf32, #tpu.memory_space<hbm>>) target_semaphore(%run_scoped3A : memref<!tpu.dma_semaphore, #tpu.memory_space<semaphore_mem>>)
      %dma_wait3A = tpu.memref_slice %arg4[%mul3A_41] : memref<65536xf32, #tpu.memory_space<hbm>> -> memref<2048xf32, #tpu.memory_space<hbm>>
      %dma_wait3A_45 = tpu.memref_slice %arg4[%mul3A_41] : memref<65536xf32, #tpu.memory_space<hbm>> -> memref<2048xf32, #tpu.memory_space<hbm>>
      tpu.wait_dma2 semaphore(%run_scoped3A : memref<!tpu.dma_semaphore, #tpu.memory_space<semaphore_mem>>) src(%arg9 : memref<2048xf32, #tpu.memory_space<vmem>>) dst(%dma_wait3A_45 : memref<2048xf32, #tpu.memory_space<hbm>>)
      tpu.yield
    }) : () -> ()
    %mul3A_42 = arith.constant 8 : i32
    %mul3A_43 = arith.muli %mul3A_2, %mul3A_42 : i32
    "tpu.region"() ({
      %run_scoped3A = tpu.sem_alloc : memref<!tpu.dma_semaphore, #tpu.memory_space<semaphore_mem>>
      %dma_start3A = tpu.memref_slice %arg5[%mul3A_43] : memref<65536xi32, #tpu.memory_space<hbm>> -> memref<2048xi32, #tpu.memory_space<hbm>>
      %dma_start3A_44 = tpu.memref_slice %arg5[%mul3A_43] : memref<65536xi32, #tpu.memory_space<hbm>> -> memref<2048xi32, #tpu.memory_space<hbm>>
      tpu.enqueue_dma source(%arg10 : memref<2048xi32, #tpu.memory_space<vmem>>) target(%dma_start3A_44 : memref<2048xi32, #tpu.memory_space<hbm>>) target_semaphore(%run_scoped3A : memref<!tpu.dma_semaphore, #tpu.memory_space<semaphore_mem>>)
      %dma_wait3A = tpu.memref_slice %arg5[%mul3A_43] : memref<65536xi32, #tpu.memory_space<hbm>> -> memref<2048xi32, #tpu.memory_space<hbm>>
      %dma_wait3A_45 = tpu.memref_slice %arg5[%mul3A_43] : memref<65536xi32, #tpu.memory_space<hbm>> -> memref<2048xi32, #tpu.memory_space<hbm>>
      tpu.wait_dma2 semaphore(%run_scoped3A : memref<!tpu.dma_semaphore, #tpu.memory_space<semaphore_mem>>) src(%arg10 : memref<2048xi32, #tpu.memory_space<vmem>>) dst(%dma_wait3A_45 : memref<2048xi32, #tpu.memory_space<hbm>>)
      tpu.yield
    }) : () -> ()
    "tpu.region"() ({
      %run_scoped3A = tpu.sem_alloc : memref<!tpu.dma_semaphore, #tpu.memory_space<semaphore_mem>>
      %dma_start3A = arith.constant 0 : i32
      %dma_start3A_44 = tpu.memref_slice %arg6[%add3A, %dma_start3A] : memref<32x64xf32, #tpu.memory_space<hbm>> -> memref<1x64xf32, #tpu.memory_space<hbm>>
      %dma_start3A_45 = tpu.memref_squeeze %dma_start3A_44 : memref<1x64xf32, #tpu.memory_space<hbm>> -> memref<64xf32, #tpu.memory_space<hbm>>
      %dma_start3A_46 = arith.constant 0 : i32
      %dma_start3A_47 = tpu.memref_slice %arg6[%add3A, %dma_start3A_46] : memref<32x64xf32, #tpu.memory_space<hbm>> -> memref<1x64xf32, #tpu.memory_space<hbm>>
      %dma_start3A_48 = tpu.memref_squeeze %dma_start3A_47 : memref<1x64xf32, #tpu.memory_space<hbm>> -> memref<64xf32, #tpu.memory_space<hbm>>
      tpu.enqueue_dma source(%arg11 : memref<64xf32, #tpu.memory_space<vmem>>) target(%dma_start3A_48 : memref<64xf32, #tpu.memory_space<hbm>>) target_semaphore(%run_scoped3A : memref<!tpu.dma_semaphore, #tpu.memory_space<semaphore_mem>>)
      %dma_wait3A = arith.constant 0 : i32
      %dma_wait3A_49 = tpu.memref_slice %arg6[%add3A, %dma_wait3A] : memref<32x64xf32, #tpu.memory_space<hbm>> -> memref<1x64xf32, #tpu.memory_space<hbm>>
      %dma_wait3A_50 = tpu.memref_squeeze %dma_wait3A_49 : memref<1x64xf32, #tpu.memory_space<hbm>> -> memref<64xf32, #tpu.memory_space<hbm>>
      %dma_wait3A_51 = arith.constant 0 : i32
      %dma_wait3A_52 = tpu.memref_slice %arg6[%add3A, %dma_wait3A_51] : memref<32x64xf32, #tpu.memory_space<hbm>> -> memref<1x64xf32, #tpu.memory_space<hbm>>
      %dma_wait3A_53 = tpu.memref_squeeze %dma_wait3A_52 : memref<1x64xf32, #tpu.memory_space<hbm>> -> memref<64xf32, #tpu.memory_space<hbm>>
      tpu.wait_dma2 semaphore(%run_scoped3A : memref<!tpu.dma_semaphore, #tpu.memory_space<semaphore_mem>>) src(%arg11 : memref<64xf32, #tpu.memory_space<vmem>>) dst(%dma_wait3A_53 : memref<64xf32, #tpu.memory_space<hbm>>)
      tpu.yield
    }) : () -> ()
    return
  }
}

#map = affine_map<(d0, d1) -> (0, 0)>
#map1 = affine_map<(d0, d1) -> (0)>
module attributes {stable_mosaic.version = 14 : i64} {
  func.func @_route_body(%arg0: i32, %arg1: i32, %arg2: memref<8192x64xf32, #tpu.memory_space<hbm>>, %arg3: memref<64xf32, #tpu.memory_space<hbm>>, %arg4: memref<65536xf32, #tpu.memory_space<hbm>>, %arg5: memref<65536xi32, #tpu.memory_space<hbm>>, %arg6: memref<32x64xf32, #tpu.memory_space<hbm>>, %arg7: memref<256x64xf32, #tpu.memory_space<vmem>>, %arg8: memref<64xf32, #tpu.memory_space<vmem>>, %arg9: memref<2048xf32, #tpu.memory_space<vmem>>, %arg10: memref<2048xi32, #tpu.memory_space<vmem>>, %arg11: memref<64xf32, #tpu.memory_space<vmem>>) attributes {dimension_semantics = [#tpu.dimension_semantics<core_parallel>, #tpu.dimension_semantics<subcore_parallel>], iteration_bounds = array<i64: 2, 16>, scalar_prefetch = 0 : i64, scratch_operands = 5 : i64, tpu.core_type = #tpu.core_type<sc_vector_subcore>, window_params = [{transform_indices = #map}, {transform_indices = #map1}, {transform_indices = #map1}, {transform_indices = #map1}, {transform_indices = #map}]} {
    %mul3A = arith.constant 2 : i32
    %mul3A_0 = arith.muli %arg1, %mul3A : i32
    %add3A = arith.addi %mul3A_0, %arg0 : i32
    %mul3A_1 = arith.constant 256 : i32
    %mul3A_2 = arith.muli %add3A, %mul3A_1 : i32
    "tpu.region"() ({
      %run_scoped3A = tpu.sem_alloc : memref<!tpu.dma_semaphore, #tpu.memory_space<semaphore_mem>>
      tpu.enqueue_dma source(%arg3 : memref<64xf32, #tpu.memory_space<hbm>>) target(%arg8 : memref<64xf32, #tpu.memory_space<vmem>>) target_semaphore(%run_scoped3A : memref<!tpu.dma_semaphore, #tpu.memory_space<semaphore_mem>>)
      tpu.wait_dma2 semaphore(%run_scoped3A : memref<!tpu.dma_semaphore, #tpu.memory_space<semaphore_mem>>) src(%arg3 : memref<64xf32, #tpu.memory_space<hbm>>) dst(%arg8 : memref<64xf32, #tpu.memory_space<vmem>>)
      tpu.yield
    }) : () -> ()
    "tpu.region"() ({
      %run_scoped3A = tpu.sem_alloc : memref<!tpu.dma_semaphore, #tpu.memory_space<semaphore_mem>>
      %dma_start3A = arith.constant 0 : i32
      %dma_start3A_44 = tpu.memref_slice %arg2[%mul3A_2, %dma_start3A] : memref<8192x64xf32, #tpu.memory_space<hbm>> -> memref<256x64xf32, #tpu.memory_space<hbm>>
      %dma_start3A_45 = arith.constant 0 : i32
      %dma_start3A_46 = tpu.memref_slice %arg2[%mul3A_2, %dma_start3A_45] : memref<8192x64xf32, #tpu.memory_space<hbm>> -> memref<256x64xf32, #tpu.memory_space<hbm>>
      tpu.enqueue_dma source(%dma_start3A_46 : memref<256x64xf32, #tpu.memory_space<hbm>>) target(%arg7 : memref<256x64xf32, #tpu.memory_space<vmem>>) target_semaphore(%run_scoped3A : memref<!tpu.dma_semaphore, #tpu.memory_space<semaphore_mem>>)
      %dma_wait3A = arith.constant 0 : i32
      %dma_wait3A_47 = tpu.memref_slice %arg2[%mul3A_2, %dma_wait3A] : memref<8192x64xf32, #tpu.memory_space<hbm>> -> memref<256x64xf32, #tpu.memory_space<hbm>>
      %dma_wait3A_48 = arith.constant 0 : i32
      %dma_wait3A_49 = tpu.memref_slice %arg2[%mul3A_2, %dma_wait3A_48] : memref<8192x64xf32, #tpu.memory_space<hbm>> -> memref<256x64xf32, #tpu.memory_space<hbm>>
      tpu.wait_dma2 semaphore(%run_scoped3A : memref<!tpu.dma_semaphore, #tpu.memory_space<semaphore_mem>>) src(%dma_wait3A_49 : memref<256x64xf32, #tpu.memory_space<hbm>>) dst(%arg7 : memref<256x64xf32, #tpu.memory_space<vmem>>)
      tpu.yield
    }) : () -> ()
    %iota3A = tpu.iota {dimensions = array<i32: 0>} : vector<16xi32>
    %lt3A = arith.constant 8 : i32
    %lt3A_3 = vector.broadcast %lt3A : i32 to vector<16xi32>
    %lt3A_4 = arith.cmpi slt, %iota3A, %lt3A_3 : vector<16xi32>
    %broadcast_in_dim3A = arith.constant 1.000000e+00 : f32
    %broadcast_in_dim3A_5 = vector.broadcast %broadcast_in_dim3A : f32 to vector<16xf32>
    %broadcast_in_dim3A_6 = arith.constant 0.000000e+00 : f32
    %broadcast_in_dim3A_7 = vector.broadcast %broadcast_in_dim3A_6 : f32 to vector<16xf32>
    %sub3A = arith.constant 8 : i32
    %sub3A_8 = vector.broadcast %sub3A : i32 to vector<16xi32>
    %sub3A_9 = arith.subi %iota3A, %sub3A_8 : vector<16xi32>
    %max3A = arith.constant 0 : i32
    %max3A_10 = vector.broadcast %max3A : i32 to vector<16xi32>
    %max3A_11 = arith.maxsi %sub3A_9, %max3A_10 : vector<16xi32>
    %swap3A = arith.constant 0 : index
    %swap3A_12 = tpu.vector_load %arg11[%swap3A] {strides = array<i32>} : memref<64xf32, #tpu.memory_space<vmem>>, vector<16xf32>,
    tpu.vector_store %arg11[%swap3A], %broadcast_in_dim3A_7 {strides = array<i32>} : memref<64xf32, #tpu.memory_space<vmem>>, vector<16xf32>,
    %swap3A_13 = arith.constant 16 : index
    %swap3A_14 = tpu.vector_load %arg11[%swap3A_13] {strides = array<i32>} : memref<64xf32, #tpu.memory_space<vmem>>, vector<16xf32>,
    tpu.vector_store %arg11[%swap3A_13], %broadcast_in_dim3A_7 {strides = array<i32>} : memref<64xf32, #tpu.memory_space<vmem>>, vector<16xf32>,
    %swap3A_15 = arith.constant 32 : index
    %swap3A_16 = tpu.vector_load %arg11[%swap3A_15] {strides = array<i32>} : memref<64xf32, #tpu.memory_space<vmem>>, vector<16xf32>,
    tpu.vector_store %arg11[%swap3A_15], %broadcast_in_dim3A_7 {strides = array<i32>} : memref<64xf32, #tpu.memory_space<vmem>>, vector<16xf32>,
    %swap3A_17 = arith.constant 48 : index
    %swap3A_18 = tpu.vector_load %arg11[%swap3A_17] {strides = array<i32>} : memref<64xf32, #tpu.memory_space<vmem>>, vector<16xf32>,
    tpu.vector_store %arg11[%swap3A_17], %broadcast_in_dim3A_7 {strides = array<i32>} : memref<64xf32, #tpu.memory_space<vmem>>, vector<16xf32>,
    %get3A = arith.constant 0 : index
    %get3A_19 = tpu.vector_load %arg8[%get3A] {strides = array<i32>} : memref<64xf32, #tpu.memory_space<vmem>>, vector<16xf32>,
    %get3A_20 = arith.constant 16 : index
    %get3A_21 = tpu.vector_load %arg8[%get3A_20] {strides = array<i32>} : memref<64xf32, #tpu.memory_space<vmem>>, vector<16xf32>,
    %get3A_22 = arith.constant 32 : index
    %get3A_23 = tpu.vector_load %arg8[%get3A_22] {strides = array<i32>} : memref<64xf32, #tpu.memory_space<vmem>>, vector<16xf32>,
    %get3A_24 = arith.constant 48 : index
    %get3A_25 = tpu.vector_load %arg8[%get3A_24] {strides = array<i32>} : memref<64xf32, #tpu.memory_space<vmem>>, vector<16xf32>,
    %add3A_26 = arith.constant 0 : i32
    %add3A_27 = vector.broadcast %add3A_26 : i32 to vector<16xi32>
    %add3A_28 = arith.addi %iota3A, %add3A_27 : vector<16xi32>
    %add3A_29 = arith.constant 16 : i32
    %add3A_30 = vector.broadcast %add3A_29 : i32 to vector<16xi32>
    %add3A_31 = arith.addi %iota3A, %add3A_30 : vector<16xi32>
    %add3A_32 = arith.constant 32 : i32
    %add3A_33 = vector.broadcast %add3A_32 : i32 to vector<16xi32>
    %add3A_34 = arith.addi %iota3A, %add3A_33 : vector<16xi32>
    %add3A_35 = arith.constant 48 : i32
    %add3A_36 = vector.broadcast %add3A_35 : i32 to vector<16xi32>
    %add3A_37 = arith.addi %iota3A, %add3A_36 : vector<16xi32>
    %parallel_loop3A = arith.constant 0 : i32
    %parallel_loop3A_38 = arith.constant 128 : i32
    %parallel_loop3A_39 = arith.constant 1 : i32
    scf.for %parallel_loop3A_44 = %parallel_loop3A to %parallel_loop3A_38 step %parallel_loop3A_39  : i32 {
      %parallel_loop3A_45 = arith.constant 2 : i32
      %parallel_loop3A_46 = arith.muli %parallel_loop3A_44, %parallel_loop3A_45 : i32
      %parallel_loop3A_47 = arith.index_cast %parallel_loop3A_46 : i32 to index
      %parallel_loop3A_48 = arith.constant 0 : index
      %parallel_loop3A_49 = tpu.vector_load %arg7[%parallel_loop3A_47, %parallel_loop3A_48] {strides = array<i32>} : memref<256x64xf32, #tpu.memory_space<vmem>>, vector<16xf32>,
      %parallel_loop3A_50 = arith.addf %parallel_loop3A_49, %get3A_19 : vector<16xf32>
      %parallel_loop3A_51 = arith.constant dense<true> : vector<16xi1>
      %parallel_loop3A_52, %parallel_loop3A_53, %parallel_loop3A_54 = tpu.sort %parallel_loop3A_50, %add3A_28 masked %parallel_loop3A_51 {descending = true} : (vector<16xf32>, vector<16xi32>, vector<16xi1>) -> (vector<16xi1>, vector<16xf32>, vector<16xi32>)
      %parallel_loop3A_55 = arith.index_cast %parallel_loop3A_46 : i32 to index
      %parallel_loop3A_56 = arith.constant 16 : index
      %parallel_loop3A_57 = tpu.vector_load %arg7[%parallel_loop3A_55, %parallel_loop3A_56] {strides = array<i32>} : memref<256x64xf32, #tpu.memory_space<vmem>>, vector<16xf32>,
      %parallel_loop3A_58 = arith.addf %parallel_loop3A_57, %get3A_21 : vector<16xf32>
      %parallel_loop3A_59 = arith.constant dense<true> : vector<16xi1>
      %parallel_loop3A_60, %parallel_loop3A_61, %parallel_loop3A_62 = tpu.sort %parallel_loop3A_58, %add3A_31 masked %parallel_loop3A_59 {descending = true} : (vector<16xf32>, vector<16xi32>, vector<16xi1>) -> (vector<16xi1>, vector<16xf32>, vector<16xi32>)
      %parallel_loop3A_63 = arith.index_cast %parallel_loop3A_46 : i32 to index
      %parallel_loop3A_64 = arith.constant 32 : index
      %parallel_loop3A_65 = tpu.vector_load %arg7[%parallel_loop3A_63, %parallel_loop3A_64] {strides = array<i32>} : memref<256x64xf32, #tpu.memory_space<vmem>>, vector<16xf32>,
      %parallel_loop3A_66 = arith.addf %parallel_loop3A_65, %get3A_23 : vector<16xf32>
      %parallel_loop3A_67 = arith.constant dense<true> : vector<16xi1>
      %parallel_loop3A_68, %parallel_loop3A_69, %parallel_loop3A_70 = tpu.sort %parallel_loop3A_66, %add3A_34 masked %parallel_loop3A_67 {descending = true} : (vector<16xf32>, vector<16xi32>, vector<16xi1>) -> (vector<16xi1>, vector<16xf32>, vector<16xi32>)
      %parallel_loop3A_71 = arith.index_cast %parallel_loop3A_46 : i32 to index
      %parallel_loop3A_72 = arith.constant 48 : index
      %parallel_loop3A_73 = tpu.vector_load %arg7[%parallel_loop3A_71, %parallel_loop3A_72] {strides = array<i32>} : memref<256x64xf32, #tpu.memory_space<vmem>>, vector<16xf32>,
      %parallel_loop3A_74 = arith.addf %parallel_loop3A_73, %get3A_25 : vector<16xf32>
      %parallel_loop3A_75 = arith.constant dense<true> : vector<16xi1>
      %parallel_loop3A_76, %parallel_loop3A_77, %parallel_loop3A_78 = tpu.sort %parallel_loop3A_74, %add3A_37 masked %parallel_loop3A_75 {descending = true} : (vector<16xf32>, vector<16xi32>, vector<16xi1>) -> (vector<16xi1>, vector<16xf32>, vector<16xi32>)
      %parallel_loop3A_79 = arith.constant 15 : i32
      %parallel_loop3A_80 = vector.broadcast %parallel_loop3A_79 : i32 to vector<16xi32>
      %parallel_loop3A_81 = tpu.iota {dimensions = array<i32: 0>} : vector<16xi32>
      %parallel_loop3A_82 = arith.subi %parallel_loop3A_80, %parallel_loop3A_81 : vector<16xi32>
      %parallel_loop3A_83 = tpu.dynamic_gather %parallel_loop3A_61[%parallel_loop3A_82] in [0] : vector<16xf32>, vector<16xi32> -> vector<16xf32>
      %parallel_loop3A_84 = arith.constant 15 : i32
      %parallel_loop3A_85 = vector.broadcast %parallel_loop3A_84 : i32 to vector<16xi32>
      %parallel_loop3A_86 = tpu.iota {dimensions = array<i32: 0>} : vector<16xi32>
      %parallel_loop3A_87 = arith.subi %parallel_loop3A_85, %parallel_loop3A_86 : vector<16xi32>
      %parallel_loop3A_88 = tpu.dynamic_gather %parallel_loop3A_62[%parallel_loop3A_87] in [0] : vector<16xi32>, vector<16xi32> -> vector<16xi32>
      %parallel_loop3A_89 = arith.cmpf ogt, %parallel_loop3A_53, %parallel_loop3A_83 : vector<16xf32>
      %parallel_loop3A_90 = arith.cmpf oeq, %parallel_loop3A_53, %parallel_loop3A_83 : vector<16xf32>
      %parallel_loop3A_91 = arith.cmpi slt, %parallel_loop3A_54, %parallel_loop3A_88 : vector<16xi32>
      %parallel_loop3A_92 = arith.andi %parallel_loop3A_90, %parallel_loop3A_91 : vector<16xi1>
      %parallel_loop3A_93 = arith.ori %parallel_loop3A_89, %parallel_loop3A_92 : vector<16xi1>
      %parallel_loop3A_94 = arith.select %parallel_loop3A_93, %parallel_loop3A_53, %parallel_loop3A_83 : vector<16xi1>, vector<16xf32>
      %parallel_loop3A_95 = arith.select %parallel_loop3A_93, %parallel_loop3A_54, %parallel_loop3A_88 : vector<16xi1>, vector<16xi32>
      %parallel_loop3A_96 = arith.constant dense<true> : vector<16xi1>
      %parallel_loop3A_97, %parallel_loop3A_98, %parallel_loop3A_99 = tpu.sort %parallel_loop3A_94, %parallel_loop3A_95 masked %parallel_loop3A_96 {descending = true} : (vector<16xf32>, vector<16xi32>, vector<16xi1>) -> (vector<16xi1>, vector<16xf32>, vector<16xi32>)
      %parallel_loop3A_100 = arith.constant 15 : i32
      %parallel_loop3A_101 = vector.broadcast %parallel_loop3A_100 : i32 to vector<16xi32>
      %parallel_loop3A_102 = tpu.iota {dimensions = array<i32: 0>} : vector<16xi32>
      %parallel_loop3A_103 = arith.subi %parallel_loop3A_101, %parallel_loop3A_102 : vector<16xi32>
      %parallel_loop3A_104 = tpu.dynamic_gather %parallel_loop3A_77[%parallel_loop3A_103] in [0] : vector<16xf32>, vector<16xi32> -> vector<16xf32>
      %parallel_loop3A_105 = arith.constant 15 : i32
      %parallel_loop3A_106 = vector.broadcast %parallel_loop3A_105 : i32 to vector<16xi32>
      %parallel_loop3A_107 = tpu.iota {dimensions = array<i32: 0>} : vector<16xi32>
      %parallel_loop3A_108 = arith.subi %parallel_loop3A_106, %parallel_loop3A_107 : vector<16xi32>
      %parallel_loop3A_109 = tpu.dynamic_gather %parallel_loop3A_78[%parallel_loop3A_108] in [0] : vector<16xi32>, vector<16xi32> -> vector<16xi32>
      %parallel_loop3A_110 = arith.cmpf ogt, %parallel_loop3A_69, %parallel_loop3A_104 : vector<16xf32>
      %parallel_loop3A_111 = arith.cmpf oeq, %parallel_loop3A_69, %parallel_loop3A_104 : vector<16xf32>
      %parallel_loop3A_112 = arith.cmpi slt, %parallel_loop3A_70, %parallel_loop3A_109 : vector<16xi32>
      %parallel_loop3A_113 = arith.andi %parallel_loop3A_111, %parallel_loop3A_112 : vector<16xi1>
      %parallel_loop3A_114 = arith.ori %parallel_loop3A_110, %parallel_loop3A_113 : vector<16xi1>
      %parallel_loop3A_115 = arith.select %parallel_loop3A_114, %parallel_loop3A_69, %parallel_loop3A_104 : vector<16xi1>, vector<16xf32>
      %parallel_loop3A_116 = arith.select %parallel_loop3A_114, %parallel_loop3A_70, %parallel_loop3A_109 : vector<16xi1>, vector<16xi32>
      %parallel_loop3A_117 = arith.constant dense<true> : vector<16xi1>
      %parallel_loop3A_118, %parallel_loop3A_119, %parallel_loop3A_120 = tpu.sort %parallel_loop3A_115, %parallel_loop3A_116 masked %parallel_loop3A_117 {descending = true} : (vector<16xf32>, vector<16xi32>, vector<16xi1>) -> (vector<16xi1>, vector<16xf32>, vector<16xi32>)
      %parallel_loop3A_121 = arith.constant 15 : i32
      %parallel_loop3A_122 = vector.broadcast %parallel_loop3A_121 : i32 to vector<16xi32>
      %parallel_loop3A_123 = tpu.iota {dimensions = array<i32: 0>} : vector<16xi32>
      %parallel_loop3A_124 = arith.subi %parallel_loop3A_122, %parallel_loop3A_123 : vector<16xi32>
      %parallel_loop3A_125 = tpu.dynamic_gather %parallel_loop3A_119[%parallel_loop3A_124] in [0] : vector<16xf32>, vector<16xi32> -> vector<16xf32>
      %parallel_loop3A_126 = arith.constant 15 : i32
      %parallel_loop3A_127 = vector.broadcast %parallel_loop3A_126 : i32 to vector<16xi32>
      %parallel_loop3A_128 = tpu.iota {dimensions = array<i32: 0>} : vector<16xi32>
      %parallel_loop3A_129 = arith.subi %parallel_loop3A_127, %parallel_loop3A_128 : vector<16xi32>
      %parallel_loop3A_130 = tpu.dynamic_gather %parallel_loop3A_120[%parallel_loop3A_129] in [0] : vector<16xi32>, vector<16xi32> -> vector<16xi32>
      %parallel_loop3A_131 = arith.cmpf ogt, %parallel_loop3A_98, %parallel_loop3A_125 : vector<16xf32>
      %parallel_loop3A_132 = arith.cmpf oeq, %parallel_loop3A_98, %parallel_loop3A_125 : vector<16xf32>
      %parallel_loop3A_133 = arith.cmpi slt, %parallel_loop3A_99, %parallel_loop3A_130 : vector<16xi32>
      %parallel_loop3A_134 = arith.andi %parallel_loop3A_132, %parallel_loop3A_133 : vector<16xi1>
      %parallel_loop3A_135 = arith.ori %parallel_loop3A_131, %parallel_loop3A_134 : vector<16xi1>
      %parallel_loop3A_136 = arith.select %parallel_loop3A_135, %parallel_loop3A_98, %parallel_loop3A_125 : vector<16xi1>, vector<16xf32>
      %parallel_loop3A_137 = arith.select %parallel_loop3A_135, %parallel_loop3A_99, %parallel_loop3A_130 : vector<16xi1>, vector<16xi32>
      %parallel_loop3A_138 = arith.constant dense<true> : vector<16xi1>
      %parallel_loop3A_139, %parallel_loop3A_140, %parallel_loop3A_141 = tpu.sort %parallel_loop3A_136, %parallel_loop3A_137 masked %parallel_loop3A_138 {descending = true} : (vector<16xf32>, vector<16xi32>, vector<16xi1>) -> (vector<16xi1>, vector<16xf32>, vector<16xi32>)
      %parallel_loop3A_142 = vector.broadcast %parallel_loop3A_46 : i32 to vector<16xi32>
      %parallel_loop3A_143 = tpu.vector_load_idx %arg7[%parallel_loop3A_142, %parallel_loop3A_141] : memref<256x64xf32, #tpu.memory_space<vmem>>[vector<16xi32>, vector<16xi32>], vector<16xf32>,
      %parallel_loop3A_144 = arith.constant 0.000000e+00 : f32
      %parallel_loop3A_145 = vector.broadcast %parallel_loop3A_144 : f32 to vector<16xf32>
      %parallel_loop3A_146 = arith.select %lt3A_4, %parallel_loop3A_143, %parallel_loop3A_145 : vector<16xi1>, vector<16xf32>
      %parallel_loop3A_147 = arith.constant true
      %parallel_loop3A_148 = vector.broadcast %parallel_loop3A_147 : i1 to vector<16xi1>
      %parallel_loop3A_149 = tpu.scan <sum>, %parallel_loop3A_146 masked %parallel_loop3A_148 : vector<16xf32>, vector<16xi1> -> vector<16xf32>
      %parallel_loop3A_150 = vector.extract %parallel_loop3A_149[15] : f32 from vector<16xf32>
      %parallel_loop3A_151 = arith.constant 9.99999968E-21 : f32
      %parallel_loop3A_152 = arith.addf %parallel_loop3A_150, %parallel_loop3A_151 : f32
      %parallel_loop3A_153 = vector.broadcast %parallel_loop3A_152 : f32 to vector<16xf32>
      %parallel_loop3A_154 = arith.divf %parallel_loop3A_146, %parallel_loop3A_153 : vector<16xf32>
      tpu.vector_store_idx %arg11[%parallel_loop3A_141], %broadcast_in_dim3A_5 masked %lt3A_4 {add = true} : memref<64xf32, #tpu.memory_space<vmem>>[vector<16xi32>], vector<16xf32>, vector<16xi1>
      %parallel_loop3A_155 = arith.constant 1 : i32
      %parallel_loop3A_156 = arith.addi %parallel_loop3A_46, %parallel_loop3A_155 : i32
      %parallel_loop3A_157 = arith.index_cast %parallel_loop3A_156 : i32 to index
      %parallel_loop3A_158 = arith.constant 0 : index
      %parallel_loop3A_159 = tpu.vector_load %arg7[%parallel_loop3A_157, %parallel_loop3A_158] {strides = array<i32>} : memref<256x64xf32, #tpu.memory_space<vmem>>, vector<16xf32>,
      %parallel_loop3A_160 = arith.addf %parallel_loop3A_159, %get3A_19 : vector<16xf32>
      %parallel_loop3A_161 = arith.constant dense<true> : vector<16xi1>
      %parallel_loop3A_162, %parallel_loop3A_163, %parallel_loop3A_164 = tpu.sort %parallel_loop3A_160, %add3A_28 masked %parallel_loop3A_161 {descending = true} : (vector<16xf32>, vector<16xi32>, vector<16xi1>) -> (vector<16xi1>, vector<16xf32>, vector<16xi32>)
      %parallel_loop3A_165 = arith.index_cast %parallel_loop3A_156 : i32 to index
      %parallel_loop3A_166 = arith.constant 16 : index
      %parallel_loop3A_167 = tpu.vector_load %arg7[%parallel_loop3A_165, %parallel_loop3A_166] {strides = array<i32>} : memref<256x64xf32, #tpu.memory_space<vmem>>, vector<16xf32>,
      %parallel_loop3A_168 = arith.addf %parallel_loop3A_167, %get3A_21 : vector<16xf32>
      %parallel_loop3A_169 = arith.constant dense<true> : vector<16xi1>
      %parallel_loop3A_170, %parallel_loop3A_171, %parallel_loop3A_172 = tpu.sort %parallel_loop3A_168, %add3A_31 masked %parallel_loop3A_169 {descending = true} : (vector<16xf32>, vector<16xi32>, vector<16xi1>) -> (vector<16xi1>, vector<16xf32>, vector<16xi32>)
      %parallel_loop3A_173 = arith.index_cast %parallel_loop3A_156 : i32 to index
      %parallel_loop3A_174 = arith.constant 32 : index
      %parallel_loop3A_175 = tpu.vector_load %arg7[%parallel_loop3A_173, %parallel_loop3A_174] {strides = array<i32>} : memref<256x64xf32, #tpu.memory_space<vmem>>, vector<16xf32>,
      %parallel_loop3A_176 = arith.addf %parallel_loop3A_175, %get3A_23 : vector<16xf32>
      %parallel_loop3A_177 = arith.constant dense<true> : vector<16xi1>
      %parallel_loop3A_178, %parallel_loop3A_179, %parallel_loop3A_180 = tpu.sort %parallel_loop3A_176, %add3A_34 masked %parallel_loop3A_177 {descending = true} : (vector<16xf32>, vector<16xi32>, vector<16xi1>) -> (vector<16xi1>, vector<16xf32>, vector<16xi32>)
      %parallel_loop3A_181 = arith.index_cast %parallel_loop3A_156 : i32 to index
      %parallel_loop3A_182 = arith.constant 48 : index
      %parallel_loop3A_183 = tpu.vector_load %arg7[%parallel_loop3A_181, %parallel_loop3A_182] {strides = array<i32>} : memref<256x64xf32, #tpu.memory_space<vmem>>, vector<16xf32>,
      %parallel_loop3A_184 = arith.addf %parallel_loop3A_183, %get3A_25 : vector<16xf32>
      %parallel_loop3A_185 = arith.constant dense<true> : vector<16xi1>
      %parallel_loop3A_186, %parallel_loop3A_187, %parallel_loop3A_188 = tpu.sort %parallel_loop3A_184, %add3A_37 masked %parallel_loop3A_185 {descending = true} : (vector<16xf32>, vector<16xi32>, vector<16xi1>) -> (vector<16xi1>, vector<16xf32>, vector<16xi32>)
      %parallel_loop3A_189 = arith.constant 15 : i32
      %parallel_loop3A_190 = vector.broadcast %parallel_loop3A_189 : i32 to vector<16xi32>
      %parallel_loop3A_191 = tpu.iota {dimensions = array<i32: 0>} : vector<16xi32>
      %parallel_loop3A_192 = arith.subi %parallel_loop3A_190, %parallel_loop3A_191 : vector<16xi32>
      %parallel_loop3A_193 = tpu.dynamic_gather %parallel_loop3A_171[%parallel_loop3A_192] in [0] : vector<16xf32>, vector<16xi32> -> vector<16xf32>
      %parallel_loop3A_194 = arith.constant 15 : i32
      %parallel_loop3A_195 = vector.broadcast %parallel_loop3A_194 : i32 to vector<16xi32>
      %parallel_loop3A_196 = tpu.iota {dimensions = array<i32: 0>} : vector<16xi32>
      %parallel_loop3A_197 = arith.subi %parallel_loop3A_195, %parallel_loop3A_196 : vector<16xi32>
      %parallel_loop3A_198 = tpu.dynamic_gather %parallel_loop3A_172[%parallel_loop3A_197] in [0] : vector<16xi32>, vector<16xi32> -> vector<16xi32>
      %parallel_loop3A_199 = arith.cmpf ogt, %parallel_loop3A_163, %parallel_loop3A_193 : vector<16xf32>
      %parallel_loop3A_200 = arith.cmpf oeq, %parallel_loop3A_163, %parallel_loop3A_193 : vector<16xf32>
      %parallel_loop3A_201 = arith.cmpi slt, %parallel_loop3A_164, %parallel_loop3A_198 : vector<16xi32>
      %parallel_loop3A_202 = arith.andi %parallel_loop3A_200, %parallel_loop3A_201 : vector<16xi1>
      %parallel_loop3A_203 = arith.ori %parallel_loop3A_199, %parallel_loop3A_202 : vector<16xi1>
      %parallel_loop3A_204 = arith.select %parallel_loop3A_203, %parallel_loop3A_163, %parallel_loop3A_193 : vector<16xi1>, vector<16xf32>
      %parallel_loop3A_205 = arith.select %parallel_loop3A_203, %parallel_loop3A_164, %parallel_loop3A_198 : vector<16xi1>, vector<16xi32>
      %parallel_loop3A_206 = arith.constant dense<true> : vector<16xi1>
      %parallel_loop3A_207, %parallel_loop3A_208, %parallel_loop3A_209 = tpu.sort %parallel_loop3A_204, %parallel_loop3A_205 masked %parallel_loop3A_206 {descending = true} : (vector<16xf32>, vector<16xi32>, vector<16xi1>) -> (vector<16xi1>, vector<16xf32>, vector<16xi32>)
      %parallel_loop3A_210 = arith.constant 15 : i32
      %parallel_loop3A_211 = vector.broadcast %parallel_loop3A_210 : i32 to vector<16xi32>
      %parallel_loop3A_212 = tpu.iota {dimensions = array<i32: 0>} : vector<16xi32>
      %parallel_loop3A_213 = arith.subi %parallel_loop3A_211, %parallel_loop3A_212 : vector<16xi32>
      %parallel_loop3A_214 = tpu.dynamic_gather %parallel_loop3A_187[%parallel_loop3A_213] in [0] : vector<16xf32>, vector<16xi32> -> vector<16xf32>
      %parallel_loop3A_215 = arith.constant 15 : i32
      %parallel_loop3A_216 = vector.broadcast %parallel_loop3A_215 : i32 to vector<16xi32>
      %parallel_loop3A_217 = tpu.iota {dimensions = array<i32: 0>} : vector<16xi32>
      %parallel_loop3A_218 = arith.subi %parallel_loop3A_216, %parallel_loop3A_217 : vector<16xi32>
      %parallel_loop3A_219 = tpu.dynamic_gather %parallel_loop3A_188[%parallel_loop3A_218] in [0] : vector<16xi32>, vector<16xi32> -> vector<16xi32>
      %parallel_loop3A_220 = arith.cmpf ogt, %parallel_loop3A_179, %parallel_loop3A_214 : vector<16xf32>
      %parallel_loop3A_221 = arith.cmpf oeq, %parallel_loop3A_179, %parallel_loop3A_214 : vector<16xf32>
      %parallel_loop3A_222 = arith.cmpi slt, %parallel_loop3A_180, %parallel_loop3A_219 : vector<16xi32>
      %parallel_loop3A_223 = arith.andi %parallel_loop3A_221, %parallel_loop3A_222 : vector<16xi1>
      %parallel_loop3A_224 = arith.ori %parallel_loop3A_220, %parallel_loop3A_223 : vector<16xi1>
      %parallel_loop3A_225 = arith.select %parallel_loop3A_224, %parallel_loop3A_179, %parallel_loop3A_214 : vector<16xi1>, vector<16xf32>
      %parallel_loop3A_226 = arith.select %parallel_loop3A_224, %parallel_loop3A_180, %parallel_loop3A_219 : vector<16xi1>, vector<16xi32>
      %parallel_loop3A_227 = arith.constant dense<true> : vector<16xi1>
      %parallel_loop3A_228, %parallel_loop3A_229, %parallel_loop3A_230 = tpu.sort %parallel_loop3A_225, %parallel_loop3A_226 masked %parallel_loop3A_227 {descending = true} : (vector<16xf32>, vector<16xi32>, vector<16xi1>) -> (vector<16xi1>, vector<16xf32>, vector<16xi32>)
      %parallel_loop3A_231 = arith.constant 15 : i32
      %parallel_loop3A_232 = vector.broadcast %parallel_loop3A_231 : i32 to vector<16xi32>
      %parallel_loop3A_233 = tpu.iota {dimensions = array<i32: 0>} : vector<16xi32>
      %parallel_loop3A_234 = arith.subi %parallel_loop3A_232, %parallel_loop3A_233 : vector<16xi32>
      %parallel_loop3A_235 = tpu.dynamic_gather %parallel_loop3A_229[%parallel_loop3A_234] in [0] : vector<16xf32>, vector<16xi32> -> vector<16xf32>
      %parallel_loop3A_236 = arith.constant 15 : i32
      %parallel_loop3A_237 = vector.broadcast %parallel_loop3A_236 : i32 to vector<16xi32>
      %parallel_loop3A_238 = tpu.iota {dimensions = array<i32: 0>} : vector<16xi32>
      %parallel_loop3A_239 = arith.subi %parallel_loop3A_237, %parallel_loop3A_238 : vector<16xi32>
      %parallel_loop3A_240 = tpu.dynamic_gather %parallel_loop3A_230[%parallel_loop3A_239] in [0] : vector<16xi32>, vector<16xi32> -> vector<16xi32>
      %parallel_loop3A_241 = arith.cmpf ogt, %parallel_loop3A_208, %parallel_loop3A_235 : vector<16xf32>
      %parallel_loop3A_242 = arith.cmpf oeq, %parallel_loop3A_208, %parallel_loop3A_235 : vector<16xf32>
      %parallel_loop3A_243 = arith.cmpi slt, %parallel_loop3A_209, %parallel_loop3A_240 : vector<16xi32>
      %parallel_loop3A_244 = arith.andi %parallel_loop3A_242, %parallel_loop3A_243 : vector<16xi1>
      %parallel_loop3A_245 = arith.ori %parallel_loop3A_241, %parallel_loop3A_244 : vector<16xi1>
      %parallel_loop3A_246 = arith.select %parallel_loop3A_245, %parallel_loop3A_208, %parallel_loop3A_235 : vector<16xi1>, vector<16xf32>
      %parallel_loop3A_247 = arith.select %parallel_loop3A_245, %parallel_loop3A_209, %parallel_loop3A_240 : vector<16xi1>, vector<16xi32>
      %parallel_loop3A_248 = arith.constant dense<true> : vector<16xi1>
      %parallel_loop3A_249, %parallel_loop3A_250, %parallel_loop3A_251 = tpu.sort %parallel_loop3A_246, %parallel_loop3A_247 masked %parallel_loop3A_248 {descending = true} : (vector<16xf32>, vector<16xi32>, vector<16xi1>) -> (vector<16xi1>, vector<16xf32>, vector<16xi32>)
      %parallel_loop3A_252 = vector.broadcast %parallel_loop3A_156 : i32 to vector<16xi32>
      %parallel_loop3A_253 = tpu.vector_load_idx %arg7[%parallel_loop3A_252, %parallel_loop3A_251] : memref<256x64xf32, #tpu.memory_space<vmem>>[vector<16xi32>, vector<16xi32>], vector<16xf32>,
      %parallel_loop3A_254 = arith.constant 0.000000e+00 : f32
      %parallel_loop3A_255 = vector.broadcast %parallel_loop3A_254 : f32 to vector<16xf32>
      %parallel_loop3A_256 = arith.select %lt3A_4, %parallel_loop3A_253, %parallel_loop3A_255 : vector<16xi1>, vector<16xf32>
      %parallel_loop3A_257 = arith.constant true
      %parallel_loop3A_258 = vector.broadcast %parallel_loop3A_257 : i1 to vector<16xi1>
      %parallel_loop3A_259 = tpu.scan <sum>, %parallel_loop3A_256 masked %parallel_loop3A_258 : vector<16xf32>, vector<16xi1> -> vector<16xf32>
      %parallel_loop3A_260 = vector.extract %parallel_loop3A_259[15] : f32 from vector<16xf32>
      %parallel_loop3A_261 = arith.constant 9.99999968E-21 : f32
      %parallel_loop3A_262 = arith.addf %parallel_loop3A_260, %parallel_loop3A_261 : f32
      %parallel_loop3A_263 = vector.broadcast %parallel_loop3A_262 : f32 to vector<16xf32>
      %parallel_loop3A_264 = arith.divf %parallel_loop3A_256, %parallel_loop3A_263 : vector<16xf32>
      tpu.vector_store_idx %arg11[%parallel_loop3A_251], %broadcast_in_dim3A_5 masked %lt3A_4 {add = true} : memref<64xf32, #tpu.memory_space<vmem>>[vector<16xi32>], vector<16xf32>, vector<16xi1>
      %parallel_loop3A_265 = vector.shape_cast %max3A_11 : vector<16xi32> to vector<16x1xi32>
      %parallel_loop3A_266 = vector.shape_cast %parallel_loop3A_265 : vector<16x1xi32> to vector<16xi32>
      %parallel_loop3A_267 = tpu.dynamic_gather %parallel_loop3A_264[%parallel_loop3A_266] in [0] : vector<16xf32>, vector<16xi32> -> vector<16xf32>
      %parallel_loop3A_268 = arith.select %lt3A_4, %parallel_loop3A_154, %parallel_loop3A_267 : vector<16xi1>, vector<16xf32>
      %parallel_loop3A_269 = vector.shape_cast %max3A_11 : vector<16xi32> to vector<16x1xi32>
      %parallel_loop3A_270 = vector.shape_cast %parallel_loop3A_269 : vector<16x1xi32> to vector<16xi32>
      %parallel_loop3A_271 = tpu.dynamic_gather %parallel_loop3A_251[%parallel_loop3A_270] in [0] : vector<16xi32>, vector<16xi32> -> vector<16xi32>
      %parallel_loop3A_272 = arith.select %lt3A_4, %parallel_loop3A_141, %parallel_loop3A_271 : vector<16xi1>, vector<16xi32>
      %parallel_loop3A_273 = arith.constant 16 : i32
      %parallel_loop3A_274 = arith.muli %parallel_loop3A_44, %parallel_loop3A_273 : i32
      %parallel_loop3A_275 = arith.index_cast %parallel_loop3A_274 : i32 to index
      %parallel_loop3A_276 = tpu.vector_load %arg9[%parallel_loop3A_275] {strides = array<i32>} : memref<2048xf32, #tpu.memory_space<vmem>>, vector<16xf32>,
      tpu.vector_store %arg9[%parallel_loop3A_275], %parallel_loop3A_268 {strides = array<i32>} : memref<2048xf32, #tpu.memory_space<vmem>>, vector<16xf32>,
      %parallel_loop3A_277 = arith.constant 16 : i32
      %parallel_loop3A_278 = arith.muli %parallel_loop3A_44, %parallel_loop3A_277 : i32
      %parallel_loop3A_279 = arith.index_cast %parallel_loop3A_278 : i32 to index
      %parallel_loop3A_280 = tpu.vector_load %arg10[%parallel_loop3A_279] {strides = array<i32>} : memref<2048xi32, #tpu.memory_space<vmem>>, vector<16xi32>,
      tpu.vector_store %arg10[%parallel_loop3A_279], %parallel_loop3A_272 {strides = array<i32>} : memref<2048xi32, #tpu.memory_space<vmem>>, vector<16xi32>,
    } {sc.loop_unroll_factor = 2 : i64, sc.parallel_access}
    %mul3A_40 = arith.constant 8 : i32
    %mul3A_41 = arith.muli %mul3A_2, %mul3A_40 : i32
    "tpu.region"() ({
      %run_scoped3A = tpu.sem_alloc : memref<!tpu.dma_semaphore, #tpu.memory_space<semaphore_mem>>
      %dma_start3A = tpu.memref_slice %arg4[%mul3A_41] : memref<65536xf32, #tpu.memory_space<hbm>> -> memref<2048xf32, #tpu.memory_space<hbm>>
      %dma_start3A_44 = tpu.memref_slice %arg4[%mul3A_41] : memref<65536xf32, #tpu.memory_space<hbm>> -> memref<2048xf32, #tpu.memory_space<hbm>>
      tpu.enqueue_dma source(%arg9 : memref<2048xf32, #tpu.memory_space<vmem>>) target(%dma_start3A_44 : memref<2048xf32, #tpu.memory_space<hbm>>) target_semaphore(%run_scoped3A : memref<!tpu.dma_semaphore, #tpu.memory_space<semaphore_mem>>)
      %dma_wait3A = tpu.memref_slice %arg4[%mul3A_41] : memref<65536xf32, #tpu.memory_space<hbm>> -> memref<2048xf32, #tpu.memory_space<hbm>>
      %dma_wait3A_45 = tpu.memref_slice %arg4[%mul3A_41] : memref<65536xf32, #tpu.memory_space<hbm>> -> memref<2048xf32, #tpu.memory_space<hbm>>
      tpu.wait_dma2 semaphore(%run_scoped3A : memref<!tpu.dma_semaphore, #tpu.memory_space<semaphore_mem>>) src(%arg9 : memref<2048xf32, #tpu.memory_space<vmem>>) dst(%dma_wait3A_45 : memref<2048xf32, #tpu.memory_space<hbm>>)
      tpu.yield
    }) : () -> ()
    %mul3A_42 = arith.constant 8 : i32
    %mul3A_43 = arith.muli %mul3A_2, %mul3A_42 : i32
    "tpu.region"() ({
      %run_scoped3A = tpu.sem_alloc : memref<!tpu.dma_semaphore, #tpu.memory_space<semaphore_mem>>
      %dma_start3A = tpu.memref_slice %arg5[%mul3A_43] : memref<65536xi32, #tpu.memory_space<hbm>> -> memref<2048xi32, #tpu.memory_space<hbm>>
      %dma_start3A_44 = tpu.memref_slice %arg5[%mul3A_43] : memref<65536xi32, #tpu.memory_space<hbm>> -> memref<2048xi32, #tpu.memory_space<hbm>>
      tpu.enqueue_dma source(%arg10 : memref<2048xi32, #tpu.memory_space<vmem>>) target(%dma_start3A_44 : memref<2048xi32, #tpu.memory_space<hbm>>) target_semaphore(%run_scoped3A : memref<!tpu.dma_semaphore, #tpu.memory_space<semaphore_mem>>)
      %dma_wait3A = tpu.memref_slice %arg5[%mul3A_43] : memref<65536xi32, #tpu.memory_space<hbm>> -> memref<2048xi32, #tpu.memory_space<hbm>>
      %dma_wait3A_45 = tpu.memref_slice %arg5[%mul3A_43] : memref<65536xi32, #tpu.memory_space<hbm>> -> memref<2048xi32, #tpu.memory_space<hbm>>
      tpu.wait_dma2 semaphore(%run_scoped3A : memref<!tpu.dma_semaphore, #tpu.memory_space<semaphore_mem>>) src(%arg10 : memref<2048xi32, #tpu.memory_space<vmem>>) dst(%dma_wait3A_45 : memref<2048xi32, #tpu.memory_space<hbm>>)
      tpu.yield
    }) : () -> ()
    "tpu.region"() ({
      %run_scoped3A = tpu.sem_alloc : memref<!tpu.dma_semaphore, #tpu.memory_space<semaphore_mem>>
      %dma_start3A = arith.constant 0 : i32
      %dma_start3A_44 = tpu.memref_slice %arg6[%add3A, %dma_start3A] : memref<32x64xf32, #tpu.memory_space<hbm>> -> memref<1x64xf32, #tpu.memory_space<hbm>>
      %dma_start3A_45 = tpu.memref_squeeze %dma_start3A_44 : memref<1x64xf32, #tpu.memory_space<hbm>> -> memref<64xf32, #tpu.memory_space<hbm>>
      %dma_start3A_46 = arith.constant 0 : i32
      %dma_start3A_47 = tpu.memref_slice %arg6[%add3A, %dma_start3A_46] : memref<32x64xf32, #tpu.memory_space<hbm>> -> memref<1x64xf32, #tpu.memory_space<hbm>>
      %dma_start3A_48 = tpu.memref_squeeze %dma_start3A_47 : memref<1x64xf32, #tpu.memory_space<hbm>> -> memref<64xf32, #tpu.memory_space<hbm>>
      tpu.enqueue_dma source(%arg11 : memref<64xf32, #tpu.memory_space<vmem>>) target(%dma_start3A_48 : memref<64xf32, #tpu.memory_space<hbm>>) target_semaphore(%run_scoped3A : memref<!tpu.dma_semaphore, #tpu.memory_space<semaphore_mem>>)
      %dma_wait3A = arith.constant 0 : i32
      %dma_wait3A_49 = tpu.memref_slice %arg6[%add3A, %dma_wait3A] : memref<32x64xf32, #tpu.memory_space<hbm>> -> memref<1x64xf32, #tpu.memory_space<hbm>>
      %dma_wait3A_50 = tpu.memref_squeeze %dma_wait3A_49 : memref<1x64xf32, #tpu.memory_space<hbm>> -> memref<64xf32, #tpu.memory_space<hbm>>
      %dma_wait3A_51 = arith.constant 0 : i32
      %dma_wait3A_52 = tpu.memref_slice %arg6[%add3A, %dma_wait3A_51] : memref<32x64xf32, #tpu.memory_space<hbm>> -> memref<1x64xf32, #tpu.memory_space<hbm>>
      %dma_wait3A_53 = tpu.memref_squeeze %dma_wait3A_52 : memref<1x64xf32, #tpu.memory_space<hbm>> -> memref<64xf32, #tpu.memory_space<hbm>>
      tpu.wait_dma2 semaphore(%run_scoped3A : memref<!tpu.dma_semaphore, #tpu.memory_space<semaphore_mem>>) src(%arg11 : memref<64xf32, #tpu.memory_space<vmem>>) dst(%dma_wait3A_53 : memref<64xf32, #tpu.memory_space<hbm>>)
      tpu.yield
    }) : () -> ()
    return
  }
}

#map = affine_map<(d0, d1) -> (0, 0)>
#map1 = affine_map<(d0, d1) -> (0)>
module attributes {stable_mosaic.version = 14 : i64} {
  func.func @_route_body(%arg0: i32, %arg1: i32, %arg2: memref<8192x64xf32, #tpu.memory_space<hbm>>, %arg3: memref<64xf32, #tpu.memory_space<hbm>>, %arg4: memref<65536xf32, #tpu.memory_space<hbm>>, %arg5: memref<65536xi32, #tpu.memory_space<hbm>>, %arg6: memref<32x64xf32, #tpu.memory_space<hbm>>, %arg7: memref<256x64xf32, #tpu.memory_space<vmem>>, %arg8: memref<64xf32, #tpu.memory_space<vmem>>, %arg9: memref<2048xf32, #tpu.memory_space<vmem>>, %arg10: memref<2048xi32, #tpu.memory_space<vmem>>, %arg11: memref<64xf32, #tpu.memory_space<vmem>>) attributes {dimension_semantics = [#tpu.dimension_semantics<core_parallel>, #tpu.dimension_semantics<subcore_parallel>], iteration_bounds = array<i64: 2, 16>, scalar_prefetch = 0 : i64, scratch_operands = 5 : i64, tpu.core_type = #tpu.core_type<sc_vector_subcore>, window_params = [{transform_indices = #map}, {transform_indices = #map1}, {transform_indices = #map1}, {transform_indices = #map1}, {transform_indices = #map}]} {
    %mul3A = arith.constant 2 : i32
    %mul3A_0 = arith.muli %arg1, %mul3A : i32
    %add3A = arith.addi %mul3A_0, %arg0 : i32
    %mul3A_1 = arith.constant 256 : i32
    %mul3A_2 = arith.muli %add3A, %mul3A_1 : i32
    "tpu.region"() ({
      %run_scoped3A = tpu.sem_alloc : memref<!tpu.dma_semaphore, #tpu.memory_space<semaphore_mem>>
      tpu.enqueue_dma source(%arg3 : memref<64xf32, #tpu.memory_space<hbm>>) target(%arg8 : memref<64xf32, #tpu.memory_space<vmem>>) target_semaphore(%run_scoped3A : memref<!tpu.dma_semaphore, #tpu.memory_space<semaphore_mem>>)
      tpu.wait_dma2 semaphore(%run_scoped3A : memref<!tpu.dma_semaphore, #tpu.memory_space<semaphore_mem>>) src(%arg3 : memref<64xf32, #tpu.memory_space<hbm>>) dst(%arg8 : memref<64xf32, #tpu.memory_space<vmem>>)
      tpu.yield
    }) : () -> ()
    "tpu.region"() ({
      %run_scoped3A = tpu.sem_alloc : memref<!tpu.dma_semaphore, #tpu.memory_space<semaphore_mem>>
      %dma_start3A = arith.constant 0 : i32
      %dma_start3A_44 = tpu.memref_slice %arg2[%mul3A_2, %dma_start3A] : memref<8192x64xf32, #tpu.memory_space<hbm>> -> memref<256x64xf32, #tpu.memory_space<hbm>>
      %dma_start3A_45 = arith.constant 0 : i32
      %dma_start3A_46 = tpu.memref_slice %arg2[%mul3A_2, %dma_start3A_45] : memref<8192x64xf32, #tpu.memory_space<hbm>> -> memref<256x64xf32, #tpu.memory_space<hbm>>
      tpu.enqueue_dma source(%dma_start3A_46 : memref<256x64xf32, #tpu.memory_space<hbm>>) target(%arg7 : memref<256x64xf32, #tpu.memory_space<vmem>>) target_semaphore(%run_scoped3A : memref<!tpu.dma_semaphore, #tpu.memory_space<semaphore_mem>>)
      %dma_wait3A = arith.constant 0 : i32
      %dma_wait3A_47 = tpu.memref_slice %arg2[%mul3A_2, %dma_wait3A] : memref<8192x64xf32, #tpu.memory_space<hbm>> -> memref<256x64xf32, #tpu.memory_space<hbm>>
      %dma_wait3A_48 = arith.constant 0 : i32
      %dma_wait3A_49 = tpu.memref_slice %arg2[%mul3A_2, %dma_wait3A_48] : memref<8192x64xf32, #tpu.memory_space<hbm>> -> memref<256x64xf32, #tpu.memory_space<hbm>>
      tpu.wait_dma2 semaphore(%run_scoped3A : memref<!tpu.dma_semaphore, #tpu.memory_space<semaphore_mem>>) src(%dma_wait3A_49 : memref<256x64xf32, #tpu.memory_space<hbm>>) dst(%arg7 : memref<256x64xf32, #tpu.memory_space<vmem>>)
      tpu.yield
    }) : () -> ()
    %iota3A = tpu.iota {dimensions = array<i32: 0>} : vector<16xi32>
    %lt3A = arith.constant 8 : i32
    %lt3A_3 = vector.broadcast %lt3A : i32 to vector<16xi32>
    %lt3A_4 = arith.cmpi slt, %iota3A, %lt3A_3 : vector<16xi32>
    %broadcast_in_dim3A = arith.constant 1.000000e+00 : f32
    %broadcast_in_dim3A_5 = vector.broadcast %broadcast_in_dim3A : f32 to vector<16xf32>
    %broadcast_in_dim3A_6 = arith.constant 0.000000e+00 : f32
    %broadcast_in_dim3A_7 = vector.broadcast %broadcast_in_dim3A_6 : f32 to vector<16xf32>
    %sub3A = arith.constant 8 : i32
    %sub3A_8 = vector.broadcast %sub3A : i32 to vector<16xi32>
    %sub3A_9 = arith.subi %iota3A, %sub3A_8 : vector<16xi32>
    %max3A = arith.constant 0 : i32
    %max3A_10 = vector.broadcast %max3A : i32 to vector<16xi32>
    %max3A_11 = arith.maxsi %sub3A_9, %max3A_10 : vector<16xi32>
    %swap3A = arith.constant 0 : index
    %swap3A_12 = tpu.vector_load %arg11[%swap3A] {strides = array<i32>} : memref<64xf32, #tpu.memory_space<vmem>>, vector<16xf32>,
    tpu.vector_store %arg11[%swap3A], %broadcast_in_dim3A_7 {strides = array<i32>} : memref<64xf32, #tpu.memory_space<vmem>>, vector<16xf32>,
    %swap3A_13 = arith.constant 16 : index
    %swap3A_14 = tpu.vector_load %arg11[%swap3A_13] {strides = array<i32>} : memref<64xf32, #tpu.memory_space<vmem>>, vector<16xf32>,
    tpu.vector_store %arg11[%swap3A_13], %broadcast_in_dim3A_7 {strides = array<i32>} : memref<64xf32, #tpu.memory_space<vmem>>, vector<16xf32>,
    %swap3A_15 = arith.constant 32 : index
    %swap3A_16 = tpu.vector_load %arg11[%swap3A_15] {strides = array<i32>} : memref<64xf32, #tpu.memory_space<vmem>>, vector<16xf32>,
    tpu.vector_store %arg11[%swap3A_15], %broadcast_in_dim3A_7 {strides = array<i32>} : memref<64xf32, #tpu.memory_space<vmem>>, vector<16xf32>,
    %swap3A_17 = arith.constant 48 : index
    %swap3A_18 = tpu.vector_load %arg11[%swap3A_17] {strides = array<i32>} : memref<64xf32, #tpu.memory_space<vmem>>, vector<16xf32>,
    tpu.vector_store %arg11[%swap3A_17], %broadcast_in_dim3A_7 {strides = array<i32>} : memref<64xf32, #tpu.memory_space<vmem>>, vector<16xf32>,
    %get3A = arith.constant 0 : index
    %get3A_19 = tpu.vector_load %arg8[%get3A] {strides = array<i32>} : memref<64xf32, #tpu.memory_space<vmem>>, vector<16xf32>,
    %get3A_20 = arith.constant 16 : index
    %get3A_21 = tpu.vector_load %arg8[%get3A_20] {strides = array<i32>} : memref<64xf32, #tpu.memory_space<vmem>>, vector<16xf32>,
    %get3A_22 = arith.constant 32 : index
    %get3A_23 = tpu.vector_load %arg8[%get3A_22] {strides = array<i32>} : memref<64xf32, #tpu.memory_space<vmem>>, vector<16xf32>,
    %get3A_24 = arith.constant 48 : index
    %get3A_25 = tpu.vector_load %arg8[%get3A_24] {strides = array<i32>} : memref<64xf32, #tpu.memory_space<vmem>>, vector<16xf32>,
    %add3A_26 = arith.constant 0 : i32
    %add3A_27 = vector.broadcast %add3A_26 : i32 to vector<16xi32>
    %add3A_28 = arith.addi %iota3A, %add3A_27 : vector<16xi32>
    %add3A_29 = arith.constant 16 : i32
    %add3A_30 = vector.broadcast %add3A_29 : i32 to vector<16xi32>
    %add3A_31 = arith.addi %iota3A, %add3A_30 : vector<16xi32>
    %add3A_32 = arith.constant 32 : i32
    %add3A_33 = vector.broadcast %add3A_32 : i32 to vector<16xi32>
    %add3A_34 = arith.addi %iota3A, %add3A_33 : vector<16xi32>
    %add3A_35 = arith.constant 48 : i32
    %add3A_36 = vector.broadcast %add3A_35 : i32 to vector<16xi32>
    %add3A_37 = arith.addi %iota3A, %add3A_36 : vector<16xi32>
    %parallel_loop3A = arith.constant 0 : i32
    %parallel_loop3A_38 = arith.constant 128 : i32
    %parallel_loop3A_39 = arith.constant 1 : i32
    scf.for %parallel_loop3A_44 = %parallel_loop3A to %parallel_loop3A_38 step %parallel_loop3A_39  : i32 {
      %parallel_loop3A_45 = arith.constant 2 : i32
      %parallel_loop3A_46 = arith.muli %parallel_loop3A_44, %parallel_loop3A_45 : i32
      %parallel_loop3A_47 = arith.index_cast %parallel_loop3A_46 : i32 to index
      %parallel_loop3A_48 = arith.constant 0 : index
      %parallel_loop3A_49 = tpu.vector_load %arg7[%parallel_loop3A_47, %parallel_loop3A_48] {strides = array<i32>} : memref<256x64xf32, #tpu.memory_space<vmem>>, vector<16xf32>,
      %parallel_loop3A_50 = arith.addf %parallel_loop3A_49, %get3A_19 : vector<16xf32>
      %parallel_loop3A_51 = arith.constant dense<true> : vector<16xi1>
      %parallel_loop3A_52, %parallel_loop3A_53, %parallel_loop3A_54 = tpu.sort %parallel_loop3A_50, %add3A_28 masked %parallel_loop3A_51 {descending = true} : (vector<16xf32>, vector<16xi32>, vector<16xi1>) -> (vector<16xi1>, vector<16xf32>, vector<16xi32>)
      %parallel_loop3A_55 = arith.index_cast %parallel_loop3A_46 : i32 to index
      %parallel_loop3A_56 = arith.constant 16 : index
      %parallel_loop3A_57 = tpu.vector_load %arg7[%parallel_loop3A_55, %parallel_loop3A_56] {strides = array<i32>} : memref<256x64xf32, #tpu.memory_space<vmem>>, vector<16xf32>,
      %parallel_loop3A_58 = arith.addf %parallel_loop3A_57, %get3A_21 : vector<16xf32>
      %parallel_loop3A_59 = arith.constant dense<true> : vector<16xi1>
      %parallel_loop3A_60, %parallel_loop3A_61, %parallel_loop3A_62 = tpu.sort %parallel_loop3A_58, %add3A_31 masked %parallel_loop3A_59 {descending = true} : (vector<16xf32>, vector<16xi32>, vector<16xi1>) -> (vector<16xi1>, vector<16xf32>, vector<16xi32>)
      %parallel_loop3A_63 = arith.index_cast %parallel_loop3A_46 : i32 to index
      %parallel_loop3A_64 = arith.constant 32 : index
      %parallel_loop3A_65 = tpu.vector_load %arg7[%parallel_loop3A_63, %parallel_loop3A_64] {strides = array<i32>} : memref<256x64xf32, #tpu.memory_space<vmem>>, vector<16xf32>,
      %parallel_loop3A_66 = arith.addf %parallel_loop3A_65, %get3A_23 : vector<16xf32>
      %parallel_loop3A_67 = arith.constant dense<true> : vector<16xi1>
      %parallel_loop3A_68, %parallel_loop3A_69, %parallel_loop3A_70 = tpu.sort %parallel_loop3A_66, %add3A_34 masked %parallel_loop3A_67 {descending = true} : (vector<16xf32>, vector<16xi32>, vector<16xi1>) -> (vector<16xi1>, vector<16xf32>, vector<16xi32>)
      %parallel_loop3A_71 = arith.index_cast %parallel_loop3A_46 : i32 to index
      %parallel_loop3A_72 = arith.constant 48 : index
      %parallel_loop3A_73 = tpu.vector_load %arg7[%parallel_loop3A_71, %parallel_loop3A_72] {strides = array<i32>} : memref<256x64xf32, #tpu.memory_space<vmem>>, vector<16xf32>,
      %parallel_loop3A_74 = arith.addf %parallel_loop3A_73, %get3A_25 : vector<16xf32>
      %parallel_loop3A_75 = arith.constant dense<true> : vector<16xi1>
      %parallel_loop3A_76, %parallel_loop3A_77, %parallel_loop3A_78 = tpu.sort %parallel_loop3A_74, %add3A_37 masked %parallel_loop3A_75 {descending = true} : (vector<16xf32>, vector<16xi32>, vector<16xi1>) -> (vector<16xi1>, vector<16xf32>, vector<16xi32>)
      %parallel_loop3A_79 = arith.constant 15 : i32
      %parallel_loop3A_80 = vector.broadcast %parallel_loop3A_79 : i32 to vector<16xi32>
      %parallel_loop3A_81 = tpu.iota {dimensions = array<i32: 0>} : vector<16xi32>
      %parallel_loop3A_82 = arith.subi %parallel_loop3A_80, %parallel_loop3A_81 : vector<16xi32>
      %parallel_loop3A_83 = tpu.dynamic_gather %parallel_loop3A_61[%parallel_loop3A_82] in [0] : vector<16xf32>, vector<16xi32> -> vector<16xf32>
      %parallel_loop3A_84 = arith.constant 15 : i32
      %parallel_loop3A_85 = vector.broadcast %parallel_loop3A_84 : i32 to vector<16xi32>
      %parallel_loop3A_86 = tpu.iota {dimensions = array<i32: 0>} : vector<16xi32>
      %parallel_loop3A_87 = arith.subi %parallel_loop3A_85, %parallel_loop3A_86 : vector<16xi32>
      %parallel_loop3A_88 = tpu.dynamic_gather %parallel_loop3A_62[%parallel_loop3A_87] in [0] : vector<16xi32>, vector<16xi32> -> vector<16xi32>
      %parallel_loop3A_89 = arith.cmpf ogt, %parallel_loop3A_53, %parallel_loop3A_83 : vector<16xf32>
      %parallel_loop3A_90 = arith.cmpf oeq, %parallel_loop3A_53, %parallel_loop3A_83 : vector<16xf32>
      %parallel_loop3A_91 = arith.cmpi slt, %parallel_loop3A_54, %parallel_loop3A_88 : vector<16xi32>
      %parallel_loop3A_92 = arith.andi %parallel_loop3A_90, %parallel_loop3A_91 : vector<16xi1>
      %parallel_loop3A_93 = arith.ori %parallel_loop3A_89, %parallel_loop3A_92 : vector<16xi1>
      %parallel_loop3A_94 = arith.select %parallel_loop3A_93, %parallel_loop3A_53, %parallel_loop3A_83 : vector<16xi1>, vector<16xf32>
      %parallel_loop3A_95 = arith.select %parallel_loop3A_93, %parallel_loop3A_54, %parallel_loop3A_88 : vector<16xi1>, vector<16xi32>
      %parallel_loop3A_96 = arith.constant dense<true> : vector<16xi1>
      %parallel_loop3A_97, %parallel_loop3A_98, %parallel_loop3A_99 = tpu.sort %parallel_loop3A_94, %parallel_loop3A_95 masked %parallel_loop3A_96 {descending = true} : (vector<16xf32>, vector<16xi32>, vector<16xi1>) -> (vector<16xi1>, vector<16xf32>, vector<16xi32>)
      %parallel_loop3A_100 = arith.constant 15 : i32
      %parallel_loop3A_101 = vector.broadcast %parallel_loop3A_100 : i32 to vector<16xi32>
      %parallel_loop3A_102 = tpu.iota {dimensions = array<i32: 0>} : vector<16xi32>
      %parallel_loop3A_103 = arith.subi %parallel_loop3A_101, %parallel_loop3A_102 : vector<16xi32>
      %parallel_loop3A_104 = tpu.dynamic_gather %parallel_loop3A_77[%parallel_loop3A_103] in [0] : vector<16xf32>, vector<16xi32> -> vector<16xf32>
      %parallel_loop3A_105 = arith.constant 15 : i32
      %parallel_loop3A_106 = vector.broadcast %parallel_loop3A_105 : i32 to vector<16xi32>
      %parallel_loop3A_107 = tpu.iota {dimensions = array<i32: 0>} : vector<16xi32>
      %parallel_loop3A_108 = arith.subi %parallel_loop3A_106, %parallel_loop3A_107 : vector<16xi32>
      %parallel_loop3A_109 = tpu.dynamic_gather %parallel_loop3A_78[%parallel_loop3A_108] in [0] : vector<16xi32>, vector<16xi32> -> vector<16xi32>
      %parallel_loop3A_110 = arith.cmpf ogt, %parallel_loop3A_69, %parallel_loop3A_104 : vector<16xf32>
      %parallel_loop3A_111 = arith.cmpf oeq, %parallel_loop3A_69, %parallel_loop3A_104 : vector<16xf32>
      %parallel_loop3A_112 = arith.cmpi slt, %parallel_loop3A_70, %parallel_loop3A_109 : vector<16xi32>
      %parallel_loop3A_113 = arith.andi %parallel_loop3A_111, %parallel_loop3A_112 : vector<16xi1>
      %parallel_loop3A_114 = arith.ori %parallel_loop3A_110, %parallel_loop3A_113 : vector<16xi1>
      %parallel_loop3A_115 = arith.select %parallel_loop3A_114, %parallel_loop3A_69, %parallel_loop3A_104 : vector<16xi1>, vector<16xf32>
      %parallel_loop3A_116 = arith.select %parallel_loop3A_114, %parallel_loop3A_70, %parallel_loop3A_109 : vector<16xi1>, vector<16xi32>
      %parallel_loop3A_117 = arith.constant dense<true> : vector<16xi1>
      %parallel_loop3A_118, %parallel_loop3A_119, %parallel_loop3A_120 = tpu.sort %parallel_loop3A_115, %parallel_loop3A_116 masked %parallel_loop3A_117 {descending = true} : (vector<16xf32>, vector<16xi32>, vector<16xi1>) -> (vector<16xi1>, vector<16xf32>, vector<16xi32>)
      %parallel_loop3A_121 = arith.constant 15 : i32
      %parallel_loop3A_122 = vector.broadcast %parallel_loop3A_121 : i32 to vector<16xi32>
      %parallel_loop3A_123 = tpu.iota {dimensions = array<i32: 0>} : vector<16xi32>
      %parallel_loop3A_124 = arith.subi %parallel_loop3A_122, %parallel_loop3A_123 : vector<16xi32>
      %parallel_loop3A_125 = tpu.dynamic_gather %parallel_loop3A_119[%parallel_loop3A_124] in [0] : vector<16xf32>, vector<16xi32> -> vector<16xf32>
      %parallel_loop3A_126 = arith.constant 15 : i32
      %parallel_loop3A_127 = vector.broadcast %parallel_loop3A_126 : i32 to vector<16xi32>
      %parallel_loop3A_128 = tpu.iota {dimensions = array<i32: 0>} : vector<16xi32>
      %parallel_loop3A_129 = arith.subi %parallel_loop3A_127, %parallel_loop3A_128 : vector<16xi32>
      %parallel_loop3A_130 = tpu.dynamic_gather %parallel_loop3A_120[%parallel_loop3A_129] in [0] : vector<16xi32>, vector<16xi32> -> vector<16xi32>
      %parallel_loop3A_131 = arith.cmpf ogt, %parallel_loop3A_98, %parallel_loop3A_125 : vector<16xf32>
      %parallel_loop3A_132 = arith.cmpf oeq, %parallel_loop3A_98, %parallel_loop3A_125 : vector<16xf32>
      %parallel_loop3A_133 = arith.cmpi slt, %parallel_loop3A_99, %parallel_loop3A_130 : vector<16xi32>
      %parallel_loop3A_134 = arith.andi %parallel_loop3A_132, %parallel_loop3A_133 : vector<16xi1>
      %parallel_loop3A_135 = arith.ori %parallel_loop3A_131, %parallel_loop3A_134 : vector<16xi1>
      %parallel_loop3A_136 = arith.select %parallel_loop3A_135, %parallel_loop3A_98, %parallel_loop3A_125 : vector<16xi1>, vector<16xf32>
      %parallel_loop3A_137 = arith.select %parallel_loop3A_135, %parallel_loop3A_99, %parallel_loop3A_130 : vector<16xi1>, vector<16xi32>
      %parallel_loop3A_138 = arith.constant dense<true> : vector<16xi1>
      %parallel_loop3A_139, %parallel_loop3A_140, %parallel_loop3A_141 = tpu.sort %parallel_loop3A_136, %parallel_loop3A_137 masked %parallel_loop3A_138 {descending = true} : (vector<16xf32>, vector<16xi32>, vector<16xi1>) -> (vector<16xi1>, vector<16xf32>, vector<16xi32>)
      %parallel_loop3A_142 = vector.broadcast %parallel_loop3A_46 : i32 to vector<16xi32>
      %parallel_loop3A_143 = tpu.vector_load_idx %arg7[%parallel_loop3A_142, %parallel_loop3A_141] : memref<256x64xf32, #tpu.memory_space<vmem>>[vector<16xi32>, vector<16xi32>], vector<16xf32>,
      %parallel_loop3A_144 = arith.constant 0.000000e+00 : f32
      %parallel_loop3A_145 = vector.broadcast %parallel_loop3A_144 : f32 to vector<16xf32>
      %parallel_loop3A_146 = arith.select %lt3A_4, %parallel_loop3A_143, %parallel_loop3A_145 : vector<16xi1>, vector<16xf32>
      %parallel_loop3A_147 = arith.constant true
      %parallel_loop3A_148 = vector.broadcast %parallel_loop3A_147 : i1 to vector<16xi1>
      %parallel_loop3A_149 = tpu.scan <sum>, %parallel_loop3A_146 masked %parallel_loop3A_148 : vector<16xf32>, vector<16xi1> -> vector<16xf32>
      %parallel_loop3A_150 = vector.extract %parallel_loop3A_149[15] : f32 from vector<16xf32>
      %parallel_loop3A_151 = arith.constant 9.99999968E-21 : f32
      %parallel_loop3A_152 = arith.addf %parallel_loop3A_150, %parallel_loop3A_151 : f32
      %parallel_loop3A_153 = vector.broadcast %parallel_loop3A_152 : f32 to vector<16xf32>
      %parallel_loop3A_154 = arith.divf %parallel_loop3A_146, %parallel_loop3A_153 : vector<16xf32>
      tpu.vector_store_idx %arg11[%parallel_loop3A_141], %broadcast_in_dim3A_5 masked %lt3A_4 {add = true} : memref<64xf32, #tpu.memory_space<vmem>>[vector<16xi32>], vector<16xf32>, vector<16xi1>
      %parallel_loop3A_155 = arith.constant 1 : i32
      %parallel_loop3A_156 = arith.addi %parallel_loop3A_46, %parallel_loop3A_155 : i32
      %parallel_loop3A_157 = arith.index_cast %parallel_loop3A_156 : i32 to index
      %parallel_loop3A_158 = arith.constant 0 : index
      %parallel_loop3A_159 = tpu.vector_load %arg7[%parallel_loop3A_157, %parallel_loop3A_158] {strides = array<i32>} : memref<256x64xf32, #tpu.memory_space<vmem>>, vector<16xf32>,
      %parallel_loop3A_160 = arith.addf %parallel_loop3A_159, %get3A_19 : vector<16xf32>
      %parallel_loop3A_161 = arith.constant dense<true> : vector<16xi1>
      %parallel_loop3A_162, %parallel_loop3A_163, %parallel_loop3A_164 = tpu.sort %parallel_loop3A_160, %add3A_28 masked %parallel_loop3A_161 {descending = true} : (vector<16xf32>, vector<16xi32>, vector<16xi1>) -> (vector<16xi1>, vector<16xf32>, vector<16xi32>)
      %parallel_loop3A_165 = arith.index_cast %parallel_loop3A_156 : i32 to index
      %parallel_loop3A_166 = arith.constant 16 : index
      %parallel_loop3A_167 = tpu.vector_load %arg7[%parallel_loop3A_165, %parallel_loop3A_166] {strides = array<i32>} : memref<256x64xf32, #tpu.memory_space<vmem>>, vector<16xf32>,
      %parallel_loop3A_168 = arith.addf %parallel_loop3A_167, %get3A_21 : vector<16xf32>
      %parallel_loop3A_169 = arith.constant dense<true> : vector<16xi1>
      %parallel_loop3A_170, %parallel_loop3A_171, %parallel_loop3A_172 = tpu.sort %parallel_loop3A_168, %add3A_31 masked %parallel_loop3A_169 {descending = true} : (vector<16xf32>, vector<16xi32>, vector<16xi1>) -> (vector<16xi1>, vector<16xf32>, vector<16xi32>)
      %parallel_loop3A_173 = arith.index_cast %parallel_loop3A_156 : i32 to index
      %parallel_loop3A_174 = arith.constant 32 : index
      %parallel_loop3A_175 = tpu.vector_load %arg7[%parallel_loop3A_173, %parallel_loop3A_174] {strides = array<i32>} : memref<256x64xf32, #tpu.memory_space<vmem>>, vector<16xf32>,
      %parallel_loop3A_176 = arith.addf %parallel_loop3A_175, %get3A_23 : vector<16xf32>
      %parallel_loop3A_177 = arith.constant dense<true> : vector<16xi1>
      %parallel_loop3A_178, %parallel_loop3A_179, %parallel_loop3A_180 = tpu.sort %parallel_loop3A_176, %add3A_34 masked %parallel_loop3A_177 {descending = true} : (vector<16xf32>, vector<16xi32>, vector<16xi1>) -> (vector<16xi1>, vector<16xf32>, vector<16xi32>)
      %parallel_loop3A_181 = arith.index_cast %parallel_loop3A_156 : i32 to index
      %parallel_loop3A_182 = arith.constant 48 : index
      %parallel_loop3A_183 = tpu.vector_load %arg7[%parallel_loop3A_181, %parallel_loop3A_182] {strides = array<i32>} : memref<256x64xf32, #tpu.memory_space<vmem>>, vector<16xf32>,
      %parallel_loop3A_184 = arith.addf %parallel_loop3A_183, %get3A_25 : vector<16xf32>
      %parallel_loop3A_185 = arith.constant dense<true> : vector<16xi1>
      %parallel_loop3A_186, %parallel_loop3A_187, %parallel_loop3A_188 = tpu.sort %parallel_loop3A_184, %add3A_37 masked %parallel_loop3A_185 {descending = true} : (vector<16xf32>, vector<16xi32>, vector<16xi1>) -> (vector<16xi1>, vector<16xf32>, vector<16xi32>)
      %parallel_loop3A_189 = arith.constant 15 : i32
      %parallel_loop3A_190 = vector.broadcast %parallel_loop3A_189 : i32 to vector<16xi32>
      %parallel_loop3A_191 = tpu.iota {dimensions = array<i32: 0>} : vector<16xi32>
      %parallel_loop3A_192 = arith.subi %parallel_loop3A_190, %parallel_loop3A_191 : vector<16xi32>
      %parallel_loop3A_193 = tpu.dynamic_gather %parallel_loop3A_171[%parallel_loop3A_192] in [0] : vector<16xf32>, vector<16xi32> -> vector<16xf32>
      %parallel_loop3A_194 = arith.constant 15 : i32
      %parallel_loop3A_195 = vector.broadcast %parallel_loop3A_194 : i32 to vector<16xi32>
      %parallel_loop3A_196 = tpu.iota {dimensions = array<i32: 0>} : vector<16xi32>
      %parallel_loop3A_197 = arith.subi %parallel_loop3A_195, %parallel_loop3A_196 : vector<16xi32>
      %parallel_loop3A_198 = tpu.dynamic_gather %parallel_loop3A_172[%parallel_loop3A_197] in [0] : vector<16xi32>, vector<16xi32> -> vector<16xi32>
      %parallel_loop3A_199 = arith.cmpf ogt, %parallel_loop3A_163, %parallel_loop3A_193 : vector<16xf32>
      %parallel_loop3A_200 = arith.cmpf oeq, %parallel_loop3A_163, %parallel_loop3A_193 : vector<16xf32>
      %parallel_loop3A_201 = arith.cmpi slt, %parallel_loop3A_164, %parallel_loop3A_198 : vector<16xi32>
      %parallel_loop3A_202 = arith.andi %parallel_loop3A_200, %parallel_loop3A_201 : vector<16xi1>
      %parallel_loop3A_203 = arith.ori %parallel_loop3A_199, %parallel_loop3A_202 : vector<16xi1>
      %parallel_loop3A_204 = arith.select %parallel_loop3A_203, %parallel_loop3A_163, %parallel_loop3A_193 : vector<16xi1>, vector<16xf32>
      %parallel_loop3A_205 = arith.select %parallel_loop3A_203, %parallel_loop3A_164, %parallel_loop3A_198 : vector<16xi1>, vector<16xi32>
      %parallel_loop3A_206 = arith.constant dense<true> : vector<16xi1>
      %parallel_loop3A_207, %parallel_loop3A_208, %parallel_loop3A_209 = tpu.sort %parallel_loop3A_204, %parallel_loop3A_205 masked %parallel_loop3A_206 {descending = true} : (vector<16xf32>, vector<16xi32>, vector<16xi1>) -> (vector<16xi1>, vector<16xf32>, vector<16xi32>)
      %parallel_loop3A_210 = arith.constant 15 : i32
      %parallel_loop3A_211 = vector.broadcast %parallel_loop3A_210 : i32 to vector<16xi32>
      %parallel_loop3A_212 = tpu.iota {dimensions = array<i32: 0>} : vector<16xi32>
      %parallel_loop3A_213 = arith.subi %parallel_loop3A_211, %parallel_loop3A_212 : vector<16xi32>
      %parallel_loop3A_214 = tpu.dynamic_gather %parallel_loop3A_187[%parallel_loop3A_213] in [0] : vector<16xf32>, vector<16xi32> -> vector<16xf32>
      %parallel_loop3A_215 = arith.constant 15 : i32
      %parallel_loop3A_216 = vector.broadcast %parallel_loop3A_215 : i32 to vector<16xi32>
      %parallel_loop3A_217 = tpu.iota {dimensions = array<i32: 0>} : vector<16xi32>
      %parallel_loop3A_218 = arith.subi %parallel_loop3A_216, %parallel_loop3A_217 : vector<16xi32>
      %parallel_loop3A_219 = tpu.dynamic_gather %parallel_loop3A_188[%parallel_loop3A_218] in [0] : vector<16xi32>, vector<16xi32> -> vector<16xi32>
      %parallel_loop3A_220 = arith.cmpf ogt, %parallel_loop3A_179, %parallel_loop3A_214 : vector<16xf32>
      %parallel_loop3A_221 = arith.cmpf oeq, %parallel_loop3A_179, %parallel_loop3A_214 : vector<16xf32>
      %parallel_loop3A_222 = arith.cmpi slt, %parallel_loop3A_180, %parallel_loop3A_219 : vector<16xi32>
      %parallel_loop3A_223 = arith.andi %parallel_loop3A_221, %parallel_loop3A_222 : vector<16xi1>
      %parallel_loop3A_224 = arith.ori %parallel_loop3A_220, %parallel_loop3A_223 : vector<16xi1>
      %parallel_loop3A_225 = arith.select %parallel_loop3A_224, %parallel_loop3A_179, %parallel_loop3A_214 : vector<16xi1>, vector<16xf32>
      %parallel_loop3A_226 = arith.select %parallel_loop3A_224, %parallel_loop3A_180, %parallel_loop3A_219 : vector<16xi1>, vector<16xi32>
      %parallel_loop3A_227 = arith.constant dense<true> : vector<16xi1>
      %parallel_loop3A_228, %parallel_loop3A_229, %parallel_loop3A_230 = tpu.sort %parallel_loop3A_225, %parallel_loop3A_226 masked %parallel_loop3A_227 {descending = true} : (vector<16xf32>, vector<16xi32>, vector<16xi1>) -> (vector<16xi1>, vector<16xf32>, vector<16xi32>)
      %parallel_loop3A_231 = arith.constant 15 : i32
      %parallel_loop3A_232 = vector.broadcast %parallel_loop3A_231 : i32 to vector<16xi32>
      %parallel_loop3A_233 = tpu.iota {dimensions = array<i32: 0>} : vector<16xi32>
      %parallel_loop3A_234 = arith.subi %parallel_loop3A_232, %parallel_loop3A_233 : vector<16xi32>
      %parallel_loop3A_235 = tpu.dynamic_gather %parallel_loop3A_229[%parallel_loop3A_234] in [0] : vector<16xf32>, vector<16xi32> -> vector<16xf32>
      %parallel_loop3A_236 = arith.constant 15 : i32
      %parallel_loop3A_237 = vector.broadcast %parallel_loop3A_236 : i32 to vector<16xi32>
      %parallel_loop3A_238 = tpu.iota {dimensions = array<i32: 0>} : vector<16xi32>
      %parallel_loop3A_239 = arith.subi %parallel_loop3A_237, %parallel_loop3A_238 : vector<16xi32>
      %parallel_loop3A_240 = tpu.dynamic_gather %parallel_loop3A_230[%parallel_loop3A_239] in [0] : vector<16xi32>, vector<16xi32> -> vector<16xi32>
      %parallel_loop3A_241 = arith.cmpf ogt, %parallel_loop3A_208, %parallel_loop3A_235 : vector<16xf32>
      %parallel_loop3A_242 = arith.cmpf oeq, %parallel_loop3A_208, %parallel_loop3A_235 : vector<16xf32>
      %parallel_loop3A_243 = arith.cmpi slt, %parallel_loop3A_209, %parallel_loop3A_240 : vector<16xi32>
      %parallel_loop3A_244 = arith.andi %parallel_loop3A_242, %parallel_loop3A_243 : vector<16xi1>
      %parallel_loop3A_245 = arith.ori %parallel_loop3A_241, %parallel_loop3A_244 : vector<16xi1>
      %parallel_loop3A_246 = arith.select %parallel_loop3A_245, %parallel_loop3A_208, %parallel_loop3A_235 : vector<16xi1>, vector<16xf32>
      %parallel_loop3A_247 = arith.select %parallel_loop3A_245, %parallel_loop3A_209, %parallel_loop3A_240 : vector<16xi1>, vector<16xi32>
      %parallel_loop3A_248 = arith.constant dense<true> : vector<16xi1>
      %parallel_loop3A_249, %parallel_loop3A_250, %parallel_loop3A_251 = tpu.sort %parallel_loop3A_246, %parallel_loop3A_247 masked %parallel_loop3A_248 {descending = true} : (vector<16xf32>, vector<16xi32>, vector<16xi1>) -> (vector<16xi1>, vector<16xf32>, vector<16xi32>)
      %parallel_loop3A_252 = vector.broadcast %parallel_loop3A_156 : i32 to vector<16xi32>
      %parallel_loop3A_253 = tpu.vector_load_idx %arg7[%parallel_loop3A_252, %parallel_loop3A_251] : memref<256x64xf32, #tpu.memory_space<vmem>>[vector<16xi32>, vector<16xi32>], vector<16xf32>,
      %parallel_loop3A_254 = arith.constant 0.000000e+00 : f32
      %parallel_loop3A_255 = vector.broadcast %parallel_loop3A_254 : f32 to vector<16xf32>
      %parallel_loop3A_256 = arith.select %lt3A_4, %parallel_loop3A_253, %parallel_loop3A_255 : vector<16xi1>, vector<16xf32>
      %parallel_loop3A_257 = arith.constant true
      %parallel_loop3A_258 = vector.broadcast %parallel_loop3A_257 : i1 to vector<16xi1>
      %parallel_loop3A_259 = tpu.scan <sum>, %parallel_loop3A_256 masked %parallel_loop3A_258 : vector<16xf32>, vector<16xi1> -> vector<16xf32>
      %parallel_loop3A_260 = vector.extract %parallel_loop3A_259[15] : f32 from vector<16xf32>
      %parallel_loop3A_261 = arith.constant 9.99999968E-21 : f32
      %parallel_loop3A_262 = arith.addf %parallel_loop3A_260, %parallel_loop3A_261 : f32
      %parallel_loop3A_263 = vector.broadcast %parallel_loop3A_262 : f32 to vector<16xf32>
      %parallel_loop3A_264 = arith.divf %parallel_loop3A_256, %parallel_loop3A_263 : vector<16xf32>
      tpu.vector_store_idx %arg11[%parallel_loop3A_251], %broadcast_in_dim3A_5 masked %lt3A_4 {add = true} : memref<64xf32, #tpu.memory_space<vmem>>[vector<16xi32>], vector<16xf32>, vector<16xi1>
      %parallel_loop3A_265 = vector.shape_cast %max3A_11 : vector<16xi32> to vector<16x1xi32>
      %parallel_loop3A_266 = vector.shape_cast %parallel_loop3A_265 : vector<16x1xi32> to vector<16xi32>
      %parallel_loop3A_267 = tpu.dynamic_gather %parallel_loop3A_264[%parallel_loop3A_266] in [0] : vector<16xf32>, vector<16xi32> -> vector<16xf32>
      %parallel_loop3A_268 = arith.select %lt3A_4, %parallel_loop3A_154, %parallel_loop3A_267 : vector<16xi1>, vector<16xf32>
      %parallel_loop3A_269 = vector.shape_cast %max3A_11 : vector<16xi32> to vector<16x1xi32>
      %parallel_loop3A_270 = vector.shape_cast %parallel_loop3A_269 : vector<16x1xi32> to vector<16xi32>
      %parallel_loop3A_271 = tpu.dynamic_gather %parallel_loop3A_251[%parallel_loop3A_270] in [0] : vector<16xi32>, vector<16xi32> -> vector<16xi32>
      %parallel_loop3A_272 = arith.select %lt3A_4, %parallel_loop3A_141, %parallel_loop3A_271 : vector<16xi1>, vector<16xi32>
      %parallel_loop3A_273 = arith.constant 16 : i32
      %parallel_loop3A_274 = arith.muli %parallel_loop3A_44, %parallel_loop3A_273 : i32
      %parallel_loop3A_275 = arith.index_cast %parallel_loop3A_274 : i32 to index
      %parallel_loop3A_276 = tpu.vector_load %arg9[%parallel_loop3A_275] {strides = array<i32>} : memref<2048xf32, #tpu.memory_space<vmem>>, vector<16xf32>,
      tpu.vector_store %arg9[%parallel_loop3A_275], %parallel_loop3A_268 {strides = array<i32>} : memref<2048xf32, #tpu.memory_space<vmem>>, vector<16xf32>,
      %parallel_loop3A_277 = arith.constant 16 : i32
      %parallel_loop3A_278 = arith.muli %parallel_loop3A_44, %parallel_loop3A_277 : i32
      %parallel_loop3A_279 = arith.index_cast %parallel_loop3A_278 : i32 to index
      %parallel_loop3A_280 = tpu.vector_load %arg10[%parallel_loop3A_279] {strides = array<i32>} : memref<2048xi32, #tpu.memory_space<vmem>>, vector<16xi32>,
      tpu.vector_store %arg10[%parallel_loop3A_279], %parallel_loop3A_272 {strides = array<i32>} : memref<2048xi32, #tpu.memory_space<vmem>>, vector<16xi32>,
    } {sc.loop_unroll_factor = 2 : i64, sc.parallel_access}
    %mul3A_40 = arith.constant 8 : i32
    %mul3A_41 = arith.muli %mul3A_2, %mul3A_40 : i32
    "tpu.region"() ({
      %run_scoped3A = tpu.sem_alloc : memref<!tpu.dma_semaphore, #tpu.memory_space<semaphore_mem>>
      %dma_start3A = tpu.memref_slice %arg4[%mul3A_41] : memref<65536xf32, #tpu.memory_space<hbm>> -> memref<2048xf32, #tpu.memory_space<hbm>>
      %dma_start3A_44 = tpu.memref_slice %arg4[%mul3A_41] : memref<65536xf32, #tpu.memory_space<hbm>> -> memref<2048xf32, #tpu.memory_space<hbm>>
      tpu.enqueue_dma source(%arg9 : memref<2048xf32, #tpu.memory_space<vmem>>) target(%dma_start3A_44 : memref<2048xf32, #tpu.memory_space<hbm>>) target_semaphore(%run_scoped3A : memref<!tpu.dma_semaphore, #tpu.memory_space<semaphore_mem>>)
      %dma_wait3A = tpu.memref_slice %arg4[%mul3A_41] : memref<65536xf32, #tpu.memory_space<hbm>> -> memref<2048xf32, #tpu.memory_space<hbm>>
      %dma_wait3A_45 = tpu.memref_slice %arg4[%mul3A_41] : memref<65536xf32, #tpu.memory_space<hbm>> -> memref<2048xf32, #tpu.memory_space<hbm>>
      tpu.wait_dma2 semaphore(%run_scoped3A : memref<!tpu.dma_semaphore, #tpu.memory_space<semaphore_mem>>) src(%arg9 : memref<2048xf32, #tpu.memory_space<vmem>>) dst(%dma_wait3A_45 : memref<2048xf32, #tpu.memory_space<hbm>>)
      tpu.yield
    }) : () -> ()
    %mul3A_42 = arith.constant 8 : i32
    %mul3A_43 = arith.muli %mul3A_2, %mul3A_42 : i32
    "tpu.region"() ({
      %run_scoped3A = tpu.sem_alloc : memref<!tpu.dma_semaphore, #tpu.memory_space<semaphore_mem>>
      %dma_start3A = tpu.memref_slice %arg5[%mul3A_43] : memref<65536xi32, #tpu.memory_space<hbm>> -> memref<2048xi32, #tpu.memory_space<hbm>>
      %dma_start3A_44 = tpu.memref_slice %arg5[%mul3A_43] : memref<65536xi32, #tpu.memory_space<hbm>> -> memref<2048xi32, #tpu.memory_space<hbm>>
      tpu.enqueue_dma source(%arg10 : memref<2048xi32, #tpu.memory_space<vmem>>) target(%dma_start3A_44 : memref<2048xi32, #tpu.memory_space<hbm>>) target_semaphore(%run_scoped3A : memref<!tpu.dma_semaphore, #tpu.memory_space<semaphore_mem>>)
      %dma_wait3A = tpu.memref_slice %arg5[%mul3A_43] : memref<65536xi32, #tpu.memory_space<hbm>> -> memref<2048xi32, #tpu.memory_space<hbm>>
      %dma_wait3A_45 = tpu.memref_slice %arg5[%mul3A_43] : memref<65536xi32, #tpu.memory_space<hbm>> -> memref<2048xi32, #tpu.memory_space<hbm>>
      tpu.wait_dma2 semaphore(%run_scoped3A : memref<!tpu.dma_semaphore, #tpu.memory_space<semaphore_mem>>) src(%arg10 : memref<2048xi32, #tpu.memory_space<vmem>>) dst(%dma_wait3A_45 : memref<2048xi32, #tpu.memory_space<hbm>>)
      tpu.yield
    }) : () -> ()
    "tpu.region"() ({
      %run_scoped3A = tpu.sem_alloc : memref<!tpu.dma_semaphore, #tpu.memory_space<semaphore_mem>>
      %dma_start3A = arith.constant 0 : i32
      %dma_start3A_44 = tpu.memref_slice %arg6[%add3A, %dma_start3A] : memref<32x64xf32, #tpu.memory_space<hbm>> -> memref<1x64xf32, #tpu.memory_space<hbm>>
      %dma_start3A_45 = tpu.memref_squeeze %dma_start3A_44 : memref<1x64xf32, #tpu.memory_space<hbm>> -> memref<64xf32, #tpu.memory_space<hbm>>
      %dma_start3A_46 = arith.constant 0 : i32
      %dma_start3A_47 = tpu.memref_slice %arg6[%add3A, %dma_start3A_46] : memref<32x64xf32, #tpu.memory_space<hbm>> -> memref<1x64xf32, #tpu.memory_space<hbm>>
      %dma_start3A_48 = tpu.memref_squeeze %dma_start3A_47 : memref<1x64xf32, #tpu.memory_space<hbm>> -> memref<64xf32, #tpu.memory_space<hbm>>
      tpu.enqueue_dma source(%arg11 : memref<64xf32, #tpu.memory_space<vmem>>) target(%dma_start3A_48 : memref<64xf32, #tpu.memory_space<hbm>>) target_semaphore(%run_scoped3A : memref<!tpu.dma_semaphore, #tpu.memory_space<semaphore_mem>>)
      %dma_wait3A = arith.constant 0 : i32
      %dma_wait3A_49 = tpu.memref_slice %arg6[%add3A, %dma_wait3A] : memref<32x64xf32, #tpu.memory_space<hbm>> -> memref<1x64xf32, #tpu.memory_space<hbm>>
      %dma_wait3A_50 = tpu.memref_squeeze %dma_wait3A_49 : memref<1x64xf32, #tpu.memory_space<hbm>> -> memref<64xf32, #tpu.memory_space<hbm>>
      %dma_wait3A_51 = arith.constant 0 : i32
      %dma_wait3A_52 = tpu.memref_slice %arg6[%add3A, %dma_wait3A_51] : memref<32x64xf32, #tpu.memory_space<hbm>> -> memref<1x64xf32, #tpu.memory_space<hbm>>
      %dma_wait3A_53 = tpu.memref_squeeze %dma_wait3A_52 : memref<1x64xf32, #tpu.memory_space<hbm>> -> memref<64xf32, #tpu.memory_space<hbm>>
      tpu.wait_dma2 semaphore(%run_scoped3A : memref<!tpu.dma_semaphore, #tpu.memory_space<semaphore_mem>>) src(%arg11 : memref<64xf32, #tpu.memory_space<vmem>>) dst(%dma_wait3A_53 : memref<64xf32, #tpu.memory_space<hbm>>)
      tpu.yield
    }) : () -> ()
    return
  }
}

#map = affine_map<(d0, d1) -> (0, 0)>
#map1 = affine_map<(d0, d1) -> (0)>
module attributes {stable_mosaic.version = 14 : i64} {
  func.func @_route_body(%arg0: i32, %arg1: i32, %arg2: memref<8192x64xf32, #tpu.memory_space<hbm>>, %arg3: memref<64xf32, #tpu.memory_space<hbm>>, %arg4: memref<65536xf32, #tpu.memory_space<hbm>>, %arg5: memref<65536xi32, #tpu.memory_space<hbm>>, %arg6: memref<32x64xf32, #tpu.memory_space<hbm>>, %arg7: memref<256x64xf32, #tpu.memory_space<vmem>>, %arg8: memref<64xf32, #tpu.memory_space<vmem>>, %arg9: memref<2048xf32, #tpu.memory_space<vmem>>, %arg10: memref<2048xi32, #tpu.memory_space<vmem>>, %arg11: memref<64xf32, #tpu.memory_space<vmem>>) attributes {dimension_semantics = [#tpu.dimension_semantics<core_parallel>, #tpu.dimension_semantics<subcore_parallel>], iteration_bounds = array<i64: 2, 16>, scalar_prefetch = 0 : i64, scratch_operands = 5 : i64, tpu.core_type = #tpu.core_type<sc_vector_subcore>, window_params = [{transform_indices = #map}, {transform_indices = #map1}, {transform_indices = #map1}, {transform_indices = #map1}, {transform_indices = #map}]} {
    %mul3A = arith.constant 2 : i32
    %mul3A_0 = arith.muli %arg1, %mul3A : i32
    %add3A = arith.addi %mul3A_0, %arg0 : i32
    %mul3A_1 = arith.constant 256 : i32
    %mul3A_2 = arith.muli %add3A, %mul3A_1 : i32
    "tpu.region"() ({
      %run_scoped3A = tpu.sem_alloc : memref<!tpu.dma_semaphore, #tpu.memory_space<semaphore_mem>>
      tpu.enqueue_dma source(%arg3 : memref<64xf32, #tpu.memory_space<hbm>>) target(%arg8 : memref<64xf32, #tpu.memory_space<vmem>>) target_semaphore(%run_scoped3A : memref<!tpu.dma_semaphore, #tpu.memory_space<semaphore_mem>>)
      tpu.wait_dma2 semaphore(%run_scoped3A : memref<!tpu.dma_semaphore, #tpu.memory_space<semaphore_mem>>) src(%arg3 : memref<64xf32, #tpu.memory_space<hbm>>) dst(%arg8 : memref<64xf32, #tpu.memory_space<vmem>>)
      tpu.yield
    }) : () -> ()
    "tpu.region"() ({
      %run_scoped3A = tpu.sem_alloc : memref<!tpu.dma_semaphore, #tpu.memory_space<semaphore_mem>>
      %dma_start3A = arith.constant 0 : i32
      %dma_start3A_44 = tpu.memref_slice %arg2[%mul3A_2, %dma_start3A] : memref<8192x64xf32, #tpu.memory_space<hbm>> -> memref<256x64xf32, #tpu.memory_space<hbm>>
      %dma_start3A_45 = arith.constant 0 : i32
      %dma_start3A_46 = tpu.memref_slice %arg2[%mul3A_2, %dma_start3A_45] : memref<8192x64xf32, #tpu.memory_space<hbm>> -> memref<256x64xf32, #tpu.memory_space<hbm>>
      tpu.enqueue_dma source(%dma_start3A_46 : memref<256x64xf32, #tpu.memory_space<hbm>>) target(%arg7 : memref<256x64xf32, #tpu.memory_space<vmem>>) target_semaphore(%run_scoped3A : memref<!tpu.dma_semaphore, #tpu.memory_space<semaphore_mem>>)
      %dma_wait3A = arith.constant 0 : i32
      %dma_wait3A_47 = tpu.memref_slice %arg2[%mul3A_2, %dma_wait3A] : memref<8192x64xf32, #tpu.memory_space<hbm>> -> memref<256x64xf32, #tpu.memory_space<hbm>>
      %dma_wait3A_48 = arith.constant 0 : i32
      %dma_wait3A_49 = tpu.memref_slice %arg2[%mul3A_2, %dma_wait3A_48] : memref<8192x64xf32, #tpu.memory_space<hbm>> -> memref<256x64xf32, #tpu.memory_space<hbm>>
      tpu.wait_dma2 semaphore(%run_scoped3A : memref<!tpu.dma_semaphore, #tpu.memory_space<semaphore_mem>>) src(%dma_wait3A_49 : memref<256x64xf32, #tpu.memory_space<hbm>>) dst(%arg7 : memref<256x64xf32, #tpu.memory_space<vmem>>)
      tpu.yield
    }) : () -> ()
    %iota3A = tpu.iota {dimensions = array<i32: 0>} : vector<16xi32>
    %lt3A = arith.constant 8 : i32
    %lt3A_3 = vector.broadcast %lt3A : i32 to vector<16xi32>
    %lt3A_4 = arith.cmpi slt, %iota3A, %lt3A_3 : vector<16xi32>
    %broadcast_in_dim3A = arith.constant 1.000000e+00 : f32
    %broadcast_in_dim3A_5 = vector.broadcast %broadcast_in_dim3A : f32 to vector<16xf32>
    %broadcast_in_dim3A_6 = arith.constant 0.000000e+00 : f32
    %broadcast_in_dim3A_7 = vector.broadcast %broadcast_in_dim3A_6 : f32 to vector<16xf32>
    %sub3A = arith.constant 8 : i32
    %sub3A_8 = vector.broadcast %sub3A : i32 to vector<16xi32>
    %sub3A_9 = arith.subi %iota3A, %sub3A_8 : vector<16xi32>
    %max3A = arith.constant 0 : i32
    %max3A_10 = vector.broadcast %max3A : i32 to vector<16xi32>
    %max3A_11 = arith.maxsi %sub3A_9, %max3A_10 : vector<16xi32>
    %swap3A = arith.constant 0 : index
    %swap3A_12 = tpu.vector_load %arg11[%swap3A] {strides = array<i32>} : memref<64xf32, #tpu.memory_space<vmem>>, vector<16xf32>,
    tpu.vector_store %arg11[%swap3A], %broadcast_in_dim3A_7 {strides = array<i32>} : memref<64xf32, #tpu.memory_space<vmem>>, vector<16xf32>,
    %swap3A_13 = arith.constant 16 : index
    %swap3A_14 = tpu.vector_load %arg11[%swap3A_13] {strides = array<i32>} : memref<64xf32, #tpu.memory_space<vmem>>, vector<16xf32>,
    tpu.vector_store %arg11[%swap3A_13], %broadcast_in_dim3A_7 {strides = array<i32>} : memref<64xf32, #tpu.memory_space<vmem>>, vector<16xf32>,
    %swap3A_15 = arith.constant 32 : index
    %swap3A_16 = tpu.vector_load %arg11[%swap3A_15] {strides = array<i32>} : memref<64xf32, #tpu.memory_space<vmem>>, vector<16xf32>,
    tpu.vector_store %arg11[%swap3A_15], %broadcast_in_dim3A_7 {strides = array<i32>} : memref<64xf32, #tpu.memory_space<vmem>>, vector<16xf32>,
    %swap3A_17 = arith.constant 48 : index
    %swap3A_18 = tpu.vector_load %arg11[%swap3A_17] {strides = array<i32>} : memref<64xf32, #tpu.memory_space<vmem>>, vector<16xf32>,
    tpu.vector_store %arg11[%swap3A_17], %broadcast_in_dim3A_7 {strides = array<i32>} : memref<64xf32, #tpu.memory_space<vmem>>, vector<16xf32>,
    %get3A = arith.constant 0 : index
    %get3A_19 = tpu.vector_load %arg8[%get3A] {strides = array<i32>} : memref<64xf32, #tpu.memory_space<vmem>>, vector<16xf32>,
    %get3A_20 = arith.constant 16 : index
    %get3A_21 = tpu.vector_load %arg8[%get3A_20] {strides = array<i32>} : memref<64xf32, #tpu.memory_space<vmem>>, vector<16xf32>,
    %get3A_22 = arith.constant 32 : index
    %get3A_23 = tpu.vector_load %arg8[%get3A_22] {strides = array<i32>} : memref<64xf32, #tpu.memory_space<vmem>>, vector<16xf32>,
    %get3A_24 = arith.constant 48 : index
    %get3A_25 = tpu.vector_load %arg8[%get3A_24] {strides = array<i32>} : memref<64xf32, #tpu.memory_space<vmem>>, vector<16xf32>,
    %add3A_26 = arith.constant 0 : i32
    %add3A_27 = vector.broadcast %add3A_26 : i32 to vector<16xi32>
    %add3A_28 = arith.addi %iota3A, %add3A_27 : vector<16xi32>
    %add3A_29 = arith.constant 16 : i32
    %add3A_30 = vector.broadcast %add3A_29 : i32 to vector<16xi32>
    %add3A_31 = arith.addi %iota3A, %add3A_30 : vector<16xi32>
    %add3A_32 = arith.constant 32 : i32
    %add3A_33 = vector.broadcast %add3A_32 : i32 to vector<16xi32>
    %add3A_34 = arith.addi %iota3A, %add3A_33 : vector<16xi32>
    %add3A_35 = arith.constant 48 : i32
    %add3A_36 = vector.broadcast %add3A_35 : i32 to vector<16xi32>
    %add3A_37 = arith.addi %iota3A, %add3A_36 : vector<16xi32>
    %parallel_loop3A = arith.constant 0 : i32
    %parallel_loop3A_38 = arith.constant 128 : i32
    %parallel_loop3A_39 = arith.constant 1 : i32
    scf.for %parallel_loop3A_44 = %parallel_loop3A to %parallel_loop3A_38 step %parallel_loop3A_39  : i32 {
      %parallel_loop3A_45 = arith.constant 2 : i32
      %parallel_loop3A_46 = arith.muli %parallel_loop3A_44, %parallel_loop3A_45 : i32
      %parallel_loop3A_47 = arith.index_cast %parallel_loop3A_46 : i32 to index
      %parallel_loop3A_48 = arith.constant 0 : index
      %parallel_loop3A_49 = tpu.vector_load %arg7[%parallel_loop3A_47, %parallel_loop3A_48] {strides = array<i32>} : memref<256x64xf32, #tpu.memory_space<vmem>>, vector<16xf32>,
      %parallel_loop3A_50 = arith.addf %parallel_loop3A_49, %get3A_19 : vector<16xf32>
      %parallel_loop3A_51 = arith.constant dense<true> : vector<16xi1>
      %parallel_loop3A_52, %parallel_loop3A_53, %parallel_loop3A_54 = tpu.sort %parallel_loop3A_50, %add3A_28 masked %parallel_loop3A_51 {descending = true} : (vector<16xf32>, vector<16xi32>, vector<16xi1>) -> (vector<16xi1>, vector<16xf32>, vector<16xi32>)
      %parallel_loop3A_55 = arith.index_cast %parallel_loop3A_46 : i32 to index
      %parallel_loop3A_56 = arith.constant 16 : index
      %parallel_loop3A_57 = tpu.vector_load %arg7[%parallel_loop3A_55, %parallel_loop3A_56] {strides = array<i32>} : memref<256x64xf32, #tpu.memory_space<vmem>>, vector<16xf32>,
      %parallel_loop3A_58 = arith.addf %parallel_loop3A_57, %get3A_21 : vector<16xf32>
      %parallel_loop3A_59 = arith.constant dense<true> : vector<16xi1>
      %parallel_loop3A_60, %parallel_loop3A_61, %parallel_loop3A_62 = tpu.sort %parallel_loop3A_58, %add3A_31 masked %parallel_loop3A_59 {descending = true} : (vector<16xf32>, vector<16xi32>, vector<16xi1>) -> (vector<16xi1>, vector<16xf32>, vector<16xi32>)
      %parallel_loop3A_63 = arith.index_cast %parallel_loop3A_46 : i32 to index
      %parallel_loop3A_64 = arith.constant 32 : index
      %parallel_loop3A_65 = tpu.vector_load %arg7[%parallel_loop3A_63, %parallel_loop3A_64] {strides = array<i32>} : memref<256x64xf32, #tpu.memory_space<vmem>>, vector<16xf32>,
      %parallel_loop3A_66 = arith.addf %parallel_loop3A_65, %get3A_23 : vector<16xf32>
      %parallel_loop3A_67 = arith.constant dense<true> : vector<16xi1>
      %parallel_loop3A_68, %parallel_loop3A_69, %parallel_loop3A_70 = tpu.sort %parallel_loop3A_66, %add3A_34 masked %parallel_loop3A_67 {descending = true} : (vector<16xf32>, vector<16xi32>, vector<16xi1>) -> (vector<16xi1>, vector<16xf32>, vector<16xi32>)
      %parallel_loop3A_71 = arith.index_cast %parallel_loop3A_46 : i32 to index
      %parallel_loop3A_72 = arith.constant 48 : index
      %parallel_loop3A_73 = tpu.vector_load %arg7[%parallel_loop3A_71, %parallel_loop3A_72] {strides = array<i32>} : memref<256x64xf32, #tpu.memory_space<vmem>>, vector<16xf32>,
      %parallel_loop3A_74 = arith.addf %parallel_loop3A_73, %get3A_25 : vector<16xf32>
      %parallel_loop3A_75 = arith.constant dense<true> : vector<16xi1>
      %parallel_loop3A_76, %parallel_loop3A_77, %parallel_loop3A_78 = tpu.sort %parallel_loop3A_74, %add3A_37 masked %parallel_loop3A_75 {descending = true} : (vector<16xf32>, vector<16xi32>, vector<16xi1>) -> (vector<16xi1>, vector<16xf32>, vector<16xi32>)
      %parallel_loop3A_79 = arith.constant 15 : i32
      %parallel_loop3A_80 = vector.broadcast %parallel_loop3A_79 : i32 to vector<16xi32>
      %parallel_loop3A_81 = tpu.iota {dimensions = array<i32: 0>} : vector<16xi32>
      %parallel_loop3A_82 = arith.subi %parallel_loop3A_80, %parallel_loop3A_81 : vector<16xi32>
      %parallel_loop3A_83 = tpu.dynamic_gather %parallel_loop3A_61[%parallel_loop3A_82] in [0] : vector<16xf32>, vector<16xi32> -> vector<16xf32>
      %parallel_loop3A_84 = arith.constant 15 : i32
      %parallel_loop3A_85 = vector.broadcast %parallel_loop3A_84 : i32 to vector<16xi32>
      %parallel_loop3A_86 = tpu.iota {dimensions = array<i32: 0>} : vector<16xi32>
      %parallel_loop3A_87 = arith.subi %parallel_loop3A_85, %parallel_loop3A_86 : vector<16xi32>
      %parallel_loop3A_88 = tpu.dynamic_gather %parallel_loop3A_62[%parallel_loop3A_87] in [0] : vector<16xi32>, vector<16xi32> -> vector<16xi32>
      %parallel_loop3A_89 = arith.cmpf ogt, %parallel_loop3A_53, %parallel_loop3A_83 : vector<16xf32>
      %parallel_loop3A_90 = arith.cmpf oeq, %parallel_loop3A_53, %parallel_loop3A_83 : vector<16xf32>
      %parallel_loop3A_91 = arith.cmpi slt, %parallel_loop3A_54, %parallel_loop3A_88 : vector<16xi32>
      %parallel_loop3A_92 = arith.andi %parallel_loop3A_90, %parallel_loop3A_91 : vector<16xi1>
      %parallel_loop3A_93 = arith.ori %parallel_loop3A_89, %parallel_loop3A_92 : vector<16xi1>
      %parallel_loop3A_94 = arith.select %parallel_loop3A_93, %parallel_loop3A_53, %parallel_loop3A_83 : vector<16xi1>, vector<16xf32>
      %parallel_loop3A_95 = arith.select %parallel_loop3A_93, %parallel_loop3A_54, %parallel_loop3A_88 : vector<16xi1>, vector<16xi32>
      %parallel_loop3A_96 = arith.constant dense<true> : vector<16xi1>
      %parallel_loop3A_97, %parallel_loop3A_98, %parallel_loop3A_99 = tpu.sort %parallel_loop3A_94, %parallel_loop3A_95 masked %parallel_loop3A_96 {descending = true} : (vector<16xf32>, vector<16xi32>, vector<16xi1>) -> (vector<16xi1>, vector<16xf32>, vector<16xi32>)
      %parallel_loop3A_100 = arith.constant 15 : i32
      %parallel_loop3A_101 = vector.broadcast %parallel_loop3A_100 : i32 to vector<16xi32>
      %parallel_loop3A_102 = tpu.iota {dimensions = array<i32: 0>} : vector<16xi32>
      %parallel_loop3A_103 = arith.subi %parallel_loop3A_101, %parallel_loop3A_102 : vector<16xi32>
      %parallel_loop3A_104 = tpu.dynamic_gather %parallel_loop3A_77[%parallel_loop3A_103] in [0] : vector<16xf32>, vector<16xi32> -> vector<16xf32>
      %parallel_loop3A_105 = arith.constant 15 : i32
      %parallel_loop3A_106 = vector.broadcast %parallel_loop3A_105 : i32 to vector<16xi32>
      %parallel_loop3A_107 = tpu.iota {dimensions = array<i32: 0>} : vector<16xi32>
      %parallel_loop3A_108 = arith.subi %parallel_loop3A_106, %parallel_loop3A_107 : vector<16xi32>
      %parallel_loop3A_109 = tpu.dynamic_gather %parallel_loop3A_78[%parallel_loop3A_108] in [0] : vector<16xi32>, vector<16xi32> -> vector<16xi32>
      %parallel_loop3A_110 = arith.cmpf ogt, %parallel_loop3A_69, %parallel_loop3A_104 : vector<16xf32>
      %parallel_loop3A_111 = arith.cmpf oeq, %parallel_loop3A_69, %parallel_loop3A_104 : vector<16xf32>
      %parallel_loop3A_112 = arith.cmpi slt, %parallel_loop3A_70, %parallel_loop3A_109 : vector<16xi32>
      %parallel_loop3A_113 = arith.andi %parallel_loop3A_111, %parallel_loop3A_112 : vector<16xi1>
      %parallel_loop3A_114 = arith.ori %parallel_loop3A_110, %parallel_loop3A_113 : vector<16xi1>
      %parallel_loop3A_115 = arith.select %parallel_loop3A_114, %parallel_loop3A_69, %parallel_loop3A_104 : vector<16xi1>, vector<16xf32>
      %parallel_loop3A_116 = arith.select %parallel_loop3A_114, %parallel_loop3A_70, %parallel_loop3A_109 : vector<16xi1>, vector<16xi32>
      %parallel_loop3A_117 = arith.constant dense<true> : vector<16xi1>
      %parallel_loop3A_118, %parallel_loop3A_119, %parallel_loop3A_120 = tpu.sort %parallel_loop3A_115, %parallel_loop3A_116 masked %parallel_loop3A_117 {descending = true} : (vector<16xf32>, vector<16xi32>, vector<16xi1>) -> (vector<16xi1>, vector<16xf32>, vector<16xi32>)
      %parallel_loop3A_121 = arith.constant 15 : i32
      %parallel_loop3A_122 = vector.broadcast %parallel_loop3A_121 : i32 to vector<16xi32>
      %parallel_loop3A_123 = tpu.iota {dimensions = array<i32: 0>} : vector<16xi32>
      %parallel_loop3A_124 = arith.subi %parallel_loop3A_122, %parallel_loop3A_123 : vector<16xi32>
      %parallel_loop3A_125 = tpu.dynamic_gather %parallel_loop3A_119[%parallel_loop3A_124] in [0] : vector<16xf32>, vector<16xi32> -> vector<16xf32>
      %parallel_loop3A_126 = arith.constant 15 : i32
      %parallel_loop3A_127 = vector.broadcast %parallel_loop3A_126 : i32 to vector<16xi32>
      %parallel_loop3A_128 = tpu.iota {dimensions = array<i32: 0>} : vector<16xi32>
      %parallel_loop3A_129 = arith.subi %parallel_loop3A_127, %parallel_loop3A_128 : vector<16xi32>
      %parallel_loop3A_130 = tpu.dynamic_gather %parallel_loop3A_120[%parallel_loop3A_129] in [0] : vector<16xi32>, vector<16xi32> -> vector<16xi32>
      %parallel_loop3A_131 = arith.cmpf ogt, %parallel_loop3A_98, %parallel_loop3A_125 : vector<16xf32>
      %parallel_loop3A_132 = arith.cmpf oeq, %parallel_loop3A_98, %parallel_loop3A_125 : vector<16xf32>
      %parallel_loop3A_133 = arith.cmpi slt, %parallel_loop3A_99, %parallel_loop3A_130 : vector<16xi32>
      %parallel_loop3A_134 = arith.andi %parallel_loop3A_132, %parallel_loop3A_133 : vector<16xi1>
      %parallel_loop3A_135 = arith.ori %parallel_loop3A_131, %parallel_loop3A_134 : vector<16xi1>
      %parallel_loop3A_136 = arith.select %parallel_loop3A_135, %parallel_loop3A_98, %parallel_loop3A_125 : vector<16xi1>, vector<16xf32>
      %parallel_loop3A_137 = arith.select %parallel_loop3A_135, %parallel_loop3A_99, %parallel_loop3A_130 : vector<16xi1>, vector<16xi32>
      %parallel_loop3A_138 = arith.constant dense<true> : vector<16xi1>
      %parallel_loop3A_139, %parallel_loop3A_140, %parallel_loop3A_141 = tpu.sort %parallel_loop3A_136, %parallel_loop3A_137 masked %parallel_loop3A_138 {descending = true} : (vector<16xf32>, vector<16xi32>, vector<16xi1>) -> (vector<16xi1>, vector<16xf32>, vector<16xi32>)
      %parallel_loop3A_142 = vector.broadcast %parallel_loop3A_46 : i32 to vector<16xi32>
      %parallel_loop3A_143 = tpu.vector_load_idx %arg7[%parallel_loop3A_142, %parallel_loop3A_141] : memref<256x64xf32, #tpu.memory_space<vmem>>[vector<16xi32>, vector<16xi32>], vector<16xf32>,
      %parallel_loop3A_144 = arith.constant 0.000000e+00 : f32
      %parallel_loop3A_145 = vector.broadcast %parallel_loop3A_144 : f32 to vector<16xf32>
      %parallel_loop3A_146 = arith.select %lt3A_4, %parallel_loop3A_143, %parallel_loop3A_145 : vector<16xi1>, vector<16xf32>
      %parallel_loop3A_147 = arith.constant true
      %parallel_loop3A_148 = vector.broadcast %parallel_loop3A_147 : i1 to vector<16xi1>
      %parallel_loop3A_149 = tpu.scan <sum>, %parallel_loop3A_146 masked %parallel_loop3A_148 : vector<16xf32>, vector<16xi1> -> vector<16xf32>
      %parallel_loop3A_150 = vector.extract %parallel_loop3A_149[15] : f32 from vector<16xf32>
      %parallel_loop3A_151 = arith.constant 9.99999968E-21 : f32
      %parallel_loop3A_152 = arith.addf %parallel_loop3A_150, %parallel_loop3A_151 : f32
      %parallel_loop3A_153 = vector.broadcast %parallel_loop3A_152 : f32 to vector<16xf32>
      %parallel_loop3A_154 = arith.divf %parallel_loop3A_146, %parallel_loop3A_153 : vector<16xf32>
      tpu.vector_store_idx %arg11[%parallel_loop3A_141], %broadcast_in_dim3A_5 masked %lt3A_4 {add = true} : memref<64xf32, #tpu.memory_space<vmem>>[vector<16xi32>], vector<16xf32>, vector<16xi1>
      %parallel_loop3A_155 = arith.constant 1 : i32
      %parallel_loop3A_156 = arith.addi %parallel_loop3A_46, %parallel_loop3A_155 : i32
      %parallel_loop3A_157 = arith.index_cast %parallel_loop3A_156 : i32 to index
      %parallel_loop3A_158 = arith.constant 0 : index
      %parallel_loop3A_159 = tpu.vector_load %arg7[%parallel_loop3A_157, %parallel_loop3A_158] {strides = array<i32>} : memref<256x64xf32, #tpu.memory_space<vmem>>, vector<16xf32>,
      %parallel_loop3A_160 = arith.addf %parallel_loop3A_159, %get3A_19 : vector<16xf32>
      %parallel_loop3A_161 = arith.constant dense<true> : vector<16xi1>
      %parallel_loop3A_162, %parallel_loop3A_163, %parallel_loop3A_164 = tpu.sort %parallel_loop3A_160, %add3A_28 masked %parallel_loop3A_161 {descending = true} : (vector<16xf32>, vector<16xi32>, vector<16xi1>) -> (vector<16xi1>, vector<16xf32>, vector<16xi32>)
      %parallel_loop3A_165 = arith.index_cast %parallel_loop3A_156 : i32 to index
      %parallel_loop3A_166 = arith.constant 16 : index
      %parallel_loop3A_167 = tpu.vector_load %arg7[%parallel_loop3A_165, %parallel_loop3A_166] {strides = array<i32>} : memref<256x64xf32, #tpu.memory_space<vmem>>, vector<16xf32>,
      %parallel_loop3A_168 = arith.addf %parallel_loop3A_167, %get3A_21 : vector<16xf32>
      %parallel_loop3A_169 = arith.constant dense<true> : vector<16xi1>
      %parallel_loop3A_170, %parallel_loop3A_171, %parallel_loop3A_172 = tpu.sort %parallel_loop3A_168, %add3A_31 masked %parallel_loop3A_169 {descending = true} : (vector<16xf32>, vector<16xi32>, vector<16xi1>) -> (vector<16xi1>, vector<16xf32>, vector<16xi32>)
      %parallel_loop3A_173 = arith.index_cast %parallel_loop3A_156 : i32 to index
      %parallel_loop3A_174 = arith.constant 32 : index
      %parallel_loop3A_175 = tpu.vector_load %arg7[%parallel_loop3A_173, %parallel_loop3A_174] {strides = array<i32>} : memref<256x64xf32, #tpu.memory_space<vmem>>, vector<16xf32>,
      %parallel_loop3A_176 = arith.addf %parallel_loop3A_175, %get3A_23 : vector<16xf32>
      %parallel_loop3A_177 = arith.constant dense<true> : vector<16xi1>
      %parallel_loop3A_178, %parallel_loop3A_179, %parallel_loop3A_180 = tpu.sort %parallel_loop3A_176, %add3A_34 masked %parallel_loop3A_177 {descending = true} : (vector<16xf32>, vector<16xi32>, vector<16xi1>) -> (vector<16xi1>, vector<16xf32>, vector<16xi32>)
      %parallel_loop3A_181 = arith.index_cast %parallel_loop3A_156 : i32 to index
      %parallel_loop3A_182 = arith.constant 48 : index
      %parallel_loop3A_183 = tpu.vector_load %arg7[%parallel_loop3A_181, %parallel_loop3A_182] {strides = array<i32>} : memref<256x64xf32, #tpu.memory_space<vmem>>, vector<16xf32>,
      %parallel_loop3A_184 = arith.addf %parallel_loop3A_183, %get3A_25 : vector<16xf32>
      %parallel_loop3A_185 = arith.constant dense<true> : vector<16xi1>
      %parallel_loop3A_186, %parallel_loop3A_187, %parallel_loop3A_188 = tpu.sort %parallel_loop3A_184, %add3A_37 masked %parallel_loop3A_185 {descending = true} : (vector<16xf32>, vector<16xi32>, vector<16xi1>) -> (vector<16xi1>, vector<16xf32>, vector<16xi32>)
      %parallel_loop3A_189 = arith.constant 15 : i32
      %parallel_loop3A_190 = vector.broadcast %parallel_loop3A_189 : i32 to vector<16xi32>
      %parallel_loop3A_191 = tpu.iota {dimensions = array<i32: 0>} : vector<16xi32>
      %parallel_loop3A_192 = arith.subi %parallel_loop3A_190, %parallel_loop3A_191 : vector<16xi32>
      %parallel_loop3A_193 = tpu.dynamic_gather %parallel_loop3A_171[%parallel_loop3A_192] in [0] : vector<16xf32>, vector<16xi32> -> vector<16xf32>
      %parallel_loop3A_194 = arith.constant 15 : i32
      %parallel_loop3A_195 = vector.broadcast %parallel_loop3A_194 : i32 to vector<16xi32>
      %parallel_loop3A_196 = tpu.iota {dimensions = array<i32: 0>} : vector<16xi32>
      %parallel_loop3A_197 = arith.subi %parallel_loop3A_195, %parallel_loop3A_196 : vector<16xi32>
      %parallel_loop3A_198 = tpu.dynamic_gather %parallel_loop3A_172[%parallel_loop3A_197] in [0] : vector<16xi32>, vector<16xi32> -> vector<16xi32>
      %parallel_loop3A_199 = arith.cmpf ogt, %parallel_loop3A_163, %parallel_loop3A_193 : vector<16xf32>
      %parallel_loop3A_200 = arith.cmpf oeq, %parallel_loop3A_163, %parallel_loop3A_193 : vector<16xf32>
      %parallel_loop3A_201 = arith.cmpi slt, %parallel_loop3A_164, %parallel_loop3A_198 : vector<16xi32>
      %parallel_loop3A_202 = arith.andi %parallel_loop3A_200, %parallel_loop3A_201 : vector<16xi1>
      %parallel_loop3A_203 = arith.ori %parallel_loop3A_199, %parallel_loop3A_202 : vector<16xi1>
      %parallel_loop3A_204 = arith.select %parallel_loop3A_203, %parallel_loop3A_163, %parallel_loop3A_193 : vector<16xi1>, vector<16xf32>
      %parallel_loop3A_205 = arith.select %parallel_loop3A_203, %parallel_loop3A_164, %parallel_loop3A_198 : vector<16xi1>, vector<16xi32>
      %parallel_loop3A_206 = arith.constant dense<true> : vector<16xi1>
      %parallel_loop3A_207, %parallel_loop3A_208, %parallel_loop3A_209 = tpu.sort %parallel_loop3A_204, %parallel_loop3A_205 masked %parallel_loop3A_206 {descending = true} : (vector<16xf32>, vector<16xi32>, vector<16xi1>) -> (vector<16xi1>, vector<16xf32>, vector<16xi32>)
      %parallel_loop3A_210 = arith.constant 15 : i32
      %parallel_loop3A_211 = vector.broadcast %parallel_loop3A_210 : i32 to vector<16xi32>
      %parallel_loop3A_212 = tpu.iota {dimensions = array<i32: 0>} : vector<16xi32>
      %parallel_loop3A_213 = arith.subi %parallel_loop3A_211, %parallel_loop3A_212 : vector<16xi32>
      %parallel_loop3A_214 = tpu.dynamic_gather %parallel_loop3A_187[%parallel_loop3A_213] in [0] : vector<16xf32>, vector<16xi32> -> vector<16xf32>
      %parallel_loop3A_215 = arith.constant 15 : i32
      %parallel_loop3A_216 = vector.broadcast %parallel_loop3A_215 : i32 to vector<16xi32>
      %parallel_loop3A_217 = tpu.iota {dimensions = array<i32: 0>} : vector<16xi32>
      %parallel_loop3A_218 = arith.subi %parallel_loop3A_216, %parallel_loop3A_217 : vector<16xi32>
      %parallel_loop3A_219 = tpu.dynamic_gather %parallel_loop3A_188[%parallel_loop3A_218] in [0] : vector<16xi32>, vector<16xi32> -> vector<16xi32>
      %parallel_loop3A_220 = arith.cmpf ogt, %parallel_loop3A_179, %parallel_loop3A_214 : vector<16xf32>
      %parallel_loop3A_221 = arith.cmpf oeq, %parallel_loop3A_179, %parallel_loop3A_214 : vector<16xf32>
      %parallel_loop3A_222 = arith.cmpi slt, %parallel_loop3A_180, %parallel_loop3A_219 : vector<16xi32>
      %parallel_loop3A_223 = arith.andi %parallel_loop3A_221, %parallel_loop3A_222 : vector<16xi1>
      %parallel_loop3A_224 = arith.ori %parallel_loop3A_220, %parallel_loop3A_223 : vector<16xi1>
      %parallel_loop3A_225 = arith.select %parallel_loop3A_224, %parallel_loop3A_179, %parallel_loop3A_214 : vector<16xi1>, vector<16xf32>
      %parallel_loop3A_226 = arith.select %parallel_loop3A_224, %parallel_loop3A_180, %parallel_loop3A_219 : vector<16xi1>, vector<16xi32>
      %parallel_loop3A_227 = arith.constant dense<true> : vector<16xi1>
      %parallel_loop3A_228, %parallel_loop3A_229, %parallel_loop3A_230 = tpu.sort %parallel_loop3A_225, %parallel_loop3A_226 masked %parallel_loop3A_227 {descending = true} : (vector<16xf32>, vector<16xi32>, vector<16xi1>) -> (vector<16xi1>, vector<16xf32>, vector<16xi32>)
      %parallel_loop3A_231 = arith.constant 15 : i32
      %parallel_loop3A_232 = vector.broadcast %parallel_loop3A_231 : i32 to vector<16xi32>
      %parallel_loop3A_233 = tpu.iota {dimensions = array<i32: 0>} : vector<16xi32>
      %parallel_loop3A_234 = arith.subi %parallel_loop3A_232, %parallel_loop3A_233 : vector<16xi32>
      %parallel_loop3A_235 = tpu.dynamic_gather %parallel_loop3A_229[%parallel_loop3A_234] in [0] : vector<16xf32>, vector<16xi32> -> vector<16xf32>
      %parallel_loop3A_236 = arith.constant 15 : i32
      %parallel_loop3A_237 = vector.broadcast %parallel_loop3A_236 : i32 to vector<16xi32>
      %parallel_loop3A_238 = tpu.iota {dimensions = array<i32: 0>} : vector<16xi32>
      %parallel_loop3A_239 = arith.subi %parallel_loop3A_237, %parallel_loop3A_238 : vector<16xi32>
      %parallel_loop3A_240 = tpu.dynamic_gather %parallel_loop3A_230[%parallel_loop3A_239] in [0] : vector<16xi32>, vector<16xi32> -> vector<16xi32>
      %parallel_loop3A_241 = arith.cmpf ogt, %parallel_loop3A_208, %parallel_loop3A_235 : vector<16xf32>
      %parallel_loop3A_242 = arith.cmpf oeq, %parallel_loop3A_208, %parallel_loop3A_235 : vector<16xf32>
      %parallel_loop3A_243 = arith.cmpi slt, %parallel_loop3A_209, %parallel_loop3A_240 : vector<16xi32>
      %parallel_loop3A_244 = arith.andi %parallel_loop3A_242, %parallel_loop3A_243 : vector<16xi1>
      %parallel_loop3A_245 = arith.ori %parallel_loop3A_241, %parallel_loop3A_244 : vector<16xi1>
      %parallel_loop3A_246 = arith.select %parallel_loop3A_245, %parallel_loop3A_208, %parallel_loop3A_235 : vector<16xi1>, vector<16xf32>
      %parallel_loop3A_247 = arith.select %parallel_loop3A_245, %parallel_loop3A_209, %parallel_loop3A_240 : vector<16xi1>, vector<16xi32>
      %parallel_loop3A_248 = arith.constant dense<true> : vector<16xi1>
      %parallel_loop3A_249, %parallel_loop3A_250, %parallel_loop3A_251 = tpu.sort %parallel_loop3A_246, %parallel_loop3A_247 masked %parallel_loop3A_248 {descending = true} : (vector<16xf32>, vector<16xi32>, vector<16xi1>) -> (vector<16xi1>, vector<16xf32>, vector<16xi32>)
      %parallel_loop3A_252 = vector.broadcast %parallel_loop3A_156 : i32 to vector<16xi32>
      %parallel_loop3A_253 = tpu.vector_load_idx %arg7[%parallel_loop3A_252, %parallel_loop3A_251] : memref<256x64xf32, #tpu.memory_space<vmem>>[vector<16xi32>, vector<16xi32>], vector<16xf32>,
      %parallel_loop3A_254 = arith.constant 0.000000e+00 : f32
      %parallel_loop3A_255 = vector.broadcast %parallel_loop3A_254 : f32 to vector<16xf32>
      %parallel_loop3A_256 = arith.select %lt3A_4, %parallel_loop3A_253, %parallel_loop3A_255 : vector<16xi1>, vector<16xf32>
      %parallel_loop3A_257 = arith.constant true
      %parallel_loop3A_258 = vector.broadcast %parallel_loop3A_257 : i1 to vector<16xi1>
      %parallel_loop3A_259 = tpu.scan <sum>, %parallel_loop3A_256 masked %parallel_loop3A_258 : vector<16xf32>, vector<16xi1> -> vector<16xf32>
      %parallel_loop3A_260 = vector.extract %parallel_loop3A_259[15] : f32 from vector<16xf32>
      %parallel_loop3A_261 = arith.constant 9.99999968E-21 : f32
      %parallel_loop3A_262 = arith.addf %parallel_loop3A_260, %parallel_loop3A_261 : f32
      %parallel_loop3A_263 = vector.broadcast %parallel_loop3A_262 : f32 to vector<16xf32>
      %parallel_loop3A_264 = arith.divf %parallel_loop3A_256, %parallel_loop3A_263 : vector<16xf32>
      tpu.vector_store_idx %arg11[%parallel_loop3A_251], %broadcast_in_dim3A_5 masked %lt3A_4 {add = true} : memref<64xf32, #tpu.memory_space<vmem>>[vector<16xi32>], vector<16xf32>, vector<16xi1>
      %parallel_loop3A_265 = vector.shape_cast %max3A_11 : vector<16xi32> to vector<16x1xi32>
      %parallel_loop3A_266 = vector.shape_cast %parallel_loop3A_265 : vector<16x1xi32> to vector<16xi32>
      %parallel_loop3A_267 = tpu.dynamic_gather %parallel_loop3A_264[%parallel_loop3A_266] in [0] : vector<16xf32>, vector<16xi32> -> vector<16xf32>
      %parallel_loop3A_268 = arith.select %lt3A_4, %parallel_loop3A_154, %parallel_loop3A_267 : vector<16xi1>, vector<16xf32>
      %parallel_loop3A_269 = vector.shape_cast %max3A_11 : vector<16xi32> to vector<16x1xi32>
      %parallel_loop3A_270 = vector.shape_cast %parallel_loop3A_269 : vector<16x1xi32> to vector<16xi32>
      %parallel_loop3A_271 = tpu.dynamic_gather %parallel_loop3A_251[%parallel_loop3A_270] in [0] : vector<16xi32>, vector<16xi32> -> vector<16xi32>
      %parallel_loop3A_272 = arith.select %lt3A_4, %parallel_loop3A_141, %parallel_loop3A_271 : vector<16xi1>, vector<16xi32>
      %parallel_loop3A_273 = arith.constant 16 : i32
      %parallel_loop3A_274 = arith.muli %parallel_loop3A_44, %parallel_loop3A_273 : i32
      %parallel_loop3A_275 = arith.index_cast %parallel_loop3A_274 : i32 to index
      %parallel_loop3A_276 = tpu.vector_load %arg9[%parallel_loop3A_275] {strides = array<i32>} : memref<2048xf32, #tpu.memory_space<vmem>>, vector<16xf32>,
      tpu.vector_store %arg9[%parallel_loop3A_275], %parallel_loop3A_268 {strides = array<i32>} : memref<2048xf32, #tpu.memory_space<vmem>>, vector<16xf32>,
      %parallel_loop3A_277 = arith.constant 16 : i32
      %parallel_loop3A_278 = arith.muli %parallel_loop3A_44, %parallel_loop3A_277 : i32
      %parallel_loop3A_279 = arith.index_cast %parallel_loop3A_278 : i32 to index
      %parallel_loop3A_280 = tpu.vector_load %arg10[%parallel_loop3A_279] {strides = array<i32>} : memref<2048xi32, #tpu.memory_space<vmem>>, vector<16xi32>,
      tpu.vector_store %arg10[%parallel_loop3A_279], %parallel_loop3A_272 {strides = array<i32>} : memref<2048xi32, #tpu.memory_space<vmem>>, vector<16xi32>,
    } {sc.loop_unroll_factor = 2 : i64, sc.parallel_access}
    %mul3A_40 = arith.constant 8 : i32
    %mul3A_41 = arith.muli %mul3A_2, %mul3A_40 : i32
    "tpu.region"() ({
      %run_scoped3A = tpu.sem_alloc : memref<!tpu.dma_semaphore, #tpu.memory_space<semaphore_mem>>
      %dma_start3A = tpu.memref_slice %arg4[%mul3A_41] : memref<65536xf32, #tpu.memory_space<hbm>> -> memref<2048xf32, #tpu.memory_space<hbm>>
      %dma_start3A_44 = tpu.memref_slice %arg4[%mul3A_41] : memref<65536xf32, #tpu.memory_space<hbm>> -> memref<2048xf32, #tpu.memory_space<hbm>>
      tpu.enqueue_dma source(%arg9 : memref<2048xf32, #tpu.memory_space<vmem>>) target(%dma_start3A_44 : memref<2048xf32, #tpu.memory_space<hbm>>) target_semaphore(%run_scoped3A : memref<!tpu.dma_semaphore, #tpu.memory_space<semaphore_mem>>)
      %dma_wait3A = tpu.memref_slice %arg4[%mul3A_41] : memref<65536xf32, #tpu.memory_space<hbm>> -> memref<2048xf32, #tpu.memory_space<hbm>>
      %dma_wait3A_45 = tpu.memref_slice %arg4[%mul3A_41] : memref<65536xf32, #tpu.memory_space<hbm>> -> memref<2048xf32, #tpu.memory_space<hbm>>
      tpu.wait_dma2 semaphore(%run_scoped3A : memref<!tpu.dma_semaphore, #tpu.memory_space<semaphore_mem>>) src(%arg9 : memref<2048xf32, #tpu.memory_space<vmem>>) dst(%dma_wait3A_45 : memref<2048xf32, #tpu.memory_space<hbm>>)
      tpu.yield
    }) : () -> ()
    %mul3A_42 = arith.constant 8 : i32
    %mul3A_43 = arith.muli %mul3A_2, %mul3A_42 : i32
    "tpu.region"() ({
      %run_scoped3A = tpu.sem_alloc : memref<!tpu.dma_semaphore, #tpu.memory_space<semaphore_mem>>
      %dma_start3A = tpu.memref_slice %arg5[%mul3A_43] : memref<65536xi32, #tpu.memory_space<hbm>> -> memref<2048xi32, #tpu.memory_space<hbm>>
      %dma_start3A_44 = tpu.memref_slice %arg5[%mul3A_43] : memref<65536xi32, #tpu.memory_space<hbm>> -> memref<2048xi32, #tpu.memory_space<hbm>>
      tpu.enqueue_dma source(%arg10 : memref<2048xi32, #tpu.memory_space<vmem>>) target(%dma_start3A_44 : memref<2048xi32, #tpu.memory_space<hbm>>) target_semaphore(%run_scoped3A : memref<!tpu.dma_semaphore, #tpu.memory_space<semaphore_mem>>)
      %dma_wait3A = tpu.memref_slice %arg5[%mul3A_43] : memref<65536xi32, #tpu.memory_space<hbm>> -> memref<2048xi32, #tpu.memory_space<hbm>>
      %dma_wait3A_45 = tpu.memref_slice %arg5[%mul3A_43] : memref<65536xi32, #tpu.memory_space<hbm>> -> memref<2048xi32, #tpu.memory_space<hbm>>
      tpu.wait_dma2 semaphore(%run_scoped3A : memref<!tpu.dma_semaphore, #tpu.memory_space<semaphore_mem>>) src(%arg10 : memref<2048xi32, #tpu.memory_space<vmem>>) dst(%dma_wait3A_45 : memref<2048xi32, #tpu.memory_space<hbm>>)
      tpu.yield
    }) : () -> ()
    "tpu.region"() ({
      %run_scoped3A = tpu.sem_alloc : memref<!tpu.dma_semaphore, #tpu.memory_space<semaphore_mem>>
      %dma_start3A = arith.constant 0 : i32
      %dma_start3A_44 = tpu.memref_slice %arg6[%add3A, %dma_start3A] : memref<32x64xf32, #tpu.memory_space<hbm>> -> memref<1x64xf32, #tpu.memory_space<hbm>>
      %dma_start3A_45 = tpu.memref_squeeze %dma_start3A_44 : memref<1x64xf32, #tpu.memory_space<hbm>> -> memref<64xf32, #tpu.memory_space<hbm>>
      %dma_start3A_46 = arith.constant 0 : i32
      %dma_start3A_47 = tpu.memref_slice %arg6[%add3A, %dma_start3A_46] : memref<32x64xf32, #tpu.memory_space<hbm>> -> memref<1x64xf32, #tpu.memory_space<hbm>>
      %dma_start3A_48 = tpu.memref_squeeze %dma_start3A_47 : memref<1x64xf32, #tpu.memory_space<hbm>> -> memref<64xf32, #tpu.memory_space<hbm>>
      tpu.enqueue_dma source(%arg11 : memref<64xf32, #tpu.memory_space<vmem>>) target(%dma_start3A_48 : memref<64xf32, #tpu.memory_space<hbm>>) target_semaphore(%run_scoped3A : memref<!tpu.dma_semaphore, #tpu.memory_space<semaphore_mem>>)
      %dma_wait3A = arith.constant 0 : i32
      %dma_wait3A_49 = tpu.memref_slice %arg6[%add3A, %dma_wait3A] : memref<32x64xf32, #tpu.memory_space<hbm>> -> memref<1x64xf32, #tpu.memory_space<hbm>>
      %dma_wait3A_50 = tpu.memref_squeeze %dma_wait3A_49 : memref<1x64xf32, #tpu.memory_space<hbm>> -> memref<64xf32, #tpu.memory_space<hbm>>
      %dma_wait3A_51 = arith.constant 0 : i32
      %dma_wait3A_52 = tpu.memref_slice %arg6[%add3A, %dma_wait3A_51] : memref<32x64xf32, #tpu.memory_space<hbm>> -> memref<1x64xf32, #tpu.memory_space<hbm>>
      %dma_wait3A_53 = tpu.memref_squeeze %dma_wait3A_52 : memref<1x64xf32, #tpu.memory_space<hbm>> -> memref<64xf32, #tpu.memory_space<hbm>>
      tpu.wait_dma2 semaphore(%run_scoped3A : memref<!tpu.dma_semaphore, #tpu.memory_space<semaphore_mem>>) src(%arg11 : memref<64xf32, #tpu.memory_space<vmem>>) dst(%dma_wait3A_53 : memref<64xf32, #tpu.memory_space<hbm>>)
      tpu.yield
    }) : () -> ()
    return
  }
}

module attributes {stable_mosaic.version = 14 : i64} {
  func.func @_score_body(%arg0: i32, %arg1: memref<512x4096xf32, #tpu.memory_space<vmem>>, %arg2: memref<4096x64xf32, #tpu.memory_space<vmem>>, %arg3: memref<512x64xf32, #tpu.memory_space<vmem>>) attributes {dimension_semantics = [#tpu.dimension_semantics<arbitrary>], iteration_bounds = array<i64: 16>, scalar_prefetch = 0 : i64, scratch_operands = 0 : i64, tpu.core_type = #tpu.core_type<tc>, window_params = [{transform_indices = @transform_0, window_bounds = array<i64: 512, 4096>}, {pipeline_mode = #tpu.pipeline_mode<synchronous>, transform_indices = @transform_1, window_bounds = array<i64: 4096, 64>}, {transform_indices = @transform_2, window_bounds = array<i64: 512, 64>}]} {
    %get3A = arith.constant 0 : index
    %get3A_0 = arith.constant 0 : index
    %get3A_1 = vector.load %arg1[%get3A, %get3A_0] : memref<512x4096xf32, #tpu.memory_space<vmem>>, vector<512x4096xf32>
    %get3A_2 = arith.constant 0 : index
    %get3A_3 = arith.constant 0 : index
    %get3A_4 = vector.load %arg2[%get3A_2, %get3A_3] : memref<4096x64xf32, #tpu.memory_space<vmem>>, vector<4096x64xf32>
    %dot_general3A = arith.constant dense<0.000000e+00> : vector<512x64xf32>
    %dot_general3A_5 = tpu.matmul %get3A_1, %get3A_4, %dot_general3A {dimension_numbers = #tpu.dot_dimension_numbers<[1], [0], [0], [1], [0, 0, 1, 1], [], []>, transpose_lhs_hint = false} : vector<512x4096xf32>, vector<4096x64xf32>, vector<512x64xf32> -> vector<512x64xf32>
    %logistic3A = arith.negf %dot_general3A_5 : vector<512x64xf32>
    %logistic3A_6 = math.exp %logistic3A : vector<512x64xf32>
    %logistic3A_7 = arith.constant 1.000000e+00 : f32
    %logistic3A_8 = vector.broadcast %logistic3A_7 : f32 to vector<512x64xf32>
    %logistic3A_9 = arith.addf %logistic3A_8, %logistic3A_6 : vector<512x64xf32>
    %logistic3A_10 = arith.divf %logistic3A_8, %logistic3A_9 : vector<512x64xf32>
    %swap3A = arith.constant 0 : index
    %swap3A_11 = arith.constant 0 : index
    %swap3A_12 = vector.load %arg3[%swap3A, %swap3A_11] : memref<512x64xf32, #tpu.memory_space<vmem>>, vector<512x64xf32>
    tpu.vector_store %arg3[%swap3A, %swap3A_11], %logistic3A_10 {strides = array<i32>} : memref<512x64xf32, #tpu.memory_space<vmem>>, vector<512x64xf32>,
    return
  }
  func.func @transform_0(%arg0: i32) -> (i32, i32) {
    %add3A = arith.constant 48 : i32
    %add3A_0 = arith.addi %arg0, %add3A : i32
    %c0_i32 = arith.constant 0 : i32
    %c0_i32_1 = arith.constant 0 : i32
    return %add3A_0, %c0_i32 : i32, i32
  }
  func.func @transform_1(%arg0: i32) -> (i32, i32) {
    %c0_i32 = arith.constant 0 : i32
    %c0_i32_0 = arith.constant 0 : i32
    %c0_i32_1 = arith.constant 0 : i32
    return %c0_i32, %c0_i32_0 : i32, i32
  }
  func.func @transform_2(%arg0: i32) -> (i32, i32) {
    %c0_i32 = arith.constant 0 : i32
    %c0_i32_0 = arith.constant 0 : i32
    return %arg0, %c0_i32 : i32, i32
  }
}

module attributes {stable_mosaic.version = 14 : i64} {
  func.func @_score_body(%arg0: i32, %arg1: memref<512x4096xf32, #tpu.memory_space<vmem>>, %arg2: memref<4096x64xf32, #tpu.memory_space<vmem>>, %arg3: memref<512x64xf32, #tpu.memory_space<vmem>>) attributes {dimension_semantics = [#tpu.dimension_semantics<arbitrary>], iteration_bounds = array<i64: 16>, scalar_prefetch = 0 : i64, scratch_operands = 0 : i64, tpu.core_type = #tpu.core_type<tc>, window_params = [{transform_indices = @transform_0, window_bounds = array<i64: 512, 4096>}, {pipeline_mode = #tpu.pipeline_mode<synchronous>, transform_indices = @transform_1, window_bounds = array<i64: 4096, 64>}, {transform_indices = @transform_2, window_bounds = array<i64: 512, 64>}]} {
    %get3A = arith.constant 0 : index
    %get3A_0 = arith.constant 0 : index
    %get3A_1 = vector.load %arg1[%get3A, %get3A_0] : memref<512x4096xf32, #tpu.memory_space<vmem>>, vector<512x4096xf32>
    %get3A_2 = arith.constant 0 : index
    %get3A_3 = arith.constant 0 : index
    %get3A_4 = vector.load %arg2[%get3A_2, %get3A_3] : memref<4096x64xf32, #tpu.memory_space<vmem>>, vector<4096x64xf32>
    %dot_general3A = arith.constant dense<0.000000e+00> : vector<512x64xf32>
    %dot_general3A_5 = tpu.matmul %get3A_1, %get3A_4, %dot_general3A {dimension_numbers = #tpu.dot_dimension_numbers<[1], [0], [0], [1], [0, 0, 1, 1], [], []>, transpose_lhs_hint = false} : vector<512x4096xf32>, vector<4096x64xf32>, vector<512x64xf32> -> vector<512x64xf32>
    %logistic3A = arith.negf %dot_general3A_5 : vector<512x64xf32>
    %logistic3A_6 = math.exp %logistic3A : vector<512x64xf32>
    %logistic3A_7 = arith.constant 1.000000e+00 : f32
    %logistic3A_8 = vector.broadcast %logistic3A_7 : f32 to vector<512x64xf32>
    %logistic3A_9 = arith.addf %logistic3A_8, %logistic3A_6 : vector<512x64xf32>
    %logistic3A_10 = arith.divf %logistic3A_8, %logistic3A_9 : vector<512x64xf32>
    %swap3A = arith.constant 0 : index
    %swap3A_11 = arith.constant 0 : index
    %swap3A_12 = vector.load %arg3[%swap3A, %swap3A_11] : memref<512x64xf32, #tpu.memory_space<vmem>>, vector<512x64xf32>
    tpu.vector_store %arg3[%swap3A, %swap3A_11], %logistic3A_10 {strides = array<i32>} : memref<512x64xf32, #tpu.memory_space<vmem>>, vector<512x64xf32>,
    return
  }
  func.func @transform_0(%arg0: i32) -> (i32, i32) {
    %add3A = arith.constant 32 : i32
    %add3A_0 = arith.addi %arg0, %add3A : i32
    %c0_i32 = arith.constant 0 : i32
    %c0_i32_1 = arith.constant 0 : i32
    return %add3A_0, %c0_i32 : i32, i32
  }
  func.func @transform_1(%arg0: i32) -> (i32, i32) {
    %c0_i32 = arith.constant 0 : i32
    %c0_i32_0 = arith.constant 0 : i32
    %c0_i32_1 = arith.constant 0 : i32
    return %c0_i32, %c0_i32_0 : i32, i32
  }
  func.func @transform_2(%arg0: i32) -> (i32, i32) {
    %c0_i32 = arith.constant 0 : i32
    %c0_i32_0 = arith.constant 0 : i32
    return %arg0, %c0_i32 : i32, i32
  }
}

module attributes {stable_mosaic.version = 14 : i64} {
  func.func @_score_body(%arg0: i32, %arg1: memref<512x4096xf32, #tpu.memory_space<vmem>>, %arg2: memref<4096x64xf32, #tpu.memory_space<vmem>>, %arg3: memref<512x64xf32, #tpu.memory_space<vmem>>) attributes {dimension_semantics = [#tpu.dimension_semantics<arbitrary>], iteration_bounds = array<i64: 16>, scalar_prefetch = 0 : i64, scratch_operands = 0 : i64, tpu.core_type = #tpu.core_type<tc>, window_params = [{transform_indices = @transform_0, window_bounds = array<i64: 512, 4096>}, {pipeline_mode = #tpu.pipeline_mode<synchronous>, transform_indices = @transform_1, window_bounds = array<i64: 4096, 64>}, {transform_indices = @transform_2, window_bounds = array<i64: 512, 64>}]} {
    %get3A = arith.constant 0 : index
    %get3A_0 = arith.constant 0 : index
    %get3A_1 = vector.load %arg1[%get3A, %get3A_0] : memref<512x4096xf32, #tpu.memory_space<vmem>>, vector<512x4096xf32>
    %get3A_2 = arith.constant 0 : index
    %get3A_3 = arith.constant 0 : index
    %get3A_4 = vector.load %arg2[%get3A_2, %get3A_3] : memref<4096x64xf32, #tpu.memory_space<vmem>>, vector<4096x64xf32>
    %dot_general3A = arith.constant dense<0.000000e+00> : vector<512x64xf32>
    %dot_general3A_5 = tpu.matmul %get3A_1, %get3A_4, %dot_general3A {dimension_numbers = #tpu.dot_dimension_numbers<[1], [0], [0], [1], [0, 0, 1, 1], [], []>, transpose_lhs_hint = false} : vector<512x4096xf32>, vector<4096x64xf32>, vector<512x64xf32> -> vector<512x64xf32>
    %logistic3A = arith.negf %dot_general3A_5 : vector<512x64xf32>
    %logistic3A_6 = math.exp %logistic3A : vector<512x64xf32>
    %logistic3A_7 = arith.constant 1.000000e+00 : f32
    %logistic3A_8 = vector.broadcast %logistic3A_7 : f32 to vector<512x64xf32>
    %logistic3A_9 = arith.addf %logistic3A_8, %logistic3A_6 : vector<512x64xf32>
    %logistic3A_10 = arith.divf %logistic3A_8, %logistic3A_9 : vector<512x64xf32>
    %swap3A = arith.constant 0 : index
    %swap3A_11 = arith.constant 0 : index
    %swap3A_12 = vector.load %arg3[%swap3A, %swap3A_11] : memref<512x64xf32, #tpu.memory_space<vmem>>, vector<512x64xf32>
    tpu.vector_store %arg3[%swap3A, %swap3A_11], %logistic3A_10 {strides = array<i32>} : memref<512x64xf32, #tpu.memory_space<vmem>>, vector<512x64xf32>,
    return
  }
  func.func @transform_0(%arg0: i32) -> (i32, i32) {
    %add3A = arith.constant 0 : i32
    %add3A_0 = arith.addi %arg0, %add3A : i32
    %c0_i32 = arith.constant 0 : i32
    %c0_i32_1 = arith.constant 0 : i32
    return %add3A_0, %c0_i32 : i32, i32
  }
  func.func @transform_1(%arg0: i32) -> (i32, i32) {
    %c0_i32 = arith.constant 0 : i32
    %c0_i32_0 = arith.constant 0 : i32
    %c0_i32_1 = arith.constant 0 : i32
    return %c0_i32, %c0_i32_0 : i32, i32
  }
  func.func @transform_2(%arg0: i32) -> (i32, i32) {
    %c0_i32 = arith.constant 0 : i32
    %c0_i32_0 = arith.constant 0 : i32
    return %arg0, %c0_i32 : i32, i32
  }
}

module attributes {stable_mosaic.version = 14 : i64} {
  func.func @_score_body(%arg0: i32, %arg1: memref<512x4096xf32, #tpu.memory_space<vmem>>, %arg2: memref<4096x64xf32, #tpu.memory_space<vmem>>, %arg3: memref<512x64xf32, #tpu.memory_space<vmem>>) attributes {dimension_semantics = [#tpu.dimension_semantics<arbitrary>], iteration_bounds = array<i64: 16>, scalar_prefetch = 0 : i64, scratch_operands = 0 : i64, tpu.core_type = #tpu.core_type<tc>, window_params = [{transform_indices = @transform_0, window_bounds = array<i64: 512, 4096>}, {pipeline_mode = #tpu.pipeline_mode<synchronous>, transform_indices = @transform_1, window_bounds = array<i64: 4096, 64>}, {transform_indices = @transform_2, window_bounds = array<i64: 512, 64>}]} {
    %get3A = arith.constant 0 : index
    %get3A_0 = arith.constant 0 : index
    %get3A_1 = vector.load %arg1[%get3A, %get3A_0] : memref<512x4096xf32, #tpu.memory_space<vmem>>, vector<512x4096xf32>
    %get3A_2 = arith.constant 0 : index
    %get3A_3 = arith.constant 0 : index
    %get3A_4 = vector.load %arg2[%get3A_2, %get3A_3] : memref<4096x64xf32, #tpu.memory_space<vmem>>, vector<4096x64xf32>
    %dot_general3A = arith.constant dense<0.000000e+00> : vector<512x64xf32>
    %dot_general3A_5 = tpu.matmul %get3A_1, %get3A_4, %dot_general3A {dimension_numbers = #tpu.dot_dimension_numbers<[1], [0], [0], [1], [0, 0, 1, 1], [], []>, transpose_lhs_hint = false} : vector<512x4096xf32>, vector<4096x64xf32>, vector<512x64xf32> -> vector<512x64xf32>
    %logistic3A = arith.negf %dot_general3A_5 : vector<512x64xf32>
    %logistic3A_6 = math.exp %logistic3A : vector<512x64xf32>
    %logistic3A_7 = arith.constant 1.000000e+00 : f32
    %logistic3A_8 = vector.broadcast %logistic3A_7 : f32 to vector<512x64xf32>
    %logistic3A_9 = arith.addf %logistic3A_8, %logistic3A_6 : vector<512x64xf32>
    %logistic3A_10 = arith.divf %logistic3A_8, %logistic3A_9 : vector<512x64xf32>
    %swap3A = arith.constant 0 : index
    %swap3A_11 = arith.constant 0 : index
    %swap3A_12 = vector.load %arg3[%swap3A, %swap3A_11] : memref<512x64xf32, #tpu.memory_space<vmem>>, vector<512x64xf32>
    tpu.vector_store %arg3[%swap3A, %swap3A_11], %logistic3A_10 {strides = array<i32>} : memref<512x64xf32, #tpu.memory_space<vmem>>, vector<512x64xf32>,
    return
  }
  func.func @transform_0(%arg0: i32) -> (i32, i32) {
    %add3A = arith.constant 16 : i32
    %add3A_0 = arith.addi %arg0, %add3A : i32
    %c0_i32 = arith.constant 0 : i32
    %c0_i32_1 = arith.constant 0 : i32
    return %add3A_0, %c0_i32 : i32, i32
  }
  func.func @transform_1(%arg0: i32) -> (i32, i32) {
    %c0_i32 = arith.constant 0 : i32
    %c0_i32_0 = arith.constant 0 : i32
    %c0_i32_1 = arith.constant 0 : i32
    return %c0_i32, %c0_i32_0 : i32, i32
  }
  func.func @transform_2(%arg0: i32) -> (i32, i32) {
    %c0_i32 = arith.constant 0 : i32
    %c0_i32_0 = arith.constant 0 : i32
    return %arg0, %c0_i32 : i32, i32
  }
}

module attributes {stable_mosaic.version = 14 : i64} {
  func.func @_hist_body(%arg0: memref<128x64xf32, #tpu.memory_space<vmem>>, %arg1: memref<1x64xf32, #tpu.memory_space<vmem>>) attributes {dimension_semantics = [], scalar_prefetch = 0 : i64, scratch_operands = 0 : i64, tpu.core_type = #tpu.core_type<tc>} {
    %get3A = arith.constant 0 : index
    %get3A_0 = arith.constant 0 : index
    %get3A_1 = vector.load %arg0[%get3A, %get3A_0] : memref<128x64xf32, #tpu.memory_space<vmem>>, vector<128x64xf32>
    %reduce_sum3A = arith.constant dense<0.000000e+00> : vector<64xf32>
    %reduce_sum3A_2 = vector.multi_reduction <add>, %get3A_1, %reduce_sum3A [0] : vector<128x64xf32> to vector<64xf32>
    %broadcast_in_dim3A = vector.shape_cast %reduce_sum3A_2 : vector<64xf32> to vector<1x64xf32>
    %swap3A = arith.constant 0 : index
    %swap3A_3 = arith.constant 0 : index
    %swap3A_4 = vector.load %arg1[%swap3A, %swap3A_3] : memref<1x64xf32, #tpu.memory_space<vmem>>, vector<1x64xf32>
    tpu.vector_store %arg1[%swap3A, %swap3A_3], %broadcast_in_dim3A {strides = array<i32>} : memref<1x64xf32, #tpu.memory_space<vmem>>, vector<1x64xf32>,
    return
  }
}

</mosaic_0001>

<sc_bundles>
// kernel: kernel.11.cloned.1.call-start
scs
__scs_entry_jumppad:
0x0: {  	(pc) =	sbr.rel $0x88, $3  }
0x1: {  	(tag) =	ssettag $0x0;
	lr =	simm.s32 $0x1  }
0x2: {  	[smem:$0x3F9E] =	sst lr;
	_ =	strace $0xD0000000  }
0x3: {  	_ = 	snop  }
0x4: {  	_ = 	snop  }
0x5: {  	_ = 	snop  }
0x6: {  	_ = 	snop  }
0x7: {  	_ = 	snop  }
__scs_overlays_trampoline_lowered:
0x8: {  	[smem:$0x3FAD] =	sst s0  }
0x9: {  	[smem:$0x3FAE] =	sst s1  }
0xa: {  	[smem:$0x3FAF] =	sst s2  }
0xb: {  	[smem:$0x3FB0] =	sst s3  }
0xc: {  	[smem:$0x3FB1] =	sst s4  }
0xd: {  	[smem:$0x3FB2] =	sst s5  }
0xe: {  	[smem:$0x3FB3] =	sst s6  }
0xf: {  	[smem:$0x3FB4] =	sst s7  }
0x10: {  	[smem:$0x3FB5] =	sst s8  }
0x11: {  	[smem:$0x3FB6] =	sst s9;
	s0 =	simm.s32 @!p0 $0x0  }
0x12: {  	s1 =	sld [smem:$0x3F9C];
	s0 =	simm.s32 @p0 $0x1  }
0x13: {  	[smem:$0x3FB7] =	sst s0;
	s0 =	simm.s32 @!p1 $0x0  }
0x14: {  	s2 =	sld [smem:$0x3F9B];
	s0 =	simm.s32 @p1 $0x1  }
0x15: {  	[smem:$0x3FB8] =	sst s0;
	s0 =	simm.s32 @!p2 $0x0  }
0x16: {  	s3 =	sld [smem:$0x3FDB];
	s0 =	simm.s32 @p2 $0x1  }
0x17: {  	s4 =	simm.s32 $0x1BF5;
	[smem:$0x3FBA] =	sst s0  }
0x18: {  	s0 =	sld [smem:$0x3F9D];
	_ =	swait.ge [sflag:s4], $0x0  }
0x19: {  	s7 =	sld [smem:$0x3F9E]  }
0x1a: {  	s8 =	sadd.s32 $0xFFFFE003, lr  }
0x1b: {  	s9 =	sadd.s32 $0xFFFFFEF7, lr;
	s5 =	simm.s32 $0xFFFFFFFF;
	p2 =	slt.u32 s8, $0xFFFFF086  }
0x1c: {  	p1 =	slt.u32 s9, $0xF7A;
	s5 =	simm.s32 @!p2 $0x0  }
0x1d: {  	s5 =	simm.s32 @p1 $0x1;
	p0 =	seq.s32 s7, s2  }
0x1e: {  	s7 =	smul.u32 @!p0 $0xF7A, s2;
	p2 =	seq.s32 @!p0 s5, $0x0  }
0x1f: {  	s9 =	smul.u32 $0xF7A, s1;
	s8 =	simm.s32 @!p0 $0x1BF5;
	p2 =	por !p2, p0  }
0x20: {  	[sflag:s8] =	ssyncset.s32 @!p0 $0xFFFFF086;
	s6 =	sadd.s32 @!p0 s3, s7;
	s7 =	simm.s32 @!p0 $0x108  }
0x21: {  	s3 =	sadd.s32 s3, s9;
	s6 =	sadd.s32 @!p0 $0x88, s6;
	s7 =	simm.s32 @p2 $0x1082  }
0x22: {  	[simem:s7], [sflag:s8] =	dma.local @!p0 [hbm:s6], $0xF7A  }
0x23: {  	s9 =	sor.u32 $0xD0000000, s2;
	s6 =	simm.s32 $0x108;
	_ =	swait.ge @!p0 [sflag:s8], $0x0  }
0x24: {  	s3 =	sadd.s32 $0x88, s3;
	s6 =	simm.s32 @!p1 $0x1082;
	[sflag:s4] =	ssyncset.s32 $0xFFFFF086  }
0x25: {  	[simem:s6], [sflag:s4] =	dma.local [hbm:s3], $0xF7A  }
0x26: {  	[smem:$0x3F9E] =	sst s1;
	(tag) =	ssettag s2;
	_ =	strace s9  }
0x27: {  	s1 =	sld [smem:$0x3FAE]  }
0x28: {  	s2 =	sld [smem:$0x3FAF]  }
0x29: {  	s4 =	sld [smem:$0x3FB1]  }
0x2a: {  	p0 =	seq.s32 s5, $0x0;
	s5 =	sld [smem:$0x3FB2]  }
0x2b: {  	s6 =	sld [smem:$0x3FB3]  }
0x2c: {  	s7 =	sld [smem:$0x3FB4]  }
0x2d: {  	s3 =	simm.s32 $0x108;
	s8 =	sld [smem:$0x3FB5]  }
0x2e: {  	s3 =	simm.s32 @!p0 $0x1082;
	s9 =	sld [smem:$0x3FB6]  }
0x2f: {  	lr =	sadd.s32 s0, s3;
	s0 =	sld [smem:$0x3FAD]  }
0x30: {  	s3 =	sld [smem:$0x3FB0]  }
0x31: {  	[smem:$0x3FB9] =	sst s10  }
0x32: {  	s10 =	sld [smem:$0x3FB7];
	_ =	sdelay $0x3  }
0x33: {  	p0 =	seq.s32 s10, $0x1;
	s10 =	sld [smem:$0x3FB9];
	_ =	sdelay $0x3  }
0x34: {  	[smem:$0x3FB9] =	sst s10  }
0x35: {  	s10 =	sld [smem:$0x3FB8];
	_ =	sdelay $0x3  }
0x36: {  	p1 =	seq.s32 s10, $0x1;
	s10 =	sld [smem:$0x3FB9];
	_ =	sdelay $0x3  }
0x37: {  	[smem:$0x3FB9] =	sst s10  }
0x38: {  	s10 =	sld [smem:$0x3FBA]  }
0x39: {  	_ = 	snop;
	(pc) =	sbr.ind lr, $3  }
0x3a: {  	_ = 	snop  }
0x3b: {  	_ = 	snop  }
0x3c: {  	p2 =	seq.s32 s10, $0x1;
	s10 =	sld [smem:$0x3FB9]  }
0x3d: {  	_ =	shalt  }
0x3e: {  	_ =	shalt  }
0x3f: {  	_ =	shalt  }
0x40: {  	_ =	shalt  }
0x41: {  	_ =	shalt  }
0x42: {  	_ =	shalt  }
0x43: {  	_ =	shalt  }
0x44: {  	_ =	shalt  }
0x45: {  	_ =	shalt  }
0x46: {  	_ =	shalt  }
0x47: {  	_ =	shalt  }
0x48: {  	_ =	shalt  }
0x49: {  	_ =	shalt  }
0x4a: {  	_ =	shalt  }
0x4b: {  	_ =	shalt  }
0x4c: {  	_ =	shalt  }
0x4d: {  	_ =	shalt  }
0x4e: {  	_ =	shalt  }
0x4f: {  	_ =	shalt  }
0x50: {  	_ =	shalt  }
0x51: {  	_ =	shalt  }
0x52: {  	_ =	shalt  }
0x53: {  	_ =	shalt  }
0x54: {  	_ =	shalt  }
0x55: {  	_ =	shalt  }
0x56: {  	_ =	shalt  }
0x57: {  	_ =	shalt  }
0x58: {  	_ =	shalt  }
0x59: {  	_ =	shalt  }
0x5a: {  	_ =	shalt  }
0x5b: {  	_ =	shalt  }
0x5c: {  	_ =	shalt  }
0x5d: {  	_ =	shalt  }
0x5e: {  	_ =	shalt  }
0x5f: {  	_ =	shalt  }
0x60: {  	_ =	shalt  }
0x61: {  	_ =	shalt  }
0x62: {  	_ =	shalt  }
0x63: {  	_ =	shalt  }
0x64: {  	_ =	shalt  }
0x65: {  	_ =	shalt  }
0x66: {  	_ =	shalt  }
0x67: {  	_ =	shalt  }
0x68: {  	_ =	shalt  }
0x69: {  	_ =	shalt  }
0x6a: {  	_ =	shalt  }
0x6b: {  	_ =	shalt  }
0x6c: {  	_ =	shalt  }
0x6d: {  	_ =	shalt  }
0x6e: {  	_ =	shalt  }
0x6f: {  	_ =	shalt  }
0x70: {  	_ =	shalt  }
0x71: {  	_ =	shalt  }
0x72: {  	_ =	shalt  }
0x73: {  	_ =	shalt  }
0x74: {  	_ =	shalt  }
0x75: {  	_ =	shalt  }
0x76: {  	_ =	shalt  }
0x77: {  	_ =	shalt  }
0x78: {  	_ =	shalt  }
0x79: {  	_ =	shalt  }
0x7a: {  	_ =	shalt  }
0x7b: {  	_ =	shalt  }
0x7c: {  	_ =	shalt  }
0x7d: {  	_ =	shalt  }
0x7e: {  	_ =	shalt  }
0x7f: {  	_ =	shalt  }
0x80: {  	_ =	shalt  }
0x81: {  	_ =	shalt  }
0x82: {  	_ =	shalt  }
0x83: {  	_ =	shalt  }
0x84: {  	_ =	shalt  }
0x85: {  	_ =	shalt  }
0x86: {  	_ =	shalt  }
0x87: {  	_ =	shalt  }
.Lfunc_end0:
.L_simem_size_0:
called_computation_lowered:
.L_overlay_start_0:
0x88: {  	s2 =	sld [smem:$0x3FD9]  }
0x89: {  	s3 =	sld [smem:$0x3FFE];
	_ =	sdelay $0x1  }
0x8a: {  	s1 =	srdreg.scid  }
0x8b: {  	s0 =	sand.u32 $0x1, s1  }
0x8c: {  	s15 =	sshll.u32 s0, $0xA;
	s2 =	sadd.s32 s3, s2  }
0x8d: {  	s2 =	sadd.s32 s2, s15  }
0x8e: {  	[smem:$0x3FC5] =	sst s2  }
0x8f: {  	_ = 	snop  }
0x90: {  	s16 =	sld [smem:$0x3FD0];
	_ =	sdelay $0x2  }
0x91: {  	s5 =	simm.s32 $0xD;
	s4 =	simm.s32 $0x10;
	s2 =	sld [smem:$0x3FC8]  }
0x92: {  	[smem:s4], [sflag:s5] =	dma.local [hbm:s16], $0x1  }
0x93: {  	_ =	swait.eq [sflag:s5], $0x1  }
0x94: {  	[sflag:s5] =	ssyncset.done $0x0  }
0x95: {  	s17 =	sld [smem:$0x10];
	[sflag:s5] =	ssyncadd.s32 $0xFFFFFFFF  }
0x96: {  	s18 =	sld [smem:$0x11];
	(tm) =	ssettm $0x1  }
0x97: {  	s19 =	sld [smem:$0x3FFB];
	_ =	sdelay $0x3  }
0x98: {  	_ =	strace s19  }
0x99: {  	s3 =	sld [smem:$0x3FFC];
	_ =	sdelay $0x3  }
0x9a: {  	_ =	strace s3  }
0x9b: {  	s3 =	sld [smem:$0x3FFD];
	_ =	sdelay $0x3  }
0x9c: {  	_ =	strace s3  }
0x9d: {  	_ =	strace $0x8FFFFFFF  }
0x9e: {  	s20 =	sld [smem:$0x3FDB];
	_ =	sdelay $0x1  }
0x9f: {  	s6 =	simm.s32 $_scs_section_size  }
0xa0: {  	s7 =	simm.s32 $_size__tile_overlayer_lowered;
	s8 =	simm.s32 $_tile_overlayer_lowered  }
0xa1: {  	s9 =	simm.s32 $0x1BFF;
	s21 =	sshll.u32 s8, $0x1;
	s6 =	sadd.s32 s6, s20  }
0xa2: {  	s22 =	simm.s32 $0x0;
	s7 =	sshll.u32 s7, $0x1;
	s8 =	sadd.s32 s21, s6  }
0xa3: {  	[timem:s22], [sflag:s9] =	dma.local [hbm:s8], s7  }
0xa4: {  	_ =	swait.ge [sflag:s9], s7  }
0xa5: {  	s7 =	ssub.s32 $0x0, s7;
	[sflag:s9] =	ssyncset.done $0x0  }
0xa6: {  	[sflag:s9] =	ssyncadd.s32 s7;
	_ =	sdelay $0x1  }
0xa7: {  	s23 =	simm.s32 $0x1B8B  }
0xa8: {  	_ =	swait.ge [sflag:s23], $0x1  }
0xa9: {  	[sflag:s23] =	ssyncset.done $0x0  }
0xaa: {  	[sflag:s23] =	ssyncadd.s32 $0xFFFFFFFF  }
0xab: {  	s7 =	sld [smem:$0x0]  }
0xac: {  	s8 =	sand.u32 $0xFFFFFFFE, s1  }
0xad: {  	p0 =	sne.s32 s1, s8  }
0xae: {  	s8 =	sshll.u32 @p0 s8, $0xE  }
0xaf: {  	s8 =	sadd.s32 @p0 $0x11B8D, s8;
	s9 =	sshll.u32 @p0 s7, $0x11  }
0xb0: {  	s8 =	sor.u32 @p0 s9, s8  }
0xb1: {  	[sflag:s8] =	ssyncadd.remote.s32 @p0 $0x1;
	_ =	sdelay $0x1  }
0xb2: {  	s8 =	simm.s32 @p0 $0x1B8D  }
0xb3: {  	_ =	swait.eq @p0 [sflag:s8], $0x1  }
0xb4: {  	[sflag:s8] =	ssyncadd.s32 @p0 $0xFFFFFFFF  }
0xb5: {  	s9 =	sshll.u32 @!p0 s1, $0xE  }
0xb6: {  	s9 =	sor.u32 @!p0 $0x4000, s9;
	s8 =	simm.s32 @!p0 $0x1B8D  }
0xb7: {  	s7 =	sshll.u32 @!p0 s7, $0x11;
	s9 =	sadd.s32 @!p0 $0x11B8D, s9;
	_ =	swait.eq @!p0 [sflag:s8], $0x1  }
0xb8: {  	s7 =	sor.u32 @!p0 s7, s9;
	[sflag:s8] =	ssyncadd.s32 @!p0 $0xFFFFFFFF  }
0xb9: {  	s25 =	simm.s32 $0x1B8E;
	s24 =	sld [smem:$0x3FFE];
	[sflag:s7] =	ssyncadd.remote.s32 @!p0 $0x1  }
0xba: {  	s26 =	simm.s32 $execute0_lowered;
	[smem:$0x3FD2] =	sst s25  }
0xbb: {  	s8 =	sshll.u32 s26, $0x1;
	_ =	strace $0x8000004F;
	[dreg:$0x1] =	wrdreg $0xFFFFFFFF  }
0xbc: {  	s28 =	simm.s32 $_size_execute0_lowered;
	s6 =	sadd.s32 s6, s8;
	[dreg:$0x0] =	wrdreg $0x0  }
0xbd: {  	s8 =	sshll.u32 s28, $0x1;
	[dreg:$0x2] =	wrdreg s6  }
0xbe: {  	[dreg:$0x3] =	wrdreg s8  }
0xbf: {  	[dreg:$0x4] =	wrdreg $0xC0  }
0xc0: {  	_ =	task [dreg:s22], $0x5FFFF  }
0xc1: {  	[dreg:$0x1] =	wrdreg $0xFFFFFFFF  }
0xc2: {  	[dreg:$0x0] =	wrdreg $0x60  }
0xc3: {  	[dreg:$0x2] =	wrdreg s24  }
0xc4: {  	[dreg:$0x3] =	wrdreg s2  }
0xc5: {  	[dreg:$0x4] =	wrdreg s18  }
0xc6: {  	[dreg:$0x5] =	wrdreg s17  }
0xc7: {  	[dreg:$0x6] =	wrdreg $0x9  }
0xc8: {  	_ =	task.clear_ibuf [dreg:s22], $0x7FFFF;
	_ =	strace $0x9000004F  }
0xc9: {  	s29 =	simm.s32 $0x9;
	_ =	strace $0x80000051  }
0xca: {  	_ =	swait.ge [sflag:s29], $0x1  }
0xcb: {  	[sflag:s29] =	ssyncadd.s32 $0xFFFFFFFF  }
0xcc: {  	_ =	strace $0x90000051  }
0xcd: {  	_ =	sfence  }
0xce: {  	s30 =	sld [smem:$0x0];
	_ =	sdelay $0x2  }
0xcf: {  	s31 =	sshll.u32 s1, $0xD;
	s1 =	sshrl.u32 s1, $0x2  }
0xd0: {  	s4 =	sand.u32 $0x4000, s31;
	s1 =	sadd.s32 s1, s30  }
0xd1: {  	s0 =	sor.u32 s4, s0;
	s1 =	sshll.u32 s1, $0x11  }
0xd2: {  	s0 =	sor.u32 s1, s0  }
0xd3: {  	s0 =	sadd.s32 $0x8F2B, s0  }
0xd4: {  	[sflag:s0] =	ssyncadd.remote.s32 $0x1  }
0xd5: {  	_ =	sfence.sel $0xFFFF  }
0xd6: {  	[dreg:$0x0] =	wrdreg $0xFFFFFFFF;
	(pc) =	sbr.abs _section_cstart, $3  }
0xd7: {  	[dreg:$0x1] =	wrdreg $0xFFFFFFFF  }
0xd8: {  	_ =	task.clear_ibuf [dreg:s22], $0x2FFFF;
	_ =	strace $0x9FFFFFFF  }
0xd9: {  	(tm) =	ssettm $0x7FFFFFFF  }
tec
execute0_lowered:
.L_overlay_start_1:
0x0: {  	(tag) =	ssettag $0x1  }
0x1: {  	s4 =	rddreg [dreg:$0x0]  }
0x2: {  	s1 =	rddreg [dreg:$0x1]  }
0x3: {  	s5 =	rddreg [dreg:$0x2]  }
0x4: {  	s6 =	rddreg [dreg:$0x3]  }
0x5: {  	s0 =	rddreg [dreg:$0x4]  }
0x6: {  	s7 =	srdreg.scid;
	s2 =	stileid.u32;
	s3 =	simm.s32 $0x0;
	v0 =	vimm.s32 $0xE40000  }
0x7: {  	s12 =	simm.s32 $0x8080;
	s13 =	simm.s32 $0x8880;
	s14 =	simm.s32 $0x0;
	v1 =	vunpack.c.l.s2.s4 v0  }
0x8: {  	s7 =	sand.u32 $0x1, s7;
	s8 =	sshll.u32 s2, $0x1;
	[smem:$0x7FF] =	sst s3  }
0x9: {  	s8 =	sor.u32 s7, s8;
	_ =	strace $0x80000050;
	s7 =	ssub.s32 $0x2, s7;
	v3 =	vunpack.c.l.s4.s8 v1  }
0xa: {  	v6 =	vimm.s32 $0x7060504;
	vm1 =	vcmask $0x3F30;
	vm0 =	vmmov $0xff;
	s9 =	sshll.u32 s8, $0xC;
	s10 =	sshll.u32 s8, $0x4;
	s31 =	sshrl.u32 s7, $0x1  }
0xb: {  	v0 =	vlaneseq.u32;
	v8 =	vunpack.c.0.s8.s32 v6;
	s8 =	sshll.u32 s8, $0x8;
	s9 =	sadd.s32 s9, s4;
	s10 =	sadd.s32 s10, s4;
	v7 =	vunpack.c.0.s8.s32 v3  }
0xc: {  	v6 =	vimm.f32 $1.000000000e+00;
	v2 =	vor.u32 $0x10, v0;
	v5 =	vmul.u32 $0xFFFFFFFF, v0;
	s11 =	ssub.s32 s7, s31;
	s5 =	sadd.s32 s5, s8;
	s6 =	sadd.s32 s6, s8  }
0xd: {  	v4 =	vor.u32 $0x30, v0;
	v1 =	vimm.f32 $0.0e+00;
	s4 =	sadd.s32 $0x6FC00, s9;
	s7 =	sadd.s32 $0x8FC00, s10;
	s8 =	smax.u32 s11, $0x1;
	v7 =	vand.u32 $0x3, v7  }
0xe: {  	v5 =	vadd.s32 $0xF, v5;
	v3 =	vor.u32 $0x20, v0;
	s9 =	simm.s32 $0x8000;
	s10 =	simm.s32 $0x1;
	s11 =	simm.s32 $0x9080;
	v7 =	vsel vm1, v8, v7  }
.LBB2_1:
0xf: {  	[tilespmem:s9], [sflag:$0x1] =	stream.linear.gather [hbm4b:s1+s3], $0x80, $0x38;
	[tilespmem:$0x9100] =	vst v63  }
0x10: {  	_ =	swait.ge [sflag:s10], $0x80  }
0x11: {  	[sflag:s10] =	ssyncset.done $0x0  }
0x12: {  	[sflag:s10] =	ssyncadd.s32 $0xFFFFFF80  }
0x13: {  	[tilespmem:s3], [sflag:$0x1] =	stream.linear.gather [hbm4b:s4+s3], $0x8000, $0x38;
	[tilespmem:$0x9100] =	vst v63  }
0x14: {  	_ =	swait.ge [sflag:s10], $0x8000  }
0x15: {  	[sflag:s10] =	ssyncset.done $0x0  }
0x16: {  	[sflag:s10] =	ssyncadd.s32 $0xFFFF8000  }
0x17: {  	[tilespmem:$0x9080] =	vst v1;
	v8 =	vld [tilespmem:$0x8000]  }
0x18: {  	[tilespmem:$0x9090] =	vst v1;
	v10 =	vld [tilespmem:$0x8010]  }
0x19: {  	[tilespmem:$0x90A0] =	vst v1;
	v9 =	vld [tilespmem:$0x8020]  }
0x1a: {  	s16 =	simm.s32 $0x100;
	[tilespmem:$0x90B0] =	vst v1;
	v11 =	vld [tilespmem:$0x8030]  }
0x1b: {  	v12 =	vld [tilespmem:s16+$0x10]  }
0x1c: {  	v13 =	vld [tilespmem:s16+$0x30]  }
0x1d: {  	v14 =	vld [tilespmem:s16+$0xFFFFFF30]  }
0x1e: {  	v15 =	vld [tilespmem:s16+$0xFFFFFF10]  }
0x1f: {  	v16 =	vld [tilespmem:s16+$0xFFFFFF20]  }
0x20: {  	v17 =	vld [tilespmem:s16+$0x0];
	v12 =	vadd.f32 v12, v10  }
0x21: {  	v18 =	vld [tilespmem:s16+$0x20];
	v13 =	vadd.f32 v13, v11  }
0x22: {  	(xrf1) =	vsort.dscd.msk.f32 $0xffff, v12, v2;
	v12 =	vadd.f32 v14, v11  }
0x23: {  	v14 =	vadd.f32 v15, v10;
	(xrf1) =	vsort.dscd.msk.f32 $0xffff, v13, v4  }
0x24: {  	v13 =	vadd.f32 v16, v9;
	(xrf1) =	vsort.dscd.msk.f32 $0xffff, v12, v4  }
0x25: {  	v12 =	vadd.f32 v17, v8;
	(xrf1) =	vsort.dscd.msk.f32 $0xffff, v14, v2  }
0x26: {  	v14 =	vadd.f32 v18, v9;
	(xrf1) =	vsort.dscd.msk.f32 $0xffff, v13, v3  }
0x27: {  	(xrf1) =	vsort.dscd.msk.f32 $0xffff, v12, v0  }
0x28: {  	(xrf1) =	vsort.dscd.msk.f32 $0xffff, v14, v3;
	_ =	sdelay $0x2  }
0x29: {  	v12 =	vld [tilespmem:s16+$0xFFFFFF00];
	_ =	sdelay $0x4  }
0x2a: {  	v12 =	vadd.f32 v12, v8;
	v13, v14, _ =	vpop (xrf1)  }
0x2b: {  	v15, v16, _ =	vpop (xrf1)  }
0x2c: {  	v17, v18, _ =	vpop (xrf1)  }
0x2d: {  	v19, v20, _ =	vpop (xrf1);
	(xrf1) =	vsort.dscd.msk.f32 $0xffff, v12, v0  }
0x2e: {  	v12, v21, _ =	vpop (xrf1)  }
0x2f: {  	v15 =	vperm.xlane v15, v5;
	v16 =	vperm.xlane v16, v5;
	v22, v23, _ =	vpop (xrf1)  }
0x30: {  	v13 =	vperm.xlane v13, v5;
	v24, v25, _ =	vpop (xrf1)  }
0x31: {  	v14 =	vperm.xlane v14, v5;
	vm1 =	veq.f32 v24, v15;
	vm2 =	vlt.s32 v25, v16  }
0x32: {  	vm3 =	veq.f32 v22, v13;
	vm4 =	vgt.f32 v24, v15;
	vm1 =	vmand vm1, vm2  }
0x33: {  	vm5 =	vgt.f32 v22, v13;
	vm2 =	vlt.s32 v23, v14;
	vm1 =	vmor vm4, vm1  }
0x34: {  	vm2 =	vmand vm3, vm2;
	v15 =	vsel vm1, v24, v15;
	v16 =	vsel vm1, v25, v16  }
0x35: {  	vm1 =	vmor vm5, vm2;
	(xrf1) =	vsort.dscd.msk.f32 $0xffff, v15, v16  }
0x36: {  	v13 =	vsel vm1, v22, v13;
	v14 =	vsel vm1, v23, v14  }
0x37: {  	(xrf1) =	vsort.dscd.msk.f32 $0xffff, v13, v14;
	_ =	sdelay $0x1  }
0x38: {  	v13 =	vperm.xlane v17, v5;
	v14 =	vperm.xlane v18, v5  }
0x39: {  	v15 =	vperm.xlane v19, v5;
	v16 =	vperm.xlane v20, v5  }
0x3a: {  	vm1 =	vgt.f32 v12, v13;
	vm2 =	veq.f32 v12, v13;
	vm3 =	vlt.s32 v21, v14;
	v17, v18, _ =	vpop (xrf1)  }
0x3b: {  	vm2 =	vmand vm2, vm3;
	vm4 =	veq.f32 v17, v15;
	vm5 =	vlt.s32 v18, v16  }
0x3c: {  	vm1 =	vmor vm1, vm2;
	vm2 =	vgt.f32 v17, v15;
	vm3 =	vmand vm4, vm5  }
0x3d: {  	v12 =	vsel vm1, v12, v13;
	v13 =	vsel vm1, v21, v14;
	vm1 =	vmor vm2, vm3  }
0x3e: {  	(xrf1) =	vsort.dscd.msk.f32 $0xffff, v12, v13;
	v13 =	vsel vm1, v18, v16  }
0x3f: {  	v12 =	vsel vm1, v17, v15  }
0x40: {  	(xrf1) =	vsort.dscd.msk.f32 $0xffff, v12, v13;
	_ =	sdelay $0x1  }
0x41: {  	v12, v13, _ =	vpop (xrf1)  }
0x42: {  	v12 =	vperm.xlane v12, v5;
	v13 =	vperm.xlane v13, v5  }
0x43: {  	v14, v15, _ =	vpop (xrf1)  }
0x44: {  	vm1 =	veq.f32 v14, v12;
	vm2 =	vlt.s32 v15, v13  }
0x45: {  	vm3 =	vgt.f32 v14, v12;
	vm1 =	vmand vm1, vm2  }
0x46: {  	vm1 =	vmor vm3, vm1  }
0x47: {  	v12 =	vsel vm1, v14, v12;
	v13 =	vsel vm1, v15, v13  }
0x48: {  	(xrf1) =	vsort.dscd.msk.f32 $0xffff, v12, v13;
	_ =	sdelay $0x2  }
0x49: {  	s15 =	simm.s32 $0x300;
	v12, v13, _ =	vpop (xrf1)  }
0x4a: {  	v14 =	vld [tilespmem:s15+$0x10];
	v12 =	vperm.xlane v12, v5;
	v13 =	vperm.xlane v13, v5  }
0x4b: {  	v17 =	vld [tilespmem:s15+$0x30];
	v15, v16, _ =	vpop (xrf1)  }
0x4c: {  	v18 =	vld [tilespmem:s15+$0xFFFFFF30];
	vm1 =	veq.f32 v15, v12;
	vm2 =	vlt.s32 v16, v13  }
0x4d: {  	v19 =	vld [tilespmem:s15+$0xFFFFFF10];
	vm3 =	vgt.f32 v15, v12;
	vm1 =	vmand vm1, vm2  }
0x4e: {  	v20 =	vld [tilespmem:s15+$0xFFFFFF20];
	vm1 =	vmor vm3, vm1  }
0x4f: {  	v14 =	vadd.f32 v14, v10;
	v12 =	vsel vm1, v15, v12;
	v13 =	vsel vm1, v16, v13;
	v15 =	vld [tilespmem:s15+$0x0]  }
0x50: {  	(xrf1) =	vsort.dscd.msk.f32 $0xffff, v12, v13;
	v12 =	vadd.f32 v17, v11;
	v13 =	vld [tilespmem:s15+$0x20]  }
0x51: {  	(xrf1) =	vsort.dscd.msk.f32 $0xffff, v14, v2;
	v14 =	vadd.f32 v18, v11  }
0x52: {  	v16 =	vadd.f32 v19, v10;
	(xrf1) =	vsort.dscd.msk.f32 $0xffff, v12, v4  }
0x53: {  	v12 =	vadd.f32 v20, v9;
	(xrf1) =	vsort.dscd.msk.f32 $0xffff, v14, v4  }
0x54: {  	_, v17, _ =	vpop (xrf1);
	v14 =	vadd.f32 v15, v8;
	(xrf1) =	vsort.dscd.msk.f32 $0xffff, v16, v2  }
0x55: {  	s17 =	simm.s32 $0x100;
	v15 =	vand.u32 $0xFFFFFF80, v17;
	v13 =	vadd.f32 v13, v9;
	(xrf1) =	vsort.dscd.msk.f32 $0xffff, v12, v3  }
0x56: {  	v12 =	vand.u32 $0x7F, v17;
	v15 =	vadd.s32 s17, v15;
	(xrf1) =	vsort.dscd.msk.f32 $0xffff, v14, v0  }
0x57: {  	v12 =	vor.u32 v12, v15;
	(xrf1) =	vsort.dscd.msk.f32 $0xffff, v13, v3;
	v13 =	vld [tilespmem:s15+$0xFFFFFF00];
	_ =	sdelay $0x4  }
0x58: {  	v19 =	vld.idx.msk [tilespmem:v12+s3+$0x0], $0xffff;
	v12 =	vadd.f32 v13, v8  }
0x59: {  	[tilespmem:v17+s11+$0x0] =	vst.idx.add.f32.msk $0xff, v6  }
0x5a: {  	v13 =	vld [tilespmem:s16+$0xB0]  }
0x5b: {  	v14 =	vld [tilespmem:s16+$0x90];
	_, v18, _ =	vpop (xrf1)  }
0x5c: {  	v16 =	vld [tilespmem:s16+$0xA0];
	(xrf1) =	vsort.dscd.msk.f32 $0xffff, v12, v0;
	v12, v15, _ =	vpop (xrf1)  }
0x5d: {  	s25 =	simm.s32 $0x0;
	v23 =	vld [tilespmem:s16+$0x80];
	v20 =	vand.u32 $0xFFFFFF80, v18;
	v21, v22, _ =	vpop (xrf1)  }
0x5e: {  	v24 =	vand.u32 $0x7F, v18;
	v20 =	vadd.s32 s25, v20;
	v25, v26, _ =	vpop (xrf1)  }
0x5f: {  	v20 =	vor.u32 v24, v20;
	v24 =	vperm.xlane v12, v5;
	v12 =	vadd.f32 v13, v11;
	v27, v28, _ =	vpop (xrf1)  }
0x60: {  	v13 =	vperm.xlane v15, v5;
	v15 =	vperm.xlane v21, v5;
	v14 =	vadd.f32 v14, v10;
	v21, v29, _ =	vpop (xrf1)  }
0x61: {  	v22 =	vperm.xlane v22, v5;
	v16 =	vadd.f32 v16, v9;
	(xrf1) =	vsort.dscd.msk.f32 $0xffff, v12, v4;
	v30, v31, _ =	vpop (xrf1)  }
0x62: {  	v12 =	vadd.f32 v23, v8;
	(xrf1) =	vsort.dscd.msk.f32 $0xffff, v14, v2;
	vm1 =	veq.f32 v30, v24;
	v32, v33, _ =	vpop (xrf1)  }
0x63: {  	(xrf1) =	vsort.dscd.msk.f32 $0xffff, v16, v3;
	vm2 =	veq.f32 v32, v15;
	vm3 =	vlt.s32 v33, v22  }
0x64: {  	vm4 =	vlt.s32 v31, v13;
	vm5 =	vgt.f32 v32, v15;
	(xrf1) =	vsort.dscd.msk.f32 $0xffff, v12, v0;
	vm2 =	vmand vm2, vm3  }
0x65: {  	vm1 =	vmand vm1, vm4;
	vm2 =	vmor vm5, vm2  }
0x66: {  	v12 =	vld.idx.msk [tilespmem:v20+s3+$0x0], $0xffff;
	vm3 =	vgt.f32 v30, v24;
	v14 =	vsel vm2, v32, v15;
	v15 =	vsel vm2, v33, v22  }
0x67: {  	[tilespmem:v18+s11+$0x0] =	vst.idx.add.f32.msk $0xff, v6;
	v20 =	vperm.xlane v26, v5;
	vm1 =	vmor vm3, vm1;
	(xrf1) =	vsort.dscd.msk.f32 $0xffff, v14, v15  }
0x68: {  	v16 =	vsel vm1, v30, v24;
	v13 =	vsel vm1, v31, v13;
	v14 =	vld [tilespmem:s16+$0xFFFFFFB0];
	v15 =	vperm.xlane v25, v5  }
0x69: {  	v22 =	vperm.xlane v28, v5;
	(xrf1) =	vsort.dscd.msk.f32 $0xffff, v16, v13;
	v13 =	vld [tilespmem:s16+$0xFFFFFF90];
	v16 =	vperm.xlane v27, v5  }
0x6a: {  	vm3 =	vlt.s32 v29, v20;
	v25 =	vld [tilespmem:s16+$0xFFFFFFA0];
	v23, v24, _ =	vpop (xrf1);
	vm1 =	vgt.f32 v21, v15;
	vm2 =	veq.f32 v21, v15  }
0x6b: {  	vm5 =	vlt.s32 v24, v22;
	vm4 =	veq.f32 v23, v16;
	vm2 =	vmand vm2, vm3  }
0x6c: {  	v26 =	vld [tilespmem:s16+$0xFFFFFF80];
	vm3 =	vmand vm4, vm5;
	vm1 =	vmor vm1, vm2;
	vm2 =	vgt.f32 v23, v16  }
0x6d: {  	v15 =	vsel vm1, v21, v15;
	v20 =	vsel vm1, v29, v20;
	v14 =	vadd.f32 v14, v11  }
0x6e: {  	vm1 =	vmor vm2, vm3;
	(xrf1) =	vsort.dscd.msk.f32 $0xffff, v15, v20;
	v13 =	vadd.f32 v13, v10  }
0x6f: {  	v15 =	vsel vm1, v23, v16;
	v16 =	vsel vm1, v24, v22;
	v20 =	vadd.f32 v25, v9;
	v21, v22, _ =	vpop (xrf1)  }
0x70: {  	(xrf1) =	vsort.dscd.msk.f32 $0xffff, v15, v16;
	v15 =	vperm.xlane v21, v5;
	v16 =	vperm.xlane v22, v5;
	v21, v22, _ =	vpop (xrf1)  }
0x71: {  	v23 =	vadd.f32 v26, v8;
	(xrf1) =	vsort.dscd.msk.f32 $0xffff, v14, v4;
	v21 =	vperm.xlane v21, v5;
	v14, v24, _ =	vpop (xrf1)  }
0x72: {  	v22 =	vperm.xlane v22, v5;
	vm1 =	veq.f32 v14, v15;
	vm2 =	vlt.s32 v24, v16;
	v25, v26, _ =	vpop (xrf1)  }
0x73: {  	(xrf1) =	vsort.dscd.msk.f32 $0xffff, v13, v2;
	vm4 =	vgt.f32 v14, v15;
	vm3 =	vgt.f32 v25, v21;
	vm1 =	vmand vm1, vm2  }
0x74: {  	(xrf1) =	vsort.dscd.msk.f32 $0xffff, v20, v3;
	vm2 =	veq.f32 v25, v21;
	vm5 =	vlt.s32 v26, v22;
	vm1 =	vmor vm4, vm1  }
0x75: {  	(xrf1) =	vsort.dscd.msk.f32 $0xffff, v23, v0;
	vm2 =	vmand vm2, vm5;
	v14 =	vsel vm1, v14, v15;
	v15 =	vsel vm1, v24, v16;
	v13, v20, _ =	vpop (xrf1)  }
0x76: {  	vm1 =	vmor vm3, vm2;
	(xrf1) =	vsort.dscd.msk.f32 $0xffff, v14, v15;
	v13 =	vperm.xlane v13, v5;
	v14 =	vperm.xlane v20, v5  }
0x77: {  	v15 =	vsel vm1, v25, v21;
	v20, v21, _ =	vpop (xrf1)  }
0x78: {  	v16 =	vsel vm1, v26, v22;
	vm1 =	veq.f32 v20, v13;
	vm2 =	vlt.s32 v21, v14  }
0x79: {  	(xrf1) =	vsort.dscd.msk.f32 $0xffff, v15, v16;
	vm3 =	vgt.f32 v20, v13;
	vm1 =	vmand vm1, vm2  }
0x7a: {  	vm1 =	vmor vm3, vm1  }
0x7b: {  	v14 =	vsel vm1, v21, v14  }
0x7c: {  	v13 =	vsel vm1, v20, v13;
	_ =	sdelay $0x2  }
0x7d: {  	(xrf1) =	vsort.dscd.msk.f32 $0xffff, v13, v14;
	v13, v14, _ =	vpop (xrf1)  }
0x7e: {  	v13 =	vperm.xlane v13, v5;
	v14 =	vperm.xlane v14, v5;
	v15, v16, _ =	vpop (xrf1)  }
0x7f: {  	s26 =	simm.s32 $0x500;
	v20, v21, _ =	vpop (xrf1)  }
0x80: {  	v22 =	vld [tilespmem:s26+$0x10];
	vm1 =	veq.f32 v15, v13;
	vm2 =	vlt.s32 v16, v14;
	v23, v25, _ =	vpop (xrf1)  }
0x81: {  	v24 =	vld [tilespmem:s26+$0x30];
	vm3 =	vgt.f32 v15, v13;
	vm1 =	vmand vm1, vm2;
	v26, v27, _ =	vpop (xrf1)  }
0x82: {  	v28 =	vld [tilespmem:s26+$0xFFFFFF30];
	vm1 =	vmor vm3, vm1;
	v29, v30, _ =	vpop (xrf1)  }
0x83: {  	v13 =	vsel vm1, v15, v13;
	v31, v60, _ =	vpop (xrf1)  }
0x84: {  	v14 =	vsel vm1, v16, v14;
	v16 =	vperm.xlane v31, v5;
	v31 =	vperm.xlane v60, v5  }
0x85: {  	v15 =	vld [tilespmem:s26+$0xFFFFFF10];
	(xrf1) =	vsort.dscd.msk.f32 $0xffff, v13, v14;
	v14 =	vadd.f32 v22, v10;
	v22, v61, _ =	vpop (xrf1)  }
0x86: {  	v24 =	vadd.f32 v24, v11;
	v13 =	vld [tilespmem:s26+$0xFFFFFF20];
	vm1 =	veq.f32 v22, v16;
	vm2 =	vlt.s32 v61, v31  }
0x87: {  	(xrf1) =	vsort.dscd.msk.f32 $0xffff, v14, v2;
	v14 =	vadd.f32 v28, v11;
	vm3 =	vgt.f32 v22, v16;
	vm1 =	vmand vm1, vm2  }
0x88: {  	v62 =	vld [tilespmem:s26+$0x0];
	(xrf1) =	vsort.dscd.msk.f32 $0xffff, v24, v4;
	vm1 =	vmor vm3, vm1  }
0x89: {  	v34 =	vld [tilespmem:s26+$0x20];
	(xrf1) =	vsort.dscd.msk.f32 $0xffff, v14, v4;
	v14 =	vsel vm1, v22, v16;
	v16 =	vsel vm1, v61, v31  }
0x8a: {  	v15 =	vadd.f32 v15, v10;
	(xrf1) =	vsort.dscd.msk.f32 $0xffff, v14, v16  }
0x8b: {  	_, v24, _ =	vpop (xrf1);
	v13 =	vadd.f32 v13, v9  }
0x8c: {  	s28 =	simm.s32 $0x300;
	(xrf1) =	vsort.dscd.msk.f32 $0xffff, v15, v2;
	v15 =	vand.u32 $0xFFFFFF80, v24  }
0x8d: {  	v14 =	vadd.f32 v62, v8;
	(xrf1) =	vsort.dscd.msk.f32 $0xffff, v13, v3;
	v13 =	vand.u32 $0x7F, v24;
	v15 =	vadd.s32 s28, v15  }
0x8e: {  	v16 =	vadd.f32 v34, v9;
	v13 =	vor.u32 v13, v15  }
0x8f: {  	(xrf1) =	vsort.dscd.msk.f32 $0xffff, v14, v0;
	v14 =	vperm.xlane v20, v5;
	v15 =	vperm.xlane v21, v5  }
0x90: {  	v22 =	vperm.xlane v25, v5;
	(xrf1) =	vsort.dscd.msk.f32 $0xffff, v16, v3;
	v16 =	vld [tilespmem:s26+$0xFFFFFF00]  }
0x91: {  	v20 =	vperm.xlane v23, v5;
	vm1 =	veq.f32 v26, v14;
	vm2 =	vlt.s32 v27, v15  }
0x92: {  	vm3 =	vgt.f32 v26, v14;
	vm1 =	vmand vm1, vm2  }
0x93: {  	vm2 =	veq.f32 v29, v20;
	vm1 =	vmor vm3, vm1;
	vm3 =	vlt.s32 v30, v22;
	v21 =	vld.idx.msk [tilespmem:v13+s3+$0x0], $0xffff  }
0x94: {  	[tilespmem:v24+s11+$0x0] =	vst.idx.add.f32.msk $0xff, v6;
	vm2 =	vmand vm2, vm3;
	vm3 =	vgt.f32 v29, v20;
	_, v23, _ =	vpop (xrf1);
	v14 =	vsel vm1, v26, v14  }
0x95: {  	v15 =	vsel vm1, v27, v15;
	v13 =	vadd.f32 v16, v8;
	v16 =	vld [tilespmem:s15+$0xB0];
	vm1 =	vmor vm3, vm2;
	v26, v27, _ =	vpop (xrf1)  }
0x96: {  	v28 =	vld [tilespmem:s15+$0x90];
	v20 =	vsel vm1, v29, v20;
	v29, v63, _ =	vpop (xrf1)  }
0x97: {  	s29 =	simm.s32 $0x200;
	v25 =	vnsel vm0, $0x0, v12;
	v31 =	vand.u32 $0x7F, v23;
	v40 =	vld [tilespmem:s15+$0xA0];
	(xrf1) =	vsort.dscd.msk.f32 $0xffff, v13, v0;
	v13 =	vand.u32 $0xFFFFFF80, v23;
	v41, v35, _ =	vpop (xrf1)  }
0x98: {  	v22 =	vsel vm1, v30, v22;
	v30 =	vperm.xlane v26, v5;
	v13 =	vadd.s32 s29, v13;
	_, v26, _ =	vpop (xrf1)  }
0x99: {  	s30 =	simm.s32 $0x180;
	(xrf2) =	vadd.scan.msk.f32 $0xffff, v25;
	v36 =	vld [tilespmem:s15+$0x80];
	v13 =	vor.u32 v31, v13;
	v31 =	vand.u32 $0xFFFFFF80, v26  }
0x9a: {  	v25 =	vperm.xlane v27, v5;
	(xrf1) =	vsort.dscd.msk.f32 $0xffff, v14, v15;
	v16 =	vadd.f32 v16, v11;
	v31 =	vadd.s32 s30, v31  }
0x9b: {  	v27 =	vperm.xlane v29, v5;
	(xrf1) =	vsort.dscd.msk.f32 $0xffff, v20, v22;
	v22 =	vadd.f32 v28, v10;
	v15, v29, _ =	vpop (xrf1);
	v28 =	vand.u32 $0x7F, v26  }
0x9c: {  	v33 =	vadd.f32 v40, v9;
	v20, v42, _ =	vpop (xrf1);
	(xrf1) =	vsort.dscd.msk.f32 $0xffff, v16, v4  }
0x9d: {  	v14 =	vperm.xlane v63, v5;
	v37, v38, _ =	vpop (xrf1);
	v16 =	vor.u32 v28, v31;
	(xrf1) =	vsort.dscd.msk.f32 $0xffff, v22, v2  }
0x9e: {  	v36 =	vadd.f32 v36, v8;
	vm1 =	veq.f32 v37, v30;
	(xrf1) =	vsort.dscd.msk.f32 $0xffff, v33, v3;
	v28, v31, _ =	vpop (xrf1)  }
0x9f: {  	vm4 =	vlt.s32 v38, v25;
	vm2 =	veq.f32 v28, v27;
	vm3 =	vlt.s32 v31, v14  }
0xa0: {  	v22 =	vld.idx.msk [tilespmem:v13+s3+$0x0], $0xffff;
	(xrf1) =	vsort.dscd.msk.f32 $0xffff, v36, v0;
	vm5 =	vgt.f32 v28, v27;
	vm2 =	vmand vm2, vm3  }
0xa1: {  	[tilespmem:v23+s11+$0x0] =	vst.idx.add.f32.msk $0xff, v6;
	vm1 =	vmand vm1, vm4;
	vm3 =	vgt.f32 v37, v30;
	vm2 =	vmor vm5, vm2  }
0xa2: {  	v15 =	vperm.xlane v15, v5;
	v16 =	vld.idx.msk [tilespmem:v16+s3+$0x0], $0xffff;
	vm1 =	vmor vm3, vm1;
	v13 =	vsel vm2, v28, v27  }
0xa3: {  	v14 =	vsel vm2, v31, v14;
	v27 =	vsel vm1, v37, v30;
	v28 =	vperm.xlane v35, v5  }
0xa4: {  	(xrf1) =	vsort.dscd.msk.f32 $0xffff, v13, v14;
	v13 =	vsel vm1, v38, v25;
	v14 =	vld [tilespmem:s15+$0xFFFFFFB0];
	v25 =	vperm.xlane v41, v5  }
0xa5: {  	v30, v31, _ =	vpop (xrf1);
	(xrf1) =	vsort.dscd.msk.f32 $0xffff, v27, v13;
	v13 =	vld [tilespmem:s15+$0xFFFFFF90];
	v27 =	vperm.xlane v29, v5;
	v29 =	vnsel vm0, $0x0, v19;
	vm3 =	vlt.s32 v42, v28  }
0xa6: {  	v43 =	vld [tilespmem:s15+$0xFFFFFFA0];
	vm4 =	veq.f32 v30, v15;
	vm1 =	vgt.f32 v20, v25;
	vm2 =	veq.f32 v20, v25  }
0xa7: {  	v44, _, _ =	vpop (xrf2);
	(xrf2) =	vadd.scan.msk.f32 $0xffff, v29;
	v16 =	vnsel vm0, $0x0, v16;
	vm5 =	vlt.s32 v31, v27;
	vm2 =	vmand vm2, vm3  }
0xa8: {  	v45 =	vld [tilespmem:s15+$0xFFFFFF80];
	vm3 =	vmand vm4, vm5;
	vm1 =	vmor vm1, vm2;
	vm2 =	vgt.f32 v30, v15  }
0xa9: {  	(xrf2) =	vadd.scan.msk.f32 $0xffff, v16;
	v29, v46, _ =	vpop (xrf1);
	v20 =	vsel vm1, v20, v25;
	v25 =	vsel vm1, v42, v28;
	v14 =	vadd.f32 v14, v11  }
0xaa: {  	v28, v32, _ =	vpop (xrf1);
	vm1 =	vmor vm2, vm3;
	(xrf1) =	vsort.dscd.msk.f32 $0xffff, v20, v25;
	v13 =	vadd.f32 v13, v10  }
0xab: {  	v15 =	vsel vm1, v30, v15;
	v20 =	vsel vm1, v31, v27;
	v25 =	vadd.f32 v43, v9;
	v27, v30, _ =	vpop (xrf1)  }
0xac: {  	(xrf1) =	vsort.dscd.msk.f32 $0xffff, v15, v20;
	v15 =	vperm.xlane v27, v5;
	v20 =	vperm.xlane v30, v5;
	v27, v30, _ =	vpop (xrf1)  }
0xad: {  	(v2sf) =	vpush v44, $0xF;
	v31 =	vadd.f32 v45, v8;
	v27 =	vperm.xlane v27, v5;
	(xrf1) =	vsort.dscd.msk.f32 $0xffff, v14, v4;
	v14, v47, _ =	vpop (xrf1)  }
0xae: {  	v30 =	vperm.xlane v30, v5;
	vm1 =	veq.f32 v14, v15;
	vm2 =	vlt.s32 v47, v20;
	v48, v49, _ =	vpop (xrf1)  }
0xaf: {  	(xrf1) =	vsort.dscd.msk.f32 $0xffff, v13, v2;
	vm4 =	vgt.f32 v14, v15;
	vm3 =	vgt.f32 v48, v27;
	vm1 =	vmand vm1, vm2  }
0xb0: {  	(xrf1) =	vsort.dscd.msk.f32 $0xffff, v25, v3;
	vm2 =	veq.f32 v48, v27;
	vm5 =	vlt.s32 v49, v30;
	vm1 =	vmor vm4, vm1  }
0xb1: {  	(xrf1) =	vsort.dscd.msk.f32 $0xffff, v31, v0;
	vm2 =	vmand vm2, vm5;
	v14 =	vsel vm1, v14, v15;
	v15 =	vsel vm1, v47, v20;
	v20, _, _ =	vpop (xrf2)  }
0xb2: {  	vm1 =	vmor vm3, vm2;
	v13, v25, _ =	vpop (xrf1);
	(xrf1) =	vsort.dscd.msk.f32 $0xffff, v14, v15  }
0xb3: {  	v27 =	vsel vm1, v48, v27;
	v30 =	vsel vm1, v49, v30;
	v31, _, _ =	vpop (xrf2)  }
0xb4: {  	v13 =	vperm.xlane v13, v5;
	v25 =	vperm.xlane v25, v5;
	(xrf1) =	vsort.dscd.msk.f32 $0xffff, v27, v30;
	(v2sf) =	vpush v31, $0xF  }
0xb5: {  	v14, v15, _ =	vpop (xrf1)  }
0xb6: {  	vm1 =	veq.f32 v14, v13;
	vm2 =	vlt.s32 v15, v25  }
0xb7: {  	vm3 =	vgt.f32 v14, v13;
	vm1 =	vmand vm1, vm2  }
0xb8: {  	vm1 =	vmor vm3, vm1  }
0xb9: {  	v13 =	vsel vm1, v14, v13;
	v14 =	vsel vm1, v15, v25  }
0xba: {  	v15, v25, _ =	vpop (xrf1);
	(xrf1) =	vsort.dscd.msk.f32 $0xffff, v13, v14;
	v13 =	vperm.xlane v29, v5;
	v14 =	vperm.xlane v46, v5  }
0xbb: {  	v15 =	vperm.xlane v15, v5;
	v25 =	vperm.xlane v25, v5;
	v27, v29, _ =	vpop (xrf1)  }
0xbc: {  	s15 =	simm.s32 $0x700;
	v30, v31, _ =	vpop (xrf1);
	vm1 =	veq.f32 v28, v13;
	vm2 =	vgt.f32 v28, v13;
	vm3 =	vlt.s32 v32, v14  }
0xbd: {  	v50 =	vld [tilespmem:s15+$0x10];
	vm4 =	vlt.s32 v29, v25;
	v51, v52, _ =	vpop (xrf1);
	vm1 =	vmand vm1, vm3;
	vm3 =	veq.f32 v27, v15  }
0xbe: {  	v53 =	vld [tilespmem:s15+$0x30];
	v54, v55, _ =	vpop (xrf1);
	vm1 =	vmor vm2, vm1;
	vm2 =	vgt.f32 v27, v15;
	vm3 =	vmand vm3, vm4  }
0xbf: {  	s31 =	spop (v2sf);
	v56, v39, _ =	vpop (xrf1);
	v13 =	vsel vm1, v28, v13;
	v14 =	vsel vm1, v32, v14;
	vm1 =	vmor vm2, vm3;
	v28 =	vld [tilespmem:s15+$0xFFFFFF30]  }
0xc0: {  	s17 =	sadd.f32 $9.999999680e-21, s31;
	(xrf1) =	vsort.dscd.msk.f32 $0xffff, v13, v14;
	v13 =	vsel vm1, v27, v15;
	v15, v27, _ =	vpop (xrf1)  }
0xc1: {  	v14 =	vld [tilespmem:s15+$0xFFFFFF10];
	v25 =	vsel vm1, v29, v25;
	v15 =	vperm.xlane v15, v5  }
0xc2: {  	v40 =	vmov s17;
	v27 =	vperm.xlane v27, v5;
	(xrf1) =	vsort.dscd.msk.f32 $0xffff, v13, v25;
	v25 =	vadd.f32 v50, v10;
	v29, v57, _ =	vpop (xrf1)  }
0xc3: {  	v36 =	vadd.f32 v53, v11;
	v59 =	vperm.xlane v52, v5;
	v13 =	vld [tilespmem:s15+$0xFFFFFF20];
	s18 =	spop (v2sf);
	vm1 =	veq.f32 v29, v15  }
0xc4: {  	(erf) = vrcp.f32 v40;
	vm2 =	vlt.s32 v57, v27;
	(xrf1) =	vsort.dscd.msk.f32 $0xffff, v25, v2;
	s17 =	sadd.f32 $9.999999680e-21, s18;
	v25 =	vadd.f32 v28, v11  }
0xc5: {  	v58 =	vld [tilespmem:s15+$0x0];
	(v2sf) =	vpush v20, $0xF;
	vm3 =	vgt.f32 v29, v15;
	vm1 =	vmand vm1, vm2;
	(xrf1) =	vsort.dscd.msk.f32 $0xffff, v36, v4  }
0xc6: {  	v14 =	vadd.f32 v14, v10;
	vm1 =	vmor vm3, vm1;
	v28 =	vmov s17;
	(xrf1) =	vsort.dscd.msk.f32 $0xffff, v25, v4  }
0xc7: {  	v41 =	vld [tilespmem:s15+$0x20];
	v15 =	vsel vm1, v29, v15;
	v20 =	vsel vm1, v57, v27;
	v25 =	vperm.xlane v30, v5  }
0xc8: {  	v27 =	vadd.f32 v13, v9;
	(erf) = vrcp.f32 v28;
	v28 =	vperm.xlane v31, v5;
	(xrf1) =	vsort.dscd.msk.f32 $0xffff, v15, v20;
	_, v13, _ =	vpop (xrf1)  }
0xc9: {  	s19 =	simm.s32 $0x500;
	v30 =	vnsel vm0, $0x0, v22;
	v31 =	vperm.xlane v51, v5;
	(xrf1) =	vsort.dscd.msk.f32 $0xffff, v14, v2;
	v14 =	vand.u32 $0xFFFFFF80, v13  }
0xca: {  	v15 =	vadd.f32 v58, v8;
	(xrf1) =	vsort.dscd.msk.f32 $0xffff, v27, v3;
	v27 =	vand.u32 $0x7F, v13;
	v14 =	vadd.s32 s19, v14  }
0xcb: {  	v29 =	vld [tilespmem:s15+$0xFFFFFF00];
	vm1 =	veq.f32 v54, v25;
	vm2 =	vlt.s32 v55, v28;
	v14 =	vor.u32 v27, v14  }
0xcc: {  	v20 =	vadd.f32 v41, v9;
	(xrf2) =	vadd.scan.msk.f32 $0xffff, v30;
	vm3 =	vgt.f32 v54, v25;
	vm1 =	vmand vm1, vm2  }
0xcd: {  	vm2 =	veq.f32 v56, v31;
	(xrf1) =	vsort.dscd.msk.f32 $0xffff, v15, v0;
	vm1 =	vmor vm3, vm1;
	vm3 =	vlt.s32 v39, v59  }
0xce: {  	(xrf1) =	vsort.dscd.msk.f32 $0xffff, v20, v3;
	vm2 =	vmand vm2, vm3  }
0xcf: {  	v25 =	vsel vm1, v54, v25;
	v60 =	vsel vm1, v55, v28;
	vm1 =	vgt.f32 v56, v31  }
0xd0: {  	v15 =	vpop (erf);
	v29 =	vadd.f32 v29, v8;
	vm1 =	vmor vm1, vm2;
	v14 =	vld.idx.msk [tilespmem:v14+s3+$0x0], $0xffff  }
0xd1: {  	v15 =	vmul.f32 v15, v12;
	v31 =	vsel vm1, v56, v31;
	_, v27, _ =	vpop (xrf1);
	[tilespmem:v13+s11+$0x0] =	vst.idx.add.f32.msk $0xff, v6  }
0xd2: {  	s20 =	simm.s32 $0x80;
	v33 =	vsel vm1, v39, v59;
	v20 =	vand.u32 $0xFFFFFF80, v27;
	_, v12, _ =	vpop (xrf1);
	v28 =	vand.u32 $0x7F, v27;
	v63 =	vld [tilespmem:s26+$0xB0]  }
0xd3: {  	s21 =	simm.s32 $0x400;
	v62 =	vpop (erf);
	v61 =	vadd.s32 s20, v20;
	v20 =	vperm.xlane v27, v7;
	v48 =	vand.u32 $0xFFFFFF80, v12;
	v43 =	vld [tilespmem:s26+$0x90]  }
0xd4: {  	(xrf1) =	vsort.dscd.msk.f32 $0xffff, v29, v0;
	v49 =	vand.u32 $0x7F, v12;
	v30 =	vmul.f32 v62, v16;
	v50, v42, _ =	vpop (xrf1);
	v51 =	vadd.s32 s21, v48;
	v44 =	vld [tilespmem:s26+$0xA0];
	s22 =	spop (v2sf)  }
0xd5: {  	v29 =	vor.u32 v28, v61;
	v16 =	vld [tilespmem:s26+$0x80];
	v52, v53, _ =	vpop (xrf1);
	v54 =	vperm.xlane v50, v5;
	v57 =	vperm.xlane v42, v5;
	s17 =	sadd.f32 $9.999999680e-21, s22  }
0xd6: {  	v32 =	vor.u32 v49, v51;
	v50, _, _ =	vpop (xrf2);
	v30 =	vperm.xlane v30, v7;
	v38 =	vperm.xlane v52, v5  }
0xd7: {  	(xrf1) =	vsort.dscd.msk.f32 $0xffff, v25, v60;
	v25 =	vperm.xlane v53, v5;
	(v2sf) =	vpush v50, $0xF;
	v55, v56, _ =	vpop (xrf1);
	v62 =	vmov s17  }
0xd8: {  	_, v28, _ =	vpop (xrf1);
	(erf) = vrcp.f32 v62;
	v36 =	vperm.xlane v55, v5;
	v37 =	vadd.f32 v63, v11  }
0xd9: {  	(xrf1) =	vsort.dscd.msk.f32 $0xffff, v31, v33;
	v52 =	vperm.xlane v56, v5;
	v58, v59, _ =	vpop (xrf1);
	v60 =	vand.u32 $0xFFFFFF80, v28;
	v43 =	vadd.f32 v43, v10  }
0xda: {  	s18 =	simm.s32 $0x380;
	v45 =	vand.u32 $0x7F, v28;
	v44 =	vadd.f32 v44, v9;
	v16 =	vadd.f32 v16, v8;
	v31, v33, _ =	vpop (xrf1);
	(xrf1) =	vsort.dscd.msk.f32 $0xffff, v37, v4  }
0xdb: {  	v42 =	vadd.s32 s18, v60;
	v34 =	vperm.xlane v58, v5;
	v39 =	vperm.xlane v59, v5;
	v46, v47, _ =	vpop (xrf1);
	(xrf1) =	vsort.dscd.msk.f32 $0xffff, v43, v2  }
0xdc: {  	v61 =	vor.u32 v45, v42;
	vm1 =	veq.f32 v46, v54;
	v63, v48, _ =	vpop (xrf1);
	vm4 =	vlt.s32 v47, v57  }
0xdd: {  	vm2 =	veq.f32 v63, v38;
	vm3 =	vlt.s32 v48, v25;
	(xrf1) =	vsort.dscd.msk.f32 $0xffff, v44, v3  }
0xde: {  	vm5 =	vgt.f32 v63, v38;
	vm2 =	vmand vm2, vm3;
	(xrf1) =	vsort.dscd.msk.f32 $0xffff, v16, v0;
	v16 =	vld.idx.msk [tilespmem:v32+s3+$0x0], $0xffff  }
0xdf: {  	vm1 =	vmand vm1, vm4;
	vm3 =	vgt.f32 v46, v54;
	[tilespmem:v12+s11+$0x0] =	vst.idx.add.f32.msk $0xff, v6;
	vm2 =	vmor vm5, vm2  }
0xe0: {  	vm1 =	vmor vm3, vm1;
	v56 =	vld [tilespmem:s26+$0xFFFFFFA0];
	v49 =	vsel vm2, v63, v38;
	v25 =	vsel vm2, v48, v25  }
0xe1: {  	v37 =	vld.idx.msk [tilespmem:v61+s3+$0x0], $0xffff;
	v35 =	vsel vm1, v46, v54;
	v40 =	vsel vm1, v47, v57;
	(xrf1) =	vsort.dscd.msk.f32 $0xffff, v49, v25  }
0xe2: {  	v51 =	vld [tilespmem:s26+$0xFFFFFFB0];
	vm3 =	vlt.s32 v33, v52;
	vm2 =	veq.f32 v31, v36;
	(xrf1) =	vsort.dscd.msk.f32 $0xffff, v35, v40  }
0xe3: {  	v55, v54, _ =	vpop (xrf1);
	vm1 =	vgt.f32 v31, v36;
	v25 =	vnsel vm0, $0x0, v21;
	vm2 =	vmand vm2, vm3  }
0xe4: {  	vm4 =	veq.f32 v55, v34;
	vm5 =	vlt.s32 v54, v39;
	(xrf2) =	vadd.scan.msk.f32 $0xffff, v25;
	vm1 =	vmor vm1, vm2  }
0xe5: {  	v53 =	vld [tilespmem:s26+$0xFFFFFF90];
	v31 =	vsel vm1, v31, v36;
	v33 =	vsel vm1, v33, v52;
	v60 =	vadd.f32 v56, v9;
	v56 =	vpop (erf)  }
0xe6: {  	v57 =	vld [tilespmem:s26+$0xFFFFFF80];
	vm3 =	vmand vm4, vm5;
	vm2 =	vgt.f32 v55, v34;
	v25 =	vnsel vm0, $0x0, v37;
	v37, v44, _ =	vpop (xrf1);
	(xrf1) =	vsort.dscd.msk.f32 $0xffff, v31, v33  }
0xe7: {  	v20 =	vsel vm0, v18, v20;
	vm1 =	vmor vm2, vm3;
	v32 =	vadd.f32 v51, v11;
	(xrf2) =	vadd.scan.msk.f32 $0xffff, v25;
	v36, v38, _ =	vpop (xrf1)  }
0xe8: {  	v58 =	vsel vm1, v55, v34;
	v59 =	vsel vm1, v54, v39;
	v19 =	vmul.f32 v56, v19;
	v62, v61, _ =	vpop (xrf1)  }
0xe9: {  	s23 =	spop (v2sf);
	(xrf1) =	vsort.dscd.msk.f32 $0xffff, v58, v59;
	v18 =	vperm.xlane v44, v5;
	v63 =	vperm.xlane v62, v5;
	v49, v50, _ =	vpop (xrf1)  }
0xea: {  	v31 =	vadd.f32 v53, v10;
	s16 =	sadd.f32 $9.999999680e-21, s23;
	v48 =	vperm.xlane v61, v5;
	v39 =	vperm.xlane v49, v5  }
0xeb: {  	v51 =	vadd.f32 v57, v8;
	v53, v52, _ =	vpop (xrf1);
	v40 =	vperm.xlane v50, v5;
	v49 =	vperm.xlane v26, v7  }
0xec: {  	(xrf1) =	vsort.dscd.msk.f32 $0xffff, v32, v4;
	v50 =	vmov s16;
	vm1 =	veq.f32 v53, v63;
	vm2 =	vlt.s32 v52, v48;
	v55, v54, _ =	vpop (xrf1)  }
0xed: {  	(xrf1) =	vsort.dscd.msk.f32 $0xffff, v31, v2;
	vm4 =	vgt.f32 v53, v63;
	vm3 =	vgt.f32 v55, v39;
	vm1 =	vmand vm1, vm2  }
0xee: {  	(xrf1) =	vsort.dscd.msk.f32 $0xffff, v60, v3;
	v31, _, _ =	vpop (xrf2);
	vm2 =	veq.f32 v55, v39;
	vm5 =	vlt.s32 v54, v40;
	vm1 =	vmor vm4, vm1  }
0xef: {  	(xrf1) =	vsort.dscd.msk.f32 $0xffff, v51, v0;
	vm2 =	vmand vm2, vm5;
	v58, v57, _ =	vpop (xrf1);
	v32 =	vsel vm1, v53, v63;
	v59 =	vsel vm1, v52, v48  }
0xf0: {  	vm1 =	vmor vm3, vm2;
	v60 =	vperm.xlane v58, v5;
	v62, v61, _ =	vpop (xrf1);
	(xrf1) =	vsort.dscd.msk.f32 $0xffff, v32, v59;
	v63 =	vperm.xlane v57, v5  }
0xf1: {  	(erf) = vrcp.f32 v50;
	v46 =	vsel vm1, v55, v39;
	v47 =	vsel vm1, v54, v40;
	v48, _, _ =	vpop (xrf2)  }
0xf2: {  	(xrf1) =	vsort.dscd.msk.f32 $0xffff, v46, v47;
	(v2sf) =	vpush v48, $0xF;
	vm1 =	veq.f32 v62, v60;
	vm2 =	vlt.s32 v61, v63  }
0xf3: {  	vm3 =	vgt.f32 v62, v60;
	(v2sf) =	vpush v31, $0xF;
	vm1 =	vmand vm1, vm2  }
0xf4: {  	v31 =	vsel vm0, v19, v30;
	v30 =	vsel vm0, v17, v49;
	vm1 =	vmor vm3, vm1  }
0xf5: {  	v17 =	vperm.xlane v37, v5;
	v19, v51, _ =	vpop (xrf1);
	v34 =	vsel vm1, v62, v60;
	v32 =	vsel vm1, v61, v63  }
0xf6: {  	v19 =	vperm.xlane v19, v5;
	(xrf1) =	vsort.dscd.msk.f32 $0xffff, v34, v32;
	v32 =	vperm.xlane v51, v5  }
0xf7: {  	v29 =	vld.idx.msk [tilespmem:v29+s3+$0x0], $0xffff;
	s16 =	simm.s32 $0x900;
	vm2 =	vgt.f32 v36, v17;
	vm3 =	vlt.s32 v38, v18;
	v53, v52, _ =	vpop (xrf1);
	vm1 =	veq.f32 v36, v17  }
0xf8: {  	v56 =	vld [tilespmem:s16+$0x10];
	vm1 =	vmand vm1, vm3;
	vm3 =	veq.f32 v53, v19;
	vm4 =	vlt.s32 v52, v32  }
0xf9: {  	vm1 =	vmor vm2, vm1;
	vm2 =	vgt.f32 v53, v19;
	vm3 =	vmand vm3, vm4  }
0xfa: {  	v57 =	vld [tilespmem:s16+$0x30];
	v54, v55, _ =	vpop (xrf1);
	v17 =	vsel vm1, v36, v17;
	v18 =	vsel vm1, v38, v18;
	vm1 =	vmor vm2, vm3  }
0xfb: {  	v59 =	vld [tilespmem:s16+$0xFFFFFF30];
	v58, v42, _ =	vpop (xrf1);
	(xrf1) =	vsort.dscd.msk.f32 $0xffff, v17, v18;
	v17 =	vsel vm1, v53, v19  }
0xfc: {  	v29 =	vnsel vm0, $0x0, v29;
	v38, v43, _ =	vpop (xrf1)  }
0xfd: {  	v39 =	vadd.f32 v56, v10;
	v35 =	vperm.xlane v54, v5;
	v33, v34, _ =	vpop (xrf1);
	v18 =	vsel vm1, v52, v32;
	v19 =	vld [tilespmem:s16+$0xFFFFFF10]  }
0xfe: {  	v60 =	vnsel vm0, $0x0, v16;
	v37 =	vperm.xlane v55, v5;
	v41 =	vperm.xlane v58, v5;
	(xrf1) =	vsort.dscd.msk.f32 $0xffff, v17, v18;
	v18 =	vld [tilespmem:s16+$0xFFFFFF20];
	v17, v61, _ =	vpop (xrf1)  }
0xff: {  	(xrf2) =	vadd.scan.msk.f32 $0xffff, v29;
	v62 =	vpop (erf);
	v48 =	vadd.f32 v57, v11;
	v63 =	vperm.xlane v17, v5;
	v44 =	vperm.xlane v61, v5  }
0x100: {  	(xrf2) =	vadd.scan.msk.f32 $0xffff, v60;
	v36 =	vadd.f32 v59, v11;
	v59 =	vperm.xlane v42, v5;
	v17 =	vmul.f32 v62, v22;
	v22 =	vld [tilespmem:s16+$0x0];
	v50, v49, _ =	vpop (xrf1)  }
0x101: {  	(xrf1) =	vsort.dscd.msk.f32 $0xffff, v39, v2;
	s24 =	spop (v2sf);
	vm1 =	veq.f32 v50, v63;
	vm2 =	vlt.s32 v49, v44  }
0x102: {  	v51 =	vld [tilespmem:s16+$0x20];
	vm4 =	vlt.s32 v34, v59;
	(xrf1) =	vsort.dscd.msk.f32 $0xffff, v48, v4;
	vm3 =	vgt.f32 v50, v63;
	s17 =	sadd.f32 $9.999999680e-21, s24;
	vm1 =	vmand vm1, vm2  }
0x103: {  	(xrf1) =	vsort.dscd.msk.f32 $0xffff, v36, v4;
	v19 =	vadd.f32 v19, v10;
	v52 =	vadd.f32 v18, v9;
	s25 =	spop (v2sf);
	vm1 =	vmor vm3, vm1  }
0x104: {  	s18 =	sadd.f32 $9.999999680e-21, s25;
	v55 =	vmov s17;
	v53 =	vsel vm1, v50, v63;
	v54 =	vsel vm1, v49, v44;
	_, v18, _ =	vpop (xrf1)  }
0x105: {  	s26 =	simm.s32 $0x700;
	v22 =	vadd.f32 v22, v8;
	(erf) = vrcp.f32 v55;
	(xrf1) =	vsort.dscd.msk.f32 $0xffff, v53, v54;
	v56 =	vand.u32 $0xFFFFFF80, v18  }
0x106: {  	v58 =	vand.u32 $0x7F, v18;
	(xrf1) =	vsort.dscd.msk.f32 $0xffff, v19, v2;
	v19 =	vmov s18;
	v32 =	vadd.s32 s26, v56  }
0x107: {  	v57 =	vld [tilespmem:s16+$0xFFFFFF00];
	v39 =	vadd.f32 v51, v9;
	(xrf1) =	vsort.dscd.msk.f32 $0xffff, v52, v3;
	(erf) = vrcp.f32 v19;
	v19 =	vor.u32 v58, v32  }
0x108: {  	vm2 =	vlt.s32 v43, v37;
	vm1 =	veq.f32 v38, v35;
	(xrf1) =	vsort.dscd.msk.f32 $0xffff, v22, v0  }
0x109: {  	vm3 =	vgt.f32 v38, v35;
	vm1 =	vmand vm1, vm2;
	vm2 =	veq.f32 v33, v41;
	(xrf1) =	vsort.dscd.msk.f32 $0xffff, v39, v3  }
0x10a: {  	v60, _, _ =	vpop (xrf2);
	vm1 =	vmor vm3, vm1;
	vm2 =	vmand vm2, vm4  }
0x10b: {  	v61, _, _ =	vpop (xrf2);
	v35 =	vsel vm1, v38, v35;
	v37 =	vsel vm1, v43, v37;
	vm1 =	vgt.f32 v33, v41  }
0x10c: {  	v36 =	vadd.f32 v57, v8;
	(v2sf) =	vpush v60, $0xF;
	vm1 =	vmor vm1, vm2;
	_, v32, _ =	vpop (xrf1);
	v22 =	vld.idx.msk [tilespmem:v19+s3+$0x0], $0xffff  }
0x10d: {  	s28 =	simm.s32 $0x280;
	(v2sf) =	vpush v61, $0xF;
	v33 =	vsel vm1, v33, v41;
	v62 =	vand.u32 $0xFFFFFF80, v32;
	_, v19, _ =	vpop (xrf1);
	[tilespmem:v18+s11+$0x0] =	vst.idx.add.f32.msk $0xff, v6  }
0x10e: {  	v34 =	vsel vm1, v34, v59;
	v63 =	vand.u32 $0x7F, v32;
	(xrf1) =	vsort.dscd.msk.f32 $0xffff, v36, v0;
	v48 =	vadd.s32 s28, v62;
	v51 =	vpop (erf);
	v52 =	vld [tilespmem:s15+$0xB0]  }
0x10f: {  	v49 =	vperm.xlane v32, v7;
	v50 =	vand.u32 $0xFFFFFF80, v19;
	(xrf1) =	vsort.dscd.msk.f32 $0xffff, v35, v37;
	v55, v56, _ =	vpop (xrf1);
	v57 =	vld [tilespmem:s15+$0x90];
	v36 =	vor.u32 v63, v48  }
0x110: {  	s17 =	simm.s32 $0x600;
	v53 =	vand.u32 $0x7F, v19;
	v59 =	vld [tilespmem:s15+$0xA0];
	(xrf1) =	vsort.dscd.msk.f32 $0xffff, v33, v34;
	v25 =	vmul.f32 v51, v25;
	v33 =	vperm.xlane v55, v5;
	v61, v60, _ =	vpop (xrf1)  }
0x111: {  	v63 =	vld [tilespmem:s15+$0x80];
	v54 =	vadd.s32 s17, v50;
	v38 =	vperm.xlane v56, v5;
	v62, v42, _ =	vpop (xrf1);
	v34 =	vperm.xlane v61, v5  }
0x112: {  	v35 =	vor.u32 v53, v54;
	v53 =	vperm.xlane v28, v7;
	v39 =	vperm.xlane v60, v5;
	v58 =	vpop (erf)  }
0x113: {  	v23 =	vsel vm0, v23, v49;
	v25 =	vperm.xlane v25, v7;
	v37 =	vmul.f32 v58, v21;
	_, v21, _ =	vpop (xrf1)  }
0x114: {  	v44 =	vsel vm0, v24, v53;
	v52 =	vadd.f32 v52, v11;
	v46 =	vadd.f32 v57, v10;
	v54, v48, _ =	vpop (xrf1)  }
0x115: {  	s29 =	simm.s32 $0x580;
	[tilespmem:v26+s11+$0x0] =	vst.idx.add.f32.msk $0xff, v6;
	v40 =	vadd.f32 v59, v9;
	v37 =	vsel vm0, v37, v25;
	v25 =	vand.u32 $0xFFFFFF80, v21;
	v49, v50, _ =	vpop (xrf1)  }
0x116: {  	v58 =	vadd.f32 v63, v8;
	(xrf1) =	vsort.dscd.msk.f32 $0xffff, v52, v4;
	v24 =	vand.u32 $0x7F, v21;
	v25 =	vadd.s32 s29, v25;
	v55, v56, _ =	vpop (xrf1)  }
0x117: {  	v63 =	vperm.xlane v42, v5;
	(xrf1) =	vsort.dscd.msk.f32 $0xffff, v46, v2;
	v25 =	vor.u32 v24, v25;
	v57, v51, _ =	vpop (xrf1)  }
0x118: {  	vm1 =	veq.f32 v55, v33;
	vm2 =	veq.f32 v57, v34;
	vm3 =	vlt.s32 v51, v39  }
0x119: {  	(xrf1) =	vsort.dscd.msk.f32 $0xffff, v40, v3;
	vm4 =	vlt.s32 v56, v38;
	vm2 =	vmand vm2, vm3;
	vm3 =	vgt.f32 v57, v34  }
0x11a: {  	v24 =	vld.idx.msk [tilespmem:v35+s3+$0x0], $0xffff;
	(xrf1) =	vsort.dscd.msk.f32 $0xffff, v58, v0;
	vm1 =	vmand vm1, vm4;
	vm2 =	vmor vm3, vm2;
	vm3 =	vgt.f32 v55, v33  }
0x11b: {  	v62 =	vperm.xlane v62, v5;
	[tilespmem:v19+s11+$0x0] =	vst.idx.add.f32.msk $0xff, v6;
	vm1 =	vmor vm3, vm1;
	v34 =	vsel vm2, v57, v34  }
0x11c: {  	v60 =	vsel vm2, v51, v39;
	vm2 =	vlt.s32 v50, v63;
	v33 =	vsel vm1, v55, v33  }
0x11d: {  	s30 =	spop (v2sf);
	v52 =	vld [tilespmem:s15+$0xFFFFFF90];
	(xrf1) =	vsort.dscd.msk.f32 $0xffff, v34, v60;
	v38 =	vsel vm1, v56, v38;
	vm1 =	veq.f32 v49, v62  }
0x11e: {  	s18 =	sadd.f32 $9.999999680e-21, s30;
	v58 =	vld [tilespmem:s15+$0xFFFFFF80];
	vm3 =	vgt.f32 v49, v62;
	vm1 =	vmand vm1, vm2  }
0x11f: {  	v53 =	vperm.xlane v54, v5;
	v61 =	vld.idx.msk [tilespmem:v25+s3+$0x0], $0xffff;
	v54, v55, _ =	vpop (xrf1);
	(xrf1) =	vsort.dscd.msk.f32 $0xffff, v33, v38;
	vm1 =	vmor vm3, vm1  }
0x120: {  	v59 =	vmov s18;
	v51 =	vld [tilespmem:s15+$0xFFFFFFB0];
	v56 =	vperm.xlane v48, v5;
	v35 =	vsel vm1, v50, v63  }
0x121: {  	[tilespmem:v27+s11+$0x0] =	vst.idx.add.f32.msk $0xff, v6;
	v26 =	vnsel vm0, $0x0, v14;
	v34 =	vsel vm1, v49, v62  }
0x122: {  	(xrf2) =	vadd.scan.msk.f32 $0xffff, v26;
	(erf) = vrcp.f32 v59;
	v57 =	vld [tilespmem:s15+$0xFFFFFFA0];
	s15 =	simm.s32 $0x8090;
	vm2 =	veq.f32 v54, v53;
	vm3 =	vlt.s32 v55, v56  }
0x123: {  	s31 =	spop (v2sf);
	v41 =	vadd.f32 v52, v10;
	[tilespmem:s15+$0x0] =	vst v31;
	v59, v47, _ =	vpop (xrf1);
	vm2 =	vmand vm2, vm3;
	vm3 =	vgt.f32 v54, v53  }
0x124: {  	s18 =	sadd.f32 $9.999999680e-21, s31;
	v46 =	vadd.f32 v58, v8;
	v26 =	vnsel vm0, $0x0, v61;
	(xrf1) =	vsort.dscd.msk.f32 $0xffff, v34, v35;
	vm1 =	vmor vm3, vm2;
	v34, v35, _ =	vpop (xrf1)  }
0x125: {  	v40 =	vadd.f32 v51, v11;
	(xrf2) =	vadd.scan.msk.f32 $0xffff, v26;
	v31 =	vsel vm1, v54, v53;
	v33 =	vsel vm1, v55, v56;
	v42, v43, _ =	vpop (xrf1)  }
0x126: {  	v63 =	vmov s18;
	(xrf1) =	vsort.dscd.msk.f32 $0xffff, v31, v33;
	v31 =	vperm.xlane v42, v5;
	v60 =	vperm.xlane v43, v5;
	v61, v62, _ =	vpop (xrf1)  }
0x127: {  	s19 =	simm.s32 $0x8890;
	v38 =	vadd.f32 v57, v9;
	(erf) = vrcp.f32 v63;
	(xrf1) =	vsort.dscd.msk.f32 $0xffff, v40, v4;
	v42 =	vperm.xlane v61, v5;
	v53, v52, _ =	vpop (xrf1)  }
0x128: {  	[tilespmem:s19+$0x0] =	vst v30;
	v30 =	vperm.xlane v62, v5;
	vm1 =	veq.f32 v53, v31;
	vm2 =	vlt.s32 v52, v60;
	v55, v54, _ =	vpop (xrf1)  }
0x129: {  	v36 =	vld.idx.msk [tilespmem:v36+s3+$0x0], $0xffff;
	vm4 =	vgt.f32 v53, v31;
	vm3 =	vgt.f32 v55, v42;
	vm1 =	vmand vm1, vm2  }
0x12a: {  	[tilespmem:v28+s11+$0x0] =	vst.idx.add.f32.msk $0xff, v6;
	vm2 =	veq.f32 v55, v42;
	vm5 =	vlt.s32 v54, v30;
	vm1 =	vmor vm4, vm1  }
0x12b: {  	(xrf1) =	vsort.dscd.msk.f32 $0xffff, v41, v2;
	vm2 =	vmand vm2, vm5;
	v27 =	vsel vm1, v53, v31;
	v28, v31, _ =	vpop (xrf1);
	v56 =	vsel vm1, v52, v60  }
0x12c: {  	(xrf1) =	vsort.dscd.msk.f32 $0xffff, v38, v3;
	vm1 =	vmor vm3, vm2;
	v28 =	vperm.xlane v28, v5;
	v31 =	vperm.xlane v31, v5  }
0x12d: {  	v39 =	vperm.xlane v59, v5;
	(xrf1) =	vsort.dscd.msk.f32 $0xffff, v46, v0;
	v58 =	vsel vm1, v55, v42;
	v61, v60, _ =	vpop (xrf1)  }
0x12e: {  	v25 =	vnsel vm0, $0x0, v36;
	v57, _, _ =	vpop (xrf2);
	(xrf1) =	vsort.dscd.msk.f32 $0xffff, v27, v56;
	vm2 =	veq.f32 v61, v28;
	vm3 =	vlt.s32 v60, v31  }
0x12f: {  	v30 =	vsel vm1, v54, v30;
	v59, _, _ =	vpop (xrf2);
	vm5 =	vgt.f32 v61, v28;
	vm2 =	vmand vm2, vm3  }
0x130: {  	v63 =	vpop (erf);
	v62 =	vperm.xlane v47, v5;
	(v2sf) =	vpush v59, $0xF;
	(xrf1) =	vsort.dscd.msk.f32 $0xffff, v58, v30;
	vm2 =	vmor vm5, vm2  }
0x131: {  	[tilespmem:v32+s11+$0x0] =	vst.idx.add.f32.msk $0xff, v6;
	v36 =	vnsel vm0, $0x0, v24;
	s18 =	simm.s32 $0x80B0;
	v40 =	vmul.f32 v63, v29;
	v30 =	vsel vm2, v61, v28  }
0x132: {  	[tilespmem:s18+$0x0] =	vst v37;
	vm1 =	veq.f32 v34, v39;
	(v2sf) =	vpush v57, $0xF;
	vm3 =	vlt.s32 v35, v62  }
0x133: {  	(xrf2) =	vadd.scan.msk.f32 $0xffff, v25;
	vm4 =	vgt.f32 v34, v39;
	vm1 =	vmand vm1, vm3;
	v31 =	vsel vm2, v60, v31;
	v28, v29, _ =	vpop (xrf1)  }
0x134: {  	s20 =	simm.s32 $0x88B0;
	v27 =	vpop (erf);
	vm1 =	vmor vm4, vm1;
	v28 =	vperm.xlane v28, v5;
	v29 =	vperm.xlane v29, v5;
	(xrf1) =	vsort.dscd.msk.f32 $0xffff, v30, v31  }
0x135: {  	s21 =	simm.s32 $0x680;
	s22 =	simm.s32 $0x480;
	[tilespmem:s20+$0x0] =	vst v44;
	v33 =	vsel vm1, v34, v39;
	v34 =	vsel vm1, v35, v62;
	v31 =	vperm.xlane v40, v7;
	v32, v30, _ =	vpop (xrf1)  }
0x136: {  	s23 =	simm.s32 $0xC;
	s24 =	simm.s32 $0x8;
	s25 =	simm.s32 $0xB00;
	(xrf2) =	vadd.scan.msk.f32 $0xffff, v36;
	vm1 =	vgt.f32 v32, v28;
	vm2 =	veq.f32 v32, v28;
	vm3 =	vlt.s32 v30, v29;
	v36, v35, _ =	vpop (xrf1)  }
.LBB2_2:
0x137: {  	v37 =	vld [tilespmem:s25+$0x10];
	vm2 =	vmand vm2, vm3  }
0x138: {  	v36 =	vperm.xlane v36, v5;
	v35 =	vperm.xlane v35, v5;
	(xrf1) =	vsort.dscd.msk.f32 $0xffff, v33, v34;
	vm1 =	vmor vm1, vm2  }
0x139: {  	v16 =	vmul.f32 v27, v16;
	v15 =	vsel vm0, v15, v31;
	v33 =	vld [tilespmem:s25+$0x30];
	v34, v38, _ =	vpop (xrf1);
	v40 =	vsel vm1, v32, v28  }
0x13a: {  	v27 =	vld [tilespmem:s25+$0xFFFFFF30];
	v41 =	vsel vm1, v30, v29;
	v30 =	vperm.xlane v34, v5;
	v31, v32, _ =	vpop (xrf1);
	[tilespmem:s15+$0xFFFFFFF0] =	vst v15;
	s15 =	smov.u32 s18;
	v34 =	vperm.xlane v38, v5  }
0x13b: {  	v15 =	vld [tilespmem:s25+$0xFFFFFF10];
	(xrf1) =	vsort.dscd.msk.f32 $0xffff, v40, v41;
	vm1 =	veq.f32 v31, v36;
	vm2 =	vlt.s32 v32, v35;
	v28, v29, _ =	vpop (xrf1);
	[tilespmem:s19+$0xFFFFFFF0] =	vst v20;
	s19 =	smov.u32 s20  }
0x13c: {  	vm3 =	vgt.f32 v31, v36;
	v20 =	vld [tilespmem:s25+$0xFFFFFF20];
	vm1 =	vmand vm1, vm2;
	v38, v39, _ =	vpop (xrf1);
	v46 =	vadd.f32 v37, v10  }
0x13d: {  	v40 =	vld [tilespmem:s25+$0xFFFFFF00];
	v38 =	vperm.xlane v38, v5;
	v39 =	vperm.xlane v39, v5;
	v41, _, _ =	vpop (xrf2);
	vm1 =	vmor vm3, vm1  }
0x13e: {  	vm2 =	veq.f32 v28, v30;
	v42 =	vld [tilespmem:s25+$0x0];
	v33 =	vadd.f32 v33, v11;
	v43, v44, _ =	vpop (xrf1);
	v31 =	vsel vm1, v31, v36  }
0x13f: {  	v45 =	vld [tilespmem:s25+$0x20];
	(xrf1) =	vsort.dscd.msk.f32 $0xffff, v46, v2;
	vm3 =	veq.f32 v43, v38;
	vm4 =	vlt.s32 v44, v39;
	s26 =	spop (v2sf);
	(v2sf) =	vpush v41, $0xF  }
0x140: {  	v27 =	vadd.f32 v27, v11;
	vm5 =	vgt.f32 v43, v38;
	vm3 =	vmand vm3, vm4;
	v37, _, _ =	vpop (xrf2);
	s26 =	sadd.f32 $9.999999680e-21, s26  }
0x141: {  	s24 =	sadd.s32 $0x2, s24;
	v41 =	vadd.f32 v15, v10;
	v20 =	vadd.f32 v20, v9;
	(xrf1) =	vsort.dscd.msk.f32 $0xffff, v33, v4;
	vm3 =	vmor vm5, vm3;
	s28 =	spop (v2sf)  }
0x142: {  	s23 =	sadd.s32 $0x4, s23;
	p0 =	slt.u32 s24, $0x7E;
	v15 =	vmovc v17;
	(xrf1) =	vsort.dscd.msk.f32 $0xffff, v27, v4;
	v27 =	vsel vm3, v43, v38;
	v33 =	vsel vm3, v44, v39;
	s28 =	sadd.f32 $9.999999680e-21, s28;
	v38 =	vmov s26  }
0x143: {  	v39 =	vadd.f32 v40, v8;
	s26 =	sshll.u32 s23, $0x7;
	v40 =	vadd.f32 v42, v8;
	_, v42, _ =	vpop (xrf1);
	(xrf1) =	vsort.dscd.msk.f32 $0xffff, v27, v33;
	(erf) = vrcp.f32 v38  }
0x144: {  	v17 =	vmovc v16;
	s29 =	sadd.s32 $0x80, s26;
	s30 =	sadd.s32 $0x100, s26;
	v33 =	vadd.f32 v45, v9;
	(xrf1) =	vsort.dscd.msk.f32 $0xffff, v41, v2;
	v43 =	vand.u32 $0xFFFFFF80, v42;
	v38 =	vmov s28  }
0x145: {  	v16 =	vand.u32 $0x7F, v42;
	(xrf1) =	vsort.dscd.msk.f32 $0xffff, v20, v3;
	v41 =	vadd.s32 s30, v43;
	(erf) = vrcp.f32 v38;
	v20 =	vmovc v23  }
0x146: {  	vm3 =	vlt.s32 v29, v34;
	(xrf1) =	vsort.dscd.msk.f32 $0xffff, v40, v0;
	v23 =	vor.u32 v16, v41;
	(v2sf) =	vpush v37, $0xF;
	_, v27, _ =	vpop (xrf1)  }
0x147: {  	v32 =	vsel vm1, v32, v35;
	vm1 =	vgt.f32 v28, v30;
	vm2 =	vmand vm2, vm3;
	(xrf1) =	vsort.dscd.msk.f32 $0xffff, v33, v3  }
0x148: {  	vm1 =	vmor vm1, vm2;
	v33 =	vand.u32 $0xFFFFFF80, v27;
	v35 =	vand.u32 $0x7F, v27;
	v16 =	vmovc v24;
	(xrf1) =	vsort.dscd.msk.f32 $0xffff, v39, v0  }
0x149: {  	v37 =	vsel vm1, v28, v30;
	_, v24, _ =	vpop (xrf1);
	(xrf1) =	vsort.dscd.msk.f32 $0xffff, v31, v32;
	v31 =	vadd.s32 s22, v33;
	v32 =	vperm.xlane v27, v7;
	s22 =	smov.u32 s21;
	s21 =	smov.u32 s29  }
0x14a: {  	v41 =	vperm.xlane v21, v7;
	v33 =	vand.u32 $0xFFFFFF80, v24;
	v36 =	vand.u32 $0x7F, v24  }
0x14b: {  	v30 =	vadd.s32 s26, v33;
	v33 =	vld.idx.msk [tilespmem:v23+s3+$0x0], $0xffff;
	v23 =	vsel vm1, v29, v34;
	v29 =	vor.u32 v35, v31  }
0x14c: {  	v30 =	vor.u32 v36, v30;
	[tilespmem:v42+s11+$0x0] =	vst.idx.add.f32.msk $0xff, v6;
	(xrf1) =	vsort.dscd.msk.f32 $0xffff, v37, v23;
	v28 =	vpop (erf)  }
0x14d: {  	v23 =	vsel vm0, v12, v32;
	v12 =	vmov v19;
	v31, v34, _ =	vpop (xrf1);
	v35 =	vld [tilespmem:s16+$0xB0];
	v26 =	vmul.f32 v28, v26  }
0x14e: {  	v19 =	vmov v24;
	v28 =	vperm.xlane v31, v5;
	v31 =	vperm.xlane v34, v5;
	v32 =	vld [tilespmem:s16+$0x90];
	v34 =	vpop (erf);
	s28 =	spop (v2sf)  }
0x14f: {  	v24, v36, _ =	vpop (xrf1);
	v37 =	vld [tilespmem:s16+$0xA0];
	v34 =	vmul.f32 v34, v14;
	v26 =	vperm.xlane v26, v7;
	s28 =	sadd.f32 $9.999999680e-21, s28;
	v14 =	vmov v22  }
0x150: {  	v13 =	vsel vm0, v13, v41;
	v38 =	vperm.xlane v24, v5;
	v39, v40, _ =	vpop (xrf1);
	v22 =	vld [tilespmem:s16+$0x80]  }
0x151: {  	s18 =	sadd.s32 $0x20, s18;
	v36 =	vperm.xlane v36, v5;
	[tilespmem:v21+s11+$0x0] =	vst.idx.add.f32.msk $0xff, v6;
	_, v21, _ =	vpop (xrf1);
	v26 =	vsel vm0, v34, v26;
	v34 =	vmov s28  }
0x152: {  	s20 =	sadd.s32 $0x20, s20;
	s28 =	sadd.s32 $0x180, s17;
	s17 =	smov.u32 s26;
	v43, v44, _ =	vpop (xrf1);
	v24 =	vld.idx.msk [tilespmem:v30+s3+$0x0], $0xffff;
	v30 =	vadd.f32 v35, v11;
	v35 =	vand.u32 $0xFFFFFF80, v21;
	[tilespmem:s18+$0x0] =	vst v26;
	v48 =	vand.u32 $0x7F, v21  }
0x153: {  	v41, v45, _ =	vpop (xrf1);
	v26 =	vadd.f32 v32, v10;
	v35 =	vadd.s32 s28, v35;
	v29 =	vld.idx.msk [tilespmem:v29+s3+$0x0], $0xffff;
	[tilespmem:s20+$0x0] =	vst v13  }
0x154: {  	v46, v47, _ =	vpop (xrf1);
	v49 =	vadd.f32 v37, v9;
	(xrf1) =	vsort.dscd.msk.f32 $0xffff, v30, v4;
	v30 =	vor.u32 v48, v35;
	(erf) = vrcp.f32 v34  }
0x155: {  	v13 =	vmov v18;
	vm1 =	veq.f32 v46, v28;
	v32, v34, _ =	vpop (xrf1);
	v50 =	vadd.f32 v22, v8;
	(xrf1) =	vsort.dscd.msk.f32 $0xffff, v26, v2;
	s26 =	spop (v2sf)  }
0x156: {  	v18 =	vmov v42;
	vm2 =	veq.f32 v32, v38;
	vm3 =	vlt.s32 v34, v36;
	v35, v48, _ =	vpop (xrf1);
	(xrf1) =	vsort.dscd.msk.f32 $0xffff, v49, v3;
	s26 =	sadd.f32 $9.999999680e-21, s26  }
0x157: {  	vm4 =	vlt.s32 v47, v31;
	vm5 =	vgt.f32 v32, v38;
	vm2 =	vmand vm2, vm3;
	(xrf1) =	vsort.dscd.msk.f32 $0xffff, v50, v0;
	v37, v42, _ =	vpop (xrf1)  }
0x158: {  	v22 =	vmovc v33;
	vm1 =	vmand vm1, vm4;
	vm3 =	vgt.f32 v46, v28;
	vm2 =	vmor vm5, vm2;
	[tilespmem:v19+s11+$0x0] =	vst.idx.add.f32.msk $0xff, v6  }
0x159: {  	vm1 =	vmor vm3, vm1;
	v26 =	vsel vm2, v32, v38;
	v32 =	vsel vm2, v34, v36;
	v30 =	vld.idx.msk [tilespmem:v30+s3+$0x0], $0xffff  }
0x15a: {  	v29 =	vnsel vm0, $0x0, v29;
	v28 =	vsel vm1, v46, v28;
	v31 =	vsel vm1, v47, v31;
	(xrf1) =	vsort.dscd.msk.f32 $0xffff, v26, v32;
	v32 =	vld [tilespmem:s16+$0xFFFFFFB0];
	v33, v34, _ =	vpop (xrf1)  }
0x15b: {  	v36 =	vperm.xlane v39, v5;
	v38 =	vperm.xlane v40, v5;
	(xrf1) =	vsort.dscd.msk.f32 $0xffff, v28, v31;
	v31 =	vnsel vm0, $0x0, v24;
	v28 =	vld [tilespmem:s16+$0xFFFFFF90]  }
0x15c: {  	v39 =	vperm.xlane v43, v5;
	v40 =	vperm.xlane v44, v5;
	v26 =	vnsel vm0, $0x0, v14;
	v43 =	vld [tilespmem:s16+$0xFFFFFFA0]  }
0x15d: {  	vm1 =	vgt.f32 v41, v36;
	vm2 =	veq.f32 v41, v36;
	vm3 =	vlt.s32 v45, v38;
	v44 =	vld [tilespmem:s16+$0xFFFFFF80];
	(xrf2) =	vadd.scan.msk.f32 $0xffff, v26;
	v46 =	vpop (erf);
	s16 =	smov.u32 s25  }
0x15e: {  	vm4 =	veq.f32 v35, v39;
	vm5 =	vlt.s32 v48, v40;
	vm2 =	vmand vm2, vm3;
	[tilespmem:v27+s11+$0x0] =	vst.idx.add.f32.msk $0xff, v6  }
0x15f: {  	vm3 =	vmand vm4, vm5;
	vm1 =	vmor vm1, vm2;
	v26 =	vnsel vm0, $0x0, v30  }
0x160: {  	vm2 =	vgt.f32 v35, v39;
	v27 =	vsel vm1, v41, v36;
	v30 =	vsel vm1, v45, v38;
	(xrf2) =	vadd.scan.msk.f32 $0xffff, v26  }
0x161: {  	vm1 =	vmor vm2, vm3;
	v45 =	vadd.f32 v32, v11;
	(xrf1) =	vsort.dscd.msk.f32 $0xffff, v27, v30;
	v27 =	vadd.f32 v28, v10  }
0x162: {  	v32 =	vsel vm1, v48, v40;
	v30 =	vsel vm1, v35, v39;
	v35 =	vadd.f32 v43, v9;
	v36, v38, _ =	vpop (xrf1)  }
0x163: {  	v47 =	vmov s26;
	(xrf1) =	vsort.dscd.msk.f32 $0xffff, v30, v32;
	v30 =	vperm.xlane v36, v5;
	v32 =	vperm.xlane v38, v5;
	v36, v38, _ =	vpop (xrf1)  }
0x164: {  	v40 =	vadd.f32 v44, v8;
	v36 =	vperm.xlane v36, v5;
	(xrf1) =	vsort.dscd.msk.f32 $0xffff, v45, v4;
	v28, v41, _ =	vpop (xrf1);
	(erf) = vrcp.f32 v47  }
0x165: {  	v38 =	vperm.xlane v38, v5;
	vm1 =	veq.f32 v28, v30;
	vm2 =	vlt.s32 v41, v32;
	v39, v43, _ =	vpop (xrf1)  }
0x166: {  	vm4 =	vgt.f32 v28, v30;
	vm3 =	vgt.f32 v39, v36;
	vm1 =	vmand vm1, vm2;
	(xrf1) =	vsort.dscd.msk.f32 $0xffff, v27, v2  }
0x167: {  	vm2 =	veq.f32 v39, v36;
	vm5 =	vlt.s32 v43, v38;
	vm1 =	vmor vm4, vm1;
	(xrf1) =	vsort.dscd.msk.f32 $0xffff, v35, v3;
	v35, _, _ =	vpop (xrf2)  }
0x168: {  	v37 =	vperm.xlane v37, v5;
	vm2 =	vmand vm2, vm5;
	v27, v44, _ =	vpop (xrf1);
	v28 =	vsel vm1, v28, v30  }
0x169: {  	v30 =	vsel vm1, v41, v32;
	(xrf1) =	vsort.dscd.msk.f32 $0xffff, v40, v0;
	vm1 =	vmor vm3, vm2;
	v32 =	vperm.xlane v27, v5  }
0x16a: {  	v40, v41, _ =	vpop (xrf1);
	(xrf1) =	vsort.dscd.msk.f32 $0xffff, v28, v30;
	v28 =	vperm.xlane v44, v5;
	v27 =	vsel vm1, v39, v36  }
0x16b: {  	v30 =	vsel vm1, v43, v38;
	v38 =	vperm.xlane v42, v5;
	vm1 =	veq.f32 v33, v37;
	v36, _, _ =	vpop (xrf2)  }
0x16c: {  	(xrf1) =	vsort.dscd.msk.f32 $0xffff, v27, v30;
	(v2sf) =	vpush v36, $0xF;
	vm2 =	veq.f32 v40, v32;
	vm3 =	vlt.s32 v41, v28  }
0x16d: {  	vm4 =	vgt.f32 v33, v37;
	vm5 =	vgt.f32 v40, v32;
	vm2 =	vmand vm2, vm3  }
0x16e: {  	v39 =	vmul.f32 v46, v25;
	v27 =	vpop (erf);
	(v2sf) =	vpush v35, $0xF;
	vm2 =	vmor vm5, vm2  }
.Ltmp0:
0x16f: {  	v25 =	vmovc v29;
	vm3 =	vlt.s32 v34, v38;
	(xrf2) =	vadd.scan.msk.f32 $0xffff, v29;
	v35 =	vsel vm2, v40, v32;
	(pc) =	sbr.rel @p0 .LBB2_2-.Ltmp0, $4  }
0x170: {  	vm1 =	vmand vm1, vm3;
	v36 =	vsel vm2, v41, v28;
	v28, v29, _ =	vpop (xrf1)  }
0x171: {  	vm1 =	vmor vm4, vm1;
	v28 =	vperm.xlane v28, v5;
	v29 =	vperm.xlane v29, v5;
	(xrf1) =	vsort.dscd.msk.f32 $0xffff, v35, v36  }
0x172: {  	v33 =	vsel vm1, v33, v37;
	v34 =	vsel vm1, v34, v38;
	v32, v30, _ =	vpop (xrf1);
	(xrf2) =	vadd.scan.msk.f32 $0xffff, v31;
	v31 =	vperm.xlane v39, v7  }
0x173: {  	s25 =	sadd.s32 $0x200, s25;
	vm1 =	vgt.f32 v32, v28;
	vm2 =	veq.f32 v32, v28;
	vm3 =	vlt.s32 v30, v29;
	v36, v35, _ =	vpop (xrf1)  }
0x174: {  	_ =	sdelay $0x5  }
0x175: {  	v37, v38, _ =	vpop (xrf1)  }
0x176: {  	v39, v40, _ =	vpop (xrf1)  }
0x177: {  	v41, v42, _ =	vpop (xrf1)  }
0x178: {  	vm2 =	vmand vm2, vm3;
	v43, v44, _ =	vpop (xrf1)  }
0x179: {  	s23 =	sadd.s32 $0x4, s23;
	vm1 =	vmor vm1, vm2;
	v45, v46, _ =	vpop (xrf1)  }
0x17a: {  	s23 =	sshll.u32 s23, $0x7;
	v32 =	vsel vm1, v32, v28;
	v29 =	vsel vm1, v30, v29;
	(xrf1) =	vsort.dscd.msk.f32 $0xffff, v33, v34;
	_, v28, _ =	vpop (xrf1)  }
0x17b: {  	s24 =	sadd.s32 $0x100, s23;
	(xrf1) =	vsort.dscd.msk.f32 $0xffff, v32, v29;
	v47 =	vand.u32 $0xFFFFFF80, v28  }
0x17c: {  	v48 =	vand.u32 $0x7F, v28;
	v29 =	vadd.s32 s24, v47  }
0x17d: {  	v29 =	vor.u32 v48, v29;
	_ =	sdelay $0x1  }
0x17e: {  	v49 =	vperm.xlane v36, v5;
	v50 =	vperm.xlane v35, v5  }
0x17f: {  	v53 =	vperm.xlane v37, v5;
	v54 =	vperm.xlane v38, v5  }
0x180: {  	v51 =	vperm.xlane v43, v5;
	v52 =	vperm.xlane v44, v5  }
0x181: {  	vm1 =	veq.f32 v39, v49;
	vm2 =	vlt.s32 v40, v50;
	vm5 =	vgt.f32 v39, v49;
	v30 =	vld.idx.msk [tilespmem:v29+s3+$0x0], $0xffff  }
0x182: {  	vm1 =	vmand vm1, vm2;
	vm3 =	veq.f32 v45, v51;
	vm4 =	vlt.s32 v46, v52;
	[tilespmem:v28+s11+$0x0] =	vst.idx.add.f32.msk $0xff, v6  }
0x183: {  	vm1 =	vmor vm5, vm1;
	vm13 =	vgt.f32 v45, v51;
	vm3 =	vmand vm3, vm4;
	v55 =	vld [tilespmem:s16+$0xB0]  }
0x184: {  	vm2 =	veq.f32 v41, v53;
	v60 =	vsel vm1, v39, v49;
	vm3 =	vmor vm13, vm3;
	v58 =	vld [tilespmem:s16+$0x90]  }
0x185: {  	v56 =	vsel vm3, v45, v51;
	v57 =	vsel vm3, v46, v52;
	vm3 =	vlt.s32 v42, v54;
	v59 =	vld [tilespmem:s16+$0xA0]  }
0x186: {  	v61 =	vsel vm1, v40, v50;
	vm1 =	vgt.f32 v41, v53;
	(xrf1) =	vsort.dscd.msk.f32 $0xffff, v56, v57;
	vm2 =	vmand vm2, vm3;
	v62 =	vld [tilespmem:s16+$0x80]  }
0x187: {  	vm1 =	vmor vm1, vm2;
	(xrf1) =	vsort.dscd.msk.f32 $0xffff, v60, v61;
	_, v33, _ =	vpop (xrf1)  }
0x188: {  	v63 =	vsel vm1, v41, v53;
	v40 =	vsel vm1, v42, v54;
	_, v29, _ =	vpop (xrf1);
	v41 =	vadd.f32 v55, v11  }
0x189: {  	(xrf1) =	vsort.dscd.msk.f32 $0xffff, v63, v40;
	v42 =	vand.u32 $0xFFFFFF80, v29;
	v43 =	vadd.f32 v58, v10  }
0x18a: {  	v44 =	vand.u32 $0x7F, v29;
	v45 =	vadd.s32 s23, v42;
	v34 =	vadd.f32 v59, v9;
	(xrf1) =	vsort.dscd.msk.f32 $0xffff, v41, v4  }
0x18b: {  	v35 =	vor.u32 v44, v45;
	v46 =	vadd.f32 v62, v8;
	(xrf1) =	vsort.dscd.msk.f32 $0xffff, v43, v2  }
0x18c: {  	(xrf1) =	vsort.dscd.msk.f32 $0xffff, v34, v3  }
0x18d: {  	(xrf1) =	vsort.dscd.msk.f32 $0xffff, v46, v0;
	_ =	sdelay $0x2  }
0x18e: {  	v32 =	vld.idx.msk [tilespmem:v35+s3+$0x0], $0xffff  }
0x18f: {  	[tilespmem:v29+s11+$0x0] =	vst.idx.add.f32.msk $0xff, v6  }
0x190: {  	v47 =	vld [tilespmem:s16+$0xFFFFFFB0]  }
0x191: {  	v48 =	vld [tilespmem:s16+$0xFFFFFF90]  }
0x192: {  	v49 =	vld [tilespmem:s16+$0xFFFFFFA0]  }
0x193: {  	v50 =	vld [tilespmem:s16+$0xFFFFFF80];
	_, v34, _ =	vpop (xrf1)  }
0x194: {  	v52, v51, _ =	vpop (xrf1)  }
0x195: {  	v41, v42, _ =	vpop (xrf1)  }
0x196: {  	v53 =	vadd.f32 v48, v10;
	v54 =	vadd.f32 v47, v11;
	v56, v55, _ =	vpop (xrf1)  }
0x197: {  	v57 =	vadd.f32 v49, v9;
	v35 =	vperm.xlane v56, v5;
	v36 =	vperm.xlane v55, v5;
	v59, v58, _ =	vpop (xrf1)  }
0x198: {  	v8 =	vadd.f32 v50, v8;
	(xrf1) =	vsort.dscd.msk.f32 $0xffff, v54, v4;
	v37 =	vperm.xlane v59, v5;
	v61, v60, _ =	vpop (xrf1)  }
0x199: {  	v43 =	vperm.xlane v58, v5;
	vm1 =	veq.f32 v61, v35;
	vm2 =	vlt.s32 v60, v36;
	v62, v63, _ =	vpop (xrf1)  }
0x19a: {  	(xrf1) =	vsort.dscd.msk.f32 $0xffff, v53, v2;
	vm3 =	vgt.f32 v62, v37;
	vm1 =	vmand vm1, vm2;
	vm2 =	vgt.f32 v61, v35  }
0x19b: {  	(xrf1) =	vsort.dscd.msk.f32 $0xffff, v57, v3;
	vm14 =	vlt.s32 v63, v43;
	vm1 =	vmor vm2, vm1;
	vm2 =	veq.f32 v62, v37  }
0x19c: {  	(xrf1) =	vsort.dscd.msk.f32 $0xffff, v8, v0;
	vm2 =	vmand vm2, vm14;
	v35 =	vsel vm1, v61, v35;
	v46 =	vsel vm1, v60, v36  }
0x19d: {  	vm1 =	vmor vm3, vm2;
	(xrf1) =	vsort.dscd.msk.f32 $0xffff, v35, v46  }
0x19e: {  	v8 =	vsel vm1, v62, v37;
	v47 =	vsel vm1, v63, v43  }
0x19f: {  	(xrf1) =	vsort.dscd.msk.f32 $0xffff, v8, v47;
	_ =	sdelay $0x7  }
0x1a0: {  	v50, v49, _ =	vpop (xrf1)  }
0x1a1: {  	v48 =	vperm.xlane v51, v5;
	v8 =	vperm.xlane v52, v5;
	v51, v52, _ =	vpop (xrf1)  }
0x1a2: {  	v54, v53, _ =	vpop (xrf1)  }
0x1a3: {  	vm2 =	vlt.s32 v42, v48;
	vm1 =	veq.f32 v41, v8;
	v55, v56, _ =	vpop (xrf1)  }
0x1a4: {  	v10 =	vperm.xlane v50, v5;
	vm3 =	vgt.f32 v41, v8;
	vm1 =	vmand vm1, vm2;
	v58, v57, _ =	vpop (xrf1)  }
0x1a5: {  	vm1 =	vmor vm3, vm1;
	v59 =	vperm.xlane v58, v5;
	v60 =	vperm.xlane v57, v5  }
0x1a6: {  	v11 =	vperm.xlane v49, v5;
	v35 =	vperm.xlane v51, v5;
	v8 =	vsel vm1, v41, v8;
	v62, v61, _ =	vpop (xrf1)  }
0x1a7: {  	v9 =	vsel vm1, v42, v48;
	vm1 =	veq.f32 v62, v59;
	vm2 =	vlt.s32 v61, v60  }
0x1a8: {  	v36 =	vperm.xlane v52, v5;
	vm1 =	vmand vm1, vm2;
	vm2 =	vgt.f32 v62, v59  }
0x1a9: {  	vm3 =	veq.f32 v54, v10;
	vm1 =	vmor vm2, vm1;
	vm2 =	vlt.s32 v53, v11  }
0x1aa: {  	(xrf1) =	vsort.dscd.msk.f32 $0xffff, v8, v9;
	vm15 =	vlt.s32 v56, v36;
	v8 =	vsel vm1, v62, v59;
	vm2 =	vmand vm3, vm2  }
0x1ab: {  	vm3 =	vgt.f32 v54, v10;
	v63 =	vsel vm1, v61, v60;
	vm1 =	veq.f32 v55, v35  }
0x1ac: {  	vm2 =	vmor vm3, vm2;
	(xrf1) =	vsort.dscd.msk.f32 $0xffff, v8, v63;
	vm1 =	vmand vm1, vm15  }
0x1ad: {  	v8 =	vsel vm2, v54, v10;
	v38 =	vsel vm2, v53, v11;
	vm2 =	vgt.f32 v55, v35  }
0x1ae: {  	vm1 =	vmor vm2, vm1;
	(xrf1) =	vsort.dscd.msk.f32 $0xffff, v8, v38  }
0x1af: {  	v8 =	vsel vm1, v55, v35;
	v40 =	vsel vm1, v56, v36  }
0x1b0: {  	(xrf1) =	vsort.dscd.msk.f32 $0xffff, v8, v40;
	_ =	sdelay $0x9  }
0x1b1: {  	_, v8, _ =	vpop (xrf1)  }
0x1b2: {  	_, v9, _ =	vpop (xrf1)  }
0x1b3: {  	v41, v42, _ =	vpop (xrf1)  }
0x1b4: {  	v10 =	vperm.xlane v41, v5;
	v11 =	vperm.xlane v42, v5  }
0x1b5: {  	v43, v44, _ =	vpop (xrf1)  }
0x1b6: {  	vm1 =	veq.f32 v43, v10;
	vm2 =	vlt.s32 v44, v11  }
0x1b7: {  	vm3 =	vgt.f32 v43, v10;
	vm1 =	vmand vm1, vm2  }
0x1b8: {  	vm1 =	vmor vm3, vm1  }
0x1b9: {  	v10 =	vsel vm1, v43, v10;
	v11 =	vsel vm1, v44, v11  }
0x1ba: {  	(xrf1) =	vsort.dscd.msk.f32 $0xffff, v10, v11;
	_ =	sdelay $0x3  }
0x1bb: {  	s17 =	sadd.s32 $0x180, s17;
	v45 =	vand.u32 $0xFFFFFF80, v34  }
0x1bc: {  	v46 =	vand.u32 $0x7F, v34;
	v10 =	vadd.s32 s17, v45  }
0x1bd: {  	v10 =	vor.u32 v46, v10;
	_ =	sdelay $0x1  }
0x1be: {  	v47 =	vand.u32 $0xFFFFFF80, v33  }
0x1bf: {  	v48 =	vand.u32 $0x7F, v33;
	v11 =	vadd.s32 s22, v47  }
0x1c0: {  	v11 =	vor.u32 v48, v11  }
0x1c1: {  	v49 =	vand.u32 $0xFFFFFF80, v9;
	s22 =	sadd.s32 $0x180, s23;
	v50 =	vld.idx.msk [tilespmem:v10+s3+$0x0], $0xffff  }
0x1c2: {  	v51 =	vand.u32 $0x7F, v9;
	v35 =	vadd.s32 s22, v49  }
0x1c3: {  	v52 =	vand.u32 $0xFFFFFF80, v8;
	v35 =	vor.u32 v51, v35  }
0x1c4: {  	v53 =	vand.u32 $0x7F, v8;
	v54 =	vadd.s32 s21, v52;
	_, v10, _ =	vpop (xrf1)  }
0x1c5: {  	s24 =	sadd.s32 $0x80, s23;
	v55 =	vnsel vm0, $0x0, v22;
	v37 =	vor.u32 v53, v54;
	v11 =	vld.idx.msk [tilespmem:v11+s3+$0x0], $0xffff;
	v56 =	vand.u32 $0xFFFFFF80, v10  }
0x1c6: {  	(xrf2) =	vadd.scan.msk.f32 $0xffff, v55;
	v36 =	vnsel vm0, $0x0, v50;
	v57 =	vand.u32 $0x7F, v10;
	v38 =	vadd.s32 s24, v56  }
0x1c7: {  	(xrf2) =	vadd.scan.msk.f32 $0xffff, v36;
	v38 =	vor.u32 v57, v38  }
0x1c8: {  	v35 =	vld.idx.msk [tilespmem:v35+s3+$0x0], $0xffff;
	_ =	sdelay $0x1  }
0x1c9: {  	v37 =	vld.idx.msk [tilespmem:v37+s3+$0x0], $0xffff;
	v39 =	vnsel vm0, $0x0, v11  }
0x1ca: {  	v58 =	vnsel vm0, $0x0, v32;
	(xrf2) =	vadd.scan.msk.f32 $0xffff, v39  }
0x1cb: {  	v59 =	vnsel vm0, $0x0, v30;
	(xrf2) =	vadd.scan.msk.f32 $0xffff, v58;
	v60 =	vld.idx.msk [tilespmem:v38+s3+$0x0], $0xffff  }
0x1cc: {  	v35 =	vnsel vm0, $0x0, v35;
	(xrf2) =	vadd.scan.msk.f32 $0xffff, v59  }
0x1cd: {  	v61, _, _ =	vpop (xrf2);
	(xrf2) =	vadd.scan.msk.f32 $0xffff, v35  }
0x1ce: {  	v62, _, _ =	vpop (xrf2);
	v37 =	vnsel vm0, $0x0, v37  }
0x1cf: {  	(v2sf) =	vpush v61, $0xF;
	v63, _, _ =	vpop (xrf2);
	(xrf2) =	vadd.scan.msk.f32 $0xffff, v37  }
0x1d0: {  	(v2sf) =	vpush v62, $0xF;
	v44, _, _ =	vpop (xrf2);
	v11 =	vnsel vm0, $0x0, v60  }
0x1d1: {  	(v2sf) =	vpush v44, $0xF;
	(xrf2) =	vadd.scan.msk.f32 $0xffff, v11;
	_ =	sdelay $0x1  }
0x1d2: {  	(v2sf) =	vpush v63, $0xF  }
0x1d3: {  	v45, _, _ =	vpop (xrf2)  }
0x1d4: {  	v46, _, _ =	vpop (xrf2)  }
0x1d5: {  	(v2sf) =	vpush v45, $0xF;
	v47, _, _ =	vpop (xrf2)  }
0x1d6: {  	v48, _, _ =	vpop (xrf2);
	(v2sf) =	vpush v46, $0xF  }
0x1d7: {  	(v2sf) =	vpush v48, $0xF  }
0x1d8: {  	v49, _, _ =	vpop (xrf2);
	(v2sf) =	vpush v47, $0xF  }
0x1d9: {  	s25 =	spop (v2sf);
	(v2sf) =	vpush v49, $0xF  }
0x1da: {  	v50, _, _ =	vpop (xrf2)  }
0x1db: {  	s26 =	spop (v2sf);
	(v2sf) =	vpush v50, $0xF  }
0x1dc: {  	s16 =	sadd.f32 $9.999999680e-21, s25  }
0x1dd: {  	s28 =	spop (v2sf);
	s17 =	sadd.f32 $9.999999680e-21, s26  }
0x1de: {  	s29 =	sadd.f32 $9.999999680e-21, s28;
	s30 =	spop (v2sf);
	v51 =	vmov s16  }
0x1df: {  	v52 =	vmov s17;
	s17 =	sadd.f32 $9.999999680e-21, s30;
	(erf) = vrcp.f32 v51;
	s31 =	spop (v2sf)  }
0x1e0: {  	v53 =	vmov s29;
	(erf) = vrcp.f32 v52;
	s22 =	sadd.f32 $9.999999680e-21, s31  }
0x1e1: {  	v54 =	vmov s17;
	(erf) = vrcp.f32 v53;
	s23 =	spop (v2sf)  }
0x1e2: {  	(erf) = vrcp.f32 v54;
	s21 =	sadd.f32 $9.999999680e-21, s23;
	v55 =	vmov s22  }
0x1e3: {  	(erf) = vrcp.f32 v55  }
0x1e4: {  	s24 =	spop (v2sf);
	v56 =	vmov s21  }
0x1e5: {  	s16 =	sadd.f32 $9.999999680e-21, s24;
	s25 =	spop (v2sf);
	(erf) = vrcp.f32 v56  }
0x1e6: {  	s26 =	spop (v2sf);
	s28 =	sadd.f32 $9.999999680e-21, s25  }
0x1e7: {  	v57 =	vmov s16;
	s29 =	sadd.f32 $9.999999680e-21, s26;
	s30 =	spop (v2sf)  }
0x1e8: {  	v58 =	vpop (erf);
	(erf) = vrcp.f32 v57;
	v60 =	vmov s28;
	s31 =	sadd.f32 $9.999999680e-21, s30;
	s21 =	spop (v2sf)  }
0x1e9: {  	v15 =	vsel vm0, v15, v31;
	[tilespmem:v21+s11+$0x0] =	vst.idx.add.f32.msk $0xff, v6;
	v59 =	vpop (erf);
	(erf) = vrcp.f32 v60;
	v61 =	vmov s29;
	s22 =	sadd.f32 $9.999999680e-21, s21  }
0x1ea: {  	[tilespmem:s15+$0xFFFFFFF0] =	vst v15;
	v63 =	vpop (erf);
	(erf) = vrcp.f32 v61;
	v40 =	vmov s31;
	s23 =	spop (v2sf)  }
0x1eb: {  	[tilespmem:s19+$0xFFFFFFF0] =	vst v20;
	v26 =	vmul.f32 v58, v26;
	v41 =	vpop (erf);
	(erf) = vrcp.f32 v40;
	v42 =	vmov s22;
	s25 =	sadd.f32 $9.999999680e-21, s23  }
0x1ec: {  	[tilespmem:v8+s11+$0x0] =	vst.idx.add.f32.msk $0xff, v6;
	v44 =	vpop (erf);
	(erf) = vrcp.f32 v42  }
0x1ed: {  	[tilespmem:v33+s11+$0x0] =	vst.idx.add.f32.msk $0xff, v6;
	v14 =	vmul.f32 v59, v14;
	v62 =	vperm.xlane v26, v7;
	v46 =	vmov s25  }
0x1ee: {  	[tilespmem:v34+s11+$0x0] =	vst.idx.add.f32.msk $0xff, v6;
	v25 =	vmul.f32 v63, v25;
	v47 =	vpop (erf);
	(erf) = vrcp.f32 v46  }
0x1ef: {  	[tilespmem:v9+s11+$0x0] =	vst.idx.add.f32.msk $0xff, v6;
	v14 =	vsel vm0, v14, v62;
	v38 =	vperm.xlane v21, v7  }
0x1f0: {  	[tilespmem:v10+s11+$0x0] =	vst.idx.add.f32.msk $0xff, v6;
	v43 =	vperm.xlane v25, v7;
	s24 =	sadd.s32 $0x20, s18;
	v45 =	vmul.f32 v44, v36  }
0x1f1: {  	v13 =	vsel vm0, v13, v38;
	[tilespmem:s24+$0x0] =	vst v14;
	s26 =	sadd.s32 $0x20, s20;
	v48 =	vpop (erf);
	v49 =	vmul.f32 v47, v22  }
0x1f2: {  	v14 =	vsel vm0, v17, v43;
	[tilespmem:s26+$0x0] =	vst v13;
	v13 =	vperm.xlane v45, v7;
	v20 =	vmul.f32 v48, v39;
	v51 =	vpop (erf)  }
0x1f3: {  	v16 =	vmul.f32 v27, v16;
	v50 =	vperm.xlane v34, v7;
	[tilespmem:s18+$0xFFFFFFF0] =	vst v14;
	v52 =	vpop (erf)  }
0x1f4: {  	[tilespmem:s20+$0xFFFFFFF0] =	vst v23;
	s28 =	sadd.s32 $0x20, s24;
	v13 =	vsel vm0, v49, v13;
	v53 =	vperm.xlane v20, v7;
	v14 =	vmul.f32 v52, v35;
	v55 =	vpop (erf)  }
0x1f5: {  	v54 =	vperm.xlane v33, v7;
	v17 =	vsel vm0, v18, v50;
	s29 =	sadd.s32 $0x20, s26;
	[tilespmem:s28+$0x0] =	vst v13;
	v56 =	vmul.f32 v55, v30;
	v57 =	vpop (erf)  }
0x1f6: {  	[tilespmem:s29+$0x0] =	vst v17;
	v13 =	vsel vm0, v16, v53;
	v14 =	vperm.xlane v14, v7;
	v16 =	vmul.f32 v57, v37  }
0x1f7: {  	v12 =	vsel vm0, v12, v54;
	v58 =	vperm.xlane v9, v7;
	v15 =	vmul.f32 v41, v24;
	[tilespmem:s24+$0xFFFFFFF0] =	vst v13;
	v60 =	vpop (erf)  }
0x1f8: {  	s30 =	sadd.s32 $0x20, s28;
	[tilespmem:s26+$0xFFFFFFF0] =	vst v12;
	v59 =	vsel vm0, v56, v14;
	v61 =	vperm.xlane v16, v7;
	v11 =	vmul.f32 v60, v11  }
0x1f9: {  	v8 =	vperm.xlane v8, v7;
	s31 =	sadd.s32 $0x20, s29;
	v12 =	vsel vm0, v28, v58;
	[tilespmem:s30+$0x0] =	vst v59  }
0x1fa: {  	v62 =	vmul.f32 v51, v32;
	[tilespmem:s31+$0x0] =	vst v12;
	v9 =	vsel vm0, v15, v61;
	v11 =	vperm.xlane v11, v7  }
0x1fb: {  	v8 =	vsel vm0, v19, v8;
	v10 =	vperm.xlane v10, v7;
	[tilespmem:s28+$0xFFFFFFF0] =	vst v9  }
0x1fc: {  	[tilespmem:s29+$0xFFFFFFF0] =	vst v8;
	v8 =	vsel vm0, v62, v11  }
0x1fd: {  	v63 =	vsel vm0, v29, v10;
	[tilespmem:s30+$0xFFFFFFF0] =	vst v8  }
0x1fe: {  	[tilespmem:s31+$0xFFFFFFF0] =	vst v63  }
0x1ff: {  	[hbm4b:s5+s3] =	stream.linear.scatter [tilespmem:s12], [sflag:$0x1], $0x800, $0x38;
	[tilespmem:$0x9100] =	vst v63  }
0x200: {  	_ =	swait.ge [sflag:s10], $0x800  }
0x201: {  	[sflag:s10] =	ssyncset.done $0x0  }
0x202: {  	[sflag:s10] =	ssyncadd.s32 $0xFFFFF800  }
0x203: {  	[hbm4b:s6+s3] =	stream.linear.scatter [tilespmem:s13], [sflag:$0x1], $0x800, $0x38;
	[tilespmem:$0x9100] =	vst v63  }
0x204: {  	s14 =	sadd.s32 $0x1, s14;
	_ =	swait.ge [sflag:s10], $0x800  }
0x205: {  	p0 =	sne.s32 s14, s8;
	[sflag:s10] =	ssyncset.done $0x0  }
.Ltmp1:
0x206: {  	[sflag:s10] =	ssyncadd.s32 $0xFFFFF800;
	(pc) =	sbr.rel @p0 .LBB2_1-.Ltmp1, $4  }
0x207: {  	[hbm4b:s7+s3] =	stream.linear.scatter [tilespmem:s11], [sflag:$0x1], $0x80, $0x38;
	[tilespmem:$0x9100] =	vst v63  }
0x208: {  	_ =	swait.ge [sflag:s10], $0x80  }
0x209: {  	[sflag:s10] =	ssyncset.done $0x0  }
0x20a: {  	[sflag:s10] =	ssyncadd.s32 $0xFFFFFF80  }
0x20b: {  	_ =	sfence.sel $0x180000  }
0x20c: {  	[bflag:$0x0] =	sbarrier.arrive $0xFFFF  }
0x20d: {  	p0 =	sne.s32 s2, $0x0;
	_ =	strace $0x90000050  }
0x20e: {  	s0 =	sadd.s32 @!p0 $0x100000, s0;
	[bflag:$0x2] =	sbarrier.arrive $0xFFFF  }
0x20f: {  	[sflag:s0] =	ssyncadd.tile.s32 @!p0 $0x1;
	_ =	shalt  }
.Lfunc_end2:
_tile_overlayer_lowered:
.L_overlay_start_2:
0x210: {  	(tag) =	ssettag $0x2  }
0x211: {  	s0 =	rddreg [dreg:$0x0];
	s2 =	stileid.u32  }
0x212: {  	s1 =	rddreg [dreg:$0x1];
	p0 =	sne.s32 s2, $0x0  }
0x213: {  	s3 =	rddreg [dreg:$0x2];
	[bflag:$0x3] =	sbarrier.arrive $0xFFFF;
	s2 =	simm.s32 @!p0 $0x1C01  }
0x214: {  	[timem:s3], [sflag:s2] =	dma.local @!p0 [hbm:s0], s1  }
0x215: {  	s0 =	simm.s32 @!p0 $0x1  }
0x216: {  	_ =	swait.ge @!p0 [sflag:s0], s1  }
0x217: {  	s1 =	ssub.s32 @!p0 $0x0, s1;
	[sflag:s0] =	ssyncset.done @!p0 $0x0  }
0x218: {  	[sflag:s0] =	ssyncadd.s32 @!p0 s1  }
0x219: {  	[bflag:$0x3] =	sbarrier.arrive $0xFFFF  }
0x21a: {  	_ =	shalt  }

// kernel: kernel.14.cloned.1.call-start
scs
__scs_entry_jumppad:
0x0: {  	(pc) =	sbr.rel $0x88, $3  }
0x1: {  	(tag) =	ssettag $0x0;
	lr =	simm.s32 $0x1  }
0x2: {  	[smem:$0x3F9E] =	sst lr;
	_ =	strace $0xD0000000  }
0x3: {  	_ = 	snop  }
0x4: {  	_ = 	snop  }
0x5: {  	_ = 	snop  }
0x6: {  	_ = 	snop  }
0x7: {  	_ = 	snop  }
__scs_overlays_trampoline_lowered:
0x8: {  	[smem:$0x3FAD] =	sst s0  }
0x9: {  	[smem:$0x3FAE] =	sst s1  }
0xa: {  	[smem:$0x3FAF] =	sst s2  }
0xb: {  	[smem:$0x3FB0] =	sst s3  }
0xc: {  	[smem:$0x3FB1] =	sst s4  }
0xd: {  	[smem:$0x3FB2] =	sst s5  }
0xe: {  	[smem:$0x3FB3] =	sst s6  }
0xf: {  	[smem:$0x3FB4] =	sst s7  }
0x10: {  	[smem:$0x3FB5] =	sst s8  }
0x11: {  	[smem:$0x3FB6] =	sst s9;
	s0 =	simm.s32 @!p0 $0x0  }
0x12: {  	s1 =	sld [smem:$0x3F9C];
	s0 =	simm.s32 @p0 $0x1  }
0x13: {  	[smem:$0x3FB7] =	sst s0;
	s0 =	simm.s32 @!p1 $0x0  }
0x14: {  	s2 =	sld [smem:$0x3F9B];
	s0 =	simm.s32 @p1 $0x1  }
0x15: {  	[smem:$0x3FB8] =	sst s0;
	s0 =	simm.s32 @!p2 $0x0  }
0x16: {  	s3 =	sld [smem:$0x3FDB];
	s0 =	simm.s32 @p2 $0x1  }
0x17: {  	s4 =	simm.s32 $0x1BF5;
	[smem:$0x3FBA] =	sst s0  }
0x18: {  	s0 =	sld [smem:$0x3F9D];
	_ =	swait.ge [sflag:s4], $0x0  }
0x19: {  	s7 =	sld [smem:$0x3F9E]  }
0x1a: {  	s8 =	sadd.s32 $0xFFFFE003, lr  }
0x1b: {  	s9 =	sadd.s32 $0xFFFFFEF7, lr;
	s5 =	simm.s32 $0xFFFFFFFF;
	p2 =	slt.u32 s8, $0xFFFFF086  }
0x1c: {  	p1 =	slt.u32 s9, $0xF7A;
	s5 =	simm.s32 @!p2 $0x0  }
0x1d: {  	s5 =	simm.s32 @p1 $0x1;
	p0 =	seq.s32 s7, s2  }
0x1e: {  	s7 =	smul.u32 @!p0 $0xF7A, s2;
	p2 =	seq.s32 @!p0 s5, $0x0  }
0x1f: {  	s9 =	smul.u32 $0xF7A, s1;
	s8 =	simm.s32 @!p0 $0x1BF5;
	p2 =	por !p2, p0  }
0x20: {  	[sflag:s8] =	ssyncset.s32 @!p0 $0xFFFFF086;
	s6 =	sadd.s32 @!p0 s3, s7;
	s7 =	simm.s32 @!p0 $0x108  }
0x21: {  	s3 =	sadd.s32 s3, s9;
	s6 =	sadd.s32 @!p0 $0x88, s6;
	s7 =	simm.s32 @p2 $0x1082  }
0x22: {  	[simem:s7], [sflag:s8] =	dma.local @!p0 [hbm:s6], $0xF7A  }
0x23: {  	s9 =	sor.u32 $0xD0000000, s2;
	s6 =	simm.s32 $0x108;
	_ =	swait.ge @!p0 [sflag:s8], $0x0  }
0x24: {  	s3 =	sadd.s32 $0x88, s3;
	s6 =	simm.s32 @!p1 $0x1082;
	[sflag:s4] =	ssyncset.s32 $0xFFFFF086  }
0x25: {  	[simem:s6], [sflag:s4] =	dma.local [hbm:s3], $0xF7A  }
0x26: {  	[smem:$0x3F9E] =	sst s1;
	(tag) =	ssettag s2;
	_ =	strace s9  }
0x27: {  	s1 =	sld [smem:$0x3FAE]  }
0x28: {  	s2 =	sld [smem:$0x3FAF]  }
0x29: {  	s4 =	sld [smem:$0x3FB1]  }
0x2a: {  	p0 =	seq.s32 s5, $0x0;
	s5 =	sld [smem:$0x3FB2]  }
0x2b: {  	s6 =	sld [smem:$0x3FB3]  }
0x2c: {  	s7 =	sld [smem:$0x3FB4]  }
0x2d: {  	s3 =	simm.s32 $0x108;
	s8 =	sld [smem:$0x3FB5]  }
0x2e: {  	s3 =	simm.s32 @!p0 $0x1082;
	s9 =	sld [smem:$0x3FB6]  }
0x2f: {  	lr =	sadd.s32 s0, s3;
	s0 =	sld [smem:$0x3FAD]  }
0x30: {  	s3 =	sld [smem:$0x3FB0]  }
0x31: {  	[smem:$0x3FB9] =	sst s10  }
0x32: {  	s10 =	sld [smem:$0x3FB7];
	_ =	sdelay $0x3  }
0x33: {  	p0 =	seq.s32 s10, $0x1;
	s10 =	sld [smem:$0x3FB9];
	_ =	sdelay $0x3  }
0x34: {  	[smem:$0x3FB9] =	sst s10  }
0x35: {  	s10 =	sld [smem:$0x3FB8];
	_ =	sdelay $0x3  }
0x36: {  	p1 =	seq.s32 s10, $0x1;
	s10 =	sld [smem:$0x3FB9];
	_ =	sdelay $0x3  }
0x37: {  	[smem:$0x3FB9] =	sst s10  }
0x38: {  	s10 =	sld [smem:$0x3FBA]  }
0x39: {  	_ = 	snop;
	(pc) =	sbr.ind lr, $3  }
0x3a: {  	_ = 	snop  }
0x3b: {  	_ = 	snop  }
0x3c: {  	p2 =	seq.s32 s10, $0x1;
	s10 =	sld [smem:$0x3FB9]  }
0x3d: {  	_ =	shalt  }
0x3e: {  	_ =	shalt  }
0x3f: {  	_ =	shalt  }
0x40: {  	_ =	shalt  }
0x41: {  	_ =	shalt  }
0x42: {  	_ =	shalt  }
0x43: {  	_ =	shalt  }
0x44: {  	_ =	shalt  }
0x45: {  	_ =	shalt  }
0x46: {  	_ =	shalt  }
0x47: {  	_ =	shalt  }
0x48: {  	_ =	shalt  }
0x49: {  	_ =	shalt  }
0x4a: {  	_ =	shalt  }
0x4b: {  	_ =	shalt  }
0x4c: {  	_ =	shalt  }
0x4d: {  	_ =	shalt  }
0x4e: {  	_ =	shalt  }
0x4f: {  	_ =	shalt  }
0x50: {  	_ =	shalt  }
0x51: {  	_ =	shalt  }
0x52: {  	_ =	shalt  }
0x53: {  	_ =	shalt  }
0x54: {  	_ =	shalt  }
0x55: {  	_ =	shalt  }
0x56: {  	_ =	shalt  }
0x57: {  	_ =	shalt  }
0x58: {  	_ =	shalt  }
0x59: {  	_ =	shalt  }
0x5a: {  	_ =	shalt  }
0x5b: {  	_ =	shalt  }
0x5c: {  	_ =	shalt  }
0x5d: {  	_ =	shalt  }
0x5e: {  	_ =	shalt  }
0x5f: {  	_ =	shalt  }
0x60: {  	_ =	shalt  }
0x61: {  	_ =	shalt  }
0x62: {  	_ =	shalt  }
0x63: {  	_ =	shalt  }
0x64: {  	_ =	shalt  }
0x65: {  	_ =	shalt  }
0x66: {  	_ =	shalt  }
0x67: {  	_ =	shalt  }
0x68: {  	_ =	shalt  }
0x69: {  	_ =	shalt  }
0x6a: {  	_ =	shalt  }
0x6b: {  	_ =	shalt  }
0x6c: {  	_ =	shalt  }
0x6d: {  	_ =	shalt  }
0x6e: {  	_ =	shalt  }
0x6f: {  	_ =	shalt  }
0x70: {  	_ =	shalt  }
0x71: {  	_ =	shalt  }
0x72: {  	_ =	shalt  }
0x73: {  	_ =	shalt  }
0x74: {  	_ =	shalt  }
0x75: {  	_ =	shalt  }
0x76: {  	_ =	shalt  }
0x77: {  	_ =	shalt  }
0x78: {  	_ =	shalt  }
0x79: {  	_ =	shalt  }
0x7a: {  	_ =	shalt  }
0x7b: {  	_ =	shalt  }
0x7c: {  	_ =	shalt  }
0x7d: {  	_ =	shalt  }
0x7e: {  	_ =	shalt  }
0x7f: {  	_ =	shalt  }
0x80: {  	_ =	shalt  }
0x81: {  	_ =	shalt  }
0x82: {  	_ =	shalt  }
0x83: {  	_ =	shalt  }
0x84: {  	_ =	shalt  }
0x85: {  	_ =	shalt  }
0x86: {  	_ =	shalt  }
0x87: {  	_ =	shalt  }
.Lfunc_end0:
.L_simem_size_0:
called_computation.1_lowered:
.L_overlay_start_0:
0x88: {  	s2 =	sld [smem:$0x3FD9]  }
0x89: {  	s3 =	sld [smem:$0x3FFE];
	_ =	sdelay $0x1  }
0x8a: {  	s1 =	srdreg.scid  }
0x8b: {  	s0 =	sand.u32 $0x1, s1  }
0x8c: {  	s17 =	sshll.u32 s0, $0xA;
	s2 =	sadd.s32 s3, s2  }
0x8d: {  	s2 =	sadd.s32 s2, s17  }
0x8e: {  	[smem:$0x3FC5] =	sst s2  }
0x8f: {  	_ = 	snop  }
0x90: {  	s18 =	sld [smem:$0x3FC8];
	(tm) =	ssettm $0x1  }
0x91: {  	s19 =	sld [smem:$0x3FFB];
	_ =	sdelay $0x3  }
0x92: {  	_ =	strace s19  }
0x93: {  	s2 =	sld [smem:$0x3FFC];
	_ =	sdelay $0x3  }
0x94: {  	_ =	strace s2  }
0x95: {  	s2 =	sld [smem:$0x3FFD];
	_ =	sdelay $0x3  }
0x96: {  	_ =	strace s2  }
0x97: {  	_ =	strace $0x8FFFFFFF  }
0x98: {  	s20 =	sld [smem:$0x3FDB];
	_ =	sdelay $0x1  }
0x99: {  	s4 =	simm.s32 $_scs_section_size  }
0x9a: {  	s5 =	simm.s32 $_size__tile_overlayer_lowered;
	s6 =	simm.s32 $_tile_overlayer_lowered  }
0x9b: {  	s7 =	simm.s32 $0x1BFF;
	s21 =	sshll.u32 s6, $0x1;
	s4 =	sadd.s32 s4, s20  }
0x9c: {  	s22 =	simm.s32 $0x0;
	s5 =	sshll.u32 s5, $0x1;
	s6 =	sadd.s32 s21, s4  }
0x9d: {  	[timem:s22], [sflag:s7] =	dma.local [hbm:s6], s5  }
0x9e: {  	_ =	swait.ge [sflag:s7], s5  }
0x9f: {  	s5 =	ssub.s32 $0x0, s5;
	[sflag:s7] =	ssyncset.done $0x0  }
0xa0: {  	[sflag:s7] =	ssyncadd.s32 s5;
	_ =	sdelay $0x1  }
0xa1: {  	s23 =	simm.s32 $0x1B8B  }
0xa2: {  	_ =	swait.ge [sflag:s23], $0x1  }
0xa3: {  	[sflag:s23] =	ssyncset.done $0x0  }
0xa4: {  	[sflag:s23] =	ssyncadd.s32 $0xFFFFFFFF  }
0xa5: {  	s5 =	sld [smem:$0x0]  }
0xa6: {  	s6 =	sand.u32 $0xFFFFFFFE, s1  }
0xa7: {  	p0 =	sne.s32 s1, s6  }
0xa8: {  	s6 =	sshll.u32 @p0 s6, $0xE  }
0xa9: {  	s6 =	sadd.s32 @p0 $0x11B8D, s6;
	s7 =	sshll.u32 @p0 s5, $0x11  }
0xaa: {  	s6 =	sor.u32 @p0 s7, s6  }
0xab: {  	[sflag:s6] =	ssyncadd.remote.s32 @p0 $0x1;
	_ =	sdelay $0x1  }
0xac: {  	s6 =	simm.s32 @p0 $0x1B8D  }
0xad: {  	_ =	swait.eq @p0 [sflag:s6], $0x1  }
0xae: {  	[sflag:s6] =	ssyncadd.s32 @p0 $0xFFFFFFFF  }
0xaf: {  	s7 =	sshll.u32 @!p0 s1, $0xE  }
0xb0: {  	s7 =	sor.u32 @!p0 $0x4000, s7;
	s6 =	simm.s32 @!p0 $0x1B8D  }
0xb1: {  	s5 =	sshll.u32 @!p0 s5, $0x11;
	s7 =	sadd.s32 @!p0 $0x11B8D, s7;
	_ =	swait.eq @!p0 [sflag:s6], $0x1  }
0xb2: {  	s5 =	sor.u32 @!p0 s5, s7;
	[sflag:s6] =	ssyncadd.s32 @!p0 $0xFFFFFFFF  }
0xb3: {  	s25 =	simm.s32 $0x1B8E;
	s24 =	sld [smem:$0x3FFE];
	[sflag:s5] =	ssyncadd.remote.s32 @!p0 $0x1  }
0xb4: {  	s26 =	simm.s32 $execute0_lowered;
	[smem:$0x3FD2] =	sst s25  }
0xb5: {  	s6 =	sshll.u32 s26, $0x1;
	_ =	strace $0x8000004C;
	[dreg:$0x1] =	wrdreg $0xFFFFFFFF  }
0xb6: {  	s28 =	simm.s32 $_size_execute0_lowered;
	s4 =	sadd.s32 s4, s6;
	[dreg:$0x0] =	wrdreg $0x0  }
0xb7: {  	s6 =	sshll.u32 s28, $0x1;
	[dreg:$0x2] =	wrdreg s4  }
0xb8: {  	[dreg:$0x3] =	wrdreg s6  }
0xb9: {  	[dreg:$0x4] =	wrdreg $0xC0  }
0xba: {  	_ =	task [dreg:s22], $0x5FFFF  }
0xbb: {  	[dreg:$0x1] =	wrdreg $0xFFFFFFFF  }
0xbc: {  	[dreg:$0x0] =	wrdreg $0x60  }
0xbd: {  	[dreg:$0x2] =	wrdreg s24  }
0xbe: {  	[dreg:$0x3] =	wrdreg s18  }
0xbf: {  	[dreg:$0x4] =	wrdreg $0xA  }
0xc0: {  	_ =	task.clear_ibuf [dreg:s22], $0x5FFFF;
	_ =	strace $0x9000004C  }
0xc1: {  	s29 =	simm.s32 $0xA;
	_ =	strace $0x8000004E  }
0xc2: {  	_ =	swait.ge [sflag:s29], $0x1  }
0xc3: {  	[sflag:s29] =	ssyncadd.s32 $0xFFFFFFFF  }
0xc4: {  	_ =	strace $0x9000004E  }
0xc5: {  	_ =	sfence  }
0xc6: {  	s30 =	sld [smem:$0x0];
	_ =	sdelay $0x2  }
0xc7: {  	s31 =	sshll.u32 s1, $0xD;
	s1 =	sshrl.u32 s1, $0x2  }
0xc8: {  	s4 =	sand.u32 $0x4000, s31;
	s1 =	sadd.s32 s1, s30  }
0xc9: {  	s0 =	sor.u32 s4, s0;
	s1 =	sshll.u32 s1, $0x11  }
0xca: {  	s0 =	sor.u32 s1, s0  }
0xcb: {  	s0 =	sadd.s32 $0x8F2B, s0  }
0xcc: {  	[sflag:s0] =	ssyncadd.remote.s32 $0x1  }
0xcd: {  	_ =	sfence.sel $0xFFFF  }
0xce: {  	[dreg:$0x0] =	wrdreg $0xFFFFFFFF;
	(pc) =	sbr.abs _section_cstart, $3  }
0xcf: {  	[dreg:$0x1] =	wrdreg $0xFFFFFFFF  }
0xd0: {  	_ =	task.clear_ibuf [dreg:s22], $0x2FFFF;
	_ =	strace $0x9FFFFFFF  }
0xd1: {  	(tm) =	ssettm $0x7FFFFFFF  }
tec
execute0_lowered:
.L_overlay_start_1:
0x0: {  	(tag) =	ssettag $0x1  }
0x1: {  	s4 =	rddreg [dreg:$0x0];
	s1 =	srdreg.scid  }
0x2: {  	s0 =	stileid.u32;
	s2 =	rddreg [dreg:$0x1]  }
0x3: {  	s3 =	simm.s32 $0x0;
	v0 =	vimm.s32 $0xE40000;
	s11 =	simm.s32 $0x9080;
	s12 =	simm.s32 $0x8080  }
0x4: {  	s13 =	simm.s32 $0x8880;
	s5 =	sand.u32 $0x1, s1;
	s1 =	rddreg [dreg:$0x2];
	v1 =	vunpack.c.l.s2.s4 v0  }
0x5: {  	s14 =	simm.s32 $0x0;
	s6 =	sshll.u32 s0, $0x1;
	[smem:$0x7FF] =	sst s3  }
0x6: {  	s6 =	sor.u32 s5, s6;
	_ =	strace $0x8000004D;
	s5 =	ssub.s32 $0x2, s5;
	v3 =	vunpack.c.l.s4.s8 v1  }
0x7: {  	v6 =	vimm.s32 $0x7060504;
	vm1 =	vcmask $0x3F30;
	vm0 =	vmmov $0xff;
	s7 =	sshll.u32 s6, $0xC;
	s8 =	sshll.u32 s6, $0x8;
	s6 =	sshll.u32 s6, $0x4  }
0x8: {  	v0 =	vlaneseq.u32;
	v8 =	vunpack.c.0.s8.s32 v6;
	s31 =	sshrl.u32 s5, $0x1;
	s7 =	sadd.s32 s7, s4;
	s8 =	sadd.s32 s8, s4;
	v7 =	vunpack.c.0.s8.s32 v3  }
0x9: {  	v6 =	vimm.f32 $1.000000000e+00;
	v2 =	vor.u32 $0x10, v0;
	v5 =	vmul.u32 $0xFFFFFFFF, v0;
	s9 =	sadd.s32 s6, s4;
	s10 =	ssub.s32 s5, s31;
	s4 =	sadd.s32 $0x4BA00, s7  }
0xa: {  	v4 =	vor.u32 $0x30, v0;
	v1 =	vimm.f32 $0.0e+00;
	s5 =	sadd.s32 $0x6BC00, s8;
	s6 =	sadd.s32 $0x6DC00, s8;
	s7 =	sadd.s32 $0x6BA00, s9;
	v7 =	vand.u32 $0x3, v7  }
0xb: {  	v5 =	vadd.s32 $0xF, v5;
	s8 =	smax.u32 s10, $0x1;
	v3 =	vor.u32 $0x20, v0;
	s9 =	simm.s32 $0x8000;
	s10 =	simm.s32 $0x1;
	v7 =	vsel vm1, v8, v7  }
.LBB2_1:
0xc: {  	[tilespmem:s9], [sflag:$0x1] =	stream.linear.gather [hbm4b:s2+s3], $0x80, $0x38;
	[tilespmem:$0x9100] =	vst v63  }
0xd: {  	_ =	swait.ge [sflag:s10], $0x80  }
0xe: {  	[sflag:s10] =	ssyncset.done $0x0  }
0xf: {  	[sflag:s10] =	ssyncadd.s32 $0xFFFFFF80  }
0x10: {  	[tilespmem:s3], [sflag:$0x1] =	stream.linear.gather [hbm4b:s4+s3], $0x8000, $0x38;
	[tilespmem:$0x9100] =	vst v63  }
0x11: {  	_ =	swait.ge [sflag:s10], $0x8000  }
0x12: {  	[sflag:s10] =	ssyncset.done $0x0  }
0x13: {  	[sflag:s10] =	ssyncadd.s32 $0xFFFF8000  }
0x14: {  	[tilespmem:$0x9080] =	vst v1;
	v8 =	vld [tilespmem:$0x8000]  }
0x15: {  	[tilespmem:$0x9090] =	vst v1;
	v10 =	vld [tilespmem:$0x8010]  }
0x16: {  	[tilespmem:$0x90A0] =	vst v1;
	v9 =	vld [tilespmem:$0x8020]  }
0x17: {  	s16 =	simm.s32 $0x100;
	[tilespmem:$0x90B0] =	vst v1;
	v11 =	vld [tilespmem:$0x8030]  }
0x18: {  	v12 =	vld [tilespmem:s16+$0x10]  }
0x19: {  	v13 =	vld [tilespmem:s16+$0x30]  }
0x1a: {  	v14 =	vld [tilespmem:s16+$0xFFFFFF30]  }
0x1b: {  	v15 =	vld [tilespmem:s16+$0xFFFFFF10]  }
0x1c: {  	v16 =	vld [tilespmem:s16+$0xFFFFFF20]  }
0x1d: {  	v17 =	vld [tilespmem:s16+$0x0];
	v12 =	vadd.f32 v12, v10  }
0x1e: {  	v18 =	vld [tilespmem:s16+$0x20];
	v13 =	vadd.f32 v13, v11  }
0x1f: {  	(xrf1) =	vsort.dscd.msk.f32 $0xffff, v12, v2;
	v12 =	vadd.f32 v14, v11  }
0x20: {  	v14 =	vadd.f32 v15, v10;
	(xrf1) =	vsort.dscd.msk.f32 $0xffff, v13, v4  }
0x21: {  	v13 =	vadd.f32 v16, v9;
	(xrf1) =	vsort.dscd.msk.f32 $0xffff, v12, v4  }
0x22: {  	v12 =	vadd.f32 v17, v8;
	(xrf1) =	vsort.dscd.msk.f32 $0xffff, v14, v2  }
0x23: {  	v14 =	vadd.f32 v18, v9;
	(xrf1) =	vsort.dscd.msk.f32 $0xffff, v13, v3  }
0x24: {  	(xrf1) =	vsort.dscd.msk.f32 $0xffff, v12, v0  }
0x25: {  	(xrf1) =	vsort.dscd.msk.f32 $0xffff, v14, v3;
	_ =	sdelay $0x2  }
0x26: {  	v12 =	vld [tilespmem:s16+$0xFFFFFF00];
	_ =	sdelay $0x4  }
0x27: {  	v12 =	vadd.f32 v12, v8;
	v13, v14, _ =	vpop (xrf1)  }
0x28: {  	v15, v16, _ =	vpop (xrf1)  }
0x29: {  	v17, v18, _ =	vpop (xrf1)  }
0x2a: {  	v19, v20, _ =	vpop (xrf1);
	(xrf1) =	vsort.dscd.msk.f32 $0xffff, v12, v0  }
0x2b: {  	v12, v21, _ =	vpop (xrf1)  }
0x2c: {  	v15 =	vperm.xlane v15, v5;
	v16 =	vperm.xlane v16, v5;
	v22, v23, _ =	vpop (xrf1)  }
0x2d: {  	v13 =	vperm.xlane v13, v5;
	v24, v25, _ =	vpop (xrf1)  }
0x2e: {  	v14 =	vperm.xlane v14, v5;
	vm1 =	veq.f32 v24, v15;
	vm2 =	vlt.s32 v25, v16  }
0x2f: {  	vm3 =	veq.f32 v22, v13;
	vm4 =	vgt.f32 v24, v15;
	vm1 =	vmand vm1, vm2  }
0x30: {  	vm5 =	vgt.f32 v22, v13;
	vm2 =	vlt.s32 v23, v14;
	vm1 =	vmor vm4, vm1  }
0x31: {  	vm2 =	vmand vm3, vm2;
	v15 =	vsel vm1, v24, v15;
	v16 =	vsel vm1, v25, v16  }
0x32: {  	vm1 =	vmor vm5, vm2;
	(xrf1) =	vsort.dscd.msk.f32 $0xffff, v15, v16  }
0x33: {  	v13 =	vsel vm1, v22, v13;
	v14 =	vsel vm1, v23, v14  }
0x34: {  	(xrf1) =	vsort.dscd.msk.f32 $0xffff, v13, v14;
	_ =	sdelay $0x1  }
0x35: {  	v13 =	vperm.xlane v17, v5;
	v14 =	vperm.xlane v18, v5  }
0x36: {  	v15 =	vperm.xlane v19, v5;
	v16 =	vperm.xlane v20, v5  }
0x37: {  	vm1 =	vgt.f32 v12, v13;
	vm2 =	veq.f32 v12, v13;
	vm3 =	vlt.s32 v21, v14;
	v17, v18, _ =	vpop (xrf1)  }
0x38: {  	vm2 =	vmand vm2, vm3;
	vm4 =	veq.f32 v17, v15;
	vm5 =	vlt.s32 v18, v16  }
0x39: {  	vm1 =	vmor vm1, vm2;
	vm2 =	vgt.f32 v17, v15;
	vm3 =	vmand vm4, vm5  }
0x3a: {  	v12 =	vsel vm1, v12, v13;
	v13 =	vsel vm1, v21, v14;
	vm1 =	vmor vm2, vm3  }
0x3b: {  	(xrf1) =	vsort.dscd.msk.f32 $0xffff, v12, v13;
	v13 =	vsel vm1, v18, v16  }
0x3c: {  	v12 =	vsel vm1, v17, v15  }
0x3d: {  	(xrf1) =	vsort.dscd.msk.f32 $0xffff, v12, v13;
	_ =	sdelay $0x1  }
0x3e: {  	v12, v13, _ =	vpop (xrf1)  }
0x3f: {  	v12 =	vperm.xlane v12, v5;
	v13 =	vperm.xlane v13, v5  }
0x40: {  	v14, v15, _ =	vpop (xrf1)  }
0x41: {  	vm1 =	veq.f32 v14, v12;
	vm2 =	vlt.s32 v15, v13  }
0x42: {  	vm3 =	vgt.f32 v14, v12;
	vm1 =	vmand vm1, vm2  }
0x43: {  	vm1 =	vmor vm3, vm1  }
0x44: {  	v12 =	vsel vm1, v14, v12;
	v13 =	vsel vm1, v15, v13  }
0x45: {  	(xrf1) =	vsort.dscd.msk.f32 $0xffff, v12, v13;
	_ =	sdelay $0x2  }
0x46: {  	s15 =	simm.s32 $0x300;
	v12, v13, _ =	vpop (xrf1)  }
0x47: {  	v14 =	vld [tilespmem:s15+$0x10];
	v12 =	vperm.xlane v12, v5;
	v13 =	vperm.xlane v13, v5  }
0x48: {  	v17 =	vld [tilespmem:s15+$0x30];
	v15, v16, _ =	vpop (xrf1)  }
0x49: {  	v18 =	vld [tilespmem:s15+$0xFFFFFF30];
	vm1 =	veq.f32 v15, v12;
	vm2 =	vlt.s32 v16, v13  }
0x4a: {  	v19 =	vld [tilespmem:s15+$0xFFFFFF10];
	vm3 =	vgt.f32 v15, v12;
	vm1 =	vmand vm1, vm2  }
0x4b: {  	v20 =	vld [tilespmem:s15+$0xFFFFFF20];
	vm1 =	vmor vm3, vm1  }
0x4c: {  	v14 =	vadd.f32 v14, v10;
	v12 =	vsel vm1, v15, v12;
	v13 =	vsel vm1, v16, v13;
	v15 =	vld [tilespmem:s15+$0x0]  }
0x4d: {  	(xrf1) =	vsort.dscd.msk.f32 $0xffff, v12, v13;
	v12 =	vadd.f32 v17, v11;
	v13 =	vld [tilespmem:s15+$0x20]  }
0x4e: {  	(xrf1) =	vsort.dscd.msk.f32 $0xffff, v14, v2;
	v14 =	vadd.f32 v18, v11  }
0x4f: {  	v16 =	vadd.f32 v19, v10;
	(xrf1) =	vsort.dscd.msk.f32 $0xffff, v12, v4  }
0x50: {  	v12 =	vadd.f32 v20, v9;
	(xrf1) =	vsort.dscd.msk.f32 $0xffff, v14, v4  }
0x51: {  	_, v17, _ =	vpop (xrf1);
	v14 =	vadd.f32 v15, v8;
	(xrf1) =	vsort.dscd.msk.f32 $0xffff, v16, v2  }
0x52: {  	s17 =	simm.s32 $0x100;
	v15 =	vand.u32 $0xFFFFFF80, v17;
	v13 =	vadd.f32 v13, v9;
	(xrf1) =	vsort.dscd.msk.f32 $0xffff, v12, v3  }
0x53: {  	v12 =	vand.u32 $0x7F, v17;
	v15 =	vadd.s32 s17, v15;
	(xrf1) =	vsort.dscd.msk.f32 $0xffff, v14, v0  }
0x54: {  	v12 =	vor.u32 v12, v15;
	(xrf1) =	vsort.dscd.msk.f32 $0xffff, v13, v3;
	v13 =	vld [tilespmem:s15+$0xFFFFFF00];
	_ =	sdelay $0x4  }
0x55: {  	v19 =	vld.idx.msk [tilespmem:v12+s3+$0x0], $0xffff;
	v12 =	vadd.f32 v13, v8  }
0x56: {  	[tilespmem:v17+s11+$0x0] =	vst.idx.add.f32.msk $0xff, v6  }
0x57: {  	v13 =	vld [tilespmem:s16+$0xB0]  }
0x58: {  	v14 =	vld [tilespmem:s16+$0x90];
	_, v18, _ =	vpop (xrf1)  }
0x59: {  	v16 =	vld [tilespmem:s16+$0xA0];
	(xrf1) =	vsort.dscd.msk.f32 $0xffff, v12, v0;
	v12, v15, _ =	vpop (xrf1)  }
0x5a: {  	s25 =	simm.s32 $0x0;
	v23 =	vld [tilespmem:s16+$0x80];
	v20 =	vand.u32 $0xFFFFFF80, v18;
	v21, v22, _ =	vpop (xrf1)  }
0x5b: {  	v24 =	vand.u32 $0x7F, v18;
	v20 =	vadd.s32 s25, v20;
	v25, v26, _ =	vpop (xrf1)  }
0x5c: {  	v20 =	vor.u32 v24, v20;
	v24 =	vperm.xlane v12, v5;
	v12 =	vadd.f32 v13, v11;
	v27, v28, _ =	vpop (xrf1)  }
0x5d: {  	v13 =	vperm.xlane v15, v5;
	v15 =	vperm.xlane v21, v5;
	v14 =	vadd.f32 v14, v10;
	v21, v29, _ =	vpop (xrf1)  }
0x5e: {  	v22 =	vperm.xlane v22, v5;
	v16 =	vadd.f32 v16, v9;
	(xrf1) =	vsort.dscd.msk.f32 $0xffff, v12, v4;
	v30, v31, _ =	vpop (xrf1)  }
0x5f: {  	v12 =	vadd.f32 v23, v8;
	(xrf1) =	vsort.dscd.msk.f32 $0xffff, v14, v2;
	vm1 =	veq.f32 v30, v24;
	v32, v33, _ =	vpop (xrf1)  }
0x60: {  	(xrf1) =	vsort.dscd.msk.f32 $0xffff, v16, v3;
	vm2 =	veq.f32 v32, v15;
	vm3 =	vlt.s32 v33, v22  }
0x61: {  	vm4 =	vlt.s32 v31, v13;
	vm5 =	vgt.f32 v32, v15;
	(xrf1) =	vsort.dscd.msk.f32 $0xffff, v12, v0;
	vm2 =	vmand vm2, vm3  }
0x62: {  	vm1 =	vmand vm1, vm4;
	vm2 =	vmor vm5, vm2  }
0x63: {  	v12 =	vld.idx.msk [tilespmem:v20+s3+$0x0], $0xffff;
	vm3 =	vgt.f32 v30, v24;
	v14 =	vsel vm2, v32, v15;
	v15 =	vsel vm2, v33, v22  }
0x64: {  	[tilespmem:v18+s11+$0x0] =	vst.idx.add.f32.msk $0xff, v6;
	v20 =	vperm.xlane v26, v5;
	vm1 =	vmor vm3, vm1;
	(xrf1) =	vsort.dscd.msk.f32 $0xffff, v14, v15  }
0x65: {  	v16 =	vsel vm1, v30, v24;
	v13 =	vsel vm1, v31, v13;
	v14 =	vld [tilespmem:s16+$0xFFFFFFB0];
	v15 =	vperm.xlane v25, v5  }
0x66: {  	v22 =	vperm.xlane v28, v5;
	(xrf1) =	vsort.dscd.msk.f32 $0xffff, v16, v13;
	v13 =	vld [tilespmem:s16+$0xFFFFFF90];
	v16 =	vperm.xlane v27, v5  }
0x67: {  	vm3 =	vlt.s32 v29, v20;
	v25 =	vld [tilespmem:s16+$0xFFFFFFA0];
	v23, v24, _ =	vpop (xrf1);
	vm1 =	vgt.f32 v21, v15;
	vm2 =	veq.f32 v21, v15  }
0x68: {  	vm5 =	vlt.s32 v24, v22;
	vm4 =	veq.f32 v23, v16;
	vm2 =	vmand vm2, vm3  }
0x69: {  	v26 =	vld [tilespmem:s16+$0xFFFFFF80];
	vm3 =	vmand vm4, vm5;
	vm1 =	vmor vm1, vm2;
	vm2 =	vgt.f32 v23, v16  }
0x6a: {  	v15 =	vsel vm1, v21, v15;
	v20 =	vsel vm1, v29, v20;
	v14 =	vadd.f32 v14, v11  }
0x6b: {  	vm1 =	vmor vm2, vm3;
	(xrf1) =	vsort.dscd.msk.f32 $0xffff, v15, v20;
	v13 =	vadd.f32 v13, v10  }
0x6c: {  	v15 =	vsel vm1, v23, v16;
	v16 =	vsel vm1, v24, v22;
	v20 =	vadd.f32 v25, v9;
	v21, v22, _ =	vpop (xrf1)  }
0x6d: {  	(xrf1) =	vsort.dscd.msk.f32 $0xffff, v15, v16;
	v15 =	vperm.xlane v21, v5;
	v16 =	vperm.xlane v22, v5;
	v21, v22, _ =	vpop (xrf1)  }
0x6e: {  	v23 =	vadd.f32 v26, v8;
	(xrf1) =	vsort.dscd.msk.f32 $0xffff, v14, v4;
	v21 =	vperm.xlane v21, v5;
	v14, v24, _ =	vpop (xrf1)  }
0x6f: {  	v22 =	vperm.xlane v22, v5;
	vm1 =	veq.f32 v14, v15;
	vm2 =	vlt.s32 v24, v16;
	v25, v26, _ =	vpop (xrf1)  }
0x70: {  	(xrf1) =	vsort.dscd.msk.f32 $0xffff, v13, v2;
	vm4 =	vgt.f32 v14, v15;
	vm3 =	vgt.f32 v25, v21;
	vm1 =	vmand vm1, vm2  }
0x71: {  	(xrf1) =	vsort.dscd.msk.f32 $0xffff, v20, v3;
	vm2 =	veq.f32 v25, v21;
	vm5 =	vlt.s32 v26, v22;
	vm1 =	vmor vm4, vm1  }
0x72: {  	(xrf1) =	vsort.dscd.msk.f32 $0xffff, v23, v0;
	vm2 =	vmand vm2, vm5;
	v14 =	vsel vm1, v14, v15;
	v15 =	vsel vm1, v24, v16;
	v13, v20, _ =	vpop (xrf1)  }
0x73: {  	vm1 =	vmor vm3, vm2;
	(xrf1) =	vsort.dscd.msk.f32 $0xffff, v14, v15;
	v13 =	vperm.xlane v13, v5;
	v14 =	vperm.xlane v20, v5  }
0x74: {  	v15 =	vsel vm1, v25, v21;
	v20, v21, _ =	vpop (xrf1)  }
0x75: {  	v16 =	vsel vm1, v26, v22;
	vm1 =	veq.f32 v20, v13;
	vm2 =	vlt.s32 v21, v14  }
0x76: {  	(xrf1) =	vsort.dscd.msk.f32 $0xffff, v15, v16;
	vm3 =	vgt.f32 v20, v13;
	vm1 =	vmand vm1, vm2  }
0x77: {  	vm1 =	vmor vm3, vm1  }
0x78: {  	v14 =	vsel vm1, v21, v14  }
0x79: {  	v13 =	vsel vm1, v20, v13;
	_ =	sdelay $0x2  }
0x7a: {  	(xrf1) =	vsort.dscd.msk.f32 $0xffff, v13, v14;
	v13, v14, _ =	vpop (xrf1)  }
0x7b: {  	v13 =	vperm.xlane v13, v5;
	v14 =	vperm.xlane v14, v5;
	v15, v16, _ =	vpop (xrf1)  }
0x7c: {  	s26 =	simm.s32 $0x500;
	v20, v21, _ =	vpop (xrf1)  }
0x7d: {  	v22 =	vld [tilespmem:s26+$0x10];
	vm1 =	veq.f32 v15, v13;
	vm2 =	vlt.s32 v16, v14;
	v23, v25, _ =	vpop (xrf1)  }
0x7e: {  	v24 =	vld [tilespmem:s26+$0x30];
	vm3 =	vgt.f32 v15, v13;
	vm1 =	vmand vm1, vm2;
	v26, v27, _ =	vpop (xrf1)  }
0x7f: {  	v28 =	vld [tilespmem:s26+$0xFFFFFF30];
	vm1 =	vmor vm3, vm1;
	v29, v30, _ =	vpop (xrf1)  }
0x80: {  	v13 =	vsel vm1, v15, v13;
	v31, v60, _ =	vpop (xrf1)  }
0x81: {  	v14 =	vsel vm1, v16, v14;
	v16 =	vperm.xlane v31, v5;
	v31 =	vperm.xlane v60, v5  }
0x82: {  	v15 =	vld [tilespmem:s26+$0xFFFFFF10];
	(xrf1) =	vsort.dscd.msk.f32 $0xffff, v13, v14;
	v14 =	vadd.f32 v22, v10;
	v22, v61, _ =	vpop (xrf1)  }
0x83: {  	v24 =	vadd.f32 v24, v11;
	v13 =	vld [tilespmem:s26+$0xFFFFFF20];
	vm1 =	veq.f32 v22, v16;
	vm2 =	vlt.s32 v61, v31  }
0x84: {  	(xrf1) =	vsort.dscd.msk.f32 $0xffff, v14, v2;
	v14 =	vadd.f32 v28, v11;
	vm3 =	vgt.f32 v22, v16;
	vm1 =	vmand vm1, vm2  }
0x85: {  	v62 =	vld [tilespmem:s26+$0x0];
	(xrf1) =	vsort.dscd.msk.f32 $0xffff, v24, v4;
	vm1 =	vmor vm3, vm1  }
0x86: {  	v34 =	vld [tilespmem:s26+$0x20];
	(xrf1) =	vsort.dscd.msk.f32 $0xffff, v14, v4;
	v14 =	vsel vm1, v22, v16;
	v16 =	vsel vm1, v61, v31  }
0x87: {  	v15 =	vadd.f32 v15, v10;
	(xrf1) =	vsort.dscd.msk.f32 $0xffff, v14, v16  }
0x88: {  	_, v24, _ =	vpop (xrf1);
	v13 =	vadd.f32 v13, v9  }
0x89: {  	s28 =	simm.s32 $0x300;
	(xrf1) =	vsort.dscd.msk.f32 $0xffff, v15, v2;
	v15 =	vand.u32 $0xFFFFFF80, v24  }
0x8a: {  	v14 =	vadd.f32 v62, v8;
	(xrf1) =	vsort.dscd.msk.f32 $0xffff, v13, v3;
	v13 =	vand.u32 $0x7F, v24;
	v15 =	vadd.s32 s28, v15  }
0x8b: {  	v16 =	vadd.f32 v34, v9;
	v13 =	vor.u32 v13, v15  }
0x8c: {  	(xrf1) =	vsort.dscd.msk.f32 $0xffff, v14, v0;
	v14 =	vperm.xlane v20, v5;
	v15 =	vperm.xlane v21, v5  }
0x8d: {  	v22 =	vperm.xlane v25, v5;
	(xrf1) =	vsort.dscd.msk.f32 $0xffff, v16, v3;
	v16 =	vld [tilespmem:s26+$0xFFFFFF00]  }
0x8e: {  	v20 =	vperm.xlane v23, v5;
	vm1 =	veq.f32 v26, v14;
	vm2 =	vlt.s32 v27, v15  }
0x8f: {  	vm3 =	vgt.f32 v26, v14;
	vm1 =	vmand vm1, vm2  }
0x90: {  	vm2 =	veq.f32 v29, v20;
	vm1 =	vmor vm3, vm1;
	vm3 =	vlt.s32 v30, v22;
	v21 =	vld.idx.msk [tilespmem:v13+s3+$0x0], $0xffff  }
0x91: {  	[tilespmem:v24+s11+$0x0] =	vst.idx.add.f32.msk $0xff, v6;
	vm2 =	vmand vm2, vm3;
	vm3 =	vgt.f32 v29, v20;
	_, v23, _ =	vpop (xrf1);
	v14 =	vsel vm1, v26, v14  }
0x92: {  	v15 =	vsel vm1, v27, v15;
	v13 =	vadd.f32 v16, v8;
	v16 =	vld [tilespmem:s15+$0xB0];
	vm1 =	vmor vm3, vm2;
	v26, v27, _ =	vpop (xrf1)  }
0x93: {  	v28 =	vld [tilespmem:s15+$0x90];
	v20 =	vsel vm1, v29, v20;
	v29, v63, _ =	vpop (xrf1)  }
0x94: {  	s29 =	simm.s32 $0x200;
	v25 =	vnsel vm0, $0x0, v12;
	v31 =	vand.u32 $0x7F, v23;
	v40 =	vld [tilespmem:s15+$0xA0];
	(xrf1) =	vsort.dscd.msk.f32 $0xffff, v13, v0;
	v13 =	vand.u32 $0xFFFFFF80, v23;
	v41, v35, _ =	vpop (xrf1)  }
0x95: {  	v22 =	vsel vm1, v30, v22;
	v30 =	vperm.xlane v26, v5;
	v13 =	vadd.s32 s29, v13;
	_, v26, _ =	vpop (xrf1)  }
0x96: {  	s30 =	simm.s32 $0x180;
	(xrf2) =	vadd.scan.msk.f32 $0xffff, v25;
	v36 =	vld [tilespmem:s15+$0x80];
	v13 =	vor.u32 v31, v13;
	v31 =	vand.u32 $0xFFFFFF80, v26  }
0x97: {  	v25 =	vperm.xlane v27, v5;
	(xrf1) =	vsort.dscd.msk.f32 $0xffff, v14, v15;
	v16 =	vadd.f32 v16, v11;
	v31 =	vadd.s32 s30, v31  }
0x98: {  	v27 =	vperm.xlane v29, v5;
	(xrf1) =	vsort.dscd.msk.f32 $0xffff, v20, v22;
	v22 =	vadd.f32 v28, v10;
	v15, v29, _ =	vpop (xrf1);
	v28 =	vand.u32 $0x7F, v26  }
0x99: {  	v33 =	vadd.f32 v40, v9;
	v20, v42, _ =	vpop (xrf1);
	(xrf1) =	vsort.dscd.msk.f32 $0xffff, v16, v4  }
0x9a: {  	v14 =	vperm.xlane v63, v5;
	v37, v38, _ =	vpop (xrf1);
	v16 =	vor.u32 v28, v31;
	(xrf1) =	vsort.dscd.msk.f32 $0xffff, v22, v2  }
0x9b: {  	v36 =	vadd.f32 v36, v8;
	vm1 =	veq.f32 v37, v30;
	(xrf1) =	vsort.dscd.msk.f32 $0xffff, v33, v3;
	v28, v31, _ =	vpop (xrf1)  }
0x9c: {  	vm4 =	vlt.s32 v38, v25;
	vm2 =	veq.f32 v28, v27;
	vm3 =	vlt.s32 v31, v14  }
0x9d: {  	v22 =	vld.idx.msk [tilespmem:v13+s3+$0x0], $0xffff;
	(xrf1) =	vsort.dscd.msk.f32 $0xffff, v36, v0;
	vm5 =	vgt.f32 v28, v27;
	vm2 =	vmand vm2, vm3  }
0x9e: {  	[tilespmem:v23+s11+$0x0] =	vst.idx.add.f32.msk $0xff, v6;
	vm1 =	vmand vm1, vm4;
	vm3 =	vgt.f32 v37, v30;
	vm2 =	vmor vm5, vm2  }
0x9f: {  	v15 =	vperm.xlane v15, v5;
	v16 =	vld.idx.msk [tilespmem:v16+s3+$0x0], $0xffff;
	vm1 =	vmor vm3, vm1;
	v13 =	vsel vm2, v28, v27  }
0xa0: {  	v14 =	vsel vm2, v31, v14;
	v27 =	vsel vm1, v37, v30;
	v28 =	vperm.xlane v35, v5  }
0xa1: {  	(xrf1) =	vsort.dscd.msk.f32 $0xffff, v13, v14;
	v13 =	vsel vm1, v38, v25;
	v14 =	vld [tilespmem:s15+$0xFFFFFFB0];
	v25 =	vperm.xlane v41, v5  }
0xa2: {  	v30, v31, _ =	vpop (xrf1);
	(xrf1) =	vsort.dscd.msk.f32 $0xffff, v27, v13;
	v13 =	vld [tilespmem:s15+$0xFFFFFF90];
	v27 =	vperm.xlane v29, v5;
	v29 =	vnsel vm0, $0x0, v19;
	vm3 =	vlt.s32 v42, v28  }
0xa3: {  	v43 =	vld [tilespmem:s15+$0xFFFFFFA0];
	vm4 =	veq.f32 v30, v15;
	vm1 =	vgt.f32 v20, v25;
	vm2 =	veq.f32 v20, v25  }
0xa4: {  	v44, _, _ =	vpop (xrf2);
	(xrf2) =	vadd.scan.msk.f32 $0xffff, v29;
	v16 =	vnsel vm0, $0x0, v16;
	vm5 =	vlt.s32 v31, v27;
	vm2 =	vmand vm2, vm3  }
0xa5: {  	v45 =	vld [tilespmem:s15+$0xFFFFFF80];
	vm3 =	vmand vm4, vm5;
	vm1 =	vmor vm1, vm2;
	vm2 =	vgt.f32 v30, v15  }
0xa6: {  	(xrf2) =	vadd.scan.msk.f32 $0xffff, v16;
	v29, v46, _ =	vpop (xrf1);
	v20 =	vsel vm1, v20, v25;
	v25 =	vsel vm1, v42, v28;
	v14 =	vadd.f32 v14, v11  }
0xa7: {  	v28, v32, _ =	vpop (xrf1);
	vm1 =	vmor vm2, vm3;
	(xrf1) =	vsort.dscd.msk.f32 $0xffff, v20, v25;
	v13 =	vadd.f32 v13, v10  }
0xa8: {  	v15 =	vsel vm1, v30, v15;
	v20 =	vsel vm1, v31, v27;
	v25 =	vadd.f32 v43, v9;
	v27, v30, _ =	vpop (xrf1)  }
0xa9: {  	(xrf1) =	vsort.dscd.msk.f32 $0xffff, v15, v20;
	v15 =	vperm.xlane v27, v5;
	v20 =	vperm.xlane v30, v5;
	v27, v30, _ =	vpop (xrf1)  }
0xaa: {  	(v2sf) =	vpush v44, $0xF;
	v31 =	vadd.f32 v45, v8;
	v27 =	vperm.xlane v27, v5;
	(xrf1) =	vsort.dscd.msk.f32 $0xffff, v14, v4;
	v14, v47, _ =	vpop (xrf1)  }
0xab: {  	v30 =	vperm.xlane v30, v5;
	vm1 =	veq.f32 v14, v15;
	vm2 =	vlt.s32 v47, v20;
	v48, v49, _ =	vpop (xrf1)  }
0xac: {  	(xrf1) =	vsort.dscd.msk.f32 $0xffff, v13, v2;
	vm4 =	vgt.f32 v14, v15;
	vm3 =	vgt.f32 v48, v27;
	vm1 =	vmand vm1, vm2  }
0xad: {  	(xrf1) =	vsort.dscd.msk.f32 $0xffff, v25, v3;
	vm2 =	veq.f32 v48, v27;
	vm5 =	vlt.s32 v49, v30;
	vm1 =	vmor vm4, vm1  }
0xae: {  	(xrf1) =	vsort.dscd.msk.f32 $0xffff, v31, v0;
	vm2 =	vmand vm2, vm5;
	v14 =	vsel vm1, v14, v15;
	v15 =	vsel vm1, v47, v20;
	v20, _, _ =	vpop (xrf2)  }
0xaf: {  	vm1 =	vmor vm3, vm2;
	v13, v25, _ =	vpop (xrf1);
	(xrf1) =	vsort.dscd.msk.f32 $0xffff, v14, v15  }
0xb0: {  	v27 =	vsel vm1, v48, v27;
	v30 =	vsel vm1, v49, v30;
	v31, _, _ =	vpop (xrf2)  }
0xb1: {  	v13 =	vperm.xlane v13, v5;
	v25 =	vperm.xlane v25, v5;
	(xrf1) =	vsort.dscd.msk.f32 $0xffff, v27, v30;
	(v2sf) =	vpush v31, $0xF  }
0xb2: {  	v14, v15, _ =	vpop (xrf1)  }
0xb3: {  	vm1 =	veq.f32 v14, v13;
	vm2 =	vlt.s32 v15, v25  }
0xb4: {  	vm3 =	vgt.f32 v14, v13;
	vm1 =	vmand vm1, vm2  }
0xb5: {  	vm1 =	vmor vm3, vm1  }
0xb6: {  	v13 =	vsel vm1, v14, v13;
	v14 =	vsel vm1, v15, v25  }
0xb7: {  	v15, v25, _ =	vpop (xrf1);
	(xrf1) =	vsort.dscd.msk.f32 $0xffff, v13, v14;
	v13 =	vperm.xlane v29, v5;
	v14 =	vperm.xlane v46, v5  }
0xb8: {  	v15 =	vperm.xlane v15, v5;
	v25 =	vperm.xlane v25, v5;
	v27, v29, _ =	vpop (xrf1)  }
0xb9: {  	s15 =	simm.s32 $0x700;
	v30, v31, _ =	vpop (xrf1);
	vm1 =	veq.f32 v28, v13;
	vm2 =	vgt.f32 v28, v13;
	vm3 =	vlt.s32 v32, v14  }
0xba: {  	v50 =	vld [tilespmem:s15+$0x10];
	vm4 =	vlt.s32 v29, v25;
	v51, v52, _ =	vpop (xrf1);
	vm1 =	vmand vm1, vm3;
	vm3 =	veq.f32 v27, v15  }
0xbb: {  	v53 =	vld [tilespmem:s15+$0x30];
	v54, v55, _ =	vpop (xrf1);
	vm1 =	vmor vm2, vm1;
	vm2 =	vgt.f32 v27, v15;
	vm3 =	vmand vm3, vm4  }
0xbc: {  	s31 =	spop (v2sf);
	v56, v39, _ =	vpop (xrf1);
	v13 =	vsel vm1, v28, v13;
	v14 =	vsel vm1, v32, v14;
	vm1 =	vmor vm2, vm3;
	v28 =	vld [tilespmem:s15+$0xFFFFFF30]  }
0xbd: {  	s17 =	sadd.f32 $9.999999680e-21, s31;
	(xrf1) =	vsort.dscd.msk.f32 $0xffff, v13, v14;
	v13 =	vsel vm1, v27, v15;
	v15, v27, _ =	vpop (xrf1)  }
0xbe: {  	v14 =	vld [tilespmem:s15+$0xFFFFFF10];
	v25 =	vsel vm1, v29, v25;
	v15 =	vperm.xlane v15, v5  }
0xbf: {  	v40 =	vmov s17;
	v27 =	vperm.xlane v27, v5;
	(xrf1) =	vsort.dscd.msk.f32 $0xffff, v13, v25;
	v25 =	vadd.f32 v50, v10;
	v29, v57, _ =	vpop (xrf1)  }
0xc0: {  	v36 =	vadd.f32 v53, v11;
	v59 =	vperm.xlane v52, v5;
	v13 =	vld [tilespmem:s15+$0xFFFFFF20];
	s18 =	spop (v2sf);
	vm1 =	veq.f32 v29, v15  }
0xc1: {  	(erf) = vrcp.f32 v40;
	vm2 =	vlt.s32 v57, v27;
	(xrf1) =	vsort.dscd.msk.f32 $0xffff, v25, v2;
	s17 =	sadd.f32 $9.999999680e-21, s18;
	v25 =	vadd.f32 v28, v11  }
0xc2: {  	v58 =	vld [tilespmem:s15+$0x0];
	(v2sf) =	vpush v20, $0xF;
	vm3 =	vgt.f32 v29, v15;
	vm1 =	vmand vm1, vm2;
	(xrf1) =	vsort.dscd.msk.f32 $0xffff, v36, v4  }
0xc3: {  	v14 =	vadd.f32 v14, v10;
	vm1 =	vmor vm3, vm1;
	v28 =	vmov s17;
	(xrf1) =	vsort.dscd.msk.f32 $0xffff, v25, v4  }
0xc4: {  	v41 =	vld [tilespmem:s15+$0x20];
	v15 =	vsel vm1, v29, v15;
	v20 =	vsel vm1, v57, v27;
	v25 =	vperm.xlane v30, v5  }
0xc5: {  	v27 =	vadd.f32 v13, v9;
	(erf) = vrcp.f32 v28;
	v28 =	vperm.xlane v31, v5;
	(xrf1) =	vsort.dscd.msk.f32 $0xffff, v15, v20;
	_, v13, _ =	vpop (xrf1)  }
0xc6: {  	s19 =	simm.s32 $0x500;
	v30 =	vnsel vm0, $0x0, v22;
	v31 =	vperm.xlane v51, v5;
	(xrf1) =	vsort.dscd.msk.f32 $0xffff, v14, v2;
	v14 =	vand.u32 $0xFFFFFF80, v13  }
0xc7: {  	v15 =	vadd.f32 v58, v8;
	(xrf1) =	vsort.dscd.msk.f32 $0xffff, v27, v3;
	v27 =	vand.u32 $0x7F, v13;
	v14 =	vadd.s32 s19, v14  }
0xc8: {  	v29 =	vld [tilespmem:s15+$0xFFFFFF00];
	vm1 =	veq.f32 v54, v25;
	vm2 =	vlt.s32 v55, v28;
	v14 =	vor.u32 v27, v14  }
0xc9: {  	v20 =	vadd.f32 v41, v9;
	(xrf2) =	vadd.scan.msk.f32 $0xffff, v30;
	vm3 =	vgt.f32 v54, v25;
	vm1 =	vmand vm1, vm2  }
0xca: {  	vm2 =	veq.f32 v56, v31;
	(xrf1) =	vsort.dscd.msk.f32 $0xffff, v15, v0;
	vm1 =	vmor vm3, vm1;
	vm3 =	vlt.s32 v39, v59  }
0xcb: {  	(xrf1) =	vsort.dscd.msk.f32 $0xffff, v20, v3;
	vm2 =	vmand vm2, vm3  }
0xcc: {  	v25 =	vsel vm1, v54, v25;
	v60 =	vsel vm1, v55, v28;
	vm1 =	vgt.f32 v56, v31  }
0xcd: {  	v15 =	vpop (erf);
	v29 =	vadd.f32 v29, v8;
	vm1 =	vmor vm1, vm2;
	v14 =	vld.idx.msk [tilespmem:v14+s3+$0x0], $0xffff  }
0xce: {  	v15 =	vmul.f32 v15, v12;
	v31 =	vsel vm1, v56, v31;
	_, v27, _ =	vpop (xrf1);
	[tilespmem:v13+s11+$0x0] =	vst.idx.add.f32.msk $0xff, v6  }
0xcf: {  	s20 =	simm.s32 $0x80;
	v33 =	vsel vm1, v39, v59;
	v20 =	vand.u32 $0xFFFFFF80, v27;
	_, v12, _ =	vpop (xrf1);
	v28 =	vand.u32 $0x7F, v27;
	v63 =	vld [tilespmem:s26+$0xB0]  }
0xd0: {  	s21 =	simm.s32 $0x400;
	v62 =	vpop (erf);
	v61 =	vadd.s32 s20, v20;
	v20 =	vperm.xlane v27, v7;
	v48 =	vand.u32 $0xFFFFFF80, v12;
	v43 =	vld [tilespmem:s26+$0x90]  }
0xd1: {  	(xrf1) =	vsort.dscd.msk.f32 $0xffff, v29, v0;
	v49 =	vand.u32 $0x7F, v12;
	v30 =	vmul.f32 v62, v16;
	v50, v42, _ =	vpop (xrf1);
	v51 =	vadd.s32 s21, v48;
	v44 =	vld [tilespmem:s26+$0xA0];
	s22 =	spop (v2sf)  }
0xd2: {  	v29 =	vor.u32 v28, v61;
	v16 =	vld [tilespmem:s26+$0x80];
	v52, v53, _ =	vpop (xrf1);
	v54 =	vperm.xlane v50, v5;
	v57 =	vperm.xlane v42, v5;
	s17 =	sadd.f32 $9.999999680e-21, s22  }
0xd3: {  	v32 =	vor.u32 v49, v51;
	v50, _, _ =	vpop (xrf2);
	v30 =	vperm.xlane v30, v7;
	v38 =	vperm.xlane v52, v5  }
0xd4: {  	(xrf1) =	vsort.dscd.msk.f32 $0xffff, v25, v60;
	v25 =	vperm.xlane v53, v5;
	(v2sf) =	vpush v50, $0xF;
	v55, v56, _ =	vpop (xrf1);
	v62 =	vmov s17  }
0xd5: {  	_, v28, _ =	vpop (xrf1);
	(erf) = vrcp.f32 v62;
	v36 =	vperm.xlane v55, v5;
	v37 =	vadd.f32 v63, v11  }
0xd6: {  	(xrf1) =	vsort.dscd.msk.f32 $0xffff, v31, v33;
	v52 =	vperm.xlane v56, v5;
	v58, v59, _ =	vpop (xrf1);
	v60 =	vand.u32 $0xFFFFFF80, v28;
	v43 =	vadd.f32 v43, v10  }
0xd7: {  	s18 =	simm.s32 $0x380;
	v45 =	vand.u32 $0x7F, v28;
	v44 =	vadd.f32 v44, v9;
	v16 =	vadd.f32 v16, v8;
	v31, v33, _ =	vpop (xrf1);
	(xrf1) =	vsort.dscd.msk.f32 $0xffff, v37, v4  }
0xd8: {  	v42 =	vadd.s32 s18, v60;
	v34 =	vperm.xlane v58, v5;
	v39 =	vperm.xlane v59, v5;
	v46, v47, _ =	vpop (xrf1);
	(xrf1) =	vsort.dscd.msk.f32 $0xffff, v43, v2  }
0xd9: {  	v61 =	vor.u32 v45, v42;
	vm1 =	veq.f32 v46, v54;
	v63, v48, _ =	vpop (xrf1);
	vm4 =	vlt.s32 v47, v57  }
0xda: {  	vm2 =	veq.f32 v63, v38;
	vm3 =	vlt.s32 v48, v25;
	(xrf1) =	vsort.dscd.msk.f32 $0xffff, v44, v3  }
0xdb: {  	vm5 =	vgt.f32 v63, v38;
	vm2 =	vmand vm2, vm3;
	(xrf1) =	vsort.dscd.msk.f32 $0xffff, v16, v0;
	v16 =	vld.idx.msk [tilespmem:v32+s3+$0x0], $0xffff  }
0xdc: {  	vm1 =	vmand vm1, vm4;
	vm3 =	vgt.f32 v46, v54;
	[tilespmem:v12+s11+$0x0] =	vst.idx.add.f32.msk $0xff, v6;
	vm2 =	vmor vm5, vm2  }
0xdd: {  	vm1 =	vmor vm3, vm1;
	v56 =	vld [tilespmem:s26+$0xFFFFFFA0];
	v49 =	vsel vm2, v63, v38;
	v25 =	vsel vm2, v48, v25  }
0xde: {  	v37 =	vld.idx.msk [tilespmem:v61+s3+$0x0], $0xffff;
	v35 =	vsel vm1, v46, v54;
	v40 =	vsel vm1, v47, v57;
	(xrf1) =	vsort.dscd.msk.f32 $0xffff, v49, v25  }
0xdf: {  	v51 =	vld [tilespmem:s26+$0xFFFFFFB0];
	vm3 =	vlt.s32 v33, v52;
	vm2 =	veq.f32 v31, v36;
	(xrf1) =	vsort.dscd.msk.f32 $0xffff, v35, v40  }
0xe0: {  	v55, v54, _ =	vpop (xrf1);
	vm1 =	vgt.f32 v31, v36;
	v25 =	vnsel vm0, $0x0, v21;
	vm2 =	vmand vm2, vm3  }
0xe1: {  	vm4 =	veq.f32 v55, v34;
	vm5 =	vlt.s32 v54, v39;
	(xrf2) =	vadd.scan.msk.f32 $0xffff, v25;
	vm1 =	vmor vm1, vm2  }
0xe2: {  	v53 =	vld [tilespmem:s26+$0xFFFFFF90];
	v31 =	vsel vm1, v31, v36;
	v33 =	vsel vm1, v33, v52;
	v60 =	vadd.f32 v56, v9;
	v56 =	vpop (erf)  }
0xe3: {  	v57 =	vld [tilespmem:s26+$0xFFFFFF80];
	vm3 =	vmand vm4, vm5;
	vm2 =	vgt.f32 v55, v34;
	v25 =	vnsel vm0, $0x0, v37;
	v37, v44, _ =	vpop (xrf1);
	(xrf1) =	vsort.dscd.msk.f32 $0xffff, v31, v33  }
0xe4: {  	v20 =	vsel vm0, v18, v20;
	vm1 =	vmor vm2, vm3;
	v32 =	vadd.f32 v51, v11;
	(xrf2) =	vadd.scan.msk.f32 $0xffff, v25;
	v36, v38, _ =	vpop (xrf1)  }
0xe5: {  	v58 =	vsel vm1, v55, v34;
	v59 =	vsel vm1, v54, v39;
	v19 =	vmul.f32 v56, v19;
	v62, v61, _ =	vpop (xrf1)  }
0xe6: {  	s23 =	spop (v2sf);
	(xrf1) =	vsort.dscd.msk.f32 $0xffff, v58, v59;
	v18 =	vperm.xlane v44, v5;
	v63 =	vperm.xlane v62, v5;
	v49, v50, _ =	vpop (xrf1)  }
0xe7: {  	v31 =	vadd.f32 v53, v10;
	s16 =	sadd.f32 $9.999999680e-21, s23;
	v48 =	vperm.xlane v61, v5;
	v39 =	vperm.xlane v49, v5  }
0xe8: {  	v51 =	vadd.f32 v57, v8;
	v53, v52, _ =	vpop (xrf1);
	v40 =	vperm.xlane v50, v5;
	v49 =	vperm.xlane v26, v7  }
0xe9: {  	(xrf1) =	vsort.dscd.msk.f32 $0xffff, v32, v4;
	v50 =	vmov s16;
	vm1 =	veq.f32 v53, v63;
	vm2 =	vlt.s32 v52, v48;
	v55, v54, _ =	vpop (xrf1)  }
0xea: {  	(xrf1) =	vsort.dscd.msk.f32 $0xffff, v31, v2;
	vm4 =	vgt.f32 v53, v63;
	vm3 =	vgt.f32 v55, v39;
	vm1 =	vmand vm1, vm2  }
0xeb: {  	(xrf1) =	vsort.dscd.msk.f32 $0xffff, v60, v3;
	v31, _, _ =	vpop (xrf2);
	vm2 =	veq.f32 v55, v39;
	vm5 =	vlt.s32 v54, v40;
	vm1 =	vmor vm4, vm1  }
0xec: {  	(xrf1) =	vsort.dscd.msk.f32 $0xffff, v51, v0;
	vm2 =	vmand vm2, vm5;
	v58, v57, _ =	vpop (xrf1);
	v32 =	vsel vm1, v53, v63;
	v59 =	vsel vm1, v52, v48  }
0xed: {  	vm1 =	vmor vm3, vm2;
	v60 =	vperm.xlane v58, v5;
	v62, v61, _ =	vpop (xrf1);
	(xrf1) =	vsort.dscd.msk.f32 $0xffff, v32, v59;
	v63 =	vperm.xlane v57, v5  }
0xee: {  	(erf) = vrcp.f32 v50;
	v46 =	vsel vm1, v55, v39;
	v47 =	vsel vm1, v54, v40;
	v48, _, _ =	vpop (xrf2)  }
0xef: {  	(xrf1) =	vsort.dscd.msk.f32 $0xffff, v46, v47;
	(v2sf) =	vpush v48, $0xF;
	vm1 =	veq.f32 v62, v60;
	vm2 =	vlt.s32 v61, v63  }
0xf0: {  	vm3 =	vgt.f32 v62, v60;
	(v2sf) =	vpush v31, $0xF;
	vm1 =	vmand vm1, vm2  }
0xf1: {  	v31 =	vsel vm0, v19, v30;
	v30 =	vsel vm0, v17, v49;
	vm1 =	vmor vm3, vm1  }
0xf2: {  	v17 =	vperm.xlane v37, v5;
	v19, v51, _ =	vpop (xrf1);
	v34 =	vsel vm1, v62, v60;
	v32 =	vsel vm1, v61, v63  }
0xf3: {  	v19 =	vperm.xlane v19, v5;
	(xrf1) =	vsort.dscd.msk.f32 $0xffff, v34, v32;
	v32 =	vperm.xlane v51, v5  }
0xf4: {  	v29 =	vld.idx.msk [tilespmem:v29+s3+$0x0], $0xffff;
	s16 =	simm.s32 $0x900;
	vm2 =	vgt.f32 v36, v17;
	vm3 =	vlt.s32 v38, v18;
	v53, v52, _ =	vpop (xrf1);
	vm1 =	veq.f32 v36, v17  }
0xf5: {  	v56 =	vld [tilespmem:s16+$0x10];
	vm1 =	vmand vm1, vm3;
	vm3 =	veq.f32 v53, v19;
	vm4 =	vlt.s32 v52, v32  }
0xf6: {  	vm1 =	vmor vm2, vm1;
	vm2 =	vgt.f32 v53, v19;
	vm3 =	vmand vm3, vm4  }
0xf7: {  	v57 =	vld [tilespmem:s16+$0x30];
	v54, v55, _ =	vpop (xrf1);
	v17 =	vsel vm1, v36, v17;
	v18 =	vsel vm1, v38, v18;
	vm1 =	vmor vm2, vm3  }
0xf8: {  	v59 =	vld [tilespmem:s16+$0xFFFFFF30];
	v58, v42, _ =	vpop (xrf1);
	(xrf1) =	vsort.dscd.msk.f32 $0xffff, v17, v18;
	v17 =	vsel vm1, v53, v19  }
0xf9: {  	v29 =	vnsel vm0, $0x0, v29;
	v38, v43, _ =	vpop (xrf1)  }
0xfa: {  	v39 =	vadd.f32 v56, v10;
	v35 =	vperm.xlane v54, v5;
	v33, v34, _ =	vpop (xrf1);
	v18 =	vsel vm1, v52, v32;
	v19 =	vld [tilespmem:s16+$0xFFFFFF10]  }
0xfb: {  	v60 =	vnsel vm0, $0x0, v16;
	v37 =	vperm.xlane v55, v5;
	v41 =	vperm.xlane v58, v5;
	(xrf1) =	vsort.dscd.msk.f32 $0xffff, v17, v18;
	v18 =	vld [tilespmem:s16+$0xFFFFFF20];
	v17, v61, _ =	vpop (xrf1)  }
0xfc: {  	(xrf2) =	vadd.scan.msk.f32 $0xffff, v29;
	v62 =	vpop (erf);
	v48 =	vadd.f32 v57, v11;
	v63 =	vperm.xlane v17, v5;
	v44 =	vperm.xlane v61, v5  }
0xfd: {  	(xrf2) =	vadd.scan.msk.f32 $0xffff, v60;
	v36 =	vadd.f32 v59, v11;
	v59 =	vperm.xlane v42, v5;
	v17 =	vmul.f32 v62, v22;
	v22 =	vld [tilespmem:s16+$0x0];
	v50, v49, _ =	vpop (xrf1)  }
0xfe: {  	(xrf1) =	vsort.dscd.msk.f32 $0xffff, v39, v2;
	s24 =	spop (v2sf);
	vm1 =	veq.f32 v50, v63;
	vm2 =	vlt.s32 v49, v44  }
0xff: {  	v51 =	vld [tilespmem:s16+$0x20];
	vm4 =	vlt.s32 v34, v59;
	(xrf1) =	vsort.dscd.msk.f32 $0xffff, v48, v4;
	vm3 =	vgt.f32 v50, v63;
	s17 =	sadd.f32 $9.999999680e-21, s24;
	vm1 =	vmand vm1, vm2  }
0x100: {  	(xrf1) =	vsort.dscd.msk.f32 $0xffff, v36, v4;
	v19 =	vadd.f32 v19, v10;
	v52 =	vadd.f32 v18, v9;
	s25 =	spop (v2sf);
	vm1 =	vmor vm3, vm1  }
0x101: {  	s18 =	sadd.f32 $9.999999680e-21, s25;
	v55 =	vmov s17;
	v53 =	vsel vm1, v50, v63;
	v54 =	vsel vm1, v49, v44;
	_, v18, _ =	vpop (xrf1)  }
0x102: {  	s26 =	simm.s32 $0x700;
	v22 =	vadd.f32 v22, v8;
	(erf) = vrcp.f32 v55;
	(xrf1) =	vsort.dscd.msk.f32 $0xffff, v53, v54;
	v56 =	vand.u32 $0xFFFFFF80, v18  }
0x103: {  	v58 =	vand.u32 $0x7F, v18;
	(xrf1) =	vsort.dscd.msk.f32 $0xffff, v19, v2;
	v19 =	vmov s18;
	v32 =	vadd.s32 s26, v56  }
0x104: {  	v57 =	vld [tilespmem:s16+$0xFFFFFF00];
	v39 =	vadd.f32 v51, v9;
	(xrf1) =	vsort.dscd.msk.f32 $0xffff, v52, v3;
	(erf) = vrcp.f32 v19;
	v19 =	vor.u32 v58, v32  }
0x105: {  	vm2 =	vlt.s32 v43, v37;
	vm1 =	veq.f32 v38, v35;
	(xrf1) =	vsort.dscd.msk.f32 $0xffff, v22, v0  }
0x106: {  	vm3 =	vgt.f32 v38, v35;
	vm1 =	vmand vm1, vm2;
	vm2 =	veq.f32 v33, v41;
	(xrf1) =	vsort.dscd.msk.f32 $0xffff, v39, v3  }
0x107: {  	v60, _, _ =	vpop (xrf2);
	vm1 =	vmor vm3, vm1;
	vm2 =	vmand vm2, vm4  }
0x108: {  	v61, _, _ =	vpop (xrf2);
	v35 =	vsel vm1, v38, v35;
	v37 =	vsel vm1, v43, v37;
	vm1 =	vgt.f32 v33, v41  }
0x109: {  	v36 =	vadd.f32 v57, v8;
	(v2sf) =	vpush v60, $0xF;
	vm1 =	vmor vm1, vm2;
	_, v32, _ =	vpop (xrf1);
	v22 =	vld.idx.msk [tilespmem:v19+s3+$0x0], $0xffff  }
0x10a: {  	s28 =	simm.s32 $0x280;
	(v2sf) =	vpush v61, $0xF;
	v33 =	vsel vm1, v33, v41;
	v62 =	vand.u32 $0xFFFFFF80, v32;
	_, v19, _ =	vpop (xrf1);
	[tilespmem:v18+s11+$0x0] =	vst.idx.add.f32.msk $0xff, v6  }
0x10b: {  	v34 =	vsel vm1, v34, v59;
	v63 =	vand.u32 $0x7F, v32;
	(xrf1) =	vsort.dscd.msk.f32 $0xffff, v36, v0;
	v48 =	vadd.s32 s28, v62;
	v51 =	vpop (erf);
	v52 =	vld [tilespmem:s15+$0xB0]  }
0x10c: {  	v49 =	vperm.xlane v32, v7;
	v50 =	vand.u32 $0xFFFFFF80, v19;
	(xrf1) =	vsort.dscd.msk.f32 $0xffff, v35, v37;
	v55, v56, _ =	vpop (xrf1);
	v57 =	vld [tilespmem:s15+$0x90];
	v36 =	vor.u32 v63, v48  }
0x10d: {  	s17 =	simm.s32 $0x600;
	v53 =	vand.u32 $0x7F, v19;
	v59 =	vld [tilespmem:s15+$0xA0];
	(xrf1) =	vsort.dscd.msk.f32 $0xffff, v33, v34;
	v25 =	vmul.f32 v51, v25;
	v33 =	vperm.xlane v55, v5;
	v61, v60, _ =	vpop (xrf1)  }
0x10e: {  	v63 =	vld [tilespmem:s15+$0x80];
	v54 =	vadd.s32 s17, v50;
	v38 =	vperm.xlane v56, v5;
	v62, v42, _ =	vpop (xrf1);
	v34 =	vperm.xlane v61, v5  }
0x10f: {  	v35 =	vor.u32 v53, v54;
	v53 =	vperm.xlane v28, v7;
	v39 =	vperm.xlane v60, v5;
	v58 =	vpop (erf)  }
0x110: {  	v23 =	vsel vm0, v23, v49;
	v25 =	vperm.xlane v25, v7;
	v37 =	vmul.f32 v58, v21;
	_, v21, _ =	vpop (xrf1)  }
0x111: {  	v44 =	vsel vm0, v24, v53;
	v52 =	vadd.f32 v52, v11;
	v46 =	vadd.f32 v57, v10;
	v54, v48, _ =	vpop (xrf1)  }
0x112: {  	s29 =	simm.s32 $0x580;
	[tilespmem:v26+s11+$0x0] =	vst.idx.add.f32.msk $0xff, v6;
	v40 =	vadd.f32 v59, v9;
	v37 =	vsel vm0, v37, v25;
	v25 =	vand.u32 $0xFFFFFF80, v21;
	v49, v50, _ =	vpop (xrf1)  }
0x113: {  	v58 =	vadd.f32 v63, v8;
	(xrf1) =	vsort.dscd.msk.f32 $0xffff, v52, v4;
	v24 =	vand.u32 $0x7F, v21;
	v25 =	vadd.s32 s29, v25;
	v55, v56, _ =	vpop (xrf1)  }
0x114: {  	v63 =	vperm.xlane v42, v5;
	(xrf1) =	vsort.dscd.msk.f32 $0xffff, v46, v2;
	v25 =	vor.u32 v24, v25;
	v57, v51, _ =	vpop (xrf1)  }
0x115: {  	vm1 =	veq.f32 v55, v33;
	vm2 =	veq.f32 v57, v34;
	vm3 =	vlt.s32 v51, v39  }
0x116: {  	(xrf1) =	vsort.dscd.msk.f32 $0xffff, v40, v3;
	vm4 =	vlt.s32 v56, v38;
	vm2 =	vmand vm2, vm3;
	vm3 =	vgt.f32 v57, v34  }
0x117: {  	v24 =	vld.idx.msk [tilespmem:v35+s3+$0x0], $0xffff;
	(xrf1) =	vsort.dscd.msk.f32 $0xffff, v58, v0;
	vm1 =	vmand vm1, vm4;
	vm2 =	vmor vm3, vm2;
	vm3 =	vgt.f32 v55, v33  }
0x118: {  	v62 =	vperm.xlane v62, v5;
	[tilespmem:v19+s11+$0x0] =	vst.idx.add.f32.msk $0xff, v6;
	vm1 =	vmor vm3, vm1;
	v34 =	vsel vm2, v57, v34  }
0x119: {  	v60 =	vsel vm2, v51, v39;
	vm2 =	vlt.s32 v50, v63;
	v33 =	vsel vm1, v55, v33  }
0x11a: {  	s30 =	spop (v2sf);
	v52 =	vld [tilespmem:s15+$0xFFFFFF90];
	(xrf1) =	vsort.dscd.msk.f32 $0xffff, v34, v60;
	v38 =	vsel vm1, v56, v38;
	vm1 =	veq.f32 v49, v62  }
0x11b: {  	s18 =	sadd.f32 $9.999999680e-21, s30;
	v58 =	vld [tilespmem:s15+$0xFFFFFF80];
	vm3 =	vgt.f32 v49, v62;
	vm1 =	vmand vm1, vm2  }
0x11c: {  	v53 =	vperm.xlane v54, v5;
	v61 =	vld.idx.msk [tilespmem:v25+s3+$0x0], $0xffff;
	v54, v55, _ =	vpop (xrf1);
	(xrf1) =	vsort.dscd.msk.f32 $0xffff, v33, v38;
	vm1 =	vmor vm3, vm1  }
0x11d: {  	v59 =	vmov s18;
	v51 =	vld [tilespmem:s15+$0xFFFFFFB0];
	v56 =	vperm.xlane v48, v5;
	v35 =	vsel vm1, v50, v63  }
0x11e: {  	[tilespmem:v27+s11+$0x0] =	vst.idx.add.f32.msk $0xff, v6;
	v26 =	vnsel vm0, $0x0, v14;
	v34 =	vsel vm1, v49, v62  }
0x11f: {  	(xrf2) =	vadd.scan.msk.f32 $0xffff, v26;
	(erf) = vrcp.f32 v59;
	v57 =	vld [tilespmem:s15+$0xFFFFFFA0];
	s15 =	simm.s32 $0x8090;
	vm2 =	veq.f32 v54, v53;
	vm3 =	vlt.s32 v55, v56  }
0x120: {  	s31 =	spop (v2sf);
	v41 =	vadd.f32 v52, v10;
	[tilespmem:s15+$0x0] =	vst v31;
	v59, v47, _ =	vpop (xrf1);
	vm2 =	vmand vm2, vm3;
	vm3 =	vgt.f32 v54, v53  }
0x121: {  	s18 =	sadd.f32 $9.999999680e-21, s31;
	v46 =	vadd.f32 v58, v8;
	v26 =	vnsel vm0, $0x0, v61;
	(xrf1) =	vsort.dscd.msk.f32 $0xffff, v34, v35;
	vm1 =	vmor vm3, vm2;
	v34, v35, _ =	vpop (xrf1)  }
0x122: {  	v40 =	vadd.f32 v51, v11;
	(xrf2) =	vadd.scan.msk.f32 $0xffff, v26;
	v31 =	vsel vm1, v54, v53;
	v33 =	vsel vm1, v55, v56;
	v42, v43, _ =	vpop (xrf1)  }
0x123: {  	v63 =	vmov s18;
	(xrf1) =	vsort.dscd.msk.f32 $0xffff, v31, v33;
	v31 =	vperm.xlane v42, v5;
	v60 =	vperm.xlane v43, v5;
	v61, v62, _ =	vpop (xrf1)  }
0x124: {  	s19 =	simm.s32 $0x8890;
	v38 =	vadd.f32 v57, v9;
	(erf) = vrcp.f32 v63;
	(xrf1) =	vsort.dscd.msk.f32 $0xffff, v40, v4;
	v42 =	vperm.xlane v61, v5;
	v53, v52, _ =	vpop (xrf1)  }
0x125: {  	[tilespmem:s19+$0x0] =	vst v30;
	v30 =	vperm.xlane v62, v5;
	vm1 =	veq.f32 v53, v31;
	vm2 =	vlt.s32 v52, v60;
	v55, v54, _ =	vpop (xrf1)  }
0x126: {  	v36 =	vld.idx.msk [tilespmem:v36+s3+$0x0], $0xffff;
	vm4 =	vgt.f32 v53, v31;
	vm3 =	vgt.f32 v55, v42;
	vm1 =	vmand vm1, vm2  }
0x127: {  	[tilespmem:v28+s11+$0x0] =	vst.idx.add.f32.msk $0xff, v6;
	vm2 =	veq.f32 v55, v42;
	vm5 =	vlt.s32 v54, v30;
	vm1 =	vmor vm4, vm1  }
0x128: {  	(xrf1) =	vsort.dscd.msk.f32 $0xffff, v41, v2;
	vm2 =	vmand vm2, vm5;
	v27 =	vsel vm1, v53, v31;
	v28, v31, _ =	vpop (xrf1);
	v56 =	vsel vm1, v52, v60  }
0x129: {  	(xrf1) =	vsort.dscd.msk.f32 $0xffff, v38, v3;
	vm1 =	vmor vm3, vm2;
	v28 =	vperm.xlane v28, v5;
	v31 =	vperm.xlane v31, v5  }
0x12a: {  	v39 =	vperm.xlane v59, v5;
	(xrf1) =	vsort.dscd.msk.f32 $0xffff, v46, v0;
	v58 =	vsel vm1, v55, v42;
	v61, v60, _ =	vpop (xrf1)  }
0x12b: {  	v25 =	vnsel vm0, $0x0, v36;
	v57, _, _ =	vpop (xrf2);
	(xrf1) =	vsort.dscd.msk.f32 $0xffff, v27, v56;
	vm2 =	veq.f32 v61, v28;
	vm3 =	vlt.s32 v60, v31  }
0x12c: {  	v30 =	vsel vm1, v54, v30;
	v59, _, _ =	vpop (xrf2);
	vm5 =	vgt.f32 v61, v28;
	vm2 =	vmand vm2, vm3  }
0x12d: {  	v63 =	vpop (erf);
	v62 =	vperm.xlane v47, v5;
	(v2sf) =	vpush v59, $0xF;
	(xrf1) =	vsort.dscd.msk.f32 $0xffff, v58, v30;
	vm2 =	vmor vm5, vm2  }
0x12e: {  	[tilespmem:v32+s11+$0x0] =	vst.idx.add.f32.msk $0xff, v6;
	v36 =	vnsel vm0, $0x0, v24;
	s18 =	simm.s32 $0x80B0;
	v40 =	vmul.f32 v63, v29;
	v30 =	vsel vm2, v61, v28  }
0x12f: {  	[tilespmem:s18+$0x0] =	vst v37;
	vm1 =	veq.f32 v34, v39;
	(v2sf) =	vpush v57, $0xF;
	vm3 =	vlt.s32 v35, v62  }
0x130: {  	(xrf2) =	vadd.scan.msk.f32 $0xffff, v25;
	vm4 =	vgt.f32 v34, v39;
	vm1 =	vmand vm1, vm3;
	v31 =	vsel vm2, v60, v31;
	v28, v29, _ =	vpop (xrf1)  }
0x131: {  	s20 =	simm.s32 $0x88B0;
	v27 =	vpop (erf);
	vm1 =	vmor vm4, vm1;
	v28 =	vperm.xlane v28, v5;
	v29 =	vperm.xlane v29, v5;
	(xrf1) =	vsort.dscd.msk.f32 $0xffff, v30, v31  }
0x132: {  	s21 =	simm.s32 $0x680;
	s22 =	simm.s32 $0x480;
	[tilespmem:s20+$0x0] =	vst v44;
	v33 =	vsel vm1, v34, v39;
	v34 =	vsel vm1, v35, v62;
	v31 =	vperm.xlane v40, v7;
	v32, v30, _ =	vpop (xrf1)  }
0x133: {  	s23 =	simm.s32 $0xC;
	s24 =	simm.s32 $0x8;
	s25 =	simm.s32 $0xB00;
	(xrf2) =	vadd.scan.msk.f32 $0xffff, v36;
	vm1 =	vgt.f32 v32, v28;
	vm2 =	veq.f32 v32, v28;
	vm3 =	vlt.s32 v30, v29;
	v36, v35, _ =	vpop (xrf1)  }
.LBB2_2:
0x134: {  	v37 =	vld [tilespmem:s25+$0x10];
	vm2 =	vmand vm2, vm3  }
0x135: {  	v36 =	vperm.xlane v36, v5;
	v35 =	vperm.xlane v35, v5;
	(xrf1) =	vsort.dscd.msk.f32 $0xffff, v33, v34;
	vm1 =	vmor vm1, vm2  }
0x136: {  	v16 =	vmul.f32 v27, v16;
	v15 =	vsel vm0, v15, v31;
	v33 =	vld [tilespmem:s25+$0x30];
	v34, v38, _ =	vpop (xrf1);
	v40 =	vsel vm1, v32, v28  }
0x137: {  	v27 =	vld [tilespmem:s25+$0xFFFFFF30];
	v41 =	vsel vm1, v30, v29;
	v30 =	vperm.xlane v34, v5;
	v31, v32, _ =	vpop (xrf1);
	[tilespmem:s15+$0xFFFFFFF0] =	vst v15;
	s15 =	smov.u32 s18;
	v34 =	vperm.xlane v38, v5  }
0x138: {  	v15 =	vld [tilespmem:s25+$0xFFFFFF10];
	(xrf1) =	vsort.dscd.msk.f32 $0xffff, v40, v41;
	vm1 =	veq.f32 v31, v36;
	vm2 =	vlt.s32 v32, v35;
	v28, v29, _ =	vpop (xrf1);
	[tilespmem:s19+$0xFFFFFFF0] =	vst v20;
	s19 =	smov.u32 s20  }
0x139: {  	vm3 =	vgt.f32 v31, v36;
	v20 =	vld [tilespmem:s25+$0xFFFFFF20];
	vm1 =	vmand vm1, vm2;
	v38, v39, _ =	vpop (xrf1);
	v46 =	vadd.f32 v37, v10  }
0x13a: {  	v40 =	vld [tilespmem:s25+$0xFFFFFF00];
	v38 =	vperm.xlane v38, v5;
	v39 =	vperm.xlane v39, v5;
	v41, _, _ =	vpop (xrf2);
	vm1 =	vmor vm3, vm1  }
0x13b: {  	vm2 =	veq.f32 v28, v30;
	v42 =	vld [tilespmem:s25+$0x0];
	v33 =	vadd.f32 v33, v11;
	v43, v44, _ =	vpop (xrf1);
	v31 =	vsel vm1, v31, v36  }
0x13c: {  	v45 =	vld [tilespmem:s25+$0x20];
	(xrf1) =	vsort.dscd.msk.f32 $0xffff, v46, v2;
	vm3 =	veq.f32 v43, v38;
	vm4 =	vlt.s32 v44, v39;
	s26 =	spop (v2sf);
	(v2sf) =	vpush v41, $0xF  }
0x13d: {  	v27 =	vadd.f32 v27, v11;
	vm5 =	vgt.f32 v43, v38;
	vm3 =	vmand vm3, vm4;
	v37, _, _ =	vpop (xrf2);
	s26 =	sadd.f32 $9.999999680e-21, s26  }
0x13e: {  	s24 =	sadd.s32 $0x2, s24;
	v41 =	vadd.f32 v15, v10;
	v20 =	vadd.f32 v20, v9;
	(xrf1) =	vsort.dscd.msk.f32 $0xffff, v33, v4;
	vm3 =	vmor vm5, vm3;
	s28 =	spop (v2sf)  }
0x13f: {  	s23 =	sadd.s32 $0x4, s23;
	p0 =	slt.u32 s24, $0x7E;
	v15 =	vmovc v17;
	(xrf1) =	vsort.dscd.msk.f32 $0xffff, v27, v4;
	v27 =	vsel vm3, v43, v38;
	v33 =	vsel vm3, v44, v39;
	s28 =	sadd.f32 $9.999999680e-21, s28;
	v38 =	vmov s26  }
0x140: {  	v39 =	vadd.f32 v40, v8;
	s26 =	sshll.u32 s23, $0x7;
	v40 =	vadd.f32 v42, v8;
	_, v42, _ =	vpop (xrf1);
	(xrf1) =	vsort.dscd.msk.f32 $0xffff, v27, v33;
	(erf) = vrcp.f32 v38  }
0x141: {  	v17 =	vmovc v16;
	s29 =	sadd.s32 $0x80, s26;
	s30 =	sadd.s32 $0x100, s26;
	v33 =	vadd.f32 v45, v9;
	(xrf1) =	vsort.dscd.msk.f32 $0xffff, v41, v2;
	v43 =	vand.u32 $0xFFFFFF80, v42;
	v38 =	vmov s28  }
0x142: {  	v16 =	vand.u32 $0x7F, v42;
	(xrf1) =	vsort.dscd.msk.f32 $0xffff, v20, v3;
	v41 =	vadd.s32 s30, v43;
	(erf) = vrcp.f32 v38;
	v20 =	vmovc v23  }
0x143: {  	vm3 =	vlt.s32 v29, v34;
	(xrf1) =	vsort.dscd.msk.f32 $0xffff, v40, v0;
	v23 =	vor.u32 v16, v41;
	(v2sf) =	vpush v37, $0xF;
	_, v27, _ =	vpop (xrf1)  }
0x144: {  	v32 =	vsel vm1, v32, v35;
	vm1 =	vgt.f32 v28, v30;
	vm2 =	vmand vm2, vm3;
	(xrf1) =	vsort.dscd.msk.f32 $0xffff, v33, v3  }
0x145: {  	vm1 =	vmor vm1, vm2;
	v33 =	vand.u32 $0xFFFFFF80, v27;
	v35 =	vand.u32 $0x7F, v27;
	v16 =	vmovc v24;
	(xrf1) =	vsort.dscd.msk.f32 $0xffff, v39, v0  }
0x146: {  	v37 =	vsel vm1, v28, v30;
	_, v24, _ =	vpop (xrf1);
	(xrf1) =	vsort.dscd.msk.f32 $0xffff, v31, v32;
	v31 =	vadd.s32 s22, v33;
	v32 =	vperm.xlane v27, v7;
	s22 =	smov.u32 s21;
	s21 =	smov.u32 s29  }
0x147: {  	v41 =	vperm.xlane v21, v7;
	v33 =	vand.u32 $0xFFFFFF80, v24;
	v36 =	vand.u32 $0x7F, v24  }
0x148: {  	v30 =	vadd.s32 s26, v33;
	v33 =	vld.idx.msk [tilespmem:v23+s3+$0x0], $0xffff;
	v23 =	vsel vm1, v29, v34;
	v29 =	vor.u32 v35, v31  }
0x149: {  	v30 =	vor.u32 v36, v30;
	[tilespmem:v42+s11+$0x0] =	vst.idx.add.f32.msk $0xff, v6;
	(xrf1) =	vsort.dscd.msk.f32 $0xffff, v37, v23;
	v28 =	vpop (erf)  }
0x14a: {  	v23 =	vsel vm0, v12, v32;
	v12 =	vmov v19;
	v31, v34, _ =	vpop (xrf1);
	v35 =	vld [tilespmem:s16+$0xB0];
	v26 =	vmul.f32 v28, v26  }
0x14b: {  	v19 =	vmov v24;
	v28 =	vperm.xlane v31, v5;
	v31 =	vperm.xlane v34, v5;
	v32 =	vld [tilespmem:s16+$0x90];
	v34 =	vpop (erf);
	s28 =	spop (v2sf)  }
0x14c: {  	v24, v36, _ =	vpop (xrf1);
	v37 =	vld [tilespmem:s16+$0xA0];
	v34 =	vmul.f32 v34, v14;
	v26 =	vperm.xlane v26, v7;
	s28 =	sadd.f32 $9.999999680e-21, s28;
	v14 =	vmov v22  }
0x14d: {  	v13 =	vsel vm0, v13, v41;
	v38 =	vperm.xlane v24, v5;
	v39, v40, _ =	vpop (xrf1);
	v22 =	vld [tilespmem:s16+$0x80]  }
0x14e: {  	s18 =	sadd.s32 $0x20, s18;
	v36 =	vperm.xlane v36, v5;
	[tilespmem:v21+s11+$0x0] =	vst.idx.add.f32.msk $0xff, v6;
	_, v21, _ =	vpop (xrf1);
	v26 =	vsel vm0, v34, v26;
	v34 =	vmov s28  }
0x14f: {  	s20 =	sadd.s32 $0x20, s20;
	s28 =	sadd.s32 $0x180, s17;
	s17 =	smov.u32 s26;
	v43, v44, _ =	vpop (xrf1);
	v24 =	vld.idx.msk [tilespmem:v30+s3+$0x0], $0xffff;
	v30 =	vadd.f32 v35, v11;
	v35 =	vand.u32 $0xFFFFFF80, v21;
	[tilespmem:s18+$0x0] =	vst v26;
	v48 =	vand.u32 $0x7F, v21  }
0x150: {  	v41, v45, _ =	vpop (xrf1);
	v26 =	vadd.f32 v32, v10;
	v35 =	vadd.s32 s28, v35;
	v29 =	vld.idx.msk [tilespmem:v29+s3+$0x0], $0xffff;
	[tilespmem:s20+$0x0] =	vst v13  }
0x151: {  	v46, v47, _ =	vpop (xrf1);
	v49 =	vadd.f32 v37, v9;
	(xrf1) =	vsort.dscd.msk.f32 $0xffff, v30, v4;
	v30 =	vor.u32 v48, v35;
	(erf) = vrcp.f32 v34  }
0x152: {  	v13 =	vmov v18;
	vm1 =	veq.f32 v46, v28;
	v32, v34, _ =	vpop (xrf1);
	v50 =	vadd.f32 v22, v8;
	(xrf1) =	vsort.dscd.msk.f32 $0xffff, v26, v2;
	s26 =	spop (v2sf)  }
0x153: {  	v18 =	vmov v42;
	vm2 =	veq.f32 v32, v38;
	vm3 =	vlt.s32 v34, v36;
	v35, v48, _ =	vpop (xrf1);
	(xrf1) =	vsort.dscd.msk.f32 $0xffff, v49, v3;
	s26 =	sadd.f32 $9.999999680e-21, s26  }
0x154: {  	vm4 =	vlt.s32 v47, v31;
	vm5 =	vgt.f32 v32, v38;
	vm2 =	vmand vm2, vm3;
	(xrf1) =	vsort.dscd.msk.f32 $0xffff, v50, v0;
	v37, v42, _ =	vpop (xrf1)  }
0x155: {  	v22 =	vmovc v33;
	vm1 =	vmand vm1, vm4;
	vm3 =	vgt.f32 v46, v28;
	vm2 =	vmor vm5, vm2;
	[tilespmem:v19+s11+$0x0] =	vst.idx.add.f32.msk $0xff, v6  }
0x156: {  	vm1 =	vmor vm3, vm1;
	v26 =	vsel vm2, v32, v38;
	v32 =	vsel vm2, v34, v36;
	v30 =	vld.idx.msk [tilespmem:v30+s3+$0x0], $0xffff  }
0x157: {  	v29 =	vnsel vm0, $0x0, v29;
	v28 =	vsel vm1, v46, v28;
	v31 =	vsel vm1, v47, v31;
	(xrf1) =	vsort.dscd.msk.f32 $0xffff, v26, v32;
	v32 =	vld [tilespmem:s16+$0xFFFFFFB0];
	v33, v34, _ =	vpop (xrf1)  }
0x158: {  	v36 =	vperm.xlane v39, v5;
	v38 =	vperm.xlane v40, v5;
	(xrf1) =	vsort.dscd.msk.f32 $0xffff, v28, v31;
	v31 =	vnsel vm0, $0x0, v24;
	v28 =	vld [tilespmem:s16+$0xFFFFFF90]  }
0x159: {  	v39 =	vperm.xlane v43, v5;
	v40 =	vperm.xlane v44, v5;
	v26 =	vnsel vm0, $0x0, v14;
	v43 =	vld [tilespmem:s16+$0xFFFFFFA0]  }
0x15a: {  	vm1 =	vgt.f32 v41, v36;
	vm2 =	veq.f32 v41, v36;
	vm3 =	vlt.s32 v45, v38;
	v44 =	vld [tilespmem:s16+$0xFFFFFF80];
	(xrf2) =	vadd.scan.msk.f32 $0xffff, v26;
	v46 =	vpop (erf);
	s16 =	smov.u32 s25  }
0x15b: {  	vm4 =	veq.f32 v35, v39;
	vm5 =	vlt.s32 v48, v40;
	vm2 =	vmand vm2, vm3;
	[tilespmem:v27+s11+$0x0] =	vst.idx.add.f32.msk $0xff, v6  }
0x15c: {  	vm3 =	vmand vm4, vm5;
	vm1 =	vmor vm1, vm2;
	v26 =	vnsel vm0, $0x0, v30  }
0x15d: {  	vm2 =	vgt.f32 v35, v39;
	v27 =	vsel vm1, v41, v36;
	v30 =	vsel vm1, v45, v38;
	(xrf2) =	vadd.scan.msk.f32 $0xffff, v26  }
0x15e: {  	vm1 =	vmor vm2, vm3;
	v45 =	vadd.f32 v32, v11;
	(xrf1) =	vsort.dscd.msk.f32 $0xffff, v27, v30;
	v27 =	vadd.f32 v28, v10  }
0x15f: {  	v32 =	vsel vm1, v48, v40;
	v30 =	vsel vm1, v35, v39;
	v35 =	vadd.f32 v43, v9;
	v36, v38, _ =	vpop (xrf1)  }
0x160: {  	v47 =	vmov s26;
	(xrf1) =	vsort.dscd.msk.f32 $0xffff, v30, v32;
	v30 =	vperm.xlane v36, v5;
	v32 =	vperm.xlane v38, v5;
	v36, v38, _ =	vpop (xrf1)  }
0x161: {  	v40 =	vadd.f32 v44, v8;
	v36 =	vperm.xlane v36, v5;
	(xrf1) =	vsort.dscd.msk.f32 $0xffff, v45, v4;
	v28, v41, _ =	vpop (xrf1);
	(erf) = vrcp.f32 v47  }
0x162: {  	v38 =	vperm.xlane v38, v5;
	vm1 =	veq.f32 v28, v30;
	vm2 =	vlt.s32 v41, v32;
	v39, v43, _ =	vpop (xrf1)  }
0x163: {  	vm4 =	vgt.f32 v28, v30;
	vm3 =	vgt.f32 v39, v36;
	vm1 =	vmand vm1, vm2;
	(xrf1) =	vsort.dscd.msk.f32 $0xffff, v27, v2  }
0x164: {  	vm2 =	veq.f32 v39, v36;
	vm5 =	vlt.s32 v43, v38;
	vm1 =	vmor vm4, vm1;
	(xrf1) =	vsort.dscd.msk.f32 $0xffff, v35, v3;
	v35, _, _ =	vpop (xrf2)  }
0x165: {  	v37 =	vperm.xlane v37, v5;
	vm2 =	vmand vm2, vm5;
	v27, v44, _ =	vpop (xrf1);
	v28 =	vsel vm1, v28, v30  }
0x166: {  	v30 =	vsel vm1, v41, v32;
	(xrf1) =	vsort.dscd.msk.f32 $0xffff, v40, v0;
	vm1 =	vmor vm3, vm2;
	v32 =	vperm.xlane v27, v5  }
0x167: {  	v40, v41, _ =	vpop (xrf1);
	(xrf1) =	vsort.dscd.msk.f32 $0xffff, v28, v30;
	v28 =	vperm.xlane v44, v5;
	v27 =	vsel vm1, v39, v36  }
0x168: {  	v30 =	vsel vm1, v43, v38;
	v38 =	vperm.xlane v42, v5;
	vm1 =	veq.f32 v33, v37;
	v36, _, _ =	vpop (xrf2)  }
0x169: {  	(xrf1) =	vsort.dscd.msk.f32 $0xffff, v27, v30;
	(v2sf) =	vpush v36, $0xF;
	vm2 =	veq.f32 v40, v32;
	vm3 =	vlt.s32 v41, v28  }
0x16a: {  	vm4 =	vgt.f32 v33, v37;
	vm5 =	vgt.f32 v40, v32;
	vm2 =	vmand vm2, vm3  }
0x16b: {  	v39 =	vmul.f32 v46, v25;
	v27 =	vpop (erf);
	(v2sf) =	vpush v35, $0xF;
	vm2 =	vmor vm5, vm2  }
.Ltmp0:
0x16c: {  	v25 =	vmovc v29;
	vm3 =	vlt.s32 v34, v38;
	(xrf2) =	vadd.scan.msk.f32 $0xffff, v29;
	v35 =	vsel vm2, v40, v32;
	(pc) =	sbr.rel @p0 .LBB2_2-.Ltmp0, $4  }
0x16d: {  	vm1 =	vmand vm1, vm3;
	v36 =	vsel vm2, v41, v28;
	v28, v29, _ =	vpop (xrf1)  }
0x16e: {  	vm1 =	vmor vm4, vm1;
	v28 =	vperm.xlane v28, v5;
	v29 =	vperm.xlane v29, v5;
	(xrf1) =	vsort.dscd.msk.f32 $0xffff, v35, v36  }
0x16f: {  	v33 =	vsel vm1, v33, v37;
	v34 =	vsel vm1, v34, v38;
	v32, v30, _ =	vpop (xrf1);
	(xrf2) =	vadd.scan.msk.f32 $0xffff, v31;
	v31 =	vperm.xlane v39, v7  }
0x170: {  	s25 =	sadd.s32 $0x200, s25;
	vm1 =	vgt.f32 v32, v28;
	vm2 =	veq.f32 v32, v28;
	vm3 =	vlt.s32 v30, v29;
	v36, v35, _ =	vpop (xrf1)  }
0x171: {  	_ =	sdelay $0x5  }
0x172: {  	v37, v38, _ =	vpop (xrf1)  }
0x173: {  	v39, v40, _ =	vpop (xrf1)  }
0x174: {  	v41, v42, _ =	vpop (xrf1)  }
0x175: {  	vm2 =	vmand vm2, vm3;
	v43, v44, _ =	vpop (xrf1)  }
0x176: {  	s23 =	sadd.s32 $0x4, s23;
	vm1 =	vmor vm1, vm2;
	v45, v46, _ =	vpop (xrf1)  }
0x177: {  	s23 =	sshll.u32 s23, $0x7;
	v32 =	vsel vm1, v32, v28;
	v29 =	vsel vm1, v30, v29;
	(xrf1) =	vsort.dscd.msk.f32 $0xffff, v33, v34;
	_, v28, _ =	vpop (xrf1)  }
0x178: {  	s24 =	sadd.s32 $0x100, s23;
	(xrf1) =	vsort.dscd.msk.f32 $0xffff, v32, v29;
	v47 =	vand.u32 $0xFFFFFF80, v28  }
0x179: {  	v48 =	vand.u32 $0x7F, v28;
	v29 =	vadd.s32 s24, v47  }
0x17a: {  	v29 =	vor.u32 v48, v29;
	_ =	sdelay $0x1  }
0x17b: {  	v49 =	vperm.xlane v36, v5;
	v50 =	vperm.xlane v35, v5  }
0x17c: {  	v53 =	vperm.xlane v37, v5;
	v54 =	vperm.xlane v38, v5  }
0x17d: {  	v51 =	vperm.xlane v43, v5;
	v52 =	vperm.xlane v44, v5  }
0x17e: {  	vm1 =	veq.f32 v39, v49;
	vm2 =	vlt.s32 v40, v50;
	vm5 =	vgt.f32 v39, v49;
	v30 =	vld.idx.msk [tilespmem:v29+s3+$0x0], $0xffff  }
0x17f: {  	vm1 =	vmand vm1, vm2;
	vm3 =	veq.f32 v45, v51;
	vm4 =	vlt.s32 v46, v52;
	[tilespmem:v28+s11+$0x0] =	vst.idx.add.f32.msk $0xff, v6  }
0x180: {  	vm1 =	vmor vm5, vm1;
	vm13 =	vgt.f32 v45, v51;
	vm3 =	vmand vm3, vm4;
	v55 =	vld [tilespmem:s16+$0xB0]  }
0x181: {  	vm2 =	veq.f32 v41, v53;
	v60 =	vsel vm1, v39, v49;
	vm3 =	vmor vm13, vm3;
	v58 =	vld [tilespmem:s16+$0x90]  }
0x182: {  	v56 =	vsel vm3, v45, v51;
	v57 =	vsel vm3, v46, v52;
	vm3 =	vlt.s32 v42, v54;
	v59 =	vld [tilespmem:s16+$0xA0]  }
0x183: {  	v61 =	vsel vm1, v40, v50;
	vm1 =	vgt.f32 v41, v53;
	(xrf1) =	vsort.dscd.msk.f32 $0xffff, v56, v57;
	vm2 =	vmand vm2, vm3;
	v62 =	vld [tilespmem:s16+$0x80]  }
0x184: {  	vm1 =	vmor vm1, vm2;
	(xrf1) =	vsort.dscd.msk.f32 $0xffff, v60, v61;
	_, v33, _ =	vpop (xrf1)  }
0x185: {  	v63 =	vsel vm1, v41, v53;
	v40 =	vsel vm1, v42, v54;
	_, v29, _ =	vpop (xrf1);
	v41 =	vadd.f32 v55, v11  }
0x186: {  	(xrf1) =	vsort.dscd.msk.f32 $0xffff, v63, v40;
	v42 =	vand.u32 $0xFFFFFF80, v29;
	v43 =	vadd.f32 v58, v10  }
0x187: {  	v44 =	vand.u32 $0x7F, v29;
	v45 =	vadd.s32 s23, v42;
	v34 =	vadd.f32 v59, v9;
	(xrf1) =	vsort.dscd.msk.f32 $0xffff, v41, v4  }
0x188: {  	v35 =	vor.u32 v44, v45;
	v46 =	vadd.f32 v62, v8;
	(xrf1) =	vsort.dscd.msk.f32 $0xffff, v43, v2  }
0x189: {  	(xrf1) =	vsort.dscd.msk.f32 $0xffff, v34, v3  }
0x18a: {  	(xrf1) =	vsort.dscd.msk.f32 $0xffff, v46, v0;
	_ =	sdelay $0x2  }
0x18b: {  	v32 =	vld.idx.msk [tilespmem:v35+s3+$0x0], $0xffff  }
0x18c: {  	[tilespmem:v29+s11+$0x0] =	vst.idx.add.f32.msk $0xff, v6  }
0x18d: {  	v47 =	vld [tilespmem:s16+$0xFFFFFFB0]  }
0x18e: {  	v48 =	vld [tilespmem:s16+$0xFFFFFF90]  }
0x18f: {  	v49 =	vld [tilespmem:s16+$0xFFFFFFA0]  }
0x190: {  	v50 =	vld [tilespmem:s16+$0xFFFFFF80];
	_, v34, _ =	vpop (xrf1)  }
0x191: {  	v52, v51, _ =	vpop (xrf1)  }
0x192: {  	v41, v42, _ =	vpop (xrf1)  }
0x193: {  	v53 =	vadd.f32 v48, v10;
	v54 =	vadd.f32 v47, v11;
	v56, v55, _ =	vpop (xrf1)  }
0x194: {  	v57 =	vadd.f32 v49, v9;
	v35 =	vperm.xlane v56, v5;
	v36 =	vperm.xlane v55, v5;
	v59, v58, _ =	vpop (xrf1)  }
0x195: {  	v8 =	vadd.f32 v50, v8;
	(xrf1) =	vsort.dscd.msk.f32 $0xffff, v54, v4;
	v37 =	vperm.xlane v59, v5;
	v61, v60, _ =	vpop (xrf1)  }
0x196: {  	v43 =	vperm.xlane v58, v5;
	vm1 =	veq.f32 v61, v35;
	vm2 =	vlt.s32 v60, v36;
	v62, v63, _ =	vpop (xrf1)  }
0x197: {  	(xrf1) =	vsort.dscd.msk.f32 $0xffff, v53, v2;
	vm3 =	vgt.f32 v62, v37;
	vm1 =	vmand vm1, vm2;
	vm2 =	vgt.f32 v61, v35  }
0x198: {  	(xrf1) =	vsort.dscd.msk.f32 $0xffff, v57, v3;
	vm14 =	vlt.s32 v63, v43;
	vm1 =	vmor vm2, vm1;
	vm2 =	veq.f32 v62, v37  }
0x199: {  	(xrf1) =	vsort.dscd.msk.f32 $0xffff, v8, v0;
	vm2 =	vmand vm2, vm14;
	v35 =	vsel vm1, v61, v35;
	v46 =	vsel vm1, v60, v36  }
0x19a: {  	vm1 =	vmor vm3, vm2;
	(xrf1) =	vsort.dscd.msk.f32 $0xffff, v35, v46  }
0x19b: {  	v8 =	vsel vm1, v62, v37;
	v47 =	vsel vm1, v63, v43  }
0x19c: {  	(xrf1) =	vsort.dscd.msk.f32 $0xffff, v8, v47;
	_ =	sdelay $0x7  }
0x19d: {  	v50, v49, _ =	vpop (xrf1)  }
0x19e: {  	v48 =	vperm.xlane v51, v5;
	v8 =	vperm.xlane v52, v5;
	v51, v52, _ =	vpop (xrf1)  }
0x19f: {  	v54, v53, _ =	vpop (xrf1)  }
0x1a0: {  	vm2 =	vlt.s32 v42, v48;
	vm1 =	veq.f32 v41, v8;
	v55, v56, _ =	vpop (xrf1)  }
0x1a1: {  	v10 =	vperm.xlane v50, v5;
	vm3 =	vgt.f32 v41, v8;
	vm1 =	vmand vm1, vm2;
	v58, v57, _ =	vpop (xrf1)  }
0x1a2: {  	vm1 =	vmor vm3, vm1;
	v59 =	vperm.xlane v58, v5;
	v60 =	vperm.xlane v57, v5  }
0x1a3: {  	v11 =	vperm.xlane v49, v5;
	v35 =	vperm.xlane v51, v5;
	v8 =	vsel vm1, v41, v8;
	v62, v61, _ =	vpop (xrf1)  }
0x1a4: {  	v9 =	vsel vm1, v42, v48;
	vm1 =	veq.f32 v62, v59;
	vm2 =	vlt.s32 v61, v60  }
0x1a5: {  	v36 =	vperm.xlane v52, v5;
	vm1 =	vmand vm1, vm2;
	vm2 =	vgt.f32 v62, v59  }
0x1a6: {  	vm3 =	veq.f32 v54, v10;
	vm1 =	vmor vm2, vm1;
	vm2 =	vlt.s32 v53, v11  }
0x1a7: {  	(xrf1) =	vsort.dscd.msk.f32 $0xffff, v8, v9;
	vm15 =	vlt.s32 v56, v36;
	v8 =	vsel vm1, v62, v59;
	vm2 =	vmand vm3, vm2  }
0x1a8: {  	vm3 =	vgt.f32 v54, v10;
	v63 =	vsel vm1, v61, v60;
	vm1 =	veq.f32 v55, v35  }
0x1a9: {  	vm2 =	vmor vm3, vm2;
	(xrf1) =	vsort.dscd.msk.f32 $0xffff, v8, v63;
	vm1 =	vmand vm1, vm15  }
0x1aa: {  	v8 =	vsel vm2, v54, v10;
	v38 =	vsel vm2, v53, v11;
	vm2 =	vgt.f32 v55, v35  }
0x1ab: {  	vm1 =	vmor vm2, vm1;
	(xrf1) =	vsort.dscd.msk.f32 $0xffff, v8, v38  }
0x1ac: {  	v8 =	vsel vm1, v55, v35;
	v40 =	vsel vm1, v56, v36  }
0x1ad: {  	(xrf1) =	vsort.dscd.msk.f32 $0xffff, v8, v40;
	_ =	sdelay $0x9  }
0x1ae: {  	_, v8, _ =	vpop (xrf1)  }
0x1af: {  	_, v9, _ =	vpop (xrf1)  }
0x1b0: {  	v41, v42, _ =	vpop (xrf1)  }
0x1b1: {  	v10 =	vperm.xlane v41, v5;
	v11 =	vperm.xlane v42, v5  }
0x1b2: {  	v43, v44, _ =	vpop (xrf1)  }
0x1b3: {  	vm1 =	veq.f32 v43, v10;
	vm2 =	vlt.s32 v44, v11  }
0x1b4: {  	vm3 =	vgt.f32 v43, v10;
	vm1 =	vmand vm1, vm2  }
0x1b5: {  	vm1 =	vmor vm3, vm1  }
0x1b6: {  	v10 =	vsel vm1, v43, v10;
	v11 =	vsel vm1, v44, v11  }
0x1b7: {  	(xrf1) =	vsort.dscd.msk.f32 $0xffff, v10, v11;
	_ =	sdelay $0x3  }
0x1b8: {  	s17 =	sadd.s32 $0x180, s17;
	v45 =	vand.u32 $0xFFFFFF80, v34  }
0x1b9: {  	v46 =	vand.u32 $0x7F, v34;
	v10 =	vadd.s32 s17, v45  }
0x1ba: {  	v10 =	vor.u32 v46, v10;
	_ =	sdelay $0x1  }
0x1bb: {  	v47 =	vand.u32 $0xFFFFFF80, v33  }
0x1bc: {  	v48 =	vand.u32 $0x7F, v33;
	v11 =	vadd.s32 s22, v47  }
0x1bd: {  	v11 =	vor.u32 v48, v11  }
0x1be: {  	v49 =	vand.u32 $0xFFFFFF80, v9;
	s22 =	sadd.s32 $0x180, s23;
	v50 =	vld.idx.msk [tilespmem:v10+s3+$0x0], $0xffff  }
0x1bf: {  	v51 =	vand.u32 $0x7F, v9;
	v35 =	vadd.s32 s22, v49  }
0x1c0: {  	v52 =	vand.u32 $0xFFFFFF80, v8;
	v35 =	vor.u32 v51, v35  }
0x1c1: {  	v53 =	vand.u32 $0x7F, v8;
	v54 =	vadd.s32 s21, v52;
	_, v10, _ =	vpop (xrf1)  }
0x1c2: {  	s24 =	sadd.s32 $0x80, s23;
	v55 =	vnsel vm0, $0x0, v22;
	v37 =	vor.u32 v53, v54;
	v11 =	vld.idx.msk [tilespmem:v11+s3+$0x0], $0xffff;
	v56 =	vand.u32 $0xFFFFFF80, v10  }
0x1c3: {  	(xrf2) =	vadd.scan.msk.f32 $0xffff, v55;
	v36 =	vnsel vm0, $0x0, v50;
	v57 =	vand.u32 $0x7F, v10;
	v38 =	vadd.s32 s24, v56  }
0x1c4: {  	(xrf2) =	vadd.scan.msk.f32 $0xffff, v36;
	v38 =	vor.u32 v57, v38  }
0x1c5: {  	v35 =	vld.idx.msk [tilespmem:v35+s3+$0x0], $0xffff;
	_ =	sdelay $0x1  }
0x1c6: {  	v37 =	vld.idx.msk [tilespmem:v37+s3+$0x0], $0xffff;
	v39 =	vnsel vm0, $0x0, v11  }
0x1c7: {  	v58 =	vnsel vm0, $0x0, v32;
	(xrf2) =	vadd.scan.msk.f32 $0xffff, v39  }
0x1c8: {  	v59 =	vnsel vm0, $0x0, v30;
	(xrf2) =	vadd.scan.msk.f32 $0xffff, v58;
	v60 =	vld.idx.msk [tilespmem:v38+s3+$0x0], $0xffff  }
0x1c9: {  	v35 =	vnsel vm0, $0x0, v35;
	(xrf2) =	vadd.scan.msk.f32 $0xffff, v59  }
0x1ca: {  	v61, _, _ =	vpop (xrf2);
	(xrf2) =	vadd.scan.msk.f32 $0xffff, v35  }
0x1cb: {  	v62, _, _ =	vpop (xrf2);
	v37 =	vnsel vm0, $0x0, v37  }
0x1cc: {  	(v2sf) =	vpush v61, $0xF;
	v63, _, _ =	vpop (xrf2);
	(xrf2) =	vadd.scan.msk.f32 $0xffff, v37  }
0x1cd: {  	(v2sf) =	vpush v62, $0xF;
	v44, _, _ =	vpop (xrf2);
	v11 =	vnsel vm0, $0x0, v60  }
0x1ce: {  	(v2sf) =	vpush v44, $0xF;
	(xrf2) =	vadd.scan.msk.f32 $0xffff, v11;
	_ =	sdelay $0x1  }
0x1cf: {  	(v2sf) =	vpush v63, $0xF  }
0x1d0: {  	v45, _, _ =	vpop (xrf2)  }
0x1d1: {  	v46, _, _ =	vpop (xrf2)  }
0x1d2: {  	(v2sf) =	vpush v45, $0xF;
	v47, _, _ =	vpop (xrf2)  }
0x1d3: {  	v48, _, _ =	vpop (xrf2);
	(v2sf) =	vpush v46, $0xF  }
0x1d4: {  	(v2sf) =	vpush v48, $0xF  }
0x1d5: {  	v49, _, _ =	vpop (xrf2);
	(v2sf) =	vpush v47, $0xF  }
0x1d6: {  	s25 =	spop (v2sf);
	(v2sf) =	vpush v49, $0xF  }
0x1d7: {  	v50, _, _ =	vpop (xrf2)  }
0x1d8: {  	s26 =	spop (v2sf);
	(v2sf) =	vpush v50, $0xF  }
0x1d9: {  	s16 =	sadd.f32 $9.999999680e-21, s25  }
0x1da: {  	s28 =	spop (v2sf);
	s17 =	sadd.f32 $9.999999680e-21, s26  }
0x1db: {  	s29 =	sadd.f32 $9.999999680e-21, s28;
	s30 =	spop (v2sf);
	v51 =	vmov s16  }
0x1dc: {  	v52 =	vmov s17;
	s17 =	sadd.f32 $9.999999680e-21, s30;
	(erf) = vrcp.f32 v51;
	s31 =	spop (v2sf)  }
0x1dd: {  	v53 =	vmov s29;
	(erf) = vrcp.f32 v52;
	s22 =	sadd.f32 $9.999999680e-21, s31  }
0x1de: {  	v54 =	vmov s17;
	(erf) = vrcp.f32 v53;
	s23 =	spop (v2sf)  }
0x1df: {  	(erf) = vrcp.f32 v54;
	s21 =	sadd.f32 $9.999999680e-21, s23;
	v55 =	vmov s22  }
0x1e0: {  	(erf) = vrcp.f32 v55  }
0x1e1: {  	s24 =	spop (v2sf);
	v56 =	vmov s21  }
0x1e2: {  	s16 =	sadd.f32 $9.999999680e-21, s24;
	s25 =	spop (v2sf);
	(erf) = vrcp.f32 v56  }
0x1e3: {  	s26 =	spop (v2sf);
	s28 =	sadd.f32 $9.999999680e-21, s25  }
0x1e4: {  	v57 =	vmov s16;
	s29 =	sadd.f32 $9.999999680e-21, s26;
	s30 =	spop (v2sf)  }
0x1e5: {  	v58 =	vpop (erf);
	(erf) = vrcp.f32 v57;
	v60 =	vmov s28;
	s31 =	sadd.f32 $9.999999680e-21, s30;
	s21 =	spop (v2sf)  }
0x1e6: {  	v15 =	vsel vm0, v15, v31;
	[tilespmem:v21+s11+$0x0] =	vst.idx.add.f32.msk $0xff, v6;
	v59 =	vpop (erf);
	(erf) = vrcp.f32 v60;
	v61 =	vmov s29;
	s22 =	sadd.f32 $9.999999680e-21, s21  }
0x1e7: {  	[tilespmem:s15+$0xFFFFFFF0] =	vst v15;
	v63 =	vpop (erf);
	(erf) = vrcp.f32 v61;
	v40 =	vmov s31;
	s23 =	spop (v2sf)  }
0x1e8: {  	[tilespmem:s19+$0xFFFFFFF0] =	vst v20;
	v26 =	vmul.f32 v58, v26;
	v41 =	vpop (erf);
	(erf) = vrcp.f32 v40;
	v42 =	vmov s22;
	s25 =	sadd.f32 $9.999999680e-21, s23  }
0x1e9: {  	[tilespmem:v8+s11+$0x0] =	vst.idx.add.f32.msk $0xff, v6;
	v44 =	vpop (erf);
	(erf) = vrcp.f32 v42  }
0x1ea: {  	[tilespmem:v33+s11+$0x0] =	vst.idx.add.f32.msk $0xff, v6;
	v14 =	vmul.f32 v59, v14;
	v62 =	vperm.xlane v26, v7;
	v46 =	vmov s25  }
0x1eb: {  	[tilespmem:v34+s11+$0x0] =	vst.idx.add.f32.msk $0xff, v6;
	v25 =	vmul.f32 v63, v25;
	v47 =	vpop (erf);
	(erf) = vrcp.f32 v46  }
0x1ec: {  	[tilespmem:v9+s11+$0x0] =	vst.idx.add.f32.msk $0xff, v6;
	v14 =	vsel vm0, v14, v62;
	v38 =	vperm.xlane v21, v7  }
0x1ed: {  	[tilespmem:v10+s11+$0x0] =	vst.idx.add.f32.msk $0xff, v6;
	v43 =	vperm.xlane v25, v7;
	s24 =	sadd.s32 $0x20, s18;
	v45 =	vmul.f32 v44, v36  }
0x1ee: {  	v13 =	vsel vm0, v13, v38;
	[tilespmem:s24+$0x0] =	vst v14;
	s26 =	sadd.s32 $0x20, s20;
	v48 =	vpop (erf);
	v49 =	vmul.f32 v47, v22  }
0x1ef: {  	v14 =	vsel vm0, v17, v43;
	[tilespmem:s26+$0x0] =	vst v13;
	v13 =	vperm.xlane v45, v7;
	v20 =	vmul.f32 v48, v39;
	v51 =	vpop (erf)  }
0x1f0: {  	v16 =	vmul.f32 v27, v16;
	v50 =	vperm.xlane v34, v7;
	[tilespmem:s18+$0xFFFFFFF0] =	vst v14;
	v52 =	vpop (erf)  }
0x1f1: {  	[tilespmem:s20+$0xFFFFFFF0] =	vst v23;
	s28 =	sadd.s32 $0x20, s24;
	v13 =	vsel vm0, v49, v13;
	v53 =	vperm.xlane v20, v7;
	v14 =	vmul.f32 v52, v35;
	v55 =	vpop (erf)  }
0x1f2: {  	v54 =	vperm.xlane v33, v7;
	v17 =	vsel vm0, v18, v50;
	s29 =	sadd.s32 $0x20, s26;
	[tilespmem:s28+$0x0] =	vst v13;
	v56 =	vmul.f32 v55, v30;
	v57 =	vpop (erf)  }
0x1f3: {  	[tilespmem:s29+$0x0] =	vst v17;
	v13 =	vsel vm0, v16, v53;
	v14 =	vperm.xlane v14, v7;
	v16 =	vmul.f32 v57, v37  }
0x1f4: {  	v12 =	vsel vm0, v12, v54;
	v58 =	vperm.xlane v9, v7;
	v15 =	vmul.f32 v41, v24;
	[tilespmem:s24+$0xFFFFFFF0] =	vst v13;
	v60 =	vpop (erf)  }
0x1f5: {  	s30 =	sadd.s32 $0x20, s28;
	[tilespmem:s26+$0xFFFFFFF0] =	vst v12;
	v59 =	vsel vm0, v56, v14;
	v61 =	vperm.xlane v16, v7;
	v11 =	vmul.f32 v60, v11  }
0x1f6: {  	v8 =	vperm.xlane v8, v7;
	s31 =	sadd.s32 $0x20, s29;
	v12 =	vsel vm0, v28, v58;
	[tilespmem:s30+$0x0] =	vst v59  }
0x1f7: {  	v62 =	vmul.f32 v51, v32;
	[tilespmem:s31+$0x0] =	vst v12;
	v9 =	vsel vm0, v15, v61;
	v11 =	vperm.xlane v11, v7  }
0x1f8: {  	v8 =	vsel vm0, v19, v8;
	v10 =	vperm.xlane v10, v7;
	[tilespmem:s28+$0xFFFFFFF0] =	vst v9  }
0x1f9: {  	[tilespmem:s29+$0xFFFFFFF0] =	vst v8;
	v8 =	vsel vm0, v62, v11  }
0x1fa: {  	v63 =	vsel vm0, v29, v10;
	[tilespmem:s30+$0xFFFFFFF0] =	vst v8  }
0x1fb: {  	[tilespmem:s31+$0xFFFFFFF0] =	vst v63  }
0x1fc: {  	[hbm4b:s5+s3] =	stream.linear.scatter [tilespmem:s12], [sflag:$0x1], $0x800, $0x38;
	[tilespmem:$0x9100] =	vst v63  }
0x1fd: {  	_ =	swait.ge [sflag:s10], $0x800  }
0x1fe: {  	[sflag:s10] =	ssyncset.done $0x0  }
0x1ff: {  	[sflag:s10] =	ssyncadd.s32 $0xFFFFF800  }
0x200: {  	[hbm4b:s6+s3] =	stream.linear.scatter [tilespmem:s13], [sflag:$0x1], $0x800, $0x38;
	[tilespmem:$0x9100] =	vst v63  }
0x201: {  	s14 =	sadd.s32 $0x1, s14;
	_ =	swait.ge [sflag:s10], $0x800  }
0x202: {  	p0 =	sne.s32 s14, s8;
	[sflag:s10] =	ssyncset.done $0x0  }
.Ltmp1:
0x203: {  	[sflag:s10] =	ssyncadd.s32 $0xFFFFF800;
	(pc) =	sbr.rel @p0 .LBB2_1-.Ltmp1, $4  }
0x204: {  	[hbm4b:s7+s3] =	stream.linear.scatter [tilespmem:s11], [sflag:$0x1], $0x80, $0x38;
	[tilespmem:$0x9100] =	vst v63  }
0x205: {  	_ =	swait.ge [sflag:s10], $0x80  }
0x206: {  	[sflag:s10] =	ssyncset.done $0x0  }
0x207: {  	[sflag:s10] =	ssyncadd.s32 $0xFFFFFF80  }
0x208: {  	_ =	sfence.sel $0x180000  }
0x209: {  	[bflag:$0x0] =	sbarrier.arrive $0xFFFF  }
0x20a: {  	p0 =	sne.s32 s0, $0x0;
	_ =	strace $0x9000004D  }
0x20b: {  	s0 =	sadd.s32 @!p0 $0x100000, s1;
	[bflag:$0x2] =	sbarrier.arrive $0xFFFF  }
0x20c: {  	[sflag:s0] =	ssyncadd.tile.s32 @!p0 $0x1;
	_ =	shalt  }
.Lfunc_end2:
_tile_overlayer_lowered:
.L_overlay_start_2:
0x20d: {  	(tag) =	ssettag $0x2  }
0x20e: {  	s0 =	rddreg [dreg:$0x0];
	s2 =	stileid.u32  }
0x20f: {  	s1 =	rddreg [dreg:$0x1];
	p0 =	sne.s32 s2, $0x0  }
0x210: {  	s3 =	rddreg [dreg:$0x2];
	[bflag:$0x3] =	sbarrier.arrive $0xFFFF;
	s2 =	simm.s32 @!p0 $0x1C01  }
0x211: {  	[timem:s3], [sflag:s2] =	dma.local @!p0 [hbm:s0], s1  }
0x212: {  	s0 =	simm.s32 @!p0 $0x1  }
0x213: {  	_ =	swait.ge @!p0 [sflag:s0], s1  }
0x214: {  	s1 =	ssub.s32 @!p0 $0x0, s1;
	[sflag:s0] =	ssyncset.done @!p0 $0x0  }
0x215: {  	[sflag:s0] =	ssyncadd.s32 @!p0 s1  }
0x216: {  	[bflag:$0x3] =	sbarrier.arrive $0xFFFF  }
0x217: {  	_ =	shalt  }

// kernel: kernel.17.cloned.1.call-start
scs
__scs_entry_jumppad:
0x0: {  	(pc) =	sbr.rel $0x88, $3  }
0x1: {  	(tag) =	ssettag $0x0;
	lr =	simm.s32 $0x1  }
0x2: {  	[smem:$0x3F9E] =	sst lr;
	_ =	strace $0xD0000000  }
0x3: {  	_ = 	snop  }
0x4: {  	_ = 	snop  }
0x5: {  	_ = 	snop  }
0x6: {  	_ = 	snop  }
0x7: {  	_ = 	snop  }
__scs_overlays_trampoline_lowered:
0x8: {  	[smem:$0x3FAD] =	sst s0  }
0x9: {  	[smem:$0x3FAE] =	sst s1  }
0xa: {  	[smem:$0x3FAF] =	sst s2  }
0xb: {  	[smem:$0x3FB0] =	sst s3  }
0xc: {  	[smem:$0x3FB1] =	sst s4  }
0xd: {  	[smem:$0x3FB2] =	sst s5  }
0xe: {  	[smem:$0x3FB3] =	sst s6  }
0xf: {  	[smem:$0x3FB4] =	sst s7  }
0x10: {  	[smem:$0x3FB5] =	sst s8  }
0x11: {  	[smem:$0x3FB6] =	sst s9;
	s0 =	simm.s32 @!p0 $0x0  }
0x12: {  	s1 =	sld [smem:$0x3F9C];
	s0 =	simm.s32 @p0 $0x1  }
0x13: {  	[smem:$0x3FB7] =	sst s0;
	s0 =	simm.s32 @!p1 $0x0  }
0x14: {  	s2 =	sld [smem:$0x3F9B];
	s0 =	simm.s32 @p1 $0x1  }
0x15: {  	[smem:$0x3FB8] =	sst s0;
	s0 =	simm.s32 @!p2 $0x0  }
0x16: {  	s3 =	sld [smem:$0x3FDB];
	s0 =	simm.s32 @p2 $0x1  }
0x17: {  	s4 =	simm.s32 $0x1BF5;
	[smem:$0x3FBA] =	sst s0  }
0x18: {  	s0 =	sld [smem:$0x3F9D];
	_ =	swait.ge [sflag:s4], $0x0  }
0x19: {  	s7 =	sld [smem:$0x3F9E]  }
0x1a: {  	s8 =	sadd.s32 $0xFFFFE003, lr  }
0x1b: {  	s9 =	sadd.s32 $0xFFFFFEF7, lr;
	s5 =	simm.s32 $0xFFFFFFFF;
	p2 =	slt.u32 s8, $0xFFFFF086  }
0x1c: {  	p1 =	slt.u32 s9, $0xF7A;
	s5 =	simm.s32 @!p2 $0x0  }
0x1d: {  	s5 =	simm.s32 @p1 $0x1;
	p0 =	seq.s32 s7, s2  }
0x1e: {  	s7 =	smul.u32 @!p0 $0xF7A, s2;
	p2 =	seq.s32 @!p0 s5, $0x0  }
0x1f: {  	s9 =	smul.u32 $0xF7A, s1;
	s8 =	simm.s32 @!p0 $0x1BF5;
	p2 =	por !p2, p0  }
0x20: {  	[sflag:s8] =	ssyncset.s32 @!p0 $0xFFFFF086;
	s6 =	sadd.s32 @!p0 s3, s7;
	s7 =	simm.s32 @!p0 $0x108  }
0x21: {  	s3 =	sadd.s32 s3, s9;
	s6 =	sadd.s32 @!p0 $0x88, s6;
	s7 =	simm.s32 @p2 $0x1082  }
0x22: {  	[simem:s7], [sflag:s8] =	dma.local @!p0 [hbm:s6], $0xF7A  }
0x23: {  	s9 =	sor.u32 $0xD0000000, s2;
	s6 =	simm.s32 $0x108;
	_ =	swait.ge @!p0 [sflag:s8], $0x0  }
0x24: {  	s3 =	sadd.s32 $0x88, s3;
	s6 =	simm.s32 @!p1 $0x1082;
	[sflag:s4] =	ssyncset.s32 $0xFFFFF086  }
0x25: {  	[simem:s6], [sflag:s4] =	dma.local [hbm:s3], $0xF7A  }
0x26: {  	[smem:$0x3F9E] =	sst s1;
	(tag) =	ssettag s2;
	_ =	strace s9  }
0x27: {  	s1 =	sld [smem:$0x3FAE]  }
0x28: {  	s2 =	sld [smem:$0x3FAF]  }
0x29: {  	s4 =	sld [smem:$0x3FB1]  }
0x2a: {  	p0 =	seq.s32 s5, $0x0;
	s5 =	sld [smem:$0x3FB2]  }
0x2b: {  	s6 =	sld [smem:$0x3FB3]  }
0x2c: {  	s7 =	sld [smem:$0x3FB4]  }
0x2d: {  	s3 =	simm.s32 $0x108;
	s8 =	sld [smem:$0x3FB5]  }
0x2e: {  	s3 =	simm.s32 @!p0 $0x1082;
	s9 =	sld [smem:$0x3FB6]  }
0x2f: {  	lr =	sadd.s32 s0, s3;
	s0 =	sld [smem:$0x3FAD]  }
0x30: {  	s3 =	sld [smem:$0x3FB0]  }
0x31: {  	[smem:$0x3FB9] =	sst s10  }
0x32: {  	s10 =	sld [smem:$0x3FB7];
	_ =	sdelay $0x3  }
0x33: {  	p0 =	seq.s32 s10, $0x1;
	s10 =	sld [smem:$0x3FB9];
	_ =	sdelay $0x3  }
0x34: {  	[smem:$0x3FB9] =	sst s10  }
0x35: {  	s10 =	sld [smem:$0x3FB8];
	_ =	sdelay $0x3  }
0x36: {  	p1 =	seq.s32 s10, $0x1;
	s10 =	sld [smem:$0x3FB9];
	_ =	sdelay $0x3  }
0x37: {  	[smem:$0x3FB9] =	sst s10  }
0x38: {  	s10 =	sld [smem:$0x3FBA]  }
0x39: {  	_ = 	snop;
	(pc) =	sbr.ind lr, $3  }
0x3a: {  	_ = 	snop  }
0x3b: {  	_ = 	snop  }
0x3c: {  	p2 =	seq.s32 s10, $0x1;
	s10 =	sld [smem:$0x3FB9]  }
0x3d: {  	_ =	shalt  }
0x3e: {  	_ =	shalt  }
0x3f: {  	_ =	shalt  }
0x40: {  	_ =	shalt  }
0x41: {  	_ =	shalt  }
0x42: {  	_ =	shalt  }
0x43: {  	_ =	shalt  }
0x44: {  	_ =	shalt  }
0x45: {  	_ =	shalt  }
0x46: {  	_ =	shalt  }
0x47: {  	_ =	shalt  }
0x48: {  	_ =	shalt  }
0x49: {  	_ =	shalt  }
0x4a: {  	_ =	shalt  }
0x4b: {  	_ =	shalt  }
0x4c: {  	_ =	shalt  }
0x4d: {  	_ =	shalt  }
0x4e: {  	_ =	shalt  }
0x4f: {  	_ =	shalt  }
0x50: {  	_ =	shalt  }
0x51: {  	_ =	shalt  }
0x52: {  	_ =	shalt  }
0x53: {  	_ =	shalt  }
0x54: {  	_ =	shalt  }
0x55: {  	_ =	shalt  }
0x56: {  	_ =	shalt  }
0x57: {  	_ =	shalt  }
0x58: {  	_ =	shalt  }
0x59: {  	_ =	shalt  }
0x5a: {  	_ =	shalt  }
0x5b: {  	_ =	shalt  }
0x5c: {  	_ =	shalt  }
0x5d: {  	_ =	shalt  }
0x5e: {  	_ =	shalt  }
0x5f: {  	_ =	shalt  }
0x60: {  	_ =	shalt  }
0x61: {  	_ =	shalt  }
0x62: {  	_ =	shalt  }
0x63: {  	_ =	shalt  }
0x64: {  	_ =	shalt  }
0x65: {  	_ =	shalt  }
0x66: {  	_ =	shalt  }
0x67: {  	_ =	shalt  }
0x68: {  	_ =	shalt  }
0x69: {  	_ =	shalt  }
0x6a: {  	_ =	shalt  }
0x6b: {  	_ =	shalt  }
0x6c: {  	_ =	shalt  }
0x6d: {  	_ =	shalt  }
0x6e: {  	_ =	shalt  }
0x6f: {  	_ =	shalt  }
0x70: {  	_ =	shalt  }
0x71: {  	_ =	shalt  }
0x72: {  	_ =	shalt  }
0x73: {  	_ =	shalt  }
0x74: {  	_ =	shalt  }
0x75: {  	_ =	shalt  }
0x76: {  	_ =	shalt  }
0x77: {  	_ =	shalt  }
0x78: {  	_ =	shalt  }
0x79: {  	_ =	shalt  }
0x7a: {  	_ =	shalt  }
0x7b: {  	_ =	shalt  }
0x7c: {  	_ =	shalt  }
0x7d: {  	_ =	shalt  }
0x7e: {  	_ =	shalt  }
0x7f: {  	_ =	shalt  }
0x80: {  	_ =	shalt  }
0x81: {  	_ =	shalt  }
0x82: {  	_ =	shalt  }
0x83: {  	_ =	shalt  }
0x84: {  	_ =	shalt  }
0x85: {  	_ =	shalt  }
0x86: {  	_ =	shalt  }
0x87: {  	_ =	shalt  }
.Lfunc_end0:
.L_simem_size_0:
called_computation.2_lowered:
.L_overlay_start_0:
0x88: {  	s2 =	sld [smem:$0x3FD9]  }
0x89: {  	s3 =	sld [smem:$0x3FFE];
	_ =	sdelay $0x1  }
0x8a: {  	s1 =	srdreg.scid  }
0x8b: {  	s0 =	sand.u32 $0x1, s1  }
0x8c: {  	s17 =	sshll.u32 s0, $0xA;
	s2 =	sadd.s32 s3, s2  }
0x8d: {  	s2 =	sadd.s32 s2, s17  }
0x8e: {  	[smem:$0x3FC5] =	sst s2  }
0x8f: {  	_ = 	snop  }
0x90: {  	s18 =	sld [smem:$0x3FC8];
	(tm) =	ssettm $0x1  }
0x91: {  	s19 =	sld [smem:$0x3FFB];
	_ =	sdelay $0x3  }
0x92: {  	_ =	strace s19  }
0x93: {  	s2 =	sld [smem:$0x3FFC];
	_ =	sdelay $0x3  }
0x94: {  	_ =	strace s2  }
0x95: {  	s2 =	sld [smem:$0x3FFD];
	_ =	sdelay $0x3  }
0x96: {  	_ =	strace s2  }
0x97: {  	_ =	strace $0x8FFFFFFF  }
0x98: {  	s20 =	sld [smem:$0x3FDB];
	_ =	sdelay $0x1  }
0x99: {  	s4 =	simm.s32 $_scs_section_size  }
0x9a: {  	s5 =	simm.s32 $_size__tile_overlayer_lowered;
	s6 =	simm.s32 $_tile_overlayer_lowered  }
0x9b: {  	s7 =	simm.s32 $0x1BFF;
	s21 =	sshll.u32 s6, $0x1;
	s4 =	sadd.s32 s4, s20  }
0x9c: {  	s22 =	simm.s32 $0x0;
	s5 =	sshll.u32 s5, $0x1;
	s6 =	sadd.s32 s21, s4  }
0x9d: {  	[timem:s22], [sflag:s7] =	dma.local [hbm:s6], s5  }
0x9e: {  	_ =	swait.ge [sflag:s7], s5  }
0x9f: {  	s5 =	ssub.s32 $0x0, s5;
	[sflag:s7] =	ssyncset.done $0x0  }
0xa0: {  	[sflag:s7] =	ssyncadd.s32 s5;
	_ =	sdelay $0x1  }
0xa1: {  	s23 =	simm.s32 $0x1B8B  }
0xa2: {  	_ =	swait.ge [sflag:s23], $0x1  }
0xa3: {  	[sflag:s23] =	ssyncset.done $0x0  }
0xa4: {  	[sflag:s23] =	ssyncadd.s32 $0xFFFFFFFF  }
0xa5: {  	s5 =	sld [smem:$0x0]  }
0xa6: {  	s6 =	sand.u32 $0xFFFFFFFE, s1  }
0xa7: {  	p0 =	sne.s32 s1, s6  }
0xa8: {  	s6 =	sshll.u32 @p0 s6, $0xE  }
0xa9: {  	s6 =	sadd.s32 @p0 $0x11B8D, s6;
	s7 =	sshll.u32 @p0 s5, $0x11  }
0xaa: {  	s6 =	sor.u32 @p0 s7, s6  }
0xab: {  	[sflag:s6] =	ssyncadd.remote.s32 @p0 $0x1;
	_ =	sdelay $0x1  }
0xac: {  	s6 =	simm.s32 @p0 $0x1B8D  }
0xad: {  	_ =	swait.eq @p0 [sflag:s6], $0x1  }
0xae: {  	[sflag:s6] =	ssyncadd.s32 @p0 $0xFFFFFFFF  }
0xaf: {  	s7 =	sshll.u32 @!p0 s1, $0xE  }
0xb0: {  	s7 =	sor.u32 @!p0 $0x4000, s7;
	s6 =	simm.s32 @!p0 $0x1B8D  }
0xb1: {  	s5 =	sshll.u32 @!p0 s5, $0x11;
	s7 =	sadd.s32 @!p0 $0x11B8D, s7;
	_ =	swait.eq @!p0 [sflag:s6], $0x1  }
0xb2: {  	s5 =	sor.u32 @!p0 s5, s7;
	[sflag:s6] =	ssyncadd.s32 @!p0 $0xFFFFFFFF  }
0xb3: {  	s25 =	simm.s32 $0x1B8E;
	s24 =	sld [smem:$0x3FFE];
	[sflag:s5] =	ssyncadd.remote.s32 @!p0 $0x1  }
0xb4: {  	s26 =	simm.s32 $execute0_lowered;
	[smem:$0x3FD2] =	sst s25  }
0xb5: {  	s6 =	sshll.u32 s26, $0x1;
	_ =	strace $0x80000049;
	[dreg:$0x1] =	wrdreg $0xFFFFFFFF  }
0xb6: {  	s28 =	simm.s32 $_size_execute0_lowered;
	s4 =	sadd.s32 s4, s6;
	[dreg:$0x0] =	wrdreg $0x0  }
0xb7: {  	s6 =	sshll.u32 s28, $0x1;
	[dreg:$0x2] =	wrdreg s4  }
0xb8: {  	[dreg:$0x3] =	wrdreg s6  }
0xb9: {  	[dreg:$0x4] =	wrdreg $0xC0  }
0xba: {  	_ =	task [dreg:s22], $0x5FFFF  }
0xbb: {  	[dreg:$0x1] =	wrdreg $0xFFFFFFFF  }
0xbc: {  	[dreg:$0x0] =	wrdreg $0x60  }
0xbd: {  	[dreg:$0x2] =	wrdreg s24  }
0xbe: {  	[dreg:$0x3] =	wrdreg s18  }
0xbf: {  	[dreg:$0x4] =	wrdreg $0xB  }
0xc0: {  	_ =	task.clear_ibuf [dreg:s22], $0x5FFFF;
	_ =	strace $0x90000049  }
0xc1: {  	s29 =	simm.s32 $0xB;
	_ =	strace $0x8000004B  }
0xc2: {  	_ =	swait.ge [sflag:s29], $0x1  }
0xc3: {  	[sflag:s29] =	ssyncadd.s32 $0xFFFFFFFF  }
0xc4: {  	_ =	strace $0x9000004B  }
0xc5: {  	_ =	sfence  }
0xc6: {  	s30 =	sld [smem:$0x0];
	_ =	sdelay $0x2  }
0xc7: {  	s31 =	sshll.u32 s1, $0xD;
	s1 =	sshrl.u32 s1, $0x2  }
0xc8: {  	s4 =	sand.u32 $0x4000, s31;
	s1 =	sadd.s32 s1, s30  }
0xc9: {  	s0 =	sor.u32 s4, s0;
	s1 =	sshll.u32 s1, $0x11  }
0xca: {  	s0 =	sor.u32 s1, s0  }
0xcb: {  	s0 =	sadd.s32 $0x8F2B, s0  }
0xcc: {  	[sflag:s0] =	ssyncadd.remote.s32 $0x1  }
0xcd: {  	_ =	sfence.sel $0xFFFF  }
0xce: {  	[dreg:$0x0] =	wrdreg $0xFFFFFFFF;
	(pc) =	sbr.abs _section_cstart, $3  }
0xcf: {  	[dreg:$0x1] =	wrdreg $0xFFFFFFFF  }
0xd0: {  	_ =	task.clear_ibuf [dreg:s22], $0x2FFFF;
	_ =	strace $0x9FFFFFFF  }
0xd1: {  	(tm) =	ssettm $0x7FFFFFFF  }
tec
execute0_lowered:
.L_overlay_start_1:
0x0: {  	(tag) =	ssettag $0x1  }
0x1: {  	s4 =	rddreg [dreg:$0x0];
	s1 =	srdreg.scid  }
0x2: {  	s0 =	stileid.u32;
	s2 =	rddreg [dreg:$0x1]  }
0x3: {  	s3 =	simm.s32 $0x0;
	v0 =	vimm.s32 $0xE40000;
	s11 =	simm.s32 $0x9080;
	s12 =	simm.s32 $0x8080  }
0x4: {  	s13 =	simm.s32 $0x8880;
	s5 =	sand.u32 $0x1, s1;
	s1 =	rddreg [dreg:$0x2];
	v1 =	vunpack.c.l.s2.s4 v0  }
0x5: {  	s14 =	simm.s32 $0x0;
	s6 =	sshll.u32 s0, $0x1;
	[smem:$0x7FF] =	sst s3  }
0x6: {  	s6 =	sor.u32 s5, s6;
	_ =	strace $0x8000004A;
	s5 =	ssub.s32 $0x2, s5;
	v3 =	vunpack.c.l.s4.s8 v1  }
0x7: {  	v6 =	vimm.s32 $0x7060504;
	vm1 =	vcmask $0x3F30;
	vm0 =	vmmov $0xff;
	s7 =	sshll.u32 s6, $0xC;
	s8 =	sshll.u32 s6, $0x8;
	s6 =	sshll.u32 s6, $0x4  }
0x8: {  	v0 =	vlaneseq.u32;
	v8 =	vunpack.c.0.s8.s32 v6;
	s31 =	sshrl.u32 s5, $0x1;
	s7 =	sadd.s32 s7, s4;
	s8 =	sadd.s32 s8, s4;
	v7 =	vunpack.c.0.s8.s32 v3  }
0x9: {  	v6 =	vimm.f32 $1.000000000e+00;
	v2 =	vor.u32 $0x10, v0;
	v5 =	vmul.u32 $0xFFFFFFFF, v0;
	s9 =	sadd.s32 s6, s4;
	s10 =	ssub.s32 s5, s31;
	s4 =	sadd.s32 $0x27800, s7  }
0xa: {  	v4 =	vor.u32 $0x30, v0;
	v1 =	vimm.f32 $0.0e+00;
	s5 =	sadd.s32 $0x47800, s8;
	s6 =	sadd.s32 $0x49800, s8;
	s7 =	sadd.s32 $0x4B800, s9;
	v7 =	vand.u32 $0x3, v7  }
0xb: {  	v5 =	vadd.s32 $0xF, v5;
	s8 =	smax.u32 s10, $0x1;
	v3 =	vor.u32 $0x20, v0;
	s9 =	simm.s32 $0x8000;
	s10 =	simm.s32 $0x1;
	v7 =	vsel vm1, v8, v7  }
.LBB2_1:
0xc: {  	[tilespmem:s9], [sflag:$0x1] =	stream.linear.gather [hbm4b:s2+s3], $0x80, $0x38;
	[tilespmem:$0x9100] =	vst v63  }
0xd: {  	_ =	swait.ge [sflag:s10], $0x80  }
0xe: {  	[sflag:s10] =	ssyncset.done $0x0  }
0xf: {  	[sflag:s10] =	ssyncadd.s32 $0xFFFFFF80  }
0x10: {  	[tilespmem:s3], [sflag:$0x1] =	stream.linear.gather [hbm4b:s4+s3], $0x8000, $0x38;
	[tilespmem:$0x9100] =	vst v63  }
0x11: {  	_ =	swait.ge [sflag:s10], $0x8000  }
0x12: {  	[sflag:s10] =	ssyncset.done $0x0  }
0x13: {  	[sflag:s10] =	ssyncadd.s32 $0xFFFF8000  }
0x14: {  	[tilespmem:$0x9080] =	vst v1;
	v8 =	vld [tilespmem:$0x8000]  }
0x15: {  	[tilespmem:$0x9090] =	vst v1;
	v10 =	vld [tilespmem:$0x8010]  }
0x16: {  	[tilespmem:$0x90A0] =	vst v1;
	v9 =	vld [tilespmem:$0x8020]  }
0x17: {  	s16 =	simm.s32 $0x100;
	[tilespmem:$0x90B0] =	vst v1;
	v11 =	vld [tilespmem:$0x8030]  }
0x18: {  	v12 =	vld [tilespmem:s16+$0x10]  }
0x19: {  	v13 =	vld [tilespmem:s16+$0x30]  }
0x1a: {  	v14 =	vld [tilespmem:s16+$0xFFFFFF30]  }
0x1b: {  	v15 =	vld [tilespmem:s16+$0xFFFFFF10]  }
0x1c: {  	v16 =	vld [tilespmem:s16+$0xFFFFFF20]  }
0x1d: {  	v17 =	vld [tilespmem:s16+$0x0];
	v12 =	vadd.f32 v12, v10  }
0x1e: {  	v18 =	vld [tilespmem:s16+$0x20];
	v13 =	vadd.f32 v13, v11  }
0x1f: {  	(xrf1) =	vsort.dscd.msk.f32 $0xffff, v12, v2;
	v12 =	vadd.f32 v14, v11  }
0x20: {  	v14 =	vadd.f32 v15, v10;
	(xrf1) =	vsort.dscd.msk.f32 $0xffff, v13, v4  }
0x21: {  	v13 =	vadd.f32 v16, v9;
	(xrf1) =	vsort.dscd.msk.f32 $0xffff, v12, v4  }
0x22: {  	v12 =	vadd.f32 v17, v8;
	(xrf1) =	vsort.dscd.msk.f32 $0xffff, v14, v2  }
0x23: {  	v14 =	vadd.f32 v18, v9;
	(xrf1) =	vsort.dscd.msk.f32 $0xffff, v13, v3  }
0x24: {  	(xrf1) =	vsort.dscd.msk.f32 $0xffff, v12, v0  }
0x25: {  	(xrf1) =	vsort.dscd.msk.f32 $0xffff, v14, v3;
	_ =	sdelay $0x2  }
0x26: {  	v12 =	vld [tilespmem:s16+$0xFFFFFF00];
	_ =	sdelay $0x4  }
0x27: {  	v12 =	vadd.f32 v12, v8;
	v13, v14, _ =	vpop (xrf1)  }
0x28: {  	v15, v16, _ =	vpop (xrf1)  }
0x29: {  	v17, v18, _ =	vpop (xrf1)  }
0x2a: {  	v19, v20, _ =	vpop (xrf1);
	(xrf1) =	vsort.dscd.msk.f32 $0xffff, v12, v0  }
0x2b: {  	v12, v21, _ =	vpop (xrf1)  }
0x2c: {  	v15 =	vperm.xlane v15, v5;
	v16 =	vperm.xlane v16, v5;
	v22, v23, _ =	vpop (xrf1)  }
0x2d: {  	v13 =	vperm.xlane v13, v5;
	v24, v25, _ =	vpop (xrf1)  }
0x2e: {  	v14 =	vperm.xlane v14, v5;
	vm1 =	veq.f32 v24, v15;
	vm2 =	vlt.s32 v25, v16  }
0x2f: {  	vm3 =	veq.f32 v22, v13;
	vm4 =	vgt.f32 v24, v15;
	vm1 =	vmand vm1, vm2  }
0x30: {  	vm5 =	vgt.f32 v22, v13;
	vm2 =	vlt.s32 v23, v14;
	vm1 =	vmor vm4, vm1  }
0x31: {  	vm2 =	vmand vm3, vm2;
	v15 =	vsel vm1, v24, v15;
	v16 =	vsel vm1, v25, v16  }
0x32: {  	vm1 =	vmor vm5, vm2;
	(xrf1) =	vsort.dscd.msk.f32 $0xffff, v15, v16  }
0x33: {  	v13 =	vsel vm1, v22, v13;
	v14 =	vsel vm1, v23, v14  }
0x34: {  	(xrf1) =	vsort.dscd.msk.f32 $0xffff, v13, v14;
	_ =	sdelay $0x1  }
0x35: {  	v13 =	vperm.xlane v17, v5;
	v14 =	vperm.xlane v18, v5  }
0x36: {  	v15 =	vperm.xlane v19, v5;
	v16 =	vperm.xlane v20, v5  }
0x37: {  	vm1 =	vgt.f32 v12, v13;
	vm2 =	veq.f32 v12, v13;
	vm3 =	vlt.s32 v21, v14;
	v17, v18, _ =	vpop (xrf1)  }
0x38: {  	vm2 =	vmand vm2, vm3;
	vm4 =	veq.f32 v17, v15;
	vm5 =	vlt.s32 v18, v16  }
0x39: {  	vm1 =	vmor vm1, vm2;
	vm2 =	vgt.f32 v17, v15;
	vm3 =	vmand vm4, vm5  }
0x3a: {  	v12 =	vsel vm1, v12, v13;
	v13 =	vsel vm1, v21, v14;
	vm1 =	vmor vm2, vm3  }
0x3b: {  	(xrf1) =	vsort.dscd.msk.f32 $0xffff, v12, v13;
	v13 =	vsel vm1, v18, v16  }
0x3c: {  	v12 =	vsel vm1, v17, v15  }
0x3d: {  	(xrf1) =	vsort.dscd.msk.f32 $0xffff, v12, v13;
	_ =	sdelay $0x1  }
0x3e: {  	v12, v13, _ =	vpop (xrf1)  }
0x3f: {  	v12 =	vperm.xlane v12, v5;
	v13 =	vperm.xlane v13, v5  }
0x40: {  	v14, v15, _ =	vpop (xrf1)  }
0x41: {  	vm1 =	veq.f32 v14, v12;
	vm2 =	vlt.s32 v15, v13  }
0x42: {  	vm3 =	vgt.f32 v14, v12;
	vm1 =	vmand vm1, vm2  }
0x43: {  	vm1 =	vmor vm3, vm1  }
0x44: {  	v12 =	vsel vm1, v14, v12;
	v13 =	vsel vm1, v15, v13  }
0x45: {  	(xrf1) =	vsort.dscd.msk.f32 $0xffff, v12, v13;
	_ =	sdelay $0x2  }
0x46: {  	s15 =	simm.s32 $0x300;
	v12, v13, _ =	vpop (xrf1)  }
0x47: {  	v14 =	vld [tilespmem:s15+$0x10];
	v12 =	vperm.xlane v12, v5;
	v13 =	vperm.xlane v13, v5  }
0x48: {  	v17 =	vld [tilespmem:s15+$0x30];
	v15, v16, _ =	vpop (xrf1)  }
0x49: {  	v18 =	vld [tilespmem:s15+$0xFFFFFF30];
	vm1 =	veq.f32 v15, v12;
	vm2 =	vlt.s32 v16, v13  }
0x4a: {  	v19 =	vld [tilespmem:s15+$0xFFFFFF10];
	vm3 =	vgt.f32 v15, v12;
	vm1 =	vmand vm1, vm2  }
0x4b: {  	v20 =	vld [tilespmem:s15+$0xFFFFFF20];
	vm1 =	vmor vm3, vm1  }
0x4c: {  	v14 =	vadd.f32 v14, v10;
	v12 =	vsel vm1, v15, v12;
	v13 =	vsel vm1, v16, v13;
	v15 =	vld [tilespmem:s15+$0x0]  }
0x4d: {  	(xrf1) =	vsort.dscd.msk.f32 $0xffff, v12, v13;
	v12 =	vadd.f32 v17, v11;
	v13 =	vld [tilespmem:s15+$0x20]  }
0x4e: {  	(xrf1) =	vsort.dscd.msk.f32 $0xffff, v14, v2;
	v14 =	vadd.f32 v18, v11  }
0x4f: {  	v16 =	vadd.f32 v19, v10;
	(xrf1) =	vsort.dscd.msk.f32 $0xffff, v12, v4  }
0x50: {  	v12 =	vadd.f32 v20, v9;
	(xrf1) =	vsort.dscd.msk.f32 $0xffff, v14, v4  }
0x51: {  	_, v17, _ =	vpop (xrf1);
	v14 =	vadd.f32 v15, v8;
	(xrf1) =	vsort.dscd.msk.f32 $0xffff, v16, v2  }
0x52: {  	s17 =	simm.s32 $0x100;
	v15 =	vand.u32 $0xFFFFFF80, v17;
	v13 =	vadd.f32 v13, v9;
	(xrf1) =	vsort.dscd.msk.f32 $0xffff, v12, v3  }
0x53: {  	v12 =	vand.u32 $0x7F, v17;
	v15 =	vadd.s32 s17, v15;
	(xrf1) =	vsort.dscd.msk.f32 $0xffff, v14, v0  }
0x54: {  	v12 =	vor.u32 v12, v15;
	(xrf1) =	vsort.dscd.msk.f32 $0xffff, v13, v3;
	v13 =	vld [tilespmem:s15+$0xFFFFFF00];
	_ =	sdelay $0x4  }
0x55: {  	v19 =	vld.idx.msk [tilespmem:v12+s3+$0x0], $0xffff;
	v12 =	vadd.f32 v13, v8  }
0x56: {  	[tilespmem:v17+s11+$0x0] =	vst.idx.add.f32.msk $0xff, v6  }
0x57: {  	v13 =	vld [tilespmem:s16+$0xB0]  }
0x58: {  	v14 =	vld [tilespmem:s16+$0x90];
	_, v18, _ =	vpop (xrf1)  }
0x59: {  	v16 =	vld [tilespmem:s16+$0xA0];
	(xrf1) =	vsort.dscd.msk.f32 $0xffff, v12, v0;
	v12, v15, _ =	vpop (xrf1)  }
0x5a: {  	s25 =	simm.s32 $0x0;
	v23 =	vld [tilespmem:s16+$0x80];
	v20 =	vand.u32 $0xFFFFFF80, v18;
	v21, v22, _ =	vpop (xrf1)  }
0x5b: {  	v24 =	vand.u32 $0x7F, v18;
	v20 =	vadd.s32 s25, v20;
	v25, v26, _ =	vpop (xrf1)  }
0x5c: {  	v20 =	vor.u32 v24, v20;
	v24 =	vperm.xlane v12, v5;
	v12 =	vadd.f32 v13, v11;
	v27, v28, _ =	vpop (xrf1)  }
0x5d: {  	v13 =	vperm.xlane v15, v5;
	v15 =	vperm.xlane v21, v5;
	v14 =	vadd.f32 v14, v10;
	v21, v29, _ =	vpop (xrf1)  }
0x5e: {  	v22 =	vperm.xlane v22, v5;
	v16 =	vadd.f32 v16, v9;
	(xrf1) =	vsort.dscd.msk.f32 $0xffff, v12, v4;
	v30, v31, _ =	vpop (xrf1)  }
0x5f: {  	v12 =	vadd.f32 v23, v8;
	(xrf1) =	vsort.dscd.msk.f32 $0xffff, v14, v2;
	vm1 =	veq.f32 v30, v24;
	v32, v33, _ =	vpop (xrf1)  }
0x60: {  	(xrf1) =	vsort.dscd.msk.f32 $0xffff, v16, v3;
	vm2 =	veq.f32 v32, v15;
	vm3 =	vlt.s32 v33, v22  }
0x61: {  	vm4 =	vlt.s32 v31, v13;
	vm5 =	vgt.f32 v32, v15;
	(xrf1) =	vsort.dscd.msk.f32 $0xffff, v12, v0;
	vm2 =	vmand vm2, vm3  }
0x62: {  	vm1 =	vmand vm1, vm4;
	vm2 =	vmor vm5, vm2  }
0x63: {  	v12 =	vld.idx.msk [tilespmem:v20+s3+$0x0], $0xffff;
	vm3 =	vgt.f32 v30, v24;
	v14 =	vsel vm2, v32, v15;
	v15 =	vsel vm2, v33, v22  }
0x64: {  	[tilespmem:v18+s11+$0x0] =	vst.idx.add.f32.msk $0xff, v6;
	v20 =	vperm.xlane v26, v5;
	vm1 =	vmor vm3, vm1;
	(xrf1) =	vsort.dscd.msk.f32 $0xffff, v14, v15  }
0x65: {  	v16 =	vsel vm1, v30, v24;
	v13 =	vsel vm1, v31, v13;
	v14 =	vld [tilespmem:s16+$0xFFFFFFB0];
	v15 =	vperm.xlane v25, v5  }
0x66: {  	v22 =	vperm.xlane v28, v5;
	(xrf1) =	vsort.dscd.msk.f32 $0xffff, v16, v13;
	v13 =	vld [tilespmem:s16+$0xFFFFFF90];
	v16 =	vperm.xlane v27, v5  }
0x67: {  	vm3 =	vlt.s32 v29, v20;
	v25 =	vld [tilespmem:s16+$0xFFFFFFA0];
	v23, v24, _ =	vpop (xrf1);
	vm1 =	vgt.f32 v21, v15;
	vm2 =	veq.f32 v21, v15  }
0x68: {  	vm5 =	vlt.s32 v24, v22;
	vm4 =	veq.f32 v23, v16;
	vm2 =	vmand vm2, vm3  }
0x69: {  	v26 =	vld [tilespmem:s16+$0xFFFFFF80];
	vm3 =	vmand vm4, vm5;
	vm1 =	vmor vm1, vm2;
	vm2 =	vgt.f32 v23, v16  }
0x6a: {  	v15 =	vsel vm1, v21, v15;
	v20 =	vsel vm1, v29, v20;
	v14 =	vadd.f32 v14, v11  }
0x6b: {  	vm1 =	vmor vm2, vm3;
	(xrf1) =	vsort.dscd.msk.f32 $0xffff, v15, v20;
	v13 =	vadd.f32 v13, v10  }
0x6c: {  	v15 =	vsel vm1, v23, v16;
	v16 =	vsel vm1, v24, v22;
	v20 =	vadd.f32 v25, v9;
	v21, v22, _ =	vpop (xrf1)  }
0x6d: {  	(xrf1) =	vsort.dscd.msk.f32 $0xffff, v15, v16;
	v15 =	vperm.xlane v21, v5;
	v16 =	vperm.xlane v22, v5;
	v21, v22, _ =	vpop (xrf1)  }
0x6e: {  	v23 =	vadd.f32 v26, v8;
	(xrf1) =	vsort.dscd.msk.f32 $0xffff, v14, v4;
	v21 =	vperm.xlane v21, v5;
	v14, v24, _ =	vpop (xrf1)  }
0x6f: {  	v22 =	vperm.xlane v22, v5;
	vm1 =	veq.f32 v14, v15;
	vm2 =	vlt.s32 v24, v16;
	v25, v26, _ =	vpop (xrf1)  }
0x70: {  	(xrf1) =	vsort.dscd.msk.f32 $0xffff, v13, v2;
	vm4 =	vgt.f32 v14, v15;
	vm3 =	vgt.f32 v25, v21;
	vm1 =	vmand vm1, vm2  }
0x71: {  	(xrf1) =	vsort.dscd.msk.f32 $0xffff, v20, v3;
	vm2 =	veq.f32 v25, v21;
	vm5 =	vlt.s32 v26, v22;
	vm1 =	vmor vm4, vm1  }
0x72: {  	(xrf1) =	vsort.dscd.msk.f32 $0xffff, v23, v0;
	vm2 =	vmand vm2, vm5;
	v14 =	vsel vm1, v14, v15;
	v15 =	vsel vm1, v24, v16;
	v13, v20, _ =	vpop (xrf1)  }
0x73: {  	vm1 =	vmor vm3, vm2;
	(xrf1) =	vsort.dscd.msk.f32 $0xffff, v14, v15;
	v13 =	vperm.xlane v13, v5;
	v14 =	vperm.xlane v20, v5  }
0x74: {  	v15 =	vsel vm1, v25, v21;
	v20, v21, _ =	vpop (xrf1)  }
0x75: {  	v16 =	vsel vm1, v26, v22;
	vm1 =	veq.f32 v20, v13;
	vm2 =	vlt.s32 v21, v14  }
0x76: {  	(xrf1) =	vsort.dscd.msk.f32 $0xffff, v15, v16;
	vm3 =	vgt.f32 v20, v13;
	vm1 =	vmand vm1, vm2  }
0x77: {  	vm1 =	vmor vm3, vm1  }
0x78: {  	v14 =	vsel vm1, v21, v14  }
0x79: {  	v13 =	vsel vm1, v20, v13;
	_ =	sdelay $0x2  }
0x7a: {  	(xrf1) =	vsort.dscd.msk.f32 $0xffff, v13, v14;
	v13, v14, _ =	vpop (xrf1)  }
0x7b: {  	v13 =	vperm.xlane v13, v5;
	v14 =	vperm.xlane v14, v5;
	v15, v16, _ =	vpop (xrf1)  }
0x7c: {  	s26 =	simm.s32 $0x500;
	v20, v21, _ =	vpop (xrf1)  }
0x7d: {  	v22 =	vld [tilespmem:s26+$0x10];
	vm1 =	veq.f32 v15, v13;
	vm2 =	vlt.s32 v16, v14;
	v23, v25, _ =	vpop (xrf1)  }
0x7e: {  	v24 =	vld [tilespmem:s26+$0x30];
	vm3 =	vgt.f32 v15, v13;
	vm1 =	vmand vm1, vm2;
	v26, v27, _ =	vpop (xrf1)  }
0x7f: {  	v28 =	vld [tilespmem:s26+$0xFFFFFF30];
	vm1 =	vmor vm3, vm1;
	v29, v30, _ =	vpop (xrf1)  }
0x80: {  	v13 =	vsel vm1, v15, v13;
	v31, v60, _ =	vpop (xrf1)  }
0x81: {  	v14 =	vsel vm1, v16, v14;
	v16 =	vperm.xlane v31, v5;
	v31 =	vperm.xlane v60, v5  }
0x82: {  	v15 =	vld [tilespmem:s26+$0xFFFFFF10];
	(xrf1) =	vsort.dscd.msk.f32 $0xffff, v13, v14;
	v14 =	vadd.f32 v22, v10;
	v22, v61, _ =	vpop (xrf1)  }
0x83: {  	v24 =	vadd.f32 v24, v11;
	v13 =	vld [tilespmem:s26+$0xFFFFFF20];
	vm1 =	veq.f32 v22, v16;
	vm2 =	vlt.s32 v61, v31  }
0x84: {  	(xrf1) =	vsort.dscd.msk.f32 $0xffff, v14, v2;
	v14 =	vadd.f32 v28, v11;
	vm3 =	vgt.f32 v22, v16;
	vm1 =	vmand vm1, vm2  }
0x85: {  	v62 =	vld [tilespmem:s26+$0x0];
	(xrf1) =	vsort.dscd.msk.f32 $0xffff, v24, v4;
	vm1 =	vmor vm3, vm1  }
0x86: {  	v34 =	vld [tilespmem:s26+$0x20];
	(xrf1) =	vsort.dscd.msk.f32 $0xffff, v14, v4;
	v14 =	vsel vm1, v22, v16;
	v16 =	vsel vm1, v61, v31  }
0x87: {  	v15 =	vadd.f32 v15, v10;
	(xrf1) =	vsort.dscd.msk.f32 $0xffff, v14, v16  }
0x88: {  	_, v24, _ =	vpop (xrf1);
	v13 =	vadd.f32 v13, v9  }
0x89: {  	s28 =	simm.s32 $0x300;
	(xrf1) =	vsort.dscd.msk.f32 $0xffff, v15, v2;
	v15 =	vand.u32 $0xFFFFFF80, v24  }
0x8a: {  	v14 =	vadd.f32 v62, v8;
	(xrf1) =	vsort.dscd.msk.f32 $0xffff, v13, v3;
	v13 =	vand.u32 $0x7F, v24;
	v15 =	vadd.s32 s28, v15  }
0x8b: {  	v16 =	vadd.f32 v34, v9;
	v13 =	vor.u32 v13, v15  }
0x8c: {  	(xrf1) =	vsort.dscd.msk.f32 $0xffff, v14, v0;
	v14 =	vperm.xlane v20, v5;
	v15 =	vperm.xlane v21, v5  }
0x8d: {  	v22 =	vperm.xlane v25, v5;
	(xrf1) =	vsort.dscd.msk.f32 $0xffff, v16, v3;
	v16 =	vld [tilespmem:s26+$0xFFFFFF00]  }
0x8e: {  	v20 =	vperm.xlane v23, v5;
	vm1 =	veq.f32 v26, v14;
	vm2 =	vlt.s32 v27, v15  }
0x8f: {  	vm3 =	vgt.f32 v26, v14;
	vm1 =	vmand vm1, vm2  }
0x90: {  	vm2 =	veq.f32 v29, v20;
	vm1 =	vmor vm3, vm1;
	vm3 =	vlt.s32 v30, v22;
	v21 =	vld.idx.msk [tilespmem:v13+s3+$0x0], $0xffff  }
0x91: {  	[tilespmem:v24+s11+$0x0] =	vst.idx.add.f32.msk $0xff, v6;
	vm2 =	vmand vm2, vm3;
	vm3 =	vgt.f32 v29, v20;
	_, v23, _ =	vpop (xrf1);
	v14 =	vsel vm1, v26, v14  }
0x92: {  	v15 =	vsel vm1, v27, v15;
	v13 =	vadd.f32 v16, v8;
	v16 =	vld [tilespmem:s15+$0xB0];
	vm1 =	vmor vm3, vm2;
	v26, v27, _ =	vpop (xrf1)  }
0x93: {  	v28 =	vld [tilespmem:s15+$0x90];
	v20 =	vsel vm1, v29, v20;
	v29, v63, _ =	vpop (xrf1)  }
0x94: {  	s29 =	simm.s32 $0x200;
	v25 =	vnsel vm0, $0x0, v12;
	v31 =	vand.u32 $0x7F, v23;
	v40 =	vld [tilespmem:s15+$0xA0];
	(xrf1) =	vsort.dscd.msk.f32 $0xffff, v13, v0;
	v13 =	vand.u32 $0xFFFFFF80, v23;
	v41, v35, _ =	vpop (xrf1)  }
0x95: {  	v22 =	vsel vm1, v30, v22;
	v30 =	vperm.xlane v26, v5;
	v13 =	vadd.s32 s29, v13;
	_, v26, _ =	vpop (xrf1)  }
0x96: {  	s30 =	simm.s32 $0x180;
	(xrf2) =	vadd.scan.msk.f32 $0xffff, v25;
	v36 =	vld [tilespmem:s15+$0x80];
	v13 =	vor.u32 v31, v13;
	v31 =	vand.u32 $0xFFFFFF80, v26  }
0x97: {  	v25 =	vperm.xlane v27, v5;
	(xrf1) =	vsort.dscd.msk.f32 $0xffff, v14, v15;
	v16 =	vadd.f32 v16, v11;
	v31 =	vadd.s32 s30, v31  }
0x98: {  	v27 =	vperm.xlane v29, v5;
	(xrf1) =	vsort.dscd.msk.f32 $0xffff, v20, v22;
	v22 =	vadd.f32 v28, v10;
	v15, v29, _ =	vpop (xrf1);
	v28 =	vand.u32 $0x7F, v26  }
0x99: {  	v33 =	vadd.f32 v40, v9;
	v20, v42, _ =	vpop (xrf1);
	(xrf1) =	vsort.dscd.msk.f32 $0xffff, v16, v4  }
0x9a: {  	v14 =	vperm.xlane v63, v5;
	v37, v38, _ =	vpop (xrf1);
	v16 =	vor.u32 v28, v31;
	(xrf1) =	vsort.dscd.msk.f32 $0xffff, v22, v2  }
0x9b: {  	v36 =	vadd.f32 v36, v8;
	vm1 =	veq.f32 v37, v30;
	(xrf1) =	vsort.dscd.msk.f32 $0xffff, v33, v3;
	v28, v31, _ =	vpop (xrf1)  }
0x9c: {  	vm4 =	vlt.s32 v38, v25;
	vm2 =	veq.f32 v28, v27;
	vm3 =	vlt.s32 v31, v14  }
0x9d: {  	v22 =	vld.idx.msk [tilespmem:v13+s3+$0x0], $0xffff;
	(xrf1) =	vsort.dscd.msk.f32 $0xffff, v36, v0;
	vm5 =	vgt.f32 v28, v27;
	vm2 =	vmand vm2, vm3  }
0x9e: {  	[tilespmem:v23+s11+$0x0] =	vst.idx.add.f32.msk $0xff, v6;
	vm1 =	vmand vm1, vm4;
	vm3 =	vgt.f32 v37, v30;
	vm2 =	vmor vm5, vm2  }
0x9f: {  	v15 =	vperm.xlane v15, v5;
	v16 =	vld.idx.msk [tilespmem:v16+s3+$0x0], $0xffff;
	vm1 =	vmor vm3, vm1;
	v13 =	vsel vm2, v28, v27  }
0xa0: {  	v14 =	vsel vm2, v31, v14;
	v27 =	vsel vm1, v37, v30;
	v28 =	vperm.xlane v35, v5  }
0xa1: {  	(xrf1) =	vsort.dscd.msk.f32 $0xffff, v13, v14;
	v13 =	vsel vm1, v38, v25;
	v14 =	vld [tilespmem:s15+$0xFFFFFFB0];
	v25 =	vperm.xlane v41, v5  }
0xa2: {  	v30, v31, _ =	vpop (xrf1);
	(xrf1) =	vsort.dscd.msk.f32 $0xffff, v27, v13;
	v13 =	vld [tilespmem:s15+$0xFFFFFF90];
	v27 =	vperm.xlane v29, v5;
	v29 =	vnsel vm0, $0x0, v19;
	vm3 =	vlt.s32 v42, v28  }
0xa3: {  	v43 =	vld [tilespmem:s15+$0xFFFFFFA0];
	vm4 =	veq.f32 v30, v15;
	vm1 =	vgt.f32 v20, v25;
	vm2 =	veq.f32 v20, v25  }
0xa4: {  	v44, _, _ =	vpop (xrf2);
	(xrf2) =	vadd.scan.msk.f32 $0xffff, v29;
	v16 =	vnsel vm0, $0x0, v16;
	vm5 =	vlt.s32 v31, v27;
	vm2 =	vmand vm2, vm3  }
0xa5: {  	v45 =	vld [tilespmem:s15+$0xFFFFFF80];
	vm3 =	vmand vm4, vm5;
	vm1 =	vmor vm1, vm2;
	vm2 =	vgt.f32 v30, v15  }
0xa6: {  	(xrf2) =	vadd.scan.msk.f32 $0xffff, v16;
	v29, v46, _ =	vpop (xrf1);
	v20 =	vsel vm1, v20, v25;
	v25 =	vsel vm1, v42, v28;
	v14 =	vadd.f32 v14, v11  }
0xa7: {  	v28, v32, _ =	vpop (xrf1);
	vm1 =	vmor vm2, vm3;
	(xrf1) =	vsort.dscd.msk.f32 $0xffff, v20, v25;
	v13 =	vadd.f32 v13, v10  }
0xa8: {  	v15 =	vsel vm1, v30, v15;
	v20 =	vsel vm1, v31, v27;
	v25 =	vadd.f32 v43, v9;
	v27, v30, _ =	vpop (xrf1)  }
0xa9: {  	(xrf1) =	vsort.dscd.msk.f32 $0xffff, v15, v20;
	v15 =	vperm.xlane v27, v5;
	v20 =	vperm.xlane v30, v5;
	v27, v30, _ =	vpop (xrf1)  }
0xaa: {  	(v2sf) =	vpush v44, $0xF;
	v31 =	vadd.f32 v45, v8;
	v27 =	vperm.xlane v27, v5;
	(xrf1) =	vsort.dscd.msk.f32 $0xffff, v14, v4;
	v14, v47, _ =	vpop (xrf1)  }
0xab: {  	v30 =	vperm.xlane v30, v5;
	vm1 =	veq.f32 v14, v15;
	vm2 =	vlt.s32 v47, v20;
	v48, v49, _ =	vpop (xrf1)  }
0xac: {  	(xrf1) =	vsort.dscd.msk.f32 $0xffff, v13, v2;
	vm4 =	vgt.f32 v14, v15;
	vm3 =	vgt.f32 v48, v27;
	vm1 =	vmand vm1, vm2  }
0xad: {  	(xrf1) =	vsort.dscd.msk.f32 $0xffff, v25, v3;
	vm2 =	veq.f32 v48, v27;
	vm5 =	vlt.s32 v49, v30;
	vm1 =	vmor vm4, vm1  }
0xae: {  	(xrf1) =	vsort.dscd.msk.f32 $0xffff, v31, v0;
	vm2 =	vmand vm2, vm5;
	v14 =	vsel vm1, v14, v15;
	v15 =	vsel vm1, v47, v20;
	v20, _, _ =	vpop (xrf2)  }
0xaf: {  	vm1 =	vmor vm3, vm2;
	v13, v25, _ =	vpop (xrf1);
	(xrf1) =	vsort.dscd.msk.f32 $0xffff, v14, v15  }
0xb0: {  	v27 =	vsel vm1, v48, v27;
	v30 =	vsel vm1, v49, v30;
	v31, _, _ =	vpop (xrf2)  }
0xb1: {  	v13 =	vperm.xlane v13, v5;
	v25 =	vperm.xlane v25, v5;
	(xrf1) =	vsort.dscd.msk.f32 $0xffff, v27, v30;
	(v2sf) =	vpush v31, $0xF  }
0xb2: {  	v14, v15, _ =	vpop (xrf1)  }
0xb3: {  	vm1 =	veq.f32 v14, v13;
	vm2 =	vlt.s32 v15, v25  }
0xb4: {  	vm3 =	vgt.f32 v14, v13;
	vm1 =	vmand vm1, vm2  }
0xb5: {  	vm1 =	vmor vm3, vm1  }
0xb6: {  	v13 =	vsel vm1, v14, v13;
	v14 =	vsel vm1, v15, v25  }
0xb7: {  	v15, v25, _ =	vpop (xrf1);
	(xrf1) =	vsort.dscd.msk.f32 $0xffff, v13, v14;
	v13 =	vperm.xlane v29, v5;
	v14 =	vperm.xlane v46, v5  }
0xb8: {  	v15 =	vperm.xlane v15, v5;
	v25 =	vperm.xlane v25, v5;
	v27, v29, _ =	vpop (xrf1)  }
0xb9: {  	s15 =	simm.s32 $0x700;
	v30, v31, _ =	vpop (xrf1);
	vm1 =	veq.f32 v28, v13;
	vm2 =	vgt.f32 v28, v13;
	vm3 =	vlt.s32 v32, v14  }
0xba: {  	v50 =	vld [tilespmem:s15+$0x10];
	vm4 =	vlt.s32 v29, v25;
	v51, v52, _ =	vpop (xrf1);
	vm1 =	vmand vm1, vm3;
	vm3 =	veq.f32 v27, v15  }
0xbb: {  	v53 =	vld [tilespmem:s15+$0x30];
	v54, v55, _ =	vpop (xrf1);
	vm1 =	vmor vm2, vm1;
	vm2 =	vgt.f32 v27, v15;
	vm3 =	vmand vm3, vm4  }
0xbc: {  	s31 =	spop (v2sf);
	v56, v39, _ =	vpop (xrf1);
	v13 =	vsel vm1, v28, v13;
	v14 =	vsel vm1, v32, v14;
	vm1 =	vmor vm2, vm3;
	v28 =	vld [tilespmem:s15+$0xFFFFFF30]  }
0xbd: {  	s17 =	sadd.f32 $9.999999680e-21, s31;
	(xrf1) =	vsort.dscd.msk.f32 $0xffff, v13, v14;
	v13 =	vsel vm1, v27, v15;
	v15, v27, _ =	vpop (xrf1)  }
0xbe: {  	v14 =	vld [tilespmem:s15+$0xFFFFFF10];
	v25 =	vsel vm1, v29, v25;
	v15 =	vperm.xlane v15, v5  }
0xbf: {  	v40 =	vmov s17;
	v27 =	vperm.xlane v27, v5;
	(xrf1) =	vsort.dscd.msk.f32 $0xffff, v13, v25;
	v25 =	vadd.f32 v50, v10;
	v29, v57, _ =	vpop (xrf1)  }
0xc0: {  	v36 =	vadd.f32 v53, v11;
	v59 =	vperm.xlane v52, v5;
	v13 =	vld [tilespmem:s15+$0xFFFFFF20];
	s18 =	spop (v2sf);
	vm1 =	veq.f32 v29, v15  }
0xc1: {  	(erf) = vrcp.f32 v40;
	vm2 =	vlt.s32 v57, v27;
	(xrf1) =	vsort.dscd.msk.f32 $0xffff, v25, v2;
	s17 =	sadd.f32 $9.999999680e-21, s18;
	v25 =	vadd.f32 v28, v11  }
0xc2: {  	v58 =	vld [tilespmem:s15+$0x0];
	(v2sf) =	vpush v20, $0xF;
	vm3 =	vgt.f32 v29, v15;
	vm1 =	vmand vm1, vm2;
	(xrf1) =	vsort.dscd.msk.f32 $0xffff, v36, v4  }
0xc3: {  	v14 =	vadd.f32 v14, v10;
	vm1 =	vmor vm3, vm1;
	v28 =	vmov s17;
	(xrf1) =	vsort.dscd.msk.f32 $0xffff, v25, v4  }
0xc4: {  	v41 =	vld [tilespmem:s15+$0x20];
	v15 =	vsel vm1, v29, v15;
	v20 =	vsel vm1, v57, v27;
	v25 =	vperm.xlane v30, v5  }
0xc5: {  	v27 =	vadd.f32 v13, v9;
	(erf) = vrcp.f32 v28;
	v28 =	vperm.xlane v31, v5;
	(xrf1) =	vsort.dscd.msk.f32 $0xffff, v15, v20;
	_, v13, _ =	vpop (xrf1)  }
0xc6: {  	s19 =	simm.s32 $0x500;
	v30 =	vnsel vm0, $0x0, v22;
	v31 =	vperm.xlane v51, v5;
	(xrf1) =	vsort.dscd.msk.f32 $0xffff, v14, v2;
	v14 =	vand.u32 $0xFFFFFF80, v13  }
0xc7: {  	v15 =	vadd.f32 v58, v8;
	(xrf1) =	vsort.dscd.msk.f32 $0xffff, v27, v3;
	v27 =	vand.u32 $0x7F, v13;
	v14 =	vadd.s32 s19, v14  }
0xc8: {  	v29 =	vld [tilespmem:s15+$0xFFFFFF00];
	vm1 =	veq.f32 v54, v25;
	vm2 =	vlt.s32 v55, v28;
	v14 =	vor.u32 v27, v14  }
0xc9: {  	v20 =	vadd.f32 v41, v9;
	(xrf2) =	vadd.scan.msk.f32 $0xffff, v30;
	vm3 =	vgt.f32 v54, v25;
	vm1 =	vmand vm1, vm2  }
0xca: {  	vm2 =	veq.f32 v56, v31;
	(xrf1) =	vsort.dscd.msk.f32 $0xffff, v15, v0;
	vm1 =	vmor vm3, vm1;
	vm3 =	vlt.s32 v39, v59  }
0xcb: {  	(xrf1) =	vsort.dscd.msk.f32 $0xffff, v20, v3;
	vm2 =	vmand vm2, vm3  }
0xcc: {  	v25 =	vsel vm1, v54, v25;
	v60 =	vsel vm1, v55, v28;
	vm1 =	vgt.f32 v56, v31  }
0xcd: {  	v15 =	vpop (erf);
	v29 =	vadd.f32 v29, v8;
	vm1 =	vmor vm1, vm2;
	v14 =	vld.idx.msk [tilespmem:v14+s3+$0x0], $0xffff  }
0xce: {  	v15 =	vmul.f32 v15, v12;
	v31 =	vsel vm1, v56, v31;
	_, v27, _ =	vpop (xrf1);
	[tilespmem:v13+s11+$0x0] =	vst.idx.add.f32.msk $0xff, v6  }
0xcf: {  	s20 =	simm.s32 $0x80;
	v33 =	vsel vm1, v39, v59;
	v20 =	vand.u32 $0xFFFFFF80, v27;
	_, v12, _ =	vpop (xrf1);
	v28 =	vand.u32 $0x7F, v27;
	v63 =	vld [tilespmem:s26+$0xB0]  }
0xd0: {  	s21 =	simm.s32 $0x400;
	v62 =	vpop (erf);
	v61 =	vadd.s32 s20, v20;
	v20 =	vperm.xlane v27, v7;
	v48 =	vand.u32 $0xFFFFFF80, v12;
	v43 =	vld [tilespmem:s26+$0x90]  }
0xd1: {  	(xrf1) =	vsort.dscd.msk.f32 $0xffff, v29, v0;
	v49 =	vand.u32 $0x7F, v12;
	v30 =	vmul.f32 v62, v16;
	v50, v42, _ =	vpop (xrf1);
	v51 =	vadd.s32 s21, v48;
	v44 =	vld [tilespmem:s26+$0xA0];
	s22 =	spop (v2sf)  }
0xd2: {  	v29 =	vor.u32 v28, v61;
	v16 =	vld [tilespmem:s26+$0x80];
	v52, v53, _ =	vpop (xrf1);
	v54 =	vperm.xlane v50, v5;
	v57 =	vperm.xlane v42, v5;
	s17 =	sadd.f32 $9.999999680e-21, s22  }
0xd3: {  	v32 =	vor.u32 v49, v51;
	v50, _, _ =	vpop (xrf2);
	v30 =	vperm.xlane v30, v7;
	v38 =	vperm.xlane v52, v5  }
0xd4: {  	(xrf1) =	vsort.dscd.msk.f32 $0xffff, v25, v60;
	v25 =	vperm.xlane v53, v5;
	(v2sf) =	vpush v50, $0xF;
	v55, v56, _ =	vpop (xrf1);
	v62 =	vmov s17  }
0xd5: {  	_, v28, _ =	vpop (xrf1);
	(erf) = vrcp.f32 v62;
	v36 =	vperm.xlane v55, v5;
	v37 =	vadd.f32 v63, v11  }
0xd6: {  	(xrf1) =	vsort.dscd.msk.f32 $0xffff, v31, v33;
	v52 =	vperm.xlane v56, v5;
	v58, v59, _ =	vpop (xrf1);
	v60 =	vand.u32 $0xFFFFFF80, v28;
	v43 =	vadd.f32 v43, v10  }
0xd7: {  	s18 =	simm.s32 $0x380;
	v45 =	vand.u32 $0x7F, v28;
	v44 =	vadd.f32 v44, v9;
	v16 =	vadd.f32 v16, v8;
	v31, v33, _ =	vpop (xrf1);
	(xrf1) =	vsort.dscd.msk.f32 $0xffff, v37, v4  }
0xd8: {  	v42 =	vadd.s32 s18, v60;
	v34 =	vperm.xlane v58, v5;
	v39 =	vperm.xlane v59, v5;
	v46, v47, _ =	vpop (xrf1);
	(xrf1) =	vsort.dscd.msk.f32 $0xffff, v43, v2  }
0xd9: {  	v61 =	vor.u32 v45, v42;
	vm1 =	veq.f32 v46, v54;
	v63, v48, _ =	vpop (xrf1);
	vm4 =	vlt.s32 v47, v57  }
0xda: {  	vm2 =	veq.f32 v63, v38;
	vm3 =	vlt.s32 v48, v25;
	(xrf1) =	vsort.dscd.msk.f32 $0xffff, v44, v3  }
0xdb: {  	vm5 =	vgt.f32 v63, v38;
	vm2 =	vmand vm2, vm3;
	(xrf1) =	vsort.dscd.msk.f32 $0xffff, v16, v0;
	v16 =	vld.idx.msk [tilespmem:v32+s3+$0x0], $0xffff  }
0xdc: {  	vm1 =	vmand vm1, vm4;
	vm3 =	vgt.f32 v46, v54;
	[tilespmem:v12+s11+$0x0] =	vst.idx.add.f32.msk $0xff, v6;
	vm2 =	vmor vm5, vm2  }
0xdd: {  	vm1 =	vmor vm3, vm1;
	v56 =	vld [tilespmem:s26+$0xFFFFFFA0];
	v49 =	vsel vm2, v63, v38;
	v25 =	vsel vm2, v48, v25  }
0xde: {  	v37 =	vld.idx.msk [tilespmem:v61+s3+$0x0], $0xffff;
	v35 =	vsel vm1, v46, v54;
	v40 =	vsel vm1, v47, v57;
	(xrf1) =	vsort.dscd.msk.f32 $0xffff, v49, v25  }
0xdf: {  	v51 =	vld [tilespmem:s26+$0xFFFFFFB0];
	vm3 =	vlt.s32 v33, v52;
	vm2 =	veq.f32 v31, v36;
	(xrf1) =	vsort.dscd.msk.f32 $0xffff, v35, v40  }
0xe0: {  	v55, v54, _ =	vpop (xrf1);
	vm1 =	vgt.f32 v31, v36;
	v25 =	vnsel vm0, $0x0, v21;
	vm2 =	vmand vm2, vm3  }
0xe1: {  	vm4 =	veq.f32 v55, v34;
	vm5 =	vlt.s32 v54, v39;
	(xrf2) =	vadd.scan.msk.f32 $0xffff, v25;
	vm1 =	vmor vm1, vm2  }
0xe2: {  	v53 =	vld [tilespmem:s26+$0xFFFFFF90];
	v31 =	vsel vm1, v31, v36;
	v33 =	vsel vm1, v33, v52;
	v60 =	vadd.f32 v56, v9;
	v56 =	vpop (erf)  }
0xe3: {  	v57 =	vld [tilespmem:s26+$0xFFFFFF80];
	vm3 =	vmand vm4, vm5;
	vm2 =	vgt.f32 v55, v34;
	v25 =	vnsel vm0, $0x0, v37;
	v37, v44, _ =	vpop (xrf1);
	(xrf1) =	vsort.dscd.msk.f32 $0xffff, v31, v33  }
0xe4: {  	v20 =	vsel vm0, v18, v20;
	vm1 =	vmor vm2, vm3;
	v32 =	vadd.f32 v51, v11;
	(xrf2) =	vadd.scan.msk.f32 $0xffff, v25;
	v36, v38, _ =	vpop (xrf1)  }
0xe5: {  	v58 =	vsel vm1, v55, v34;
	v59 =	vsel vm1, v54, v39;
	v19 =	vmul.f32 v56, v19;
	v62, v61, _ =	vpop (xrf1)  }
0xe6: {  	s23 =	spop (v2sf);
	(xrf1) =	vsort.dscd.msk.f32 $0xffff, v58, v59;
	v18 =	vperm.xlane v44, v5;
	v63 =	vperm.xlane v62, v5;
	v49, v50, _ =	vpop (xrf1)  }
0xe7: {  	v31 =	vadd.f32 v53, v10;
	s16 =	sadd.f32 $9.999999680e-21, s23;
	v48 =	vperm.xlane v61, v5;
	v39 =	vperm.xlane v49, v5  }
0xe8: {  	v51 =	vadd.f32 v57, v8;
	v53, v52, _ =	vpop (xrf1);
	v40 =	vperm.xlane v50, v5;
	v49 =	vperm.xlane v26, v7  }
0xe9: {  	(xrf1) =	vsort.dscd.msk.f32 $0xffff, v32, v4;
	v50 =	vmov s16;
	vm1 =	veq.f32 v53, v63;
	vm2 =	vlt.s32 v52, v48;
	v55, v54, _ =	vpop (xrf1)  }
0xea: {  	(xrf1) =	vsort.dscd.msk.f32 $0xffff, v31, v2;
	vm4 =	vgt.f32 v53, v63;
	vm3 =	vgt.f32 v55, v39;
	vm1 =	vmand vm1, vm2  }
0xeb: {  	(xrf1) =	vsort.dscd.msk.f32 $0xffff, v60, v3;
	v31, _, _ =	vpop (xrf2);
	vm2 =	veq.f32 v55, v39;
	vm5 =	vlt.s32 v54, v40;
	vm1 =	vmor vm4, vm1  }
0xec: {  	(xrf1) =	vsort.dscd.msk.f32 $0xffff, v51, v0;
	vm2 =	vmand vm2, vm5;
	v58, v57, _ =	vpop (xrf1);
	v32 =	vsel vm1, v53, v63;
	v59 =	vsel vm1, v52, v48  }
0xed: {  	vm1 =	vmor vm3, vm2;
	v60 =	vperm.xlane v58, v5;
	v62, v61, _ =	vpop (xrf1);
	(xrf1) =	vsort.dscd.msk.f32 $0xffff, v32, v59;
	v63 =	vperm.xlane v57, v5  }
0xee: {  	(erf) = vrcp.f32 v50;
	v46 =	vsel vm1, v55, v39;
	v47 =	vsel vm1, v54, v40;
	v48, _, _ =	vpop (xrf2)  }
0xef: {  	(xrf1) =	vsort.dscd.msk.f32 $0xffff, v46, v47;
	(v2sf) =	vpush v48, $0xF;
	vm1 =	veq.f32 v62, v60;
	vm2 =	vlt.s32 v61, v63  }
0xf0: {  	vm3 =	vgt.f32 v62, v60;
	(v2sf) =	vpush v31, $0xF;
	vm1 =	vmand vm1, vm2  }
0xf1: {  	v31 =	vsel vm0, v19, v30;
	v30 =	vsel vm0, v17, v49;
	vm1 =	vmor vm3, vm1  }
0xf2: {  	v17 =	vperm.xlane v37, v5;
	v19, v51, _ =	vpop (xrf1);
	v34 =	vsel vm1, v62, v60;
	v32 =	vsel vm1, v61, v63  }
0xf3: {  	v19 =	vperm.xlane v19, v5;
	(xrf1) =	vsort.dscd.msk.f32 $0xffff, v34, v32;
	v32 =	vperm.xlane v51, v5  }
0xf4: {  	v29 =	vld.idx.msk [tilespmem:v29+s3+$0x0], $0xffff;
	s16 =	simm.s32 $0x900;
	vm2 =	vgt.f32 v36, v17;
	vm3 =	vlt.s32 v38, v18;
	v53, v52, _ =	vpop (xrf1);
	vm1 =	veq.f32 v36, v17  }
0xf5: {  	v56 =	vld [tilespmem:s16+$0x10];
	vm1 =	vmand vm1, vm3;
	vm3 =	veq.f32 v53, v19;
	vm4 =	vlt.s32 v52, v32  }
0xf6: {  	vm1 =	vmor vm2, vm1;
	vm2 =	vgt.f32 v53, v19;
	vm3 =	vmand vm3, vm4  }
0xf7: {  	v57 =	vld [tilespmem:s16+$0x30];
	v54, v55, _ =	vpop (xrf1);
	v17 =	vsel vm1, v36, v17;
	v18 =	vsel vm1, v38, v18;
	vm1 =	vmor vm2, vm3  }
0xf8: {  	v59 =	vld [tilespmem:s16+$0xFFFFFF30];
	v58, v42, _ =	vpop (xrf1);
	(xrf1) =	vsort.dscd.msk.f32 $0xffff, v17, v18;
	v17 =	vsel vm1, v53, v19  }
0xf9: {  	v29 =	vnsel vm0, $0x0, v29;
	v38, v43, _ =	vpop (xrf1)  }
0xfa: {  	v39 =	vadd.f32 v56, v10;
	v35 =	vperm.xlane v54, v5;
	v33, v34, _ =	vpop (xrf1);
	v18 =	vsel vm1, v52, v32;
	v19 =	vld [tilespmem:s16+$0xFFFFFF10]  }
0xfb: {  	v60 =	vnsel vm0, $0x0, v16;
	v37 =	vperm.xlane v55, v5;
	v41 =	vperm.xlane v58, v5;
	(xrf1) =	vsort.dscd.msk.f32 $0xffff, v17, v18;
	v18 =	vld [tilespmem:s16+$0xFFFFFF20];
	v17, v61, _ =	vpop (xrf1)  }
0xfc: {  	(xrf2) =	vadd.scan.msk.f32 $0xffff, v29;
	v62 =	vpop (erf);
	v48 =	vadd.f32 v57, v11;
	v63 =	vperm.xlane v17, v5;
	v44 =	vperm.xlane v61, v5  }
0xfd: {  	(xrf2) =	vadd.scan.msk.f32 $0xffff, v60;
	v36 =	vadd.f32 v59, v11;
	v59 =	vperm.xlane v42, v5;
	v17 =	vmul.f32 v62, v22;
	v22 =	vld [tilespmem:s16+$0x0];
	v50, v49, _ =	vpop (xrf1)  }
0xfe: {  	(xrf1) =	vsort.dscd.msk.f32 $0xffff, v39, v2;
	s24 =	spop (v2sf);
	vm1 =	veq.f32 v50, v63;
	vm2 =	vlt.s32 v49, v44  }
0xff: {  	v51 =	vld [tilespmem:s16+$0x20];
	vm4 =	vlt.s32 v34, v59;
	(xrf1) =	vsort.dscd.msk.f32 $0xffff, v48, v4;
	vm3 =	vgt.f32 v50, v63;
	s17 =	sadd.f32 $9.999999680e-21, s24;
	vm1 =	vmand vm1, vm2  }
0x100: {  	(xrf1) =	vsort.dscd.msk.f32 $0xffff, v36, v4;
	v19 =	vadd.f32 v19, v10;
	v52 =	vadd.f32 v18, v9;
	s25 =	spop (v2sf);
	vm1 =	vmor vm3, vm1  }
0x101: {  	s18 =	sadd.f32 $9.999999680e-21, s25;
	v55 =	vmov s17;
	v53 =	vsel vm1, v50, v63;
	v54 =	vsel vm1, v49, v44;
	_, v18, _ =	vpop (xrf1)  }
0x102: {  	s26 =	simm.s32 $0x700;
	v22 =	vadd.f32 v22, v8;
	(erf) = vrcp.f32 v55;
	(xrf1) =	vsort.dscd.msk.f32 $0xffff, v53, v54;
	v56 =	vand.u32 $0xFFFFFF80, v18  }
0x103: {  	v58 =	vand.u32 $0x7F, v18;
	(xrf1) =	vsort.dscd.msk.f32 $0xffff, v19, v2;
	v19 =	vmov s18;
	v32 =	vadd.s32 s26, v56  }
0x104: {  	v57 =	vld [tilespmem:s16+$0xFFFFFF00];
	v39 =	vadd.f32 v51, v9;
	(xrf1) =	vsort.dscd.msk.f32 $0xffff, v52, v3;
	(erf) = vrcp.f32 v19;
	v19 =	vor.u32 v58, v32  }
0x105: {  	vm2 =	vlt.s32 v43, v37;
	vm1 =	veq.f32 v38, v35;
	(xrf1) =	vsort.dscd.msk.f32 $0xffff, v22, v0  }
0x106: {  	vm3 =	vgt.f32 v38, v35;
	vm1 =	vmand vm1, vm2;
	vm2 =	veq.f32 v33, v41;
	(xrf1) =	vsort.dscd.msk.f32 $0xffff, v39, v3  }
0x107: {  	v60, _, _ =	vpop (xrf2);
	vm1 =	vmor vm3, vm1;
	vm2 =	vmand vm2, vm4  }
0x108: {  	v61, _, _ =	vpop (xrf2);
	v35 =	vsel vm1, v38, v35;
	v37 =	vsel vm1, v43, v37;
	vm1 =	vgt.f32 v33, v41  }
0x109: {  	v36 =	vadd.f32 v57, v8;
	(v2sf) =	vpush v60, $0xF;
	vm1 =	vmor vm1, vm2;
	_, v32, _ =	vpop (xrf1);
	v22 =	vld.idx.msk [tilespmem:v19+s3+$0x0], $0xffff  }
0x10a: {  	s28 =	simm.s32 $0x280;
	(v2sf) =	vpush v61, $0xF;
	v33 =	vsel vm1, v33, v41;
	v62 =	vand.u32 $0xFFFFFF80, v32;
	_, v19, _ =	vpop (xrf1);
	[tilespmem:v18+s11+$0x0] =	vst.idx.add.f32.msk $0xff, v6  }
0x10b: {  	v34 =	vsel vm1, v34, v59;
	v63 =	vand.u32 $0x7F, v32;
	(xrf1) =	vsort.dscd.msk.f32 $0xffff, v36, v0;
	v48 =	vadd.s32 s28, v62;
	v51 =	vpop (erf);
	v52 =	vld [tilespmem:s15+$0xB0]  }
0x10c: {  	v49 =	vperm.xlane v32, v7;
	v50 =	vand.u32 $0xFFFFFF80, v19;
	(xrf1) =	vsort.dscd.msk.f32 $0xffff, v35, v37;
	v55, v56, _ =	vpop (xrf1);
	v57 =	vld [tilespmem:s15+$0x90];
	v36 =	vor.u32 v63, v48  }
0x10d: {  	s17 =	simm.s32 $0x600;
	v53 =	vand.u32 $0x7F, v19;
	v59 =	vld [tilespmem:s15+$0xA0];
	(xrf1) =	vsort.dscd.msk.f32 $0xffff, v33, v34;
	v25 =	vmul.f32 v51, v25;
	v33 =	vperm.xlane v55, v5;
	v61, v60, _ =	vpop (xrf1)  }
0x10e: {  	v63 =	vld [tilespmem:s15+$0x80];
	v54 =	vadd.s32 s17, v50;
	v38 =	vperm.xlane v56, v5;
	v62, v42, _ =	vpop (xrf1);
	v34 =	vperm.xlane v61, v5  }
0x10f: {  	v35 =	vor.u32 v53, v54;
	v53 =	vperm.xlane v28, v7;
	v39 =	vperm.xlane v60, v5;
	v58 =	vpop (erf)  }
0x110: {  	v23 =	vsel vm0, v23, v49;
	v25 =	vperm.xlane v25, v7;
	v37 =	vmul.f32 v58, v21;
	_, v21, _ =	vpop (xrf1)  }
0x111: {  	v44 =	vsel vm0, v24, v53;
	v52 =	vadd.f32 v52, v11;
	v46 =	vadd.f32 v57, v10;
	v54, v48, _ =	vpop (xrf1)  }
0x112: {  	s29 =	simm.s32 $0x580;
	[tilespmem:v26+s11+$0x0] =	vst.idx.add.f32.msk $0xff, v6;
	v40 =	vadd.f32 v59, v9;
	v37 =	vsel vm0, v37, v25;
	v25 =	vand.u32 $0xFFFFFF80, v21;
	v49, v50, _ =	vpop (xrf1)  }
0x113: {  	v58 =	vadd.f32 v63, v8;
	(xrf1) =	vsort.dscd.msk.f32 $0xffff, v52, v4;
	v24 =	vand.u32 $0x7F, v21;
	v25 =	vadd.s32 s29, v25;
	v55, v56, _ =	vpop (xrf1)  }
0x114: {  	v63 =	vperm.xlane v42, v5;
	(xrf1) =	vsort.dscd.msk.f32 $0xffff, v46, v2;
	v25 =	vor.u32 v24, v25;
	v57, v51, _ =	vpop (xrf1)  }
0x115: {  	vm1 =	veq.f32 v55, v33;
	vm2 =	veq.f32 v57, v34;
	vm3 =	vlt.s32 v51, v39  }
0x116: {  	(xrf1) =	vsort.dscd.msk.f32 $0xffff, v40, v3;
	vm4 =	vlt.s32 v56, v38;
	vm2 =	vmand vm2, vm3;
	vm3 =	vgt.f32 v57, v34  }
0x117: {  	v24 =	vld.idx.msk [tilespmem:v35+s3+$0x0], $0xffff;
	(xrf1) =	vsort.dscd.msk.f32 $0xffff, v58, v0;
	vm1 =	vmand vm1, vm4;
	vm2 =	vmor vm3, vm2;
	vm3 =	vgt.f32 v55, v33  }
0x118: {  	v62 =	vperm.xlane v62, v5;
	[tilespmem:v19+s11+$0x0] =	vst.idx.add.f32.msk $0xff, v6;
	vm1 =	vmor vm3, vm1;
	v34 =	vsel vm2, v57, v34  }
0x119: {  	v60 =	vsel vm2, v51, v39;
	vm2 =	vlt.s32 v50, v63;
	v33 =	vsel vm1, v55, v33  }
0x11a: {  	s30 =	spop (v2sf);
	v52 =	vld [tilespmem:s15+$0xFFFFFF90];
	(xrf1) =	vsort.dscd.msk.f32 $0xffff, v34, v60;
	v38 =	vsel vm1, v56, v38;
	vm1 =	veq.f32 v49, v62  }
0x11b: {  	s18 =	sadd.f32 $9.999999680e-21, s30;
	v58 =	vld [tilespmem:s15+$0xFFFFFF80];
	vm3 =	vgt.f32 v49, v62;
	vm1 =	vmand vm1, vm2  }
0x11c: {  	v53 =	vperm.xlane v54, v5;
	v61 =	vld.idx.msk [tilespmem:v25+s3+$0x0], $0xffff;
	v54, v55, _ =	vpop (xrf1);
	(xrf1) =	vsort.dscd.msk.f32 $0xffff, v33, v38;
	vm1 =	vmor vm3, vm1  }
0x11d: {  	v59 =	vmov s18;
	v51 =	vld [tilespmem:s15+$0xFFFFFFB0];
	v56 =	vperm.xlane v48, v5;
	v35 =	vsel vm1, v50, v63  }
0x11e: {  	[tilespmem:v27+s11+$0x0] =	vst.idx.add.f32.msk $0xff, v6;
	v26 =	vnsel vm0, $0x0, v14;
	v34 =	vsel vm1, v49, v62  }
0x11f: {  	(xrf2) =	vadd.scan.msk.f32 $0xffff, v26;
	(erf) = vrcp.f32 v59;
	v57 =	vld [tilespmem:s15+$0xFFFFFFA0];
	s15 =	simm.s32 $0x8090;
	vm2 =	veq.f32 v54, v53;
	vm3 =	vlt.s32 v55, v56  }
0x120: {  	s31 =	spop (v2sf);
	v41 =	vadd.f32 v52, v10;
	[tilespmem:s15+$0x0] =	vst v31;
	v59, v47, _ =	vpop (xrf1);
	vm2 =	vmand vm2, vm3;
	vm3 =	vgt.f32 v54, v53  }
0x121: {  	s18 =	sadd.f32 $9.999999680e-21, s31;
	v46 =	vadd.f32 v58, v8;
	v26 =	vnsel vm0, $0x0, v61;
	(xrf1) =	vsort.dscd.msk.f32 $0xffff, v34, v35;
	vm1 =	vmor vm3, vm2;
	v34, v35, _ =	vpop (xrf1)  }
0x122: {  	v40 =	vadd.f32 v51, v11;
	(xrf2) =	vadd.scan.msk.f32 $0xffff, v26;
	v31 =	vsel vm1, v54, v53;
	v33 =	vsel vm1, v55, v56;
	v42, v43, _ =	vpop (xrf1)  }
0x123: {  	v63 =	vmov s18;
	(xrf1) =	vsort.dscd.msk.f32 $0xffff, v31, v33;
	v31 =	vperm.xlane v42, v5;
	v60 =	vperm.xlane v43, v5;
	v61, v62, _ =	vpop (xrf1)  }
0x124: {  	s19 =	simm.s32 $0x8890;
	v38 =	vadd.f32 v57, v9;
	(erf) = vrcp.f32 v63;
	(xrf1) =	vsort.dscd.msk.f32 $0xffff, v40, v4;
	v42 =	vperm.xlane v61, v5;
	v53, v52, _ =	vpop (xrf1)  }
0x125: {  	[tilespmem:s19+$0x0] =	vst v30;
	v30 =	vperm.xlane v62, v5;
	vm1 =	veq.f32 v53, v31;
	vm2 =	vlt.s32 v52, v60;
	v55, v54, _ =	vpop (xrf1)  }
0x126: {  	v36 =	vld.idx.msk [tilespmem:v36+s3+$0x0], $0xffff;
	vm4 =	vgt.f32 v53, v31;
	vm3 =	vgt.f32 v55, v42;
	vm1 =	vmand vm1, vm2  }
0x127: {  	[tilespmem:v28+s11+$0x0] =	vst.idx.add.f32.msk $0xff, v6;
	vm2 =	veq.f32 v55, v42;
	vm5 =	vlt.s32 v54, v30;
	vm1 =	vmor vm4, vm1  }
0x128: {  	(xrf1) =	vsort.dscd.msk.f32 $0xffff, v41, v2;
	vm2 =	vmand vm2, vm5;
	v27 =	vsel vm1, v53, v31;
	v28, v31, _ =	vpop (xrf1);
	v56 =	vsel vm1, v52, v60  }
0x129: {  	(xrf1) =	vsort.dscd.msk.f32 $0xffff, v38, v3;
	vm1 =	vmor vm3, vm2;
	v28 =	vperm.xlane v28, v5;
	v31 =	vperm.xlane v31, v5  }
0x12a: {  	v39 =	vperm.xlane v59, v5;
	(xrf1) =	vsort.dscd.msk.f32 $0xffff, v46, v0;
	v58 =	vsel vm1, v55, v42;
	v61, v60, _ =	vpop (xrf1)  }
0x12b: {  	v25 =	vnsel vm0, $0x0, v36;
	v57, _, _ =	vpop (xrf2);
	(xrf1) =	vsort.dscd.msk.f32 $0xffff, v27, v56;
	vm2 =	veq.f32 v61, v28;
	vm3 =	vlt.s32 v60, v31  }
0x12c: {  	v30 =	vsel vm1, v54, v30;
	v59, _, _ =	vpop (xrf2);
	vm5 =	vgt.f32 v61, v28;
	vm2 =	vmand vm2, vm3  }
0x12d: {  	v63 =	vpop (erf);
	v62 =	vperm.xlane v47, v5;
	(v2sf) =	vpush v59, $0xF;
	(xrf1) =	vsort.dscd.msk.f32 $0xffff, v58, v30;
	vm2 =	vmor vm5, vm2  }
0x12e: {  	[tilespmem:v32+s11+$0x0] =	vst.idx.add.f32.msk $0xff, v6;
	v36 =	vnsel vm0, $0x0, v24;
	s18 =	simm.s32 $0x80B0;
	v40 =	vmul.f32 v63, v29;
	v30 =	vsel vm2, v61, v28  }
0x12f: {  	[tilespmem:s18+$0x0] =	vst v37;
	vm1 =	veq.f32 v34, v39;
	(v2sf) =	vpush v57, $0xF;
	vm3 =	vlt.s32 v35, v62  }
0x130: {  	(xrf2) =	vadd.scan.msk.f32 $0xffff, v25;
	vm4 =	vgt.f32 v34, v39;
	vm1 =	vmand vm1, vm3;
	v31 =	vsel vm2, v60, v31;
	v28, v29, _ =	vpop (xrf1)  }
0x131: {  	s20 =	simm.s32 $0x88B0;
	v27 =	vpop (erf);
	vm1 =	vmor vm4, vm1;
	v28 =	vperm.xlane v28, v5;
	v29 =	vperm.xlane v29, v5;
	(xrf1) =	vsort.dscd.msk.f32 $0xffff, v30, v31  }
0x132: {  	s21 =	simm.s32 $0x680;
	s22 =	simm.s32 $0x480;
	[tilespmem:s20+$0x0] =	vst v44;
	v33 =	vsel vm1, v34, v39;
	v34 =	vsel vm1, v35, v62;
	v31 =	vperm.xlane v40, v7;
	v32, v30, _ =	vpop (xrf1)  }
0x133: {  	s23 =	simm.s32 $0xC;
	s24 =	simm.s32 $0x8;
	s25 =	simm.s32 $0xB00;
	(xrf2) =	vadd.scan.msk.f32 $0xffff, v36;
	vm1 =	vgt.f32 v32, v28;
	vm2 =	veq.f32 v32, v28;
	vm3 =	vlt.s32 v30, v29;
	v36, v35, _ =	vpop (xrf1)  }
.LBB2_2:
0x134: {  	v37 =	vld [tilespmem:s25+$0x10];
	vm2 =	vmand vm2, vm3  }
0x135: {  	v36 =	vperm.xlane v36, v5;
	v35 =	vperm.xlane v35, v5;
	(xrf1) =	vsort.dscd.msk.f32 $0xffff, v33, v34;
	vm1 =	vmor vm1, vm2  }
0x136: {  	v16 =	vmul.f32 v27, v16;
	v15 =	vsel vm0, v15, v31;
	v33 =	vld [tilespmem:s25+$0x30];
	v34, v38, _ =	vpop (xrf1);
	v40 =	vsel vm1, v32, v28  }
0x137: {  	v27 =	vld [tilespmem:s25+$0xFFFFFF30];
	v41 =	vsel vm1, v30, v29;
	v30 =	vperm.xlane v34, v5;
	v31, v32, _ =	vpop (xrf1);
	[tilespmem:s15+$0xFFFFFFF0] =	vst v15;
	s15 =	smov.u32 s18;
	v34 =	vperm.xlane v38, v5  }
0x138: {  	v15 =	vld [tilespmem:s25+$0xFFFFFF10];
	(xrf1) =	vsort.dscd.msk.f32 $0xffff, v40, v41;
	vm1 =	veq.f32 v31, v36;
	vm2 =	vlt.s32 v32, v35;
	v28, v29, _ =	vpop (xrf1);
	[tilespmem:s19+$0xFFFFFFF0] =	vst v20;
	s19 =	smov.u32 s20  }
0x139: {  	vm3 =	vgt.f32 v31, v36;
	v20 =	vld [tilespmem:s25+$0xFFFFFF20];
	vm1 =	vmand vm1, vm2;
	v38, v39, _ =	vpop (xrf1);
	v46 =	vadd.f32 v37, v10  }
0x13a: {  	v40 =	vld [tilespmem:s25+$0xFFFFFF00];
	v38 =	vperm.xlane v38, v5;
	v39 =	vperm.xlane v39, v5;
	v41, _, _ =	vpop (xrf2);
	vm1 =	vmor vm3, vm1  }
0x13b: {  	vm2 =	veq.f32 v28, v30;
	v42 =	vld [tilespmem:s25+$0x0];
	v33 =	vadd.f32 v33, v11;
	v43, v44, _ =	vpop (xrf1);
	v31 =	vsel vm1, v31, v36  }
0x13c: {  	v45 =	vld [tilespmem:s25+$0x20];
	(xrf1) =	vsort.dscd.msk.f32 $0xffff, v46, v2;
	vm3 =	veq.f32 v43, v38;
	vm4 =	vlt.s32 v44, v39;
	s26 =	spop (v2sf);
	(v2sf) =	vpush v41, $0xF  }
0x13d: {  	v27 =	vadd.f32 v27, v11;
	vm5 =	vgt.f32 v43, v38;
	vm3 =	vmand vm3, vm4;
	v37, _, _ =	vpop (xrf2);
	s26 =	sadd.f32 $9.999999680e-21, s26  }
0x13e: {  	s24 =	sadd.s32 $0x2, s24;
	v41 =	vadd.f32 v15, v10;
	v20 =	vadd.f32 v20, v9;
	(xrf1) =	vsort.dscd.msk.f32 $0xffff, v33, v4;
	vm3 =	vmor vm5, vm3;
	s28 =	spop (v2sf)  }
0x13f: {  	s23 =	sadd.s32 $0x4, s23;
	p0 =	slt.u32 s24, $0x7E;
	v15 =	vmovc v17;
	(xrf1) =	vsort.dscd.msk.f32 $0xffff, v27, v4;
	v27 =	vsel vm3, v43, v38;
	v33 =	vsel vm3, v44, v39;
	s28 =	sadd.f32 $9.999999680e-21, s28;
	v38 =	vmov s26  }
0x140: {  	v39 =	vadd.f32 v40, v8;
	s26 =	sshll.u32 s23, $0x7;
	v40 =	vadd.f32 v42, v8;
	_, v42, _ =	vpop (xrf1);
	(xrf1) =	vsort.dscd.msk.f32 $0xffff, v27, v33;
	(erf) = vrcp.f32 v38  }
0x141: {  	v17 =	vmovc v16;
	s29 =	sadd.s32 $0x80, s26;
	s30 =	sadd.s32 $0x100, s26;
	v33 =	vadd.f32 v45, v9;
	(xrf1) =	vsort.dscd.msk.f32 $0xffff, v41, v2;
	v43 =	vand.u32 $0xFFFFFF80, v42;
	v38 =	vmov s28  }
0x142: {  	v16 =	vand.u32 $0x7F, v42;
	(xrf1) =	vsort.dscd.msk.f32 $0xffff, v20, v3;
	v41 =	vadd.s32 s30, v43;
	(erf) = vrcp.f32 v38;
	v20 =	vmovc v23  }
0x143: {  	vm3 =	vlt.s32 v29, v34;
	(xrf1) =	vsort.dscd.msk.f32 $0xffff, v40, v0;
	v23 =	vor.u32 v16, v41;
	(v2sf) =	vpush v37, $0xF;
	_, v27, _ =	vpop (xrf1)  }
0x144: {  	v32 =	vsel vm1, v32, v35;
	vm1 =	vgt.f32 v28, v30;
	vm2 =	vmand vm2, vm3;
	(xrf1) =	vsort.dscd.msk.f32 $0xffff, v33, v3  }
0x145: {  	vm1 =	vmor vm1, vm2;
	v33 =	vand.u32 $0xFFFFFF80, v27;
	v35 =	vand.u32 $0x7F, v27;
	v16 =	vmovc v24;
	(xrf1) =	vsort.dscd.msk.f32 $0xffff, v39, v0  }
0x146: {  	v37 =	vsel vm1, v28, v30;
	_, v24, _ =	vpop (xrf1);
	(xrf1) =	vsort.dscd.msk.f32 $0xffff, v31, v32;
	v31 =	vadd.s32 s22, v33;
	v32 =	vperm.xlane v27, v7;
	s22 =	smov.u32 s21;
	s21 =	smov.u32 s29  }
0x147: {  	v41 =	vperm.xlane v21, v7;
	v33 =	vand.u32 $0xFFFFFF80, v24;
	v36 =	vand.u32 $0x7F, v24  }
0x148: {  	v30 =	vadd.s32 s26, v33;
	v33 =	vld.idx.msk [tilespmem:v23+s3+$0x0], $0xffff;
	v23 =	vsel vm1, v29, v34;
	v29 =	vor.u32 v35, v31  }
0x149: {  	v30 =	vor.u32 v36, v30;
	[tilespmem:v42+s11+$0x0] =	vst.idx.add.f32.msk $0xff, v6;
	(xrf1) =	vsort.dscd.msk.f32 $0xffff, v37, v23;
	v28 =	vpop (erf)  }
0x14a: {  	v23 =	vsel vm0, v12, v32;
	v12 =	vmov v19;
	v31, v34, _ =	vpop (xrf1);
	v35 =	vld [tilespmem:s16+$0xB0];
	v26 =	vmul.f32 v28, v26  }
0x14b: {  	v19 =	vmov v24;
	v28 =	vperm.xlane v31, v5;
	v31 =	vperm.xlane v34, v5;
	v32 =	vld [tilespmem:s16+$0x90];
	v34 =	vpop (erf);
	s28 =	spop (v2sf)  }
0x14c: {  	v24, v36, _ =	vpop (xrf1);
	v37 =	vld [tilespmem:s16+$0xA0];
	v34 =	vmul.f32 v34, v14;
	v26 =	vperm.xlane v26, v7;
	s28 =	sadd.f32 $9.999999680e-21, s28;
	v14 =	vmov v22  }
0x14d: {  	v13 =	vsel vm0, v13, v41;
	v38 =	vperm.xlane v24, v5;
	v39, v40, _ =	vpop (xrf1);
	v22 =	vld [tilespmem:s16+$0x80]  }
0x14e: {  	s18 =	sadd.s32 $0x20, s18;
	v36 =	vperm.xlane v36, v5;
	[tilespmem:v21+s11+$0x0] =	vst.idx.add.f32.msk $0xff, v6;
	_, v21, _ =	vpop (xrf1);
	v26 =	vsel vm0, v34, v26;
	v34 =	vmov s28  }
0x14f: {  	s20 =	sadd.s32 $0x20, s20;
	s28 =	sadd.s32 $0x180, s17;
	s17 =	smov.u32 s26;
	v43, v44, _ =	vpop (xrf1);
	v24 =	vld.idx.msk [tilespmem:v30+s3+$0x0], $0xffff;
	v30 =	vadd.f32 v35, v11;
	v35 =	vand.u32 $0xFFFFFF80, v21;
	[tilespmem:s18+$0x0] =	vst v26;
	v48 =	vand.u32 $0x7F, v21  }
0x150: {  	v41, v45, _ =	vpop (xrf1);
	v26 =	vadd.f32 v32, v10;
	v35 =	vadd.s32 s28, v35;
	v29 =	vld.idx.msk [tilespmem:v29+s3+$0x0], $0xffff;
	[tilespmem:s20+$0x0] =	vst v13  }
0x151: {  	v46, v47, _ =	vpop (xrf1);
	v49 =	vadd.f32 v37, v9;
	(xrf1) =	vsort.dscd.msk.f32 $0xffff, v30, v4;
	v30 =	vor.u32 v48, v35;
	(erf) = vrcp.f32 v34  }
0x152: {  	v13 =	vmov v18;
	vm1 =	veq.f32 v46, v28;
	v32, v34, _ =	vpop (xrf1);
	v50 =	vadd.f32 v22, v8;
	(xrf1) =	vsort.dscd.msk.f32 $0xffff, v26, v2;
	s26 =	spop (v2sf)  }
0x153: {  	v18 =	vmov v42;
	vm2 =	veq.f32 v32, v38;
	vm3 =	vlt.s32 v34, v36;
	v35, v48, _ =	vpop (xrf1);
	(xrf1) =	vsort.dscd.msk.f32 $0xffff, v49, v3;
	s26 =	sadd.f32 $9.999999680e-21, s26  }
0x154: {  	vm4 =	vlt.s32 v47, v31;
	vm5 =	vgt.f32 v32, v38;
	vm2 =	vmand vm2, vm3;
	(xrf1) =	vsort.dscd.msk.f32 $0xffff, v50, v0;
	v37, v42, _ =	vpop (xrf1)  }
0x155: {  	v22 =	vmovc v33;
	vm1 =	vmand vm1, vm4;
	vm3 =	vgt.f32 v46, v28;
	vm2 =	vmor vm5, vm2;
	[tilespmem:v19+s11+$0x0] =	vst.idx.add.f32.msk $0xff, v6  }
0x156: {  	vm1 =	vmor vm3, vm1;
	v26 =	vsel vm2, v32, v38;
	v32 =	vsel vm2, v34, v36;
	v30 =	vld.idx.msk [tilespmem:v30+s3+$0x0], $0xffff  }
0x157: {  	v29 =	vnsel vm0, $0x0, v29;
	v28 =	vsel vm1, v46, v28;
	v31 =	vsel vm1, v47, v31;
	(xrf1) =	vsort.dscd.msk.f32 $0xffff, v26, v32;
	v32 =	vld [tilespmem:s16+$0xFFFFFFB0];
	v33, v34, _ =	vpop (xrf1)  }
0x158: {  	v36 =	vperm.xlane v39, v5;
	v38 =	vperm.xlane v40, v5;
	(xrf1) =	vsort.dscd.msk.f32 $0xffff, v28, v31;
	v31 =	vnsel vm0, $0x0, v24;
	v28 =	vld [tilespmem:s16+$0xFFFFFF90]  }
0x159: {  	v39 =	vperm.xlane v43, v5;
	v40 =	vperm.xlane v44, v5;
	v26 =	vnsel vm0, $0x0, v14;
	v43 =	vld [tilespmem:s16+$0xFFFFFFA0]  }
0x15a: {  	vm1 =	vgt.f32 v41, v36;
	vm2 =	veq.f32 v41, v36;
	vm3 =	vlt.s32 v45, v38;
	v44 =	vld [tilespmem:s16+$0xFFFFFF80];
	(xrf2) =	vadd.scan.msk.f32 $0xffff, v26;
	v46 =	vpop (erf);
	s16 =	smov.u32 s25  }
0x15b: {  	vm4 =	veq.f32 v35, v39;
	vm5 =	vlt.s32 v48, v40;
	vm2 =	vmand vm2, vm3;
	[tilespmem:v27+s11+$0x0] =	vst.idx.add.f32.msk $0xff, v6  }
0x15c: {  	vm3 =	vmand vm4, vm5;
	vm1 =	vmor vm1, vm2;
	v26 =	vnsel vm0, $0x0, v30  }
0x15d: {  	vm2 =	vgt.f32 v35, v39;
	v27 =	vsel vm1, v41, v36;
	v30 =	vsel vm1, v45, v38;
	(xrf2) =	vadd.scan.msk.f32 $0xffff, v26  }
0x15e: {  	vm1 =	vmor vm2, vm3;
	v45 =	vadd.f32 v32, v11;
	(xrf1) =	vsort.dscd.msk.f32 $0xffff, v27, v30;
	v27 =	vadd.f32 v28, v10  }
0x15f: {  	v32 =	vsel vm1, v48, v40;
	v30 =	vsel vm1, v35, v39;
	v35 =	vadd.f32 v43, v9;
	v36, v38, _ =	vpop (xrf1)  }
0x160: {  	v47 =	vmov s26;
	(xrf1) =	vsort.dscd.msk.f32 $0xffff, v30, v32;
	v30 =	vperm.xlane v36, v5;
	v32 =	vperm.xlane v38, v5;
	v36, v38, _ =	vpop (xrf1)  }
0x161: {  	v40 =	vadd.f32 v44, v8;
	v36 =	vperm.xlane v36, v5;
	(xrf1) =	vsort.dscd.msk.f32 $0xffff, v45, v4;
	v28, v41, _ =	vpop (xrf1);
	(erf) = vrcp.f32 v47  }
0x162: {  	v38 =	vperm.xlane v38, v5;
	vm1 =	veq.f32 v28, v30;
	vm2 =	vlt.s32 v41, v32;
	v39, v43, _ =	vpop (xrf1)  }
0x163: {  	vm4 =	vgt.f32 v28, v30;
	vm3 =	vgt.f32 v39, v36;
	vm1 =	vmand vm1, vm2;
	(xrf1) =	vsort.dscd.msk.f32 $0xffff, v27, v2  }
0x164: {  	vm2 =	veq.f32 v39, v36;
	vm5 =	vlt.s32 v43, v38;
	vm1 =	vmor vm4, vm1;
	(xrf1) =	vsort.dscd.msk.f32 $0xffff, v35, v3;
	v35, _, _ =	vpop (xrf2)  }
0x165: {  	v37 =	vperm.xlane v37, v5;
	vm2 =	vmand vm2, vm5;
	v27, v44, _ =	vpop (xrf1);
	v28 =	vsel vm1, v28, v30  }
0x166: {  	v30 =	vsel vm1, v41, v32;
	(xrf1) =	vsort.dscd.msk.f32 $0xffff, v40, v0;
	vm1 =	vmor vm3, vm2;
	v32 =	vperm.xlane v27, v5  }
0x167: {  	v40, v41, _ =	vpop (xrf1);
	(xrf1) =	vsort.dscd.msk.f32 $0xffff, v28, v30;
	v28 =	vperm.xlane v44, v5;
	v27 =	vsel vm1, v39, v36  }
0x168: {  	v30 =	vsel vm1, v43, v38;
	v38 =	vperm.xlane v42, v5;
	vm1 =	veq.f32 v33, v37;
	v36, _, _ =	vpop (xrf2)  }
0x169: {  	(xrf1) =	vsort.dscd.msk.f32 $0xffff, v27, v30;
	(v2sf) =	vpush v36, $0xF;
	vm2 =	veq.f32 v40, v32;
	vm3 =	vlt.s32 v41, v28  }
0x16a: {  	vm4 =	vgt.f32 v33, v37;
	vm5 =	vgt.f32 v40, v32;
	vm2 =	vmand vm2, vm3  }
0x16b: {  	v39 =	vmul.f32 v46, v25;
	v27 =	vpop (erf);
	(v2sf) =	vpush v35, $0xF;
	vm2 =	vmor vm5, vm2  }
.Ltmp0:
0x16c: {  	v25 =	vmovc v29;
	vm3 =	vlt.s32 v34, v38;
	(xrf2) =	vadd.scan.msk.f32 $0xffff, v29;
	v35 =	vsel vm2, v40, v32;
	(pc) =	sbr.rel @p0 .LBB2_2-.Ltmp0, $4  }
0x16d: {  	vm1 =	vmand vm1, vm3;
	v36 =	vsel vm2, v41, v28;
	v28, v29, _ =	vpop (xrf1)  }
0x16e: {  	vm1 =	vmor vm4, vm1;
	v28 =	vperm.xlane v28, v5;
	v29 =	vperm.xlane v29, v5;
	(xrf1) =	vsort.dscd.msk.f32 $0xffff, v35, v36  }
0x16f: {  	v33 =	vsel vm1, v33, v37;
	v34 =	vsel vm1, v34, v38;
	v32, v30, _ =	vpop (xrf1);
	(xrf2) =	vadd.scan.msk.f32 $0xffff, v31;
	v31 =	vperm.xlane v39, v7  }
0x170: {  	s25 =	sadd.s32 $0x200, s25;
	vm1 =	vgt.f32 v32, v28;
	vm2 =	veq.f32 v32, v28;
	vm3 =	vlt.s32 v30, v29;
	v36, v35, _ =	vpop (xrf1)  }
0x171: {  	_ =	sdelay $0x5  }
0x172: {  	v37, v38, _ =	vpop (xrf1)  }
0x173: {  	v39, v40, _ =	vpop (xrf1)  }
0x174: {  	v41, v42, _ =	vpop (xrf1)  }
0x175: {  	vm2 =	vmand vm2, vm3;
	v43, v44, _ =	vpop (xrf1)  }
0x176: {  	s23 =	sadd.s32 $0x4, s23;
	vm1 =	vmor vm1, vm2;
	v45, v46, _ =	vpop (xrf1)  }
0x177: {  	s23 =	sshll.u32 s23, $0x7;
	v32 =	vsel vm1, v32, v28;
	v29 =	vsel vm1, v30, v29;
	(xrf1) =	vsort.dscd.msk.f32 $0xffff, v33, v34;
	_, v28, _ =	vpop (xrf1)  }
0x178: {  	s24 =	sadd.s32 $0x100, s23;
	(xrf1) =	vsort.dscd.msk.f32 $0xffff, v32, v29;
	v47 =	vand.u32 $0xFFFFFF80, v28  }
0x179: {  	v48 =	vand.u32 $0x7F, v28;
	v29 =	vadd.s32 s24, v47  }
0x17a: {  	v29 =	vor.u32 v48, v29;
	_ =	sdelay $0x1  }
0x17b: {  	v49 =	vperm.xlane v36, v5;
	v50 =	vperm.xlane v35, v5  }
0x17c: {  	v53 =	vperm.xlane v37, v5;
	v54 =	vperm.xlane v38, v5  }
0x17d: {  	v51 =	vperm.xlane v43, v5;
	v52 =	vperm.xlane v44, v5  }
0x17e: {  	vm1 =	veq.f32 v39, v49;
	vm2 =	vlt.s32 v40, v50;
	vm5 =	vgt.f32 v39, v49;
	v30 =	vld.idx.msk [tilespmem:v29+s3+$0x0], $0xffff  }
0x17f: {  	vm1 =	vmand vm1, vm2;
	vm3 =	veq.f32 v45, v51;
	vm4 =	vlt.s32 v46, v52;
	[tilespmem:v28+s11+$0x0] =	vst.idx.add.f32.msk $0xff, v6  }
0x180: {  	vm1 =	vmor vm5, vm1;
	vm13 =	vgt.f32 v45, v51;
	vm3 =	vmand vm3, vm4;
	v55 =	vld [tilespmem:s16+$0xB0]  }
0x181: {  	vm2 =	veq.f32 v41, v53;
	v60 =	vsel vm1, v39, v49;
	vm3 =	vmor vm13, vm3;
	v58 =	vld [tilespmem:s16+$0x90]  }
0x182: {  	v56 =	vsel vm3, v45, v51;
	v57 =	vsel vm3, v46, v52;
	vm3 =	vlt.s32 v42, v54;
	v59 =	vld [tilespmem:s16+$0xA0]  }
0x183: {  	v61 =	vsel vm1, v40, v50;
	vm1 =	vgt.f32 v41, v53;
	(xrf1) =	vsort.dscd.msk.f32 $0xffff, v56, v57;
	vm2 =	vmand vm2, vm3;
	v62 =	vld [tilespmem:s16+$0x80]  }
0x184: {  	vm1 =	vmor vm1, vm2;
	(xrf1) =	vsort.dscd.msk.f32 $0xffff, v60, v61;
	_, v33, _ =	vpop (xrf1)  }
0x185: {  	v63 =	vsel vm1, v41, v53;
	v40 =	vsel vm1, v42, v54;
	_, v29, _ =	vpop (xrf1);
	v41 =	vadd.f32 v55, v11  }
0x186: {  	(xrf1) =	vsort.dscd.msk.f32 $0xffff, v63, v40;
	v42 =	vand.u32 $0xFFFFFF80, v29;
	v43 =	vadd.f32 v58, v10  }
0x187: {  	v44 =	vand.u32 $0x7F, v29;
	v45 =	vadd.s32 s23, v42;
	v34 =	vadd.f32 v59, v9;
	(xrf1) =	vsort.dscd.msk.f32 $0xffff, v41, v4  }
0x188: {  	v35 =	vor.u32 v44, v45;
	v46 =	vadd.f32 v62, v8;
	(xrf1) =	vsort.dscd.msk.f32 $0xffff, v43, v2  }
0x189: {  	(xrf1) =	vsort.dscd.msk.f32 $0xffff, v34, v3  }
0x18a: {  	(xrf1) =	vsort.dscd.msk.f32 $0xffff, v46, v0;
	_ =	sdelay $0x2  }
0x18b: {  	v32 =	vld.idx.msk [tilespmem:v35+s3+$0x0], $0xffff  }
0x18c: {  	[tilespmem:v29+s11+$0x0] =	vst.idx.add.f32.msk $0xff, v6  }
0x18d: {  	v47 =	vld [tilespmem:s16+$0xFFFFFFB0]  }
0x18e: {  	v48 =	vld [tilespmem:s16+$0xFFFFFF90]  }
0x18f: {  	v49 =	vld [tilespmem:s16+$0xFFFFFFA0]  }
0x190: {  	v50 =	vld [tilespmem:s16+$0xFFFFFF80];
	_, v34, _ =	vpop (xrf1)  }
0x191: {  	v52, v51, _ =	vpop (xrf1)  }
0x192: {  	v41, v42, _ =	vpop (xrf1)  }
0x193: {  	v53 =	vadd.f32 v48, v10;
	v54 =	vadd.f32 v47, v11;
	v56, v55, _ =	vpop (xrf1)  }
0x194: {  	v57 =	vadd.f32 v49, v9;
	v35 =	vperm.xlane v56, v5;
	v36 =	vperm.xlane v55, v5;
	v59, v58, _ =	vpop (xrf1)  }
0x195: {  	v8 =	vadd.f32 v50, v8;
	(xrf1) =	vsort.dscd.msk.f32 $0xffff, v54, v4;
	v37 =	vperm.xlane v59, v5;
	v61, v60, _ =	vpop (xrf1)  }
0x196: {  	v43 =	vperm.xlane v58, v5;
	vm1 =	veq.f32 v61, v35;
	vm2 =	vlt.s32 v60, v36;
	v62, v63, _ =	vpop (xrf1)  }
0x197: {  	(xrf1) =	vsort.dscd.msk.f32 $0xffff, v53, v2;
	vm3 =	vgt.f32 v62, v37;
	vm1 =	vmand vm1, vm2;
	vm2 =	vgt.f32 v61, v35  }
0x198: {  	(xrf1) =	vsort.dscd.msk.f32 $0xffff, v57, v3;
	vm14 =	vlt.s32 v63, v43;
	vm1 =	vmor vm2, vm1;
	vm2 =	veq.f32 v62, v37  }
0x199: {  	(xrf1) =	vsort.dscd.msk.f32 $0xffff, v8, v0;
	vm2 =	vmand vm2, vm14;
	v35 =	vsel vm1, v61, v35;
	v46 =	vsel vm1, v60, v36  }
0x19a: {  	vm1 =	vmor vm3, vm2;
	(xrf1) =	vsort.dscd.msk.f32 $0xffff, v35, v46  }
0x19b: {  	v8 =	vsel vm1, v62, v37;
	v47 =	vsel vm1, v63, v43  }
0x19c: {  	(xrf1) =	vsort.dscd.msk.f32 $0xffff, v8, v47;
	_ =	sdelay $0x7  }
0x19d: {  	v50, v49, _ =	vpop (xrf1)  }
0x19e: {  	v48 =	vperm.xlane v51, v5;
	v8 =	vperm.xlane v52, v5;
	v51, v52, _ =	vpop (xrf1)  }
0x19f: {  	v54, v53, _ =	vpop (xrf1)  }
0x1a0: {  	vm2 =	vlt.s32 v42, v48;
	vm1 =	veq.f32 v41, v8;
	v55, v56, _ =	vpop (xrf1)  }
0x1a1: {  	v10 =	vperm.xlane v50, v5;
	vm3 =	vgt.f32 v41, v8;
	vm1 =	vmand vm1, vm2;
	v58, v57, _ =	vpop (xrf1)  }
0x1a2: {  	vm1 =	vmor vm3, vm1;
	v59 =	vperm.xlane v58, v5;
	v60 =	vperm.xlane v57, v5  }
0x1a3: {  	v11 =	vperm.xlane v49, v5;
	v35 =	vperm.xlane v51, v5;
	v8 =	vsel vm1, v41, v8;
	v62, v61, _ =	vpop (xrf1)  }
0x1a4: {  	v9 =	vsel vm1, v42, v48;
	vm1 =	veq.f32 v62, v59;
	vm2 =	vlt.s32 v61, v60  }
0x1a5: {  	v36 =	vperm.xlane v52, v5;
	vm1 =	vmand vm1, vm2;
	vm2 =	vgt.f32 v62, v59  }
0x1a6: {  	vm3 =	veq.f32 v54, v10;
	vm1 =	vmor vm2, vm1;
	vm2 =	vlt.s32 v53, v11  }
0x1a7: {  	(xrf1) =	vsort.dscd.msk.f32 $0xffff, v8, v9;
	vm15 =	vlt.s32 v56, v36;
	v8 =	vsel vm1, v62, v59;
	vm2 =	vmand vm3, vm2  }
0x1a8: {  	vm3 =	vgt.f32 v54, v10;
	v63 =	vsel vm1, v61, v60;
	vm1 =	veq.f32 v55, v35  }
0x1a9: {  	vm2 =	vmor vm3, vm2;
	(xrf1) =	vsort.dscd.msk.f32 $0xffff, v8, v63;
	vm1 =	vmand vm1, vm15  }
0x1aa: {  	v8 =	vsel vm2, v54, v10;
	v38 =	vsel vm2, v53, v11;
	vm2 =	vgt.f32 v55, v35  }
0x1ab: {  	vm1 =	vmor vm2, vm1;
	(xrf1) =	vsort.dscd.msk.f32 $0xffff, v8, v38  }
0x1ac: {  	v8 =	vsel vm1, v55, v35;
	v40 =	vsel vm1, v56, v36  }
0x1ad: {  	(xrf1) =	vsort.dscd.msk.f32 $0xffff, v8, v40;
	_ =	sdelay $0x9  }
0x1ae: {  	_, v8, _ =	vpop (xrf1)  }
0x1af: {  	_, v9, _ =	vpop (xrf1)  }
0x1b0: {  	v41, v42, _ =	vpop (xrf1)  }
0x1b1: {  	v10 =	vperm.xlane v41, v5;
	v11 =	vperm.xlane v42, v5  }
0x1b2: {  	v43, v44, _ =	vpop (xrf1)  }
0x1b3: {  	vm1 =	veq.f32 v43, v10;
	vm2 =	vlt.s32 v44, v11  }
0x1b4: {  	vm3 =	vgt.f32 v43, v10;
	vm1 =	vmand vm1, vm2  }
0x1b5: {  	vm1 =	vmor vm3, vm1  }
0x1b6: {  	v10 =	vsel vm1, v43, v10;
	v11 =	vsel vm1, v44, v11  }
0x1b7: {  	(xrf1) =	vsort.dscd.msk.f32 $0xffff, v10, v11;
	_ =	sdelay $0x3  }
0x1b8: {  	s17 =	sadd.s32 $0x180, s17;
	v45 =	vand.u32 $0xFFFFFF80, v34  }
0x1b9: {  	v46 =	vand.u32 $0x7F, v34;
	v10 =	vadd.s32 s17, v45  }
0x1ba: {  	v10 =	vor.u32 v46, v10;
	_ =	sdelay $0x1  }
0x1bb: {  	v47 =	vand.u32 $0xFFFFFF80, v33  }
0x1bc: {  	v48 =	vand.u32 $0x7F, v33;
	v11 =	vadd.s32 s22, v47  }
0x1bd: {  	v11 =	vor.u32 v48, v11  }
0x1be: {  	v49 =	vand.u32 $0xFFFFFF80, v9;
	s22 =	sadd.s32 $0x180, s23;
	v50 =	vld.idx.msk [tilespmem:v10+s3+$0x0], $0xffff  }
0x1bf: {  	v51 =	vand.u32 $0x7F, v9;
	v35 =	vadd.s32 s22, v49  }
0x1c0: {  	v52 =	vand.u32 $0xFFFFFF80, v8;
	v35 =	vor.u32 v51, v35  }
0x1c1: {  	v53 =	vand.u32 $0x7F, v8;
	v54 =	vadd.s32 s21, v52;
	_, v10, _ =	vpop (xrf1)  }
0x1c2: {  	s24 =	sadd.s32 $0x80, s23;
	v55 =	vnsel vm0, $0x0, v22;
	v37 =	vor.u32 v53, v54;
	v11 =	vld.idx.msk [tilespmem:v11+s3+$0x0], $0xffff;
	v56 =	vand.u32 $0xFFFFFF80, v10  }
0x1c3: {  	(xrf2) =	vadd.scan.msk.f32 $0xffff, v55;
	v36 =	vnsel vm0, $0x0, v50;
	v57 =	vand.u32 $0x7F, v10;
	v38 =	vadd.s32 s24, v56  }
0x1c4: {  	(xrf2) =	vadd.scan.msk.f32 $0xffff, v36;
	v38 =	vor.u32 v57, v38  }
0x1c5: {  	v35 =	vld.idx.msk [tilespmem:v35+s3+$0x0], $0xffff;
	_ =	sdelay $0x1  }
0x1c6: {  	v37 =	vld.idx.msk [tilespmem:v37+s3+$0x0], $0xffff;
	v39 =	vnsel vm0, $0x0, v11  }
0x1c7: {  	v58 =	vnsel vm0, $0x0, v32;
	(xrf2) =	vadd.scan.msk.f32 $0xffff, v39  }
0x1c8: {  	v59 =	vnsel vm0, $0x0, v30;
	(xrf2) =	vadd.scan.msk.f32 $0xffff, v58;
	v60 =	vld.idx.msk [tilespmem:v38+s3+$0x0], $0xffff  }
0x1c9: {  	v35 =	vnsel vm0, $0x0, v35;
	(xrf2) =	vadd.scan.msk.f32 $0xffff, v59  }
0x1ca: {  	v61, _, _ =	vpop (xrf2);
	(xrf2) =	vadd.scan.msk.f32 $0xffff, v35  }
0x1cb: {  	v62, _, _ =	vpop (xrf2);
	v37 =	vnsel vm0, $0x0, v37  }
0x1cc: {  	(v2sf) =	vpush v61, $0xF;
	v63, _, _ =	vpop (xrf2);
	(xrf2) =	vadd.scan.msk.f32 $0xffff, v37  }
0x1cd: {  	(v2sf) =	vpush v62, $0xF;
	v44, _, _ =	vpop (xrf2);
	v11 =	vnsel vm0, $0x0, v60  }
0x1ce: {  	(v2sf) =	vpush v44, $0xF;
	(xrf2) =	vadd.scan.msk.f32 $0xffff, v11;
	_ =	sdelay $0x1  }
0x1cf: {  	(v2sf) =	vpush v63, $0xF  }
0x1d0: {  	v45, _, _ =	vpop (xrf2)  }
0x1d1: {  	v46, _, _ =	vpop (xrf2)  }
0x1d2: {  	(v2sf) =	vpush v45, $0xF;
	v47, _, _ =	vpop (xrf2)  }
0x1d3: {  	v48, _, _ =	vpop (xrf2);
	(v2sf) =	vpush v46, $0xF  }
0x1d4: {  	(v2sf) =	vpush v48, $0xF  }
0x1d5: {  	v49, _, _ =	vpop (xrf2);
	(v2sf) =	vpush v47, $0xF  }
0x1d6: {  	s25 =	spop (v2sf);
	(v2sf) =	vpush v49, $0xF  }
0x1d7: {  	v50, _, _ =	vpop (xrf2)  }
0x1d8: {  	s26 =	spop (v2sf);
	(v2sf) =	vpush v50, $0xF  }
0x1d9: {  	s16 =	sadd.f32 $9.999999680e-21, s25  }
0x1da: {  	s28 =	spop (v2sf);
	s17 =	sadd.f32 $9.999999680e-21, s26  }
0x1db: {  	s29 =	sadd.f32 $9.999999680e-21, s28;
	s30 =	spop (v2sf);
	v51 =	vmov s16  }
0x1dc: {  	v52 =	vmov s17;
	s17 =	sadd.f32 $9.999999680e-21, s30;
	(erf) = vrcp.f32 v51;
	s31 =	spop (v2sf)  }
0x1dd: {  	v53 =	vmov s29;
	(erf) = vrcp.f32 v52;
	s22 =	sadd.f32 $9.999999680e-21, s31  }
0x1de: {  	v54 =	vmov s17;
	(erf) = vrcp.f32 v53;
	s23 =	spop (v2sf)  }
0x1df: {  	(erf) = vrcp.f32 v54;
	s21 =	sadd.f32 $9.999999680e-21, s23;
	v55 =	vmov s22  }
0x1e0: {  	(erf) = vrcp.f32 v55  }
0x1e1: {  	s24 =	spop (v2sf);
	v56 =	vmov s21  }
0x1e2: {  	s16 =	sadd.f32 $9.999999680e-21, s24;
	s25 =	spop (v2sf);
	(erf) = vrcp.f32 v56  }
0x1e3: {  	s26 =	spop (v2sf);
	s28 =	sadd.f32 $9.999999680e-21, s25  }
0x1e4: {  	v57 =	vmov s16;
	s29 =	sadd.f32 $9.999999680e-21, s26;
	s30 =	spop (v2sf)  }
0x1e5: {  	v58 =	vpop (erf);
	(erf) = vrcp.f32 v57;
	v60 =	vmov s28;
	s31 =	sadd.f32 $9.999999680e-21, s30;
	s21 =	spop (v2sf)  }
0x1e6: {  	v15 =	vsel vm0, v15, v31;
	[tilespmem:v21+s11+$0x0] =	vst.idx.add.f32.msk $0xff, v6;
	v59 =	vpop (erf);
	(erf) = vrcp.f32 v60;
	v61 =	vmov s29;
	s22 =	sadd.f32 $9.999999680e-21, s21  }
0x1e7: {  	[tilespmem:s15+$0xFFFFFFF0] =	vst v15;
	v63 =	vpop (erf);
	(erf) = vrcp.f32 v61;
	v40 =	vmov s31;
	s23 =	spop (v2sf)  }
0x1e8: {  	[tilespmem:s19+$0xFFFFFFF0] =	vst v20;
	v26 =	vmul.f32 v58, v26;
	v41 =	vpop (erf);
	(erf) = vrcp.f32 v40;
	v42 =	vmov s22;
	s25 =	sadd.f32 $9.999999680e-21, s23  }
0x1e9: {  	[tilespmem:v8+s11+$0x0] =	vst.idx.add.f32.msk $0xff, v6;
	v44 =	vpop (erf);
	(erf) = vrcp.f32 v42  }
0x1ea: {  	[tilespmem:v33+s11+$0x0] =	vst.idx.add.f32.msk $0xff, v6;
	v14 =	vmul.f32 v59, v14;
	v62 =	vperm.xlane v26, v7;
	v46 =	vmov s25  }
0x1eb: {  	[tilespmem:v34+s11+$0x0] =	vst.idx.add.f32.msk $0xff, v6;
	v25 =	vmul.f32 v63, v25;
	v47 =	vpop (erf);
	(erf) = vrcp.f32 v46  }
0x1ec: {  	[tilespmem:v9+s11+$0x0] =	vst.idx.add.f32.msk $0xff, v6;
	v14 =	vsel vm0, v14, v62;
	v38 =	vperm.xlane v21, v7  }
0x1ed: {  	[tilespmem:v10+s11+$0x0] =	vst.idx.add.f32.msk $0xff, v6;
	v43 =	vperm.xlane v25, v7;
	s24 =	sadd.s32 $0x20, s18;
	v45 =	vmul.f32 v44, v36  }
0x1ee: {  	v13 =	vsel vm0, v13, v38;
	[tilespmem:s24+$0x0] =	vst v14;
	s26 =	sadd.s32 $0x20, s20;
	v48 =	vpop (erf);
	v49 =	vmul.f32 v47, v22  }
0x1ef: {  	v14 =	vsel vm0, v17, v43;
	[tilespmem:s26+$0x0] =	vst v13;
	v13 =	vperm.xlane v45, v7;
	v20 =	vmul.f32 v48, v39;
	v51 =	vpop (erf)  }
0x1f0: {  	v16 =	vmul.f32 v27, v16;
	v50 =	vperm.xlane v34, v7;
	[tilespmem:s18+$0xFFFFFFF0] =	vst v14;
	v52 =	vpop (erf)  }
0x1f1: {  	[tilespmem:s20+$0xFFFFFFF0] =	vst v23;
	s28 =	sadd.s32 $0x20, s24;
	v13 =	vsel vm0, v49, v13;
	v53 =	vperm.xlane v20, v7;
	v14 =	vmul.f32 v52, v35;
	v55 =	vpop (erf)  }
0x1f2: {  	v54 =	vperm.xlane v33, v7;
	v17 =	vsel vm0, v18, v50;
	s29 =	sadd.s32 $0x20, s26;
	[tilespmem:s28+$0x0] =	vst v13;
	v56 =	vmul.f32 v55, v30;
	v57 =	vpop (erf)  }
0x1f3: {  	[tilespmem:s29+$0x0] =	vst v17;
	v13 =	vsel vm0, v16, v53;
	v14 =	vperm.xlane v14, v7;
	v16 =	vmul.f32 v57, v37  }
0x1f4: {  	v12 =	vsel vm0, v12, v54;
	v58 =	vperm.xlane v9, v7;
	v15 =	vmul.f32 v41, v24;
	[tilespmem:s24+$0xFFFFFFF0] =	vst v13;
	v60 =	vpop (erf)  }
0x1f5: {  	s30 =	sadd.s32 $0x20, s28;
	[tilespmem:s26+$0xFFFFFFF0] =	vst v12;
	v59 =	vsel vm0, v56, v14;
	v61 =	vperm.xlane v16, v7;
	v11 =	vmul.f32 v60, v11  }
0x1f6: {  	v8 =	vperm.xlane v8, v7;
	s31 =	sadd.s32 $0x20, s29;
	v12 =	vsel vm0, v28, v58;
	[tilespmem:s30+$0x0] =	vst v59  }
0x1f7: {  	v62 =	vmul.f32 v51, v32;
	[tilespmem:s31+$0x0] =	vst v12;
	v9 =	vsel vm0, v15, v61;
	v11 =	vperm.xlane v11, v7  }
0x1f8: {  	v8 =	vsel vm0, v19, v8;
	v10 =	vperm.xlane v10, v7;
	[tilespmem:s28+$0xFFFFFFF0] =	vst v9  }
0x1f9: {  	[tilespmem:s29+$0xFFFFFFF0] =	vst v8;
	v8 =	vsel vm0, v62, v11  }
0x1fa: {  	v63 =	vsel vm0, v29, v10;
	[tilespmem:s30+$0xFFFFFFF0] =	vst v8  }
0x1fb: {  	[tilespmem:s31+$0xFFFFFFF0] =	vst v63  }
0x1fc: {  	[hbm4b:s5+s3] =	stream.linear.scatter [tilespmem:s12], [sflag:$0x1], $0x800, $0x38;
	[tilespmem:$0x9100] =	vst v63  }
0x1fd: {  	_ =	swait.ge [sflag:s10], $0x800  }
0x1fe: {  	[sflag:s10] =	ssyncset.done $0x0  }
0x1ff: {  	[sflag:s10] =	ssyncadd.s32 $0xFFFFF800  }
0x200: {  	[hbm4b:s6+s3] =	stream.linear.scatter [tilespmem:s13], [sflag:$0x1], $0x800, $0x38;
	[tilespmem:$0x9100] =	vst v63  }
0x201: {  	s14 =	sadd.s32 $0x1, s14;
	_ =	swait.ge [sflag:s10], $0x800  }
0x202: {  	p0 =	sne.s32 s14, s8;
	[sflag:s10] =	ssyncset.done $0x0  }
.Ltmp1:
0x203: {  	[sflag:s10] =	ssyncadd.s32 $0xFFFFF800;
	(pc) =	sbr.rel @p0 .LBB2_1-.Ltmp1, $4  }
0x204: {  	[hbm4b:s7+s3] =	stream.linear.scatter [tilespmem:s11], [sflag:$0x1], $0x80, $0x38;
	[tilespmem:$0x9100] =	vst v63  }
0x205: {  	_ =	swait.ge [sflag:s10], $0x80  }
0x206: {  	[sflag:s10] =	ssyncset.done $0x0  }
0x207: {  	[sflag:s10] =	ssyncadd.s32 $0xFFFFFF80  }
0x208: {  	_ =	sfence.sel $0x180000  }
0x209: {  	[bflag:$0x0] =	sbarrier.arrive $0xFFFF  }
0x20a: {  	p0 =	sne.s32 s0, $0x0;
	_ =	strace $0x9000004A  }
0x20b: {  	s0 =	sadd.s32 @!p0 $0x100000, s1;
	[bflag:$0x2] =	sbarrier.arrive $0xFFFF  }
0x20c: {  	[sflag:s0] =	ssyncadd.tile.s32 @!p0 $0x1;
	_ =	shalt  }
.Lfunc_end2:
_tile_overlayer_lowered:
.L_overlay_start_2:
0x20d: {  	(tag) =	ssettag $0x2  }
0x20e: {  	s0 =	rddreg [dreg:$0x0];
	s2 =	stileid.u32  }
0x20f: {  	s1 =	rddreg [dreg:$0x1];
	p0 =	sne.s32 s2, $0x0  }
0x210: {  	s3 =	rddreg [dreg:$0x2];
	[bflag:$0x3] =	sbarrier.arrive $0xFFFF;
	s2 =	simm.s32 @!p0 $0x1C01  }
0x211: {  	[timem:s3], [sflag:s2] =	dma.local @!p0 [hbm:s0], s1  }
0x212: {  	s0 =	simm.s32 @!p0 $0x1  }
0x213: {  	_ =	swait.ge @!p0 [sflag:s0], s1  }
0x214: {  	s1 =	ssub.s32 @!p0 $0x0, s1;
	[sflag:s0] =	ssyncset.done @!p0 $0x0  }
0x215: {  	[sflag:s0] =	ssyncadd.s32 @!p0 s1  }
0x216: {  	[bflag:$0x3] =	sbarrier.arrive $0xFFFF  }
0x217: {  	_ =	shalt  }

// kernel: kernel.20.cloned.1.call-start
scs
__scs_entry_jumppad:
0x0: {  	(pc) =	sbr.rel $0x88, $3  }
0x1: {  	(tag) =	ssettag $0x0;
	lr =	simm.s32 $0x1  }
0x2: {  	[smem:$0x3F9E] =	sst lr;
	_ =	strace $0xD0000000  }
0x3: {  	_ = 	snop  }
0x4: {  	_ = 	snop  }
0x5: {  	_ = 	snop  }
0x6: {  	_ = 	snop  }
0x7: {  	_ = 	snop  }
__scs_overlays_trampoline_lowered:
0x8: {  	[smem:$0x3FAD] =	sst s0  }
0x9: {  	[smem:$0x3FAE] =	sst s1  }
0xa: {  	[smem:$0x3FAF] =	sst s2  }
0xb: {  	[smem:$0x3FB0] =	sst s3  }
0xc: {  	[smem:$0x3FB1] =	sst s4  }
0xd: {  	[smem:$0x3FB2] =	sst s5  }
0xe: {  	[smem:$0x3FB3] =	sst s6  }
0xf: {  	[smem:$0x3FB4] =	sst s7  }
0x10: {  	[smem:$0x3FB5] =	sst s8  }
0x11: {  	[smem:$0x3FB6] =	sst s9;
	s0 =	simm.s32 @!p0 $0x0  }
0x12: {  	s1 =	sld [smem:$0x3F9C];
	s0 =	simm.s32 @p0 $0x1  }
0x13: {  	[smem:$0x3FB7] =	sst s0;
	s0 =	simm.s32 @!p1 $0x0  }
0x14: {  	s2 =	sld [smem:$0x3F9B];
	s0 =	simm.s32 @p1 $0x1  }
0x15: {  	[smem:$0x3FB8] =	sst s0;
	s0 =	simm.s32 @!p2 $0x0  }
0x16: {  	s3 =	sld [smem:$0x3FDB];
	s0 =	simm.s32 @p2 $0x1  }
0x17: {  	s4 =	simm.s32 $0x1BF5;
	[smem:$0x3FBA] =	sst s0  }
0x18: {  	s0 =	sld [smem:$0x3F9D];
	_ =	swait.ge [sflag:s4], $0x0  }
0x19: {  	s7 =	sld [smem:$0x3F9E]  }
0x1a: {  	s8 =	sadd.s32 $0xFFFFE003, lr  }
0x1b: {  	s9 =	sadd.s32 $0xFFFFFEF7, lr;
	s5 =	simm.s32 $0xFFFFFFFF;
	p2 =	slt.u32 s8, $0xFFFFF086  }
0x1c: {  	p1 =	slt.u32 s9, $0xF7A;
	s5 =	simm.s32 @!p2 $0x0  }
0x1d: {  	s5 =	simm.s32 @p1 $0x1;
	p0 =	seq.s32 s7, s2  }
0x1e: {  	s7 =	smul.u32 @!p0 $0xF7A, s2;
	p2 =	seq.s32 @!p0 s5, $0x0  }
0x1f: {  	s9 =	smul.u32 $0xF7A, s1;
	s8 =	simm.s32 @!p0 $0x1BF5;
	p2 =	por !p2, p0  }
0x20: {  	[sflag:s8] =	ssyncset.s32 @!p0 $0xFFFFF086;
	s6 =	sadd.s32 @!p0 s3, s7;
	s7 =	simm.s32 @!p0 $0x108  }
0x21: {  	s3 =	sadd.s32 s3, s9;
	s6 =	sadd.s32 @!p0 $0x88, s6;
	s7 =	simm.s32 @p2 $0x1082  }
0x22: {  	[simem:s7], [sflag:s8] =	dma.local @!p0 [hbm:s6], $0xF7A  }
0x23: {  	s9 =	sor.u32 $0xD0000000, s2;
	s6 =	simm.s32 $0x108;
	_ =	swait.ge @!p0 [sflag:s8], $0x0  }
0x24: {  	s3 =	sadd.s32 $0x88, s3;
	s6 =	simm.s32 @!p1 $0x1082;
	[sflag:s4] =	ssyncset.s32 $0xFFFFF086  }
0x25: {  	[simem:s6], [sflag:s4] =	dma.local [hbm:s3], $0xF7A  }
0x26: {  	[smem:$0x3F9E] =	sst s1;
	(tag) =	ssettag s2;
	_ =	strace s9  }
0x27: {  	s1 =	sld [smem:$0x3FAE]  }
0x28: {  	s2 =	sld [smem:$0x3FAF]  }
0x29: {  	s4 =	sld [smem:$0x3FB1]  }
0x2a: {  	p0 =	seq.s32 s5, $0x0;
	s5 =	sld [smem:$0x3FB2]  }
0x2b: {  	s6 =	sld [smem:$0x3FB3]  }
0x2c: {  	s7 =	sld [smem:$0x3FB4]  }
0x2d: {  	s3 =	simm.s32 $0x108;
	s8 =	sld [smem:$0x3FB5]  }
0x2e: {  	s3 =	simm.s32 @!p0 $0x1082;
	s9 =	sld [smem:$0x3FB6]  }
0x2f: {  	lr =	sadd.s32 s0, s3;
	s0 =	sld [smem:$0x3FAD]  }
0x30: {  	s3 =	sld [smem:$0x3FB0]  }
0x31: {  	[smem:$0x3FB9] =	sst s10  }
0x32: {  	s10 =	sld [smem:$0x3FB7];
	_ =	sdelay $0x3  }
0x33: {  	p0 =	seq.s32 s10, $0x1;
	s10 =	sld [smem:$0x3FB9];
	_ =	sdelay $0x3  }
0x34: {  	[smem:$0x3FB9] =	sst s10  }
0x35: {  	s10 =	sld [smem:$0x3FB8];
	_ =	sdelay $0x3  }
0x36: {  	p1 =	seq.s32 s10, $0x1;
	s10 =	sld [smem:$0x3FB9];
	_ =	sdelay $0x3  }
0x37: {  	[smem:$0x3FB9] =	sst s10  }
0x38: {  	s10 =	sld [smem:$0x3FBA]  }
0x39: {  	_ = 	snop;
	(pc) =	sbr.ind lr, $3  }
0x3a: {  	_ = 	snop  }
0x3b: {  	_ = 	snop  }
0x3c: {  	p2 =	seq.s32 s10, $0x1;
	s10 =	sld [smem:$0x3FB9]  }
0x3d: {  	_ =	shalt  }
0x3e: {  	_ =	shalt  }
0x3f: {  	_ =	shalt  }
0x40: {  	_ =	shalt  }
0x41: {  	_ =	shalt  }
0x42: {  	_ =	shalt  }
0x43: {  	_ =	shalt  }
0x44: {  	_ =	shalt  }
0x45: {  	_ =	shalt  }
0x46: {  	_ =	shalt  }
0x47: {  	_ =	shalt  }
0x48: {  	_ =	shalt  }
0x49: {  	_ =	shalt  }
0x4a: {  	_ =	shalt  }
0x4b: {  	_ =	shalt  }
0x4c: {  	_ =	shalt  }
0x4d: {  	_ =	shalt  }
0x4e: {  	_ =	shalt  }
0x4f: {  	_ =	shalt  }
0x50: {  	_ =	shalt  }
0x51: {  	_ =	shalt  }
0x52: {  	_ =	shalt  }
0x53: {  	_ =	shalt  }
0x54: {  	_ =	shalt  }
0x55: {  	_ =	shalt  }
0x56: {  	_ =	shalt  }
0x57: {  	_ =	shalt  }
0x58: {  	_ =	shalt  }
0x59: {  	_ =	shalt  }
0x5a: {  	_ =	shalt  }
0x5b: {  	_ =	shalt  }
0x5c: {  	_ =	shalt  }
0x5d: {  	_ =	shalt  }
0x5e: {  	_ =	shalt  }
0x5f: {  	_ =	shalt  }
0x60: {  	_ =	shalt  }
0x61: {  	_ =	shalt  }
0x62: {  	_ =	shalt  }
0x63: {  	_ =	shalt  }
0x64: {  	_ =	shalt  }
0x65: {  	_ =	shalt  }
0x66: {  	_ =	shalt  }
0x67: {  	_ =	shalt  }
0x68: {  	_ =	shalt  }
0x69: {  	_ =	shalt  }
0x6a: {  	_ =	shalt  }
0x6b: {  	_ =	shalt  }
0x6c: {  	_ =	shalt  }
0x6d: {  	_ =	shalt  }
0x6e: {  	_ =	shalt  }
0x6f: {  	_ =	shalt  }
0x70: {  	_ =	shalt  }
0x71: {  	_ =	shalt  }
0x72: {  	_ =	shalt  }
0x73: {  	_ =	shalt  }
0x74: {  	_ =	shalt  }
0x75: {  	_ =	shalt  }
0x76: {  	_ =	shalt  }
0x77: {  	_ =	shalt  }
0x78: {  	_ =	shalt  }
0x79: {  	_ =	shalt  }
0x7a: {  	_ =	shalt  }
0x7b: {  	_ =	shalt  }
0x7c: {  	_ =	shalt  }
0x7d: {  	_ =	shalt  }
0x7e: {  	_ =	shalt  }
0x7f: {  	_ =	shalt  }
0x80: {  	_ =	shalt  }
0x81: {  	_ =	shalt  }
0x82: {  	_ =	shalt  }
0x83: {  	_ =	shalt  }
0x84: {  	_ =	shalt  }
0x85: {  	_ =	shalt  }
0x86: {  	_ =	shalt  }
0x87: {  	_ =	shalt  }
.Lfunc_end0:
.L_simem_size_0:
called_computation.3_lowered:
.L_overlay_start_0:
0x88: {  	s2 =	sld [smem:$0x3FD9]  }
0x89: {  	s3 =	sld [smem:$0x3FFE];
	_ =	sdelay $0x1  }
0x8a: {  	s1 =	srdreg.scid  }
0x8b: {  	s0 =	sand.u32 $0x1, s1  }
0x8c: {  	s17 =	sshll.u32 s0, $0xA;
	s2 =	sadd.s32 s3, s2  }
0x8d: {  	s2 =	sadd.s32 s2, s17  }
0x8e: {  	[smem:$0x3FC5] =	sst s2  }
0x8f: {  	_ = 	snop  }
0x90: {  	s2 =	sld [smem:$0x3FC8];
	(tm) =	ssettm $0x1  }
0x91: {  	s18 =	sld [smem:$0x3FFB];
	_ =	sdelay $0x3  }
0x92: {  	_ =	strace s18  }
0x93: {  	s3 =	sld [smem:$0x3FFC];
	_ =	sdelay $0x3  }
0x94: {  	_ =	strace s3  }
0x95: {  	s3 =	sld [smem:$0x3FFD];
	_ =	sdelay $0x3  }
0x96: {  	_ =	strace s3  }
0x97: {  	_ =	strace $0x8FFFFFFF  }
0x98: {  	s19 =	sld [smem:$0x3FDB];
	_ =	sdelay $0x1  }
0x99: {  	s4 =	simm.s32 $_scs_section_size  }
0x9a: {  	s5 =	simm.s32 $_size__tile_overlayer_lowered;
	s6 =	simm.s32 $_tile_overlayer_lowered  }
0x9b: {  	s22 =	simm.s32 $0x1BFF;
	s21 =	sshll.u32 s6, $0x1;
	s3 =	sadd.s32 s4, s19  }
0x9c: {  	s7 =	simm.s32 $0x0;
	s20 =	sshll.u32 s5, $0x1;
	s5 =	sadd.s32 s21, s3  }
0x9d: {  	[timem:s7], [sflag:s22] =	dma.local [hbm:s5], s20  }
0x9e: {  	_ =	swait.ge [sflag:s22], s20  }
0x9f: {  	s4 =	ssub.s32 $0x0, s20;
	[sflag:s22] =	ssyncset.done $0x0  }
0xa0: {  	[sflag:s22] =	ssyncadd.s32 s4;
	_ =	sdelay $0x1  }
0xa1: {  	s23 =	simm.s32 $0x1B8B  }
0xa2: {  	_ =	swait.ge [sflag:s23], $0x1  }
0xa3: {  	[sflag:s23] =	ssyncset.done $0x0  }
0xa4: {  	s25 =	simm.s32 $0x1B8E;
	s24 =	sld [smem:$0x3FFE];
	[sflag:s23] =	ssyncadd.s32 $0xFFFFFFFF  }
0xa5: {  	s26 =	simm.s32 $execute0_lowered;
	[smem:$0x3FD2] =	sst s25  }
0xa6: {  	s5 =	sshll.u32 s26, $0x1;
	_ =	strace $0x80000046;
	[dreg:$0x1] =	wrdreg $0xFFFFFFFF  }
0xa7: {  	s28 =	simm.s32 $_size_execute0_lowered;
	s3 =	sadd.s32 s3, s5;
	[dreg:$0x0] =	wrdreg $0x0  }
0xa8: {  	s5 =	sshll.u32 s28, $0x1;
	[dreg:$0x2] =	wrdreg s3  }
0xa9: {  	[dreg:$0x3] =	wrdreg s5  }
0xaa: {  	[dreg:$0x4] =	wrdreg $0xC0  }
0xab: {  	_ =	task [dreg:s7], $0x5FFFF  }
0xac: {  	[dreg:$0x1] =	wrdreg $0xFFFFFFFF  }
0xad: {  	[dreg:$0x0] =	wrdreg $0x60  }
0xae: {  	[dreg:$0x2] =	wrdreg s24  }
0xaf: {  	[dreg:$0x3] =	wrdreg s2  }
0xb0: {  	[dreg:$0x4] =	wrdreg $0xC  }
0xb1: {  	_ =	task.clear_ibuf [dreg:s7], $0x5FFFF;
	_ =	strace $0x90000046  }
0xb2: {  	s29 =	simm.s32 $0xC;
	_ =	strace $0x80000048  }
0xb3: {  	_ =	swait.ge [sflag:s29], $0x1  }
0xb4: {  	[sflag:s29] =	ssyncadd.s32 $0xFFFFFFFF  }
0xb5: {  	_ =	strace $0x90000048  }
0xb6: {  	_ =	sfence  }
0xb7: {  	s30 =	sld [smem:$0x0];
	_ =	sdelay $0x2  }
0xb8: {  	s31 =	sshll.u32 s1, $0xD;
	s1 =	sshrl.u32 s1, $0x2  }
0xb9: {  	s3 =	sand.u32 $0x4000, s31;
	s1 =	sadd.s32 s1, s30  }
0xba: {  	s0 =	sor.u32 s3, s0;
	s1 =	sshll.u32 s1, $0x11  }
0xbb: {  	s0 =	sor.u32 s1, s0  }
0xbc: {  	s0 =	sadd.s32 $0x8F2B, s0  }
0xbd: {  	[sflag:s0] =	ssyncadd.remote.s32 $0x1  }
0xbe: {  	_ =	sfence.sel $0xFFFF  }
0xbf: {  	[dreg:$0x0] =	wrdreg $0xFFFFFFFF;
	(pc) =	sbr.abs _section_cstart, $3  }
0xc0: {  	[dreg:$0x1] =	wrdreg $0xFFFFFFFF  }
0xc1: {  	_ =	task.clear_ibuf [dreg:s7], $0x2FFFF;
	_ =	strace $0x9FFFFFFF  }
0xc2: {  	(tm) =	ssettm $0x7FFFFFFF  }
0xc3: {  	_ =	shalt  }
tec
execute0_lowered:
.L_overlay_start_1:
0x0: {  	(tag) =	ssettag $0x1  }
0x1: {  	s4 =	rddreg [dreg:$0x0];
	s1 =	srdreg.scid  }
0x2: {  	s0 =	stileid.u32;
	s2 =	rddreg [dreg:$0x1]  }
0x3: {  	s3 =	simm.s32 $0x0;
	v0 =	vimm.s32 $0xE40000;
	s11 =	simm.s32 $0x9080;
	s12 =	simm.s32 $0x8080  }
0x4: {  	s13 =	simm.s32 $0x8880;
	s5 =	sand.u32 $0x1, s1;
	s1 =	rddreg [dreg:$0x2];
	v1 =	vunpack.c.l.s2.s4 v0  }
0x5: {  	s14 =	simm.s32 $0x0;
	s6 =	sshll.u32 s0, $0x1;
	[smem:$0x7FF] =	sst s3  }
0x6: {  	s6 =	sor.u32 s5, s6;
	_ =	strace $0x80000047;
	s5 =	ssub.s32 $0x2, s5;
	v3 =	vunpack.c.l.s4.s8 v1  }
0x7: {  	v6 =	vimm.s32 $0x7060504;
	vm1 =	vcmask $0x3F30;
	vm0 =	vmmov $0xff;
	s7 =	sshll.u32 s6, $0xC;
	s8 =	sshll.u32 s6, $0x8;
	s6 =	sshll.u32 s6, $0x4  }
0x8: {  	v0 =	vlaneseq.u32;
	v8 =	vunpack.c.0.s8.s32 v6;
	s31 =	sshrl.u32 s5, $0x1;
	s7 =	sadd.s32 s7, s4;
	s8 =	sadd.s32 s8, s4;
	v7 =	vunpack.c.0.s8.s32 v3  }
0x9: {  	v6 =	vimm.f32 $1.000000000e+00;
	v2 =	vor.u32 $0x10, v0;
	v5 =	vmul.u32 $0xFFFFFFFF, v0;
	s9 =	sadd.s32 s6, s4;
	s10 =	ssub.s32 s5, s31;
	s4 =	sadd.s32 $0x3600, s7  }
0xa: {  	v4 =	vor.u32 $0x30, v0;
	v1 =	vimm.f32 $0.0e+00;
	s5 =	sadd.s32 $0x23600, s8;
	s6 =	sadd.s32 $0x25600, s8;
	s7 =	sadd.s32 $0x27600, s9;
	v7 =	vand.u32 $0x3, v7  }
0xb: {  	v5 =	vadd.s32 $0xF, v5;
	s8 =	smax.u32 s10, $0x1;
	v3 =	vor.u32 $0x20, v0;
	s9 =	simm.s32 $0x8000;
	s10 =	simm.s32 $0x1;
	v7 =	vsel vm1, v8, v7  }
.LBB2_1:
0xc: {  	[tilespmem:s9], [sflag:$0x1] =	stream.linear.gather [hbm4b:s2+s3], $0x80, $0x38;
	[tilespmem:$0x9100] =	vst v63  }
0xd: {  	_ =	swait.ge [sflag:s10], $0x80  }
0xe: {  	[sflag:s10] =	ssyncset.done $0x0  }
0xf: {  	[sflag:s10] =	ssyncadd.s32 $0xFFFFFF80  }
0x10: {  	[tilespmem:s3], [sflag:$0x1] =	stream.linear.gather [hbm4b:s4+s3], $0x8000, $0x38;
	[tilespmem:$0x9100] =	vst v63  }
0x11: {  	_ =	swait.ge [sflag:s10], $0x8000  }
0x12: {  	[sflag:s10] =	ssyncset.done $0x0  }
0x13: {  	[sflag:s10] =	ssyncadd.s32 $0xFFFF8000  }
0x14: {  	[tilespmem:$0x9080] =	vst v1;
	v8 =	vld [tilespmem:$0x8000]  }
0x15: {  	[tilespmem:$0x9090] =	vst v1;
	v10 =	vld [tilespmem:$0x8010]  }
0x16: {  	[tilespmem:$0x90A0] =	vst v1;
	v9 =	vld [tilespmem:$0x8020]  }
0x17: {  	s16 =	simm.s32 $0x100;
	[tilespmem:$0x90B0] =	vst v1;
	v11 =	vld [tilespmem:$0x8030]  }
0x18: {  	v12 =	vld [tilespmem:s16+$0x10]  }
0x19: {  	v13 =	vld [tilespmem:s16+$0x30]  }
0x1a: {  	v14 =	vld [tilespmem:s16+$0xFFFFFF30]  }
0x1b: {  	v15 =	vld [tilespmem:s16+$0xFFFFFF10]  }
0x1c: {  	v16 =	vld [tilespmem:s16+$0xFFFFFF20]  }
0x1d: {  	v17 =	vld [tilespmem:s16+$0x0];
	v12 =	vadd.f32 v12, v10  }
0x1e: {  	v18 =	vld [tilespmem:s16+$0x20];
	v13 =	vadd.f32 v13, v11  }
0x1f: {  	(xrf1) =	vsort.dscd.msk.f32 $0xffff, v12, v2;
	v12 =	vadd.f32 v14, v11  }
0x20: {  	v14 =	vadd.f32 v15, v10;
	(xrf1) =	vsort.dscd.msk.f32 $0xffff, v13, v4  }
0x21: {  	v13 =	vadd.f32 v16, v9;
	(xrf1) =	vsort.dscd.msk.f32 $0xffff, v12, v4  }
0x22: {  	v12 =	vadd.f32 v17, v8;
	(xrf1) =	vsort.dscd.msk.f32 $0xffff, v14, v2  }
0x23: {  	v14 =	vadd.f32 v18, v9;
	(xrf1) =	vsort.dscd.msk.f32 $0xffff, v13, v3  }
0x24: {  	(xrf1) =	vsort.dscd.msk.f32 $0xffff, v12, v0  }
0x25: {  	(xrf1) =	vsort.dscd.msk.f32 $0xffff, v14, v3;
	_ =	sdelay $0x2  }
0x26: {  	v12 =	vld [tilespmem:s16+$0xFFFFFF00];
	_ =	sdelay $0x4  }
0x27: {  	v12 =	vadd.f32 v12, v8;
	v13, v14, _ =	vpop (xrf1)  }
0x28: {  	v15, v16, _ =	vpop (xrf1)  }
0x29: {  	v17, v18, _ =	vpop (xrf1)  }
0x2a: {  	v19, v20, _ =	vpop (xrf1);
	(xrf1) =	vsort.dscd.msk.f32 $0xffff, v12, v0  }
0x2b: {  	v12, v21, _ =	vpop (xrf1)  }
0x2c: {  	v15 =	vperm.xlane v15, v5;
	v16 =	vperm.xlane v16, v5;
	v22, v23, _ =	vpop (xrf1)  }
0x2d: {  	v13 =	vperm.xlane v13, v5;
	v24, v25, _ =	vpop (xrf1)  }
0x2e: {  	v14 =	vperm.xlane v14, v5;
	vm1 =	veq.f32 v24, v15;
	vm2 =	vlt.s32 v25, v16  }
0x2f: {  	vm3 =	veq.f32 v22, v13;
	vm4 =	vgt.f32 v24, v15;
	vm1 =	vmand vm1, vm2  }
0x30: {  	vm5 =	vgt.f32 v22, v13;
	vm2 =	vlt.s32 v23, v14;
	vm1 =	vmor vm4, vm1  }
0x31: {  	vm2 =	vmand vm3, vm2;
	v15 =	vsel vm1, v24, v15;
	v16 =	vsel vm1, v25, v16  }
0x32: {  	vm1 =	vmor vm5, vm2;
	(xrf1) =	vsort.dscd.msk.f32 $0xffff, v15, v16  }
0x33: {  	v13 =	vsel vm1, v22, v13;
	v14 =	vsel vm1, v23, v14  }
0x34: {  	(xrf1) =	vsort.dscd.msk.f32 $0xffff, v13, v14;
	_ =	sdelay $0x1  }
0x35: {  	v13 =	vperm.xlane v17, v5;
	v14 =	vperm.xlane v18, v5  }
0x36: {  	v15 =	vperm.xlane v19, v5;
	v16 =	vperm.xlane v20, v5  }
0x37: {  	vm1 =	vgt.f32 v12, v13;
	vm2 =	veq.f32 v12, v13;
	vm3 =	vlt.s32 v21, v14;
	v17, v18, _ =	vpop (xrf1)  }
0x38: {  	vm2 =	vmand vm2, vm3;
	vm4 =	veq.f32 v17, v15;
	vm5 =	vlt.s32 v18, v16  }
0x39: {  	vm1 =	vmor vm1, vm2;
	vm2 =	vgt.f32 v17, v15;
	vm3 =	vmand vm4, vm5  }
0x3a: {  	v12 =	vsel vm1, v12, v13;
	v13 =	vsel vm1, v21, v14;
	vm1 =	vmor vm2, vm3  }
0x3b: {  	(xrf1) =	vsort.dscd.msk.f32 $0xffff, v12, v13;
	v13 =	vsel vm1, v18, v16  }
0x3c: {  	v12 =	vsel vm1, v17, v15  }
0x3d: {  	(xrf1) =	vsort.dscd.msk.f32 $0xffff, v12, v13;
	_ =	sdelay $0x1  }
0x3e: {  	v12, v13, _ =	vpop (xrf1)  }
0x3f: {  	v12 =	vperm.xlane v12, v5;
	v13 =	vperm.xlane v13, v5  }
0x40: {  	v14, v15, _ =	vpop (xrf1)  }
0x41: {  	vm1 =	veq.f32 v14, v12;
	vm2 =	vlt.s32 v15, v13  }
0x42: {  	vm3 =	vgt.f32 v14, v12;
	vm1 =	vmand vm1, vm2  }
0x43: {  	vm1 =	vmor vm3, vm1  }
0x44: {  	v12 =	vsel vm1, v14, v12;
	v13 =	vsel vm1, v15, v13  }
0x45: {  	(xrf1) =	vsort.dscd.msk.f32 $0xffff, v12, v13;
	_ =	sdelay $0x2  }
0x46: {  	s15 =	simm.s32 $0x300;
	v12, v13, _ =	vpop (xrf1)  }
0x47: {  	v14 =	vld [tilespmem:s15+$0x10];
	v12 =	vperm.xlane v12, v5;
	v13 =	vperm.xlane v13, v5  }
0x48: {  	v17 =	vld [tilespmem:s15+$0x30];
	v15, v16, _ =	vpop (xrf1)  }
0x49: {  	v18 =	vld [tilespmem:s15+$0xFFFFFF30];
	vm1 =	veq.f32 v15, v12;
	vm2 =	vlt.s32 v16, v13  }
0x4a: {  	v19 =	vld [tilespmem:s15+$0xFFFFFF10];
	vm3 =	vgt.f32 v15, v12;
	vm1 =	vmand vm1, vm2  }
0x4b: {  	v20 =	vld [tilespmem:s15+$0xFFFFFF20];
	vm1 =	vmor vm3, vm1  }
0x4c: {  	v14 =	vadd.f32 v14, v10;
	v12 =	vsel vm1, v15, v12;
	v13 =	vsel vm1, v16, v13;
	v15 =	vld [tilespmem:s15+$0x0]  }
0x4d: {  	(xrf1) =	vsort.dscd.msk.f32 $0xffff, v12, v13;
	v12 =	vadd.f32 v17, v11;
	v13 =	vld [tilespmem:s15+$0x20]  }
0x4e: {  	(xrf1) =	vsort.dscd.msk.f32 $0xffff, v14, v2;
	v14 =	vadd.f32 v18, v11  }
0x4f: {  	v16 =	vadd.f32 v19, v10;
	(xrf1) =	vsort.dscd.msk.f32 $0xffff, v12, v4  }
0x50: {  	v12 =	vadd.f32 v20, v9;
	(xrf1) =	vsort.dscd.msk.f32 $0xffff, v14, v4  }
0x51: {  	_, v17, _ =	vpop (xrf1);
	v14 =	vadd.f32 v15, v8;
	(xrf1) =	vsort.dscd.msk.f32 $0xffff, v16, v2  }
0x52: {  	s17 =	simm.s32 $0x100;
	v15 =	vand.u32 $0xFFFFFF80, v17;
	v13 =	vadd.f32 v13, v9;
	(xrf1) =	vsort.dscd.msk.f32 $0xffff, v12, v3  }
0x53: {  	v12 =	vand.u32 $0x7F, v17;
	v15 =	vadd.s32 s17, v15;
	(xrf1) =	vsort.dscd.msk.f32 $0xffff, v14, v0  }
0x54: {  	v12 =	vor.u32 v12, v15;
	(xrf1) =	vsort.dscd.msk.f32 $0xffff, v13, v3;
	v13 =	vld [tilespmem:s15+$0xFFFFFF00];
	_ =	sdelay $0x4  }
0x55: {  	v19 =	vld.idx.msk [tilespmem:v12+s3+$0x0], $0xffff;
	v12 =	vadd.f32 v13, v8  }
0x56: {  	[tilespmem:v17+s11+$0x0] =	vst.idx.add.f32.msk $0xff, v6  }
0x57: {  	v13 =	vld [tilespmem:s16+$0xB0]  }
0x58: {  	v14 =	vld [tilespmem:s16+$0x90];
	_, v18, _ =	vpop (xrf1)  }
0x59: {  	v16 =	vld [tilespmem:s16+$0xA0];
	(xrf1) =	vsort.dscd.msk.f32 $0xffff, v12, v0;
	v12, v15, _ =	vpop (xrf1)  }
0x5a: {  	s25 =	simm.s32 $0x0;
	v23 =	vld [tilespmem:s16+$0x80];
	v20 =	vand.u32 $0xFFFFFF80, v18;
	v21, v22, _ =	vpop (xrf1)  }
0x5b: {  	v24 =	vand.u32 $0x7F, v18;
	v20 =	vadd.s32 s25, v20;
	v25, v26, _ =	vpop (xrf1)  }
0x5c: {  	v20 =	vor.u32 v24, v20;
	v24 =	vperm.xlane v12, v5;
	v12 =	vadd.f32 v13, v11;
	v27, v28, _ =	vpop (xrf1)  }
0x5d: {  	v13 =	vperm.xlane v15, v5;
	v15 =	vperm.xlane v21, v5;
	v14 =	vadd.f32 v14, v10;
	v21, v29, _ =	vpop (xrf1)  }
0x5e: {  	v22 =	vperm.xlane v22, v5;
	v16 =	vadd.f32 v16, v9;
	(xrf1) =	vsort.dscd.msk.f32 $0xffff, v12, v4;
	v30, v31, _ =	vpop (xrf1)  }
0x5f: {  	v12 =	vadd.f32 v23, v8;
	(xrf1) =	vsort.dscd.msk.f32 $0xffff, v14, v2;
	vm1 =	veq.f32 v30, v24;
	v32, v33, _ =	vpop (xrf1)  }
0x60: {  	(xrf1) =	vsort.dscd.msk.f32 $0xffff, v16, v3;
	vm2 =	veq.f32 v32, v15;
	vm3 =	vlt.s32 v33, v22  }
0x61: {  	vm4 =	vlt.s32 v31, v13;
	vm5 =	vgt.f32 v32, v15;
	(xrf1) =	vsort.dscd.msk.f32 $0xffff, v12, v0;
	vm2 =	vmand vm2, vm3  }
0x62: {  	vm1 =	vmand vm1, vm4;
	vm2 =	vmor vm5, vm2  }
0x63: {  	v12 =	vld.idx.msk [tilespmem:v20+s3+$0x0], $0xffff;
	vm3 =	vgt.f32 v30, v24;
	v14 =	vsel vm2, v32, v15;
	v15 =	vsel vm2, v33, v22  }
0x64: {  	[tilespmem:v18+s11+$0x0] =	vst.idx.add.f32.msk $0xff, v6;
	v20 =	vperm.xlane v26, v5;
	vm1 =	vmor vm3, vm1;
	(xrf1) =	vsort.dscd.msk.f32 $0xffff, v14, v15  }
0x65: {  	v16 =	vsel vm1, v30, v24;
	v13 =	vsel vm1, v31, v13;
	v14 =	vld [tilespmem:s16+$0xFFFFFFB0];
	v15 =	vperm.xlane v25, v5  }
0x66: {  	v22 =	vperm.xlane v28, v5;
	(xrf1) =	vsort.dscd.msk.f32 $0xffff, v16, v13;
	v13 =	vld [tilespmem:s16+$0xFFFFFF90];
	v16 =	vperm.xlane v27, v5  }
0x67: {  	vm3 =	vlt.s32 v29, v20;
	v25 =	vld [tilespmem:s16+$0xFFFFFFA0];
	v23, v24, _ =	vpop (xrf1);
	vm1 =	vgt.f32 v21, v15;
	vm2 =	veq.f32 v21, v15  }
0x68: {  	vm5 =	vlt.s32 v24, v22;
	vm4 =	veq.f32 v23, v16;
	vm2 =	vmand vm2, vm3  }
0x69: {  	v26 =	vld [tilespmem:s16+$0xFFFFFF80];
	vm3 =	vmand vm4, vm5;
	vm1 =	vmor vm1, vm2;
	vm2 =	vgt.f32 v23, v16  }
0x6a: {  	v15 =	vsel vm1, v21, v15;
	v20 =	vsel vm1, v29, v20;
	v14 =	vadd.f32 v14, v11  }
0x6b: {  	vm1 =	vmor vm2, vm3;
	(xrf1) =	vsort.dscd.msk.f32 $0xffff, v15, v20;
	v13 =	vadd.f32 v13, v10  }
0x6c: {  	v15 =	vsel vm1, v23, v16;
	v16 =	vsel vm1, v24, v22;
	v20 =	vadd.f32 v25, v9;
	v21, v22, _ =	vpop (xrf1)  }
0x6d: {  	(xrf1) =	vsort.dscd.msk.f32 $0xffff, v15, v16;
	v15 =	vperm.xlane v21, v5;
	v16 =	vperm.xlane v22, v5;
	v21, v22, _ =	vpop (xrf1)  }
0x6e: {  	v23 =	vadd.f32 v26, v8;
	(xrf1) =	vsort.dscd.msk.f32 $0xffff, v14, v4;
	v21 =	vperm.xlane v21, v5;
	v14, v24, _ =	vpop (xrf1)  }
0x6f: {  	v22 =	vperm.xlane v22, v5;
	vm1 =	veq.f32 v14, v15;
	vm2 =	vlt.s32 v24, v16;
	v25, v26, _ =	vpop (xrf1)  }
0x70: {  	(xrf1) =	vsort.dscd.msk.f32 $0xffff, v13, v2;
	vm4 =	vgt.f32 v14, v15;
	vm3 =	vgt.f32 v25, v21;
	vm1 =	vmand vm1, vm2  }
0x71: {  	(xrf1) =	vsort.dscd.msk.f32 $0xffff, v20, v3;
	vm2 =	veq.f32 v25, v21;
	vm5 =	vlt.s32 v26, v22;
	vm1 =	vmor vm4, vm1  }
0x72: {  	(xrf1) =	vsort.dscd.msk.f32 $0xffff, v23, v0;
	vm2 =	vmand vm2, vm5;
	v14 =	vsel vm1, v14, v15;
	v15 =	vsel vm1, v24, v16;
	v13, v20, _ =	vpop (xrf1)  }
0x73: {  	vm1 =	vmor vm3, vm2;
	(xrf1) =	vsort.dscd.msk.f32 $0xffff, v14, v15;
	v13 =	vperm.xlane v13, v5;
	v14 =	vperm.xlane v20, v5  }
0x74: {  	v15 =	vsel vm1, v25, v21;
	v20, v21, _ =	vpop (xrf1)  }
0x75: {  	v16 =	vsel vm1, v26, v22;
	vm1 =	veq.f32 v20, v13;
	vm2 =	vlt.s32 v21, v14  }
0x76: {  	(xrf1) =	vsort.dscd.msk.f32 $0xffff, v15, v16;
	vm3 =	vgt.f32 v20, v13;
	vm1 =	vmand vm1, vm2  }
0x77: {  	vm1 =	vmor vm3, vm1  }
0x78: {  	v14 =	vsel vm1, v21, v14  }
0x79: {  	v13 =	vsel vm1, v20, v13;
	_ =	sdelay $0x2  }
0x7a: {  	(xrf1) =	vsort.dscd.msk.f32 $0xffff, v13, v14;
	v13, v14, _ =	vpop (xrf1)  }
0x7b: {  	v13 =	vperm.xlane v13, v5;
	v14 =	vperm.xlane v14, v5;
	v15, v16, _ =	vpop (xrf1)  }
0x7c: {  	s26 =	simm.s32 $0x500;
	v20, v21, _ =	vpop (xrf1)  }
0x7d: {  	v22 =	vld [tilespmem:s26+$0x10];
	vm1 =	veq.f32 v15, v13;
	vm2 =	vlt.s32 v16, v14;
	v23, v25, _ =	vpop (xrf1)  }
0x7e: {  	v24 =	vld [tilespmem:s26+$0x30];
	vm3 =	vgt.f32 v15, v13;
	vm1 =	vmand vm1, vm2;
	v26, v27, _ =	vpop (xrf1)  }
0x7f: {  	v28 =	vld [tilespmem:s26+$0xFFFFFF30];
	vm1 =	vmor vm3, vm1;
	v29, v30, _ =	vpop (xrf1)  }
0x80: {  	v13 =	vsel vm1, v15, v13;
	v31, v60, _ =	vpop (xrf1)  }
0x81: {  	v14 =	vsel vm1, v16, v14;
	v16 =	vperm.xlane v31, v5;
	v31 =	vperm.xlane v60, v5  }
0x82: {  	v15 =	vld [tilespmem:s26+$0xFFFFFF10];
	(xrf1) =	vsort.dscd.msk.f32 $0xffff, v13, v14;
	v14 =	vadd.f32 v22, v10;
	v22, v61, _ =	vpop (xrf1)  }
0x83: {  	v24 =	vadd.f32 v24, v11;
	v13 =	vld [tilespmem:s26+$0xFFFFFF20];
	vm1 =	veq.f32 v22, v16;
	vm2 =	vlt.s32 v61, v31  }
0x84: {  	(xrf1) =	vsort.dscd.msk.f32 $0xffff, v14, v2;
	v14 =	vadd.f32 v28, v11;
	vm3 =	vgt.f32 v22, v16;
	vm1 =	vmand vm1, vm2  }
0x85: {  	v62 =	vld [tilespmem:s26+$0x0];
	(xrf1) =	vsort.dscd.msk.f32 $0xffff, v24, v4;
	vm1 =	vmor vm3, vm1  }
0x86: {  	v34 =	vld [tilespmem:s26+$0x20];
	(xrf1) =	vsort.dscd.msk.f32 $0xffff, v14, v4;
	v14 =	vsel vm1, v22, v16;
	v16 =	vsel vm1, v61, v31  }
0x87: {  	v15 =	vadd.f32 v15, v10;
	(xrf1) =	vsort.dscd.msk.f32 $0xffff, v14, v16  }
0x88: {  	_, v24, _ =	vpop (xrf1);
	v13 =	vadd.f32 v13, v9  }
0x89: {  	s28 =	simm.s32 $0x300;
	(xrf1) =	vsort.dscd.msk.f32 $0xffff, v15, v2;
	v15 =	vand.u32 $0xFFFFFF80, v24  }
0x8a: {  	v14 =	vadd.f32 v62, v8;
	(xrf1) =	vsort.dscd.msk.f32 $0xffff, v13, v3;
	v13 =	vand.u32 $0x7F, v24;
	v15 =	vadd.s32 s28, v15  }
0x8b: {  	v16 =	vadd.f32 v34, v9;
	v13 =	vor.u32 v13, v15  }
0x8c: {  	(xrf1) =	vsort.dscd.msk.f32 $0xffff, v14, v0;
	v14 =	vperm.xlane v20, v5;
	v15 =	vperm.xlane v21, v5  }
0x8d: {  	v22 =	vperm.xlane v25, v5;
	(xrf1) =	vsort.dscd.msk.f32 $0xffff, v16, v3;
	v16 =	vld [tilespmem:s26+$0xFFFFFF00]  }
0x8e: {  	v20 =	vperm.xlane v23, v5;
	vm1 =	veq.f32 v26, v14;
	vm2 =	vlt.s32 v27, v15  }
0x8f: {  	vm3 =	vgt.f32 v26, v14;
	vm1 =	vmand vm1, vm2  }
0x90: {  	vm2 =	veq.f32 v29, v20;
	vm1 =	vmor vm3, vm1;
	vm3 =	vlt.s32 v30, v22;
	v21 =	vld.idx.msk [tilespmem:v13+s3+$0x0], $0xffff  }
0x91: {  	[tilespmem:v24+s11+$0x0] =	vst.idx.add.f32.msk $0xff, v6;
	vm2 =	vmand vm2, vm3;
	vm3 =	vgt.f32 v29, v20;
	_, v23, _ =	vpop (xrf1);
	v14 =	vsel vm1, v26, v14  }
0x92: {  	v15 =	vsel vm1, v27, v15;
	v13 =	vadd.f32 v16, v8;
	v16 =	vld [tilespmem:s15+$0xB0];
	vm1 =	vmor vm3, vm2;
	v26, v27, _ =	vpop (xrf1)  }
0x93: {  	v28 =	vld [tilespmem:s15+$0x90];
	v20 =	vsel vm1, v29, v20;
	v29, v63, _ =	vpop (xrf1)  }
0x94: {  	s29 =	simm.s32 $0x200;
	v25 =	vnsel vm0, $0x0, v12;
	v31 =	vand.u32 $0x7F, v23;
	v40 =	vld [tilespmem:s15+$0xA0];
	(xrf1) =	vsort.dscd.msk.f32 $0xffff, v13, v0;
	v13 =	vand.u32 $0xFFFFFF80, v23;
	v41, v35, _ =	vpop (xrf1)  }
0x95: {  	v22 =	vsel vm1, v30, v22;
	v30 =	vperm.xlane v26, v5;
	v13 =	vadd.s32 s29, v13;
	_, v26, _ =	vpop (xrf1)  }
0x96: {  	s30 =	simm.s32 $0x180;
	(xrf2) =	vadd.scan.msk.f32 $0xffff, v25;
	v36 =	vld [tilespmem:s15+$0x80];
	v13 =	vor.u32 v31, v13;
	v31 =	vand.u32 $0xFFFFFF80, v26  }
0x97: {  	v25 =	vperm.xlane v27, v5;
	(xrf1) =	vsort.dscd.msk.f32 $0xffff, v14, v15;
	v16 =	vadd.f32 v16, v11;
	v31 =	vadd.s32 s30, v31  }
0x98: {  	v27 =	vperm.xlane v29, v5;
	(xrf1) =	vsort.dscd.msk.f32 $0xffff, v20, v22;
	v22 =	vadd.f32 v28, v10;
	v15, v29, _ =	vpop (xrf1);
	v28 =	vand.u32 $0x7F, v26  }
0x99: {  	v33 =	vadd.f32 v40, v9;
	v20, v42, _ =	vpop (xrf1);
	(xrf1) =	vsort.dscd.msk.f32 $0xffff, v16, v4  }
0x9a: {  	v14 =	vperm.xlane v63, v5;
	v37, v38, _ =	vpop (xrf1);
	v16 =	vor.u32 v28, v31;
	(xrf1) =	vsort.dscd.msk.f32 $0xffff, v22, v2  }
0x9b: {  	v36 =	vadd.f32 v36, v8;
	vm1 =	veq.f32 v37, v30;
	(xrf1) =	vsort.dscd.msk.f32 $0xffff, v33, v3;
	v28, v31, _ =	vpop (xrf1)  }
0x9c: {  	vm4 =	vlt.s32 v38, v25;
	vm2 =	veq.f32 v28, v27;
	vm3 =	vlt.s32 v31, v14  }
0x9d: {  	v22 =	vld.idx.msk [tilespmem:v13+s3+$0x0], $0xffff;
	(xrf1) =	vsort.dscd.msk.f32 $0xffff, v36, v0;
	vm5 =	vgt.f32 v28, v27;
	vm2 =	vmand vm2, vm3  }
0x9e: {  	[tilespmem:v23+s11+$0x0] =	vst.idx.add.f32.msk $0xff, v6;
	vm1 =	vmand vm1, vm4;
	vm3 =	vgt.f32 v37, v30;
	vm2 =	vmor vm5, vm2  }
0x9f: {  	v15 =	vperm.xlane v15, v5;
	v16 =	vld.idx.msk [tilespmem:v16+s3+$0x0], $0xffff;
	vm1 =	vmor vm3, vm1;
	v13 =	vsel vm2, v28, v27  }
0xa0: {  	v14 =	vsel vm2, v31, v14;
	v27 =	vsel vm1, v37, v30;
	v28 =	vperm.xlane v35, v5  }
0xa1: {  	(xrf1) =	vsort.dscd.msk.f32 $0xffff, v13, v14;
	v13 =	vsel vm1, v38, v25;
	v14 =	vld [tilespmem:s15+$0xFFFFFFB0];
	v25 =	vperm.xlane v41, v5  }
0xa2: {  	v30, v31, _ =	vpop (xrf1);
	(xrf1) =	vsort.dscd.msk.f32 $0xffff, v27, v13;
	v13 =	vld [tilespmem:s15+$0xFFFFFF90];
	v27 =	vperm.xlane v29, v5;
	v29 =	vnsel vm0, $0x0, v19;
	vm3 =	vlt.s32 v42, v28  }
0xa3: {  	v43 =	vld [tilespmem:s15+$0xFFFFFFA0];
	vm4 =	veq.f32 v30, v15;
	vm1 =	vgt.f32 v20, v25;
	vm2 =	veq.f32 v20, v25  }
0xa4: {  	v44, _, _ =	vpop (xrf2);
	(xrf2) =	vadd.scan.msk.f32 $0xffff, v29;
	v16 =	vnsel vm0, $0x0, v16;
	vm5 =	vlt.s32 v31, v27;
	vm2 =	vmand vm2, vm3  }
0xa5: {  	v45 =	vld [tilespmem:s15+$0xFFFFFF80];
	vm3 =	vmand vm4, vm5;
	vm1 =	vmor vm1, vm2;
	vm2 =	vgt.f32 v30, v15  }
0xa6: {  	(xrf2) =	vadd.scan.msk.f32 $0xffff, v16;
	v29, v46, _ =	vpop (xrf1);
	v20 =	vsel vm1, v20, v25;
	v25 =	vsel vm1, v42, v28;
	v14 =	vadd.f32 v14, v11  }
0xa7: {  	v28, v32, _ =	vpop (xrf1);
	vm1 =	vmor vm2, vm3;
	(xrf1) =	vsort.dscd.msk.f32 $0xffff, v20, v25;
	v13 =	vadd.f32 v13, v10  }
0xa8: {  	v15 =	vsel vm1, v30, v15;
	v20 =	vsel vm1, v31, v27;
	v25 =	vadd.f32 v43, v9;
	v27, v30, _ =	vpop (xrf1)  }
0xa9: {  	(xrf1) =	vsort.dscd.msk.f32 $0xffff, v15, v20;
	v15 =	vperm.xlane v27, v5;
	v20 =	vperm.xlane v30, v5;
	v27, v30, _ =	vpop (xrf1)  }
0xaa: {  	(v2sf) =	vpush v44, $0xF;
	v31 =	vadd.f32 v45, v8;
	v27 =	vperm.xlane v27, v5;
	(xrf1) =	vsort.dscd.msk.f32 $0xffff, v14, v4;
	v14, v47, _ =	vpop (xrf1)  }
0xab: {  	v30 =	vperm.xlane v30, v5;
	vm1 =	veq.f32 v14, v15;
	vm2 =	vlt.s32 v47, v20;
	v48, v49, _ =	vpop (xrf1)  }
0xac: {  	(xrf1) =	vsort.dscd.msk.f32 $0xffff, v13, v2;
	vm4 =	vgt.f32 v14, v15;
	vm3 =	vgt.f32 v48, v27;
	vm1 =	vmand vm1, vm2  }
0xad: {  	(xrf1) =	vsort.dscd.msk.f32 $0xffff, v25, v3;
	vm2 =	veq.f32 v48, v27;
	vm5 =	vlt.s32 v49, v30;
	vm1 =	vmor vm4, vm1  }
0xae: {  	(xrf1) =	vsort.dscd.msk.f32 $0xffff, v31, v0;
	vm2 =	vmand vm2, vm5;
	v14 =	vsel vm1, v14, v15;
	v15 =	vsel vm1, v47, v20;
	v20, _, _ =	vpop (xrf2)  }
0xaf: {  	vm1 =	vmor vm3, vm2;
	v13, v25, _ =	vpop (xrf1);
	(xrf1) =	vsort.dscd.msk.f32 $0xffff, v14, v15  }
0xb0: {  	v27 =	vsel vm1, v48, v27;
	v30 =	vsel vm1, v49, v30;
	v31, _, _ =	vpop (xrf2)  }
0xb1: {  	v13 =	vperm.xlane v13, v5;
	v25 =	vperm.xlane v25, v5;
	(xrf1) =	vsort.dscd.msk.f32 $0xffff, v27, v30;
	(v2sf) =	vpush v31, $0xF  }
0xb2: {  	v14, v15, _ =	vpop (xrf1)  }
0xb3: {  	vm1 =	veq.f32 v14, v13;
	vm2 =	vlt.s32 v15, v25  }
0xb4: {  	vm3 =	vgt.f32 v14, v13;
	vm1 =	vmand vm1, vm2  }
0xb5: {  	vm1 =	vmor vm3, vm1  }
0xb6: {  	v13 =	vsel vm1, v14, v13;
	v14 =	vsel vm1, v15, v25  }
0xb7: {  	v15, v25, _ =	vpop (xrf1);
	(xrf1) =	vsort.dscd.msk.f32 $0xffff, v13, v14;
	v13 =	vperm.xlane v29, v5;
	v14 =	vperm.xlane v46, v5  }
0xb8: {  	v15 =	vperm.xlane v15, v5;
	v25 =	vperm.xlane v25, v5;
	v27, v29, _ =	vpop (xrf1)  }
0xb9: {  	s15 =	simm.s32 $0x700;
	v30, v31, _ =	vpop (xrf1);
	vm1 =	veq.f32 v28, v13;
	vm2 =	vgt.f32 v28, v13;
	vm3 =	vlt.s32 v32, v14  }
0xba: {  	v50 =	vld [tilespmem:s15+$0x10];
	vm4 =	vlt.s32 v29, v25;
	v51, v52, _ =	vpop (xrf1);
	vm1 =	vmand vm1, vm3;
	vm3 =	veq.f32 v27, v15  }
0xbb: {  	v53 =	vld [tilespmem:s15+$0x30];
	v54, v55, _ =	vpop (xrf1);
	vm1 =	vmor vm2, vm1;
	vm2 =	vgt.f32 v27, v15;
	vm3 =	vmand vm3, vm4  }
0xbc: {  	s31 =	spop (v2sf);
	v56, v39, _ =	vpop (xrf1);
	v13 =	vsel vm1, v28, v13;
	v14 =	vsel vm1, v32, v14;
	vm1 =	vmor vm2, vm3;
	v28 =	vld [tilespmem:s15+$0xFFFFFF30]  }
0xbd: {  	s17 =	sadd.f32 $9.999999680e-21, s31;
	(xrf1) =	vsort.dscd.msk.f32 $0xffff, v13, v14;
	v13 =	vsel vm1, v27, v15;
	v15, v27, _ =	vpop (xrf1)  }
0xbe: {  	v14 =	vld [tilespmem:s15+$0xFFFFFF10];
	v25 =	vsel vm1, v29, v25;
	v15 =	vperm.xlane v15, v5  }
0xbf: {  	v40 =	vmov s17;
	v27 =	vperm.xlane v27, v5;
	(xrf1) =	vsort.dscd.msk.f32 $0xffff, v13, v25;
	v25 =	vadd.f32 v50, v10;
	v29, v57, _ =	vpop (xrf1)  }
0xc0: {  	v36 =	vadd.f32 v53, v11;
	v59 =	vperm.xlane v52, v5;
	v13 =	vld [tilespmem:s15+$0xFFFFFF20];
	s18 =	spop (v2sf);
	vm1 =	veq.f32 v29, v15  }
0xc1: {  	(erf) = vrcp.f32 v40;
	vm2 =	vlt.s32 v57, v27;
	(xrf1) =	vsort.dscd.msk.f32 $0xffff, v25, v2;
	s17 =	sadd.f32 $9.999999680e-21, s18;
	v25 =	vadd.f32 v28, v11  }
0xc2: {  	v58 =	vld [tilespmem:s15+$0x0];
	(v2sf) =	vpush v20, $0xF;
	vm3 =	vgt.f32 v29, v15;
	vm1 =	vmand vm1, vm2;
	(xrf1) =	vsort.dscd.msk.f32 $0xffff, v36, v4  }
0xc3: {  	v14 =	vadd.f32 v14, v10;
	vm1 =	vmor vm3, vm1;
	v28 =	vmov s17;
	(xrf1) =	vsort.dscd.msk.f32 $0xffff, v25, v4  }
0xc4: {  	v41 =	vld [tilespmem:s15+$0x20];
	v15 =	vsel vm1, v29, v15;
	v20 =	vsel vm1, v57, v27;
	v25 =	vperm.xlane v30, v5  }
0xc5: {  	v27 =	vadd.f32 v13, v9;
	(erf) = vrcp.f32 v28;
	v28 =	vperm.xlane v31, v5;
	(xrf1) =	vsort.dscd.msk.f32 $0xffff, v15, v20;
	_, v13, _ =	vpop (xrf1)  }
0xc6: {  	s19 =	simm.s32 $0x500;
	v30 =	vnsel vm0, $0x0, v22;
	v31 =	vperm.xlane v51, v5;
	(xrf1) =	vsort.dscd.msk.f32 $0xffff, v14, v2;
	v14 =	vand.u32 $0xFFFFFF80, v13  }
0xc7: {  	v15 =	vadd.f32 v58, v8;
	(xrf1) =	vsort.dscd.msk.f32 $0xffff, v27, v3;
	v27 =	vand.u32 $0x7F, v13;
	v14 =	vadd.s32 s19, v14  }
0xc8: {  	v29 =	vld [tilespmem:s15+$0xFFFFFF00];
	vm1 =	veq.f32 v54, v25;
	vm2 =	vlt.s32 v55, v28;
	v14 =	vor.u32 v27, v14  }
0xc9: {  	v20 =	vadd.f32 v41, v9;
	(xrf2) =	vadd.scan.msk.f32 $0xffff, v30;
	vm3 =	vgt.f32 v54, v25;
	vm1 =	vmand vm1, vm2  }
0xca: {  	vm2 =	veq.f32 v56, v31;
	(xrf1) =	vsort.dscd.msk.f32 $0xffff, v15, v0;
	vm1 =	vmor vm3, vm1;
	vm3 =	vlt.s32 v39, v59  }
0xcb: {  	(xrf1) =	vsort.dscd.msk.f32 $0xffff, v20, v3;
	vm2 =	vmand vm2, vm3  }
0xcc: {  	v25 =	vsel vm1, v54, v25;
	v60 =	vsel vm1, v55, v28;
	vm1 =	vgt.f32 v56, v31  }
0xcd: {  	v15 =	vpop (erf);
	v29 =	vadd.f32 v29, v8;
	vm1 =	vmor vm1, vm2;
	v14 =	vld.idx.msk [tilespmem:v14+s3+$0x0], $0xffff  }
0xce: {  	v15 =	vmul.f32 v15, v12;
	v31 =	vsel vm1, v56, v31;
	_, v27, _ =	vpop (xrf1);
	[tilespmem:v13+s11+$0x0] =	vst.idx.add.f32.msk $0xff, v6  }
0xcf: {  	s20 =	simm.s32 $0x80;
	v33 =	vsel vm1, v39, v59;
	v20 =	vand.u32 $0xFFFFFF80, v27;
	_, v12, _ =	vpop (xrf1);
	v28 =	vand.u32 $0x7F, v27;
	v63 =	vld [tilespmem:s26+$0xB0]  }
0xd0: {  	s21 =	simm.s32 $0x400;
	v62 =	vpop (erf);
	v61 =	vadd.s32 s20, v20;
	v20 =	vperm.xlane v27, v7;
	v48 =	vand.u32 $0xFFFFFF80, v12;
	v43 =	vld [tilespmem:s26+$0x90]  }
0xd1: {  	(xrf1) =	vsort.dscd.msk.f32 $0xffff, v29, v0;
	v49 =	vand.u32 $0x7F, v12;
	v30 =	vmul.f32 v62, v16;
	v50, v42, _ =	vpop (xrf1);
	v51 =	vadd.s32 s21, v48;
	v44 =	vld [tilespmem:s26+$0xA0];
	s22 =	spop (v2sf)  }
0xd2: {  	v29 =	vor.u32 v28, v61;
	v16 =	vld [tilespmem:s26+$0x80];
	v52, v53, _ =	vpop (xrf1);
	v54 =	vperm.xlane v50, v5;
	v57 =	vperm.xlane v42, v5;
	s17 =	sadd.f32 $9.999999680e-21, s22  }
0xd3: {  	v32 =	vor.u32 v49, v51;
	v50, _, _ =	vpop (xrf2);
	v30 =	vperm.xlane v30, v7;
	v38 =	vperm.xlane v52, v5  }
0xd4: {  	(xrf1) =	vsort.dscd.msk.f32 $0xffff, v25, v60;
	v25 =	vperm.xlane v53, v5;
	(v2sf) =	vpush v50, $0xF;
	v55, v56, _ =	vpop (xrf1);
	v62 =	vmov s17  }
0xd5: {  	_, v28, _ =	vpop (xrf1);
	(erf) = vrcp.f32 v62;
	v36 =	vperm.xlane v55, v5;
	v37 =	vadd.f32 v63, v11  }
0xd6: {  	(xrf1) =	vsort.dscd.msk.f32 $0xffff, v31, v33;
	v52 =	vperm.xlane v56, v5;
	v58, v59, _ =	vpop (xrf1);
	v60 =	vand.u32 $0xFFFFFF80, v28;
	v43 =	vadd.f32 v43, v10  }
0xd7: {  	s18 =	simm.s32 $0x380;
	v45 =	vand.u32 $0x7F, v28;
	v44 =	vadd.f32 v44, v9;
	v16 =	vadd.f32 v16, v8;
	v31, v33, _ =	vpop (xrf1);
	(xrf1) =	vsort.dscd.msk.f32 $0xffff, v37, v4  }
0xd8: {  	v42 =	vadd.s32 s18, v60;
	v34 =	vperm.xlane v58, v5;
	v39 =	vperm.xlane v59, v5;
	v46, v47, _ =	vpop (xrf1);
	(xrf1) =	vsort.dscd.msk.f32 $0xffff, v43, v2  }
0xd9: {  	v61 =	vor.u32 v45, v42;
	vm1 =	veq.f32 v46, v54;
	v63, v48, _ =	vpop (xrf1);
	vm4 =	vlt.s32 v47, v57  }
0xda: {  	vm2 =	veq.f32 v63, v38;
	vm3 =	vlt.s32 v48, v25;
	(xrf1) =	vsort.dscd.msk.f32 $0xffff, v44, v3  }
0xdb: {  	vm5 =	vgt.f32 v63, v38;
	vm2 =	vmand vm2, vm3;
	(xrf1) =	vsort.dscd.msk.f32 $0xffff, v16, v0;
	v16 =	vld.idx.msk [tilespmem:v32+s3+$0x0], $0xffff  }
0xdc: {  	vm1 =	vmand vm1, vm4;
	vm3 =	vgt.f32 v46, v54;
	[tilespmem:v12+s11+$0x0] =	vst.idx.add.f32.msk $0xff, v6;
	vm2 =	vmor vm5, vm2  }
0xdd: {  	vm1 =	vmor vm3, vm1;
	v56 =	vld [tilespmem:s26+$0xFFFFFFA0];
	v49 =	vsel vm2, v63, v38;
	v25 =	vsel vm2, v48, v25  }
0xde: {  	v37 =	vld.idx.msk [tilespmem:v61+s3+$0x0], $0xffff;
	v35 =	vsel vm1, v46, v54;
	v40 =	vsel vm1, v47, v57;
	(xrf1) =	vsort.dscd.msk.f32 $0xffff, v49, v25  }
0xdf: {  	v51 =	vld [tilespmem:s26+$0xFFFFFFB0];
	vm3 =	vlt.s32 v33, v52;
	vm2 =	veq.f32 v31, v36;
	(xrf1) =	vsort.dscd.msk.f32 $0xffff, v35, v40  }
0xe0: {  	v55, v54, _ =	vpop (xrf1);
	vm1 =	vgt.f32 v31, v36;
	v25 =	vnsel vm0, $0x0, v21;
	vm2 =	vmand vm2, vm3  }
0xe1: {  	vm4 =	veq.f32 v55, v34;
	vm5 =	vlt.s32 v54, v39;
	(xrf2) =	vadd.scan.msk.f32 $0xffff, v25;
	vm1 =	vmor vm1, vm2  }
0xe2: {  	v53 =	vld [tilespmem:s26+$0xFFFFFF90];
	v31 =	vsel vm1, v31, v36;
	v33 =	vsel vm1, v33, v52;
	v60 =	vadd.f32 v56, v9;
	v56 =	vpop (erf)  }
0xe3: {  	v57 =	vld [tilespmem:s26+$0xFFFFFF80];
	vm3 =	vmand vm4, vm5;
	vm2 =	vgt.f32 v55, v34;
	v25 =	vnsel vm0, $0x0, v37;
	v37, v44, _ =	vpop (xrf1);
	(xrf1) =	vsort.dscd.msk.f32 $0xffff, v31, v33  }
0xe4: {  	v20 =	vsel vm0, v18, v20;
	vm1 =	vmor vm2, vm3;
	v32 =	vadd.f32 v51, v11;
	(xrf2) =	vadd.scan.msk.f32 $0xffff, v25;
	v36, v38, _ =	vpop (xrf1)  }
0xe5: {  	v58 =	vsel vm1, v55, v34;
	v59 =	vsel vm1, v54, v39;
	v19 =	vmul.f32 v56, v19;
	v62, v61, _ =	vpop (xrf1)  }
0xe6: {  	s23 =	spop (v2sf);
	(xrf1) =	vsort.dscd.msk.f32 $0xffff, v58, v59;
	v18 =	vperm.xlane v44, v5;
	v63 =	vperm.xlane v62, v5;
	v49, v50, _ =	vpop (xrf1)  }
0xe7: {  	v31 =	vadd.f32 v53, v10;
	s16 =	sadd.f32 $9.999999680e-21, s23;
	v48 =	vperm.xlane v61, v5;
	v39 =	vperm.xlane v49, v5  }
0xe8: {  	v51 =	vadd.f32 v57, v8;
	v53, v52, _ =	vpop (xrf1);
	v40 =	vperm.xlane v50, v5;
	v49 =	vperm.xlane v26, v7  }
0xe9: {  	(xrf1) =	vsort.dscd.msk.f32 $0xffff, v32, v4;
	v50 =	vmov s16;
	vm1 =	veq.f32 v53, v63;
	vm2 =	vlt.s32 v52, v48;
	v55, v54, _ =	vpop (xrf1)  }
0xea: {  	(xrf1) =	vsort.dscd.msk.f32 $0xffff, v31, v2;
	vm4 =	vgt.f32 v53, v63;
	vm3 =	vgt.f32 v55, v39;
	vm1 =	vmand vm1, vm2  }
0xeb: {  	(xrf1) =	vsort.dscd.msk.f32 $0xffff, v60, v3;
	v31, _, _ =	vpop (xrf2);
	vm2 =	veq.f32 v55, v39;
	vm5 =	vlt.s32 v54, v40;
	vm1 =	vmor vm4, vm1  }
0xec: {  	(xrf1) =	vsort.dscd.msk.f32 $0xffff, v51, v0;
	vm2 =	vmand vm2, vm5;
	v58, v57, _ =	vpop (xrf1);
	v32 =	vsel vm1, v53, v63;
	v59 =	vsel vm1, v52, v48  }
0xed: {  	vm1 =	vmor vm3, vm2;
	v60 =	vperm.xlane v58, v5;
	v62, v61, _ =	vpop (xrf1);
	(xrf1) =	vsort.dscd.msk.f32 $0xffff, v32, v59;
	v63 =	vperm.xlane v57, v5  }
0xee: {  	(erf) = vrcp.f32 v50;
	v46 =	vsel vm1, v55, v39;
	v47 =	vsel vm1, v54, v40;
	v48, _, _ =	vpop (xrf2)  }
0xef: {  	(xrf1) =	vsort.dscd.msk.f32 $0xffff, v46, v47;
	(v2sf) =	vpush v48, $0xF;
	vm1 =	veq.f32 v62, v60;
	vm2 =	vlt.s32 v61, v63  }
0xf0: {  	vm3 =	vgt.f32 v62, v60;
	(v2sf) =	vpush v31, $0xF;
	vm1 =	vmand vm1, vm2  }
0xf1: {  	v31 =	vsel vm0, v19, v30;
	v30 =	vsel vm0, v17, v49;
	vm1 =	vmor vm3, vm1  }
0xf2: {  	v17 =	vperm.xlane v37, v5;
	v19, v51, _ =	vpop (xrf1);
	v34 =	vsel vm1, v62, v60;
	v32 =	vsel vm1, v61, v63  }
0xf3: {  	v19 =	vperm.xlane v19, v5;
	(xrf1) =	vsort.dscd.msk.f32 $0xffff, v34, v32;
	v32 =	vperm.xlane v51, v5  }
0xf4: {  	v29 =	vld.idx.msk [tilespmem:v29+s3+$0x0], $0xffff;
	s16 =	simm.s32 $0x900;
	vm2 =	vgt.f32 v36, v17;
	vm3 =	vlt.s32 v38, v18;
	v53, v52, _ =	vpop (xrf1);
	vm1 =	veq.f32 v36, v17  }
0xf5: {  	v56 =	vld [tilespmem:s16+$0x10];
	vm1 =	vmand vm1, vm3;
	vm3 =	veq.f32 v53, v19;
	vm4 =	vlt.s32 v52, v32  }
0xf6: {  	vm1 =	vmor vm2, vm1;
	vm2 =	vgt.f32 v53, v19;
	vm3 =	vmand vm3, vm4  }
0xf7: {  	v57 =	vld [tilespmem:s16+$0x30];
	v54, v55, _ =	vpop (xrf1);
	v17 =	vsel vm1, v36, v17;
	v18 =	vsel vm1, v38, v18;
	vm1 =	vmor vm2, vm3  }
0xf8: {  	v59 =	vld [tilespmem:s16+$0xFFFFFF30];
	v58, v42, _ =	vpop (xrf1);
	(xrf1) =	vsort.dscd.msk.f32 $0xffff, v17, v18;
	v17 =	vsel vm1, v53, v19  }
0xf9: {  	v29 =	vnsel vm0, $0x0, v29;
	v38, v43, _ =	vpop (xrf1)  }
0xfa: {  	v39 =	vadd.f32 v56, v10;
	v35 =	vperm.xlane v54, v5;
	v33, v34, _ =	vpop (xrf1);
	v18 =	vsel vm1, v52, v32;
	v19 =	vld [tilespmem:s16+$0xFFFFFF10]  }
0xfb: {  	v60 =	vnsel vm0, $0x0, v16;
	v37 =	vperm.xlane v55, v5;
	v41 =	vperm.xlane v58, v5;
	(xrf1) =	vsort.dscd.msk.f32 $0xffff, v17, v18;
	v18 =	vld [tilespmem:s16+$0xFFFFFF20];
	v17, v61, _ =	vpop (xrf1)  }
0xfc: {  	(xrf2) =	vadd.scan.msk.f32 $0xffff, v29;
	v62 =	vpop (erf);
	v48 =	vadd.f32 v57, v11;
	v63 =	vperm.xlane v17, v5;
	v44 =	vperm.xlane v61, v5  }
0xfd: {  	(xrf2) =	vadd.scan.msk.f32 $0xffff, v60;
	v36 =	vadd.f32 v59, v11;
	v59 =	vperm.xlane v42, v5;
	v17 =	vmul.f32 v62, v22;
	v22 =	vld [tilespmem:s16+$0x0];
	v50, v49, _ =	vpop (xrf1)  }
0xfe: {  	(xrf1) =	vsort.dscd.msk.f32 $0xffff, v39, v2;
	s24 =	spop (v2sf);
	vm1 =	veq.f32 v50, v63;
	vm2 =	vlt.s32 v49, v44  }
0xff: {  	v51 =	vld [tilespmem:s16+$0x20];
	vm4 =	vlt.s32 v34, v59;
	(xrf1) =	vsort.dscd.msk.f32 $0xffff, v48, v4;
	vm3 =	vgt.f32 v50, v63;
	s17 =	sadd.f32 $9.999999680e-21, s24;
	vm1 =	vmand vm1, vm2  }
0x100: {  	(xrf1) =	vsort.dscd.msk.f32 $0xffff, v36, v4;
	v19 =	vadd.f32 v19, v10;
	v52 =	vadd.f32 v18, v9;
	s25 =	spop (v2sf);
	vm1 =	vmor vm3, vm1  }
0x101: {  	s18 =	sadd.f32 $9.999999680e-21, s25;
	v55 =	vmov s17;
	v53 =	vsel vm1, v50, v63;
	v54 =	vsel vm1, v49, v44;
	_, v18, _ =	vpop (xrf1)  }
0x102: {  	s26 =	simm.s32 $0x700;
	v22 =	vadd.f32 v22, v8;
	(erf) = vrcp.f32 v55;
	(xrf1) =	vsort.dscd.msk.f32 $0xffff, v53, v54;
	v56 =	vand.u32 $0xFFFFFF80, v18  }
0x103: {  	v58 =	vand.u32 $0x7F, v18;
	(xrf1) =	vsort.dscd.msk.f32 $0xffff, v19, v2;
	v19 =	vmov s18;
	v32 =	vadd.s32 s26, v56  }
0x104: {  	v57 =	vld [tilespmem:s16+$0xFFFFFF00];
	v39 =	vadd.f32 v51, v9;
	(xrf1) =	vsort.dscd.msk.f32 $0xffff, v52, v3;
	(erf) = vrcp.f32 v19;
	v19 =	vor.u32 v58, v32  }
0x105: {  	vm2 =	vlt.s32 v43, v37;
	vm1 =	veq.f32 v38, v35;
	(xrf1) =	vsort.dscd.msk.f32 $0xffff, v22, v0  }
0x106: {  	vm3 =	vgt.f32 v38, v35;
	vm1 =	vmand vm1, vm2;
	vm2 =	veq.f32 v33, v41;
	(xrf1) =	vsort.dscd.msk.f32 $0xffff, v39, v3  }
0x107: {  	v60, _, _ =	vpop (xrf2);
	vm1 =	vmor vm3, vm1;
	vm2 =	vmand vm2, vm4  }
0x108: {  	v61, _, _ =	vpop (xrf2);
	v35 =	vsel vm1, v38, v35;
	v37 =	vsel vm1, v43, v37;
	vm1 =	vgt.f32 v33, v41  }
0x109: {  	v36 =	vadd.f32 v57, v8;
	(v2sf) =	vpush v60, $0xF;
	vm1 =	vmor vm1, vm2;
	_, v32, _ =	vpop (xrf1);
	v22 =	vld.idx.msk [tilespmem:v19+s3+$0x0], $0xffff  }
0x10a: {  	s28 =	simm.s32 $0x280;
	(v2sf) =	vpush v61, $0xF;
	v33 =	vsel vm1, v33, v41;
	v62 =	vand.u32 $0xFFFFFF80, v32;
	_, v19, _ =	vpop (xrf1);
	[tilespmem:v18+s11+$0x0] =	vst.idx.add.f32.msk $0xff, v6  }
0x10b: {  	v34 =	vsel vm1, v34, v59;
	v63 =	vand.u32 $0x7F, v32;
	(xrf1) =	vsort.dscd.msk.f32 $0xffff, v36, v0;
	v48 =	vadd.s32 s28, v62;
	v51 =	vpop (erf);
	v52 =	vld [tilespmem:s15+$0xB0]  }
0x10c: {  	v49 =	vperm.xlane v32, v7;
	v50 =	vand.u32 $0xFFFFFF80, v19;
	(xrf1) =	vsort.dscd.msk.f32 $0xffff, v35, v37;
	v55, v56, _ =	vpop (xrf1);
	v57 =	vld [tilespmem:s15+$0x90];
	v36 =	vor.u32 v63, v48  }
0x10d: {  	s17 =	simm.s32 $0x600;
	v53 =	vand.u32 $0x7F, v19;
	v59 =	vld [tilespmem:s15+$0xA0];
	(xrf1) =	vsort.dscd.msk.f32 $0xffff, v33, v34;
	v25 =	vmul.f32 v51, v25;
	v33 =	vperm.xlane v55, v5;
	v61, v60, _ =	vpop (xrf1)  }
0x10e: {  	v63 =	vld [tilespmem:s15+$0x80];
	v54 =	vadd.s32 s17, v50;
	v38 =	vperm.xlane v56, v5;
	v62, v42, _ =	vpop (xrf1);
	v34 =	vperm.xlane v61, v5  }
0x10f: {  	v35 =	vor.u32 v53, v54;
	v53 =	vperm.xlane v28, v7;
	v39 =	vperm.xlane v60, v5;
	v58 =	vpop (erf)  }
0x110: {  	v23 =	vsel vm0, v23, v49;
	v25 =	vperm.xlane v25, v7;
	v37 =	vmul.f32 v58, v21;
	_, v21, _ =	vpop (xrf1)  }
0x111: {  	v44 =	vsel vm0, v24, v53;
	v52 =	vadd.f32 v52, v11;
	v46 =	vadd.f32 v57, v10;
	v54, v48, _ =	vpop (xrf1)  }
0x112: {  	s29 =	simm.s32 $0x580;
	[tilespmem:v26+s11+$0x0] =	vst.idx.add.f32.msk $0xff, v6;
	v40 =	vadd.f32 v59, v9;
	v37 =	vsel vm0, v37, v25;
	v25 =	vand.u32 $0xFFFFFF80, v21;
	v49, v50, _ =	vpop (xrf1)  }
0x113: {  	v58 =	vadd.f32 v63, v8;
	(xrf1) =	vsort.dscd.msk.f32 $0xffff, v52, v4;
	v24 =	vand.u32 $0x7F, v21;
	v25 =	vadd.s32 s29, v25;
	v55, v56, _ =	vpop (xrf1)  }
0x114: {  	v63 =	vperm.xlane v42, v5;
	(xrf1) =	vsort.dscd.msk.f32 $0xffff, v46, v2;
	v25 =	vor.u32 v24, v25;
	v57, v51, _ =	vpop (xrf1)  }
0x115: {  	vm1 =	veq.f32 v55, v33;
	vm2 =	veq.f32 v57, v34;
	vm3 =	vlt.s32 v51, v39  }
0x116: {  	(xrf1) =	vsort.dscd.msk.f32 $0xffff, v40, v3;
	vm4 =	vlt.s32 v56, v38;
	vm2 =	vmand vm2, vm3;
	vm3 =	vgt.f32 v57, v34  }
0x117: {  	v24 =	vld.idx.msk [tilespmem:v35+s3+$0x0], $0xffff;
	(xrf1) =	vsort.dscd.msk.f32 $0xffff, v58, v0;
	vm1 =	vmand vm1, vm4;
	vm2 =	vmor vm3, vm2;
	vm3 =	vgt.f32 v55, v33  }
0x118: {  	v62 =	vperm.xlane v62, v5;
	[tilespmem:v19+s11+$0x0] =	vst.idx.add.f32.msk $0xff, v6;
	vm1 =	vmor vm3, vm1;
	v34 =	vsel vm2, v57, v34  }
0x119: {  	v60 =	vsel vm2, v51, v39;
	vm2 =	vlt.s32 v50, v63;
	v33 =	vsel vm1, v55, v33  }
0x11a: {  	s30 =	spop (v2sf);
	v52 =	vld [tilespmem:s15+$0xFFFFFF90];
	(xrf1) =	vsort.dscd.msk.f32 $0xffff, v34, v60;
	v38 =	vsel vm1, v56, v38;
	vm1 =	veq.f32 v49, v62  }
0x11b: {  	s18 =	sadd.f32 $9.999999680e-21, s30;
	v58 =	vld [tilespmem:s15+$0xFFFFFF80];
	vm3 =	vgt.f32 v49, v62;
	vm1 =	vmand vm1, vm2  }
0x11c: {  	v53 =	vperm.xlane v54, v5;
	v61 =	vld.idx.msk [tilespmem:v25+s3+$0x0], $0xffff;
	v54, v55, _ =	vpop (xrf1);
	(xrf1) =	vsort.dscd.msk.f32 $0xffff, v33, v38;
	vm1 =	vmor vm3, vm1  }
0x11d: {  	v59 =	vmov s18;
	v51 =	vld [tilespmem:s15+$0xFFFFFFB0];
	v56 =	vperm.xlane v48, v5;
	v35 =	vsel vm1, v50, v63  }
0x11e: {  	[tilespmem:v27+s11+$0x0] =	vst.idx.add.f32.msk $0xff, v6;
	v26 =	vnsel vm0, $0x0, v14;
	v34 =	vsel vm1, v49, v62  }
0x11f: {  	(xrf2) =	vadd.scan.msk.f32 $0xffff, v26;
	(erf) = vrcp.f32 v59;
	v57 =	vld [tilespmem:s15+$0xFFFFFFA0];
	s15 =	simm.s32 $0x8090;
	vm2 =	veq.f32 v54, v53;
	vm3 =	vlt.s32 v55, v56  }
0x120: {  	s31 =	spop (v2sf);
	v41 =	vadd.f32 v52, v10;
	[tilespmem:s15+$0x0] =	vst v31;
	v59, v47, _ =	vpop (xrf1);
	vm2 =	vmand vm2, vm3;
	vm3 =	vgt.f32 v54, v53  }
0x121: {  	s18 =	sadd.f32 $9.999999680e-21, s31;
	v46 =	vadd.f32 v58, v8;
	v26 =	vnsel vm0, $0x0, v61;
	(xrf1) =	vsort.dscd.msk.f32 $0xffff, v34, v35;
	vm1 =	vmor vm3, vm2;
	v34, v35, _ =	vpop (xrf1)  }
0x122: {  	v40 =	vadd.f32 v51, v11;
	(xrf2) =	vadd.scan.msk.f32 $0xffff, v26;
	v31 =	vsel vm1, v54, v53;
	v33 =	vsel vm1, v55, v56;
	v42, v43, _ =	vpop (xrf1)  }
0x123: {  	v63 =	vmov s18;
	(xrf1) =	vsort.dscd.msk.f32 $0xffff, v31, v33;
	v31 =	vperm.xlane v42, v5;
	v60 =	vperm.xlane v43, v5;
	v61, v62, _ =	vpop (xrf1)  }
0x124: {  	s19 =	simm.s32 $0x8890;
	v38 =	vadd.f32 v57, v9;
	(erf) = vrcp.f32 v63;
	(xrf1) =	vsort.dscd.msk.f32 $0xffff, v40, v4;
	v42 =	vperm.xlane v61, v5;
	v53, v52, _ =	vpop (xrf1)  }
0x125: {  	[tilespmem:s19+$0x0] =	vst v30;
	v30 =	vperm.xlane v62, v5;
	vm1 =	veq.f32 v53, v31;
	vm2 =	vlt.s32 v52, v60;
	v55, v54, _ =	vpop (xrf1)  }
0x126: {  	v36 =	vld.idx.msk [tilespmem:v36+s3+$0x0], $0xffff;
	vm4 =	vgt.f32 v53, v31;
	vm3 =	vgt.f32 v55, v42;
	vm1 =	vmand vm1, vm2  }
0x127: {  	[tilespmem:v28+s11+$0x0] =	vst.idx.add.f32.msk $0xff, v6;
	vm2 =	veq.f32 v55, v42;
	vm5 =	vlt.s32 v54, v30;
	vm1 =	vmor vm4, vm1  }
0x128: {  	(xrf1) =	vsort.dscd.msk.f32 $0xffff, v41, v2;
	vm2 =	vmand vm2, vm5;
	v27 =	vsel vm1, v53, v31;
	v28, v31, _ =	vpop (xrf1);
	v56 =	vsel vm1, v52, v60  }
0x129: {  	(xrf1) =	vsort.dscd.msk.f32 $0xffff, v38, v3;
	vm1 =	vmor vm3, vm2;
	v28 =	vperm.xlane v28, v5;
	v31 =	vperm.xlane v31, v5  }
0x12a: {  	v39 =	vperm.xlane v59, v5;
	(xrf1) =	vsort.dscd.msk.f32 $0xffff, v46, v0;
	v58 =	vsel vm1, v55, v42;
	v61, v60, _ =	vpop (xrf1)  }
0x12b: {  	v25 =	vnsel vm0, $0x0, v36;
	v57, _, _ =	vpop (xrf2);
	(xrf1) =	vsort.dscd.msk.f32 $0xffff, v27, v56;
	vm2 =	veq.f32 v61, v28;
	vm3 =	vlt.s32 v60, v31  }
0x12c: {  	v30 =	vsel vm1, v54, v30;
	v59, _, _ =	vpop (xrf2);
	vm5 =	vgt.f32 v61, v28;
	vm2 =	vmand vm2, vm3  }
0x12d: {  	v63 =	vpop (erf);
	v62 =	vperm.xlane v47, v5;
	(v2sf) =	vpush v59, $0xF;
	(xrf1) =	vsort.dscd.msk.f32 $0xffff, v58, v30;
	vm2 =	vmor vm5, vm2  }
0x12e: {  	[tilespmem:v32+s11+$0x0] =	vst.idx.add.f32.msk $0xff, v6;
	v36 =	vnsel vm0, $0x0, v24;
	s18 =	simm.s32 $0x80B0;
	v40 =	vmul.f32 v63, v29;
	v30 =	vsel vm2, v61, v28  }
0x12f: {  	[tilespmem:s18+$0x0] =	vst v37;
	vm1 =	veq.f32 v34, v39;
	(v2sf) =	vpush v57, $0xF;
	vm3 =	vlt.s32 v35, v62  }
0x130: {  	(xrf2) =	vadd.scan.msk.f32 $0xffff, v25;
	vm4 =	vgt.f32 v34, v39;
	vm1 =	vmand vm1, vm3;
	v31 =	vsel vm2, v60, v31;
	v28, v29, _ =	vpop (xrf1)  }
0x131: {  	s20 =	simm.s32 $0x88B0;
	v27 =	vpop (erf);
	vm1 =	vmor vm4, vm1;
	v28 =	vperm.xlane v28, v5;
	v29 =	vperm.xlane v29, v5;
	(xrf1) =	vsort.dscd.msk.f32 $0xffff, v30, v31  }
0x132: {  	s21 =	simm.s32 $0x680;
	s22 =	simm.s32 $0x480;
	[tilespmem:s20+$0x0] =	vst v44;
	v33 =	vsel vm1, v34, v39;
	v34 =	vsel vm1, v35, v62;
	v31 =	vperm.xlane v40, v7;
	v32, v30, _ =	vpop (xrf1)  }
0x133: {  	s23 =	simm.s32 $0xC;
	s24 =	simm.s32 $0x8;
	s25 =	simm.s32 $0xB00;
	(xrf2) =	vadd.scan.msk.f32 $0xffff, v36;
	vm1 =	vgt.f32 v32, v28;
	vm2 =	veq.f32 v32, v28;
	vm3 =	vlt.s32 v30, v29;
	v36, v35, _ =	vpop (xrf1)  }
.LBB2_2:
0x134: {  	v37 =	vld [tilespmem:s25+$0x10];
	vm2 =	vmand vm2, vm3  }
0x135: {  	v36 =	vperm.xlane v36, v5;
	v35 =	vperm.xlane v35, v5;
	(xrf1) =	vsort.dscd.msk.f32 $0xffff, v33, v34;
	vm1 =	vmor vm1, vm2  }
0x136: {  	v16 =	vmul.f32 v27, v16;
	v15 =	vsel vm0, v15, v31;
	v33 =	vld [tilespmem:s25+$0x30];
	v34, v38, _ =	vpop (xrf1);
	v40 =	vsel vm1, v32, v28  }
0x137: {  	v27 =	vld [tilespmem:s25+$0xFFFFFF30];
	v41 =	vsel vm1, v30, v29;
	v30 =	vperm.xlane v34, v5;
	v31, v32, _ =	vpop (xrf1);
	[tilespmem:s15+$0xFFFFFFF0] =	vst v15;
	s15 =	smov.u32 s18;
	v34 =	vperm.xlane v38, v5  }
0x138: {  	v15 =	vld [tilespmem:s25+$0xFFFFFF10];
	(xrf1) =	vsort.dscd.msk.f32 $0xffff, v40, v41;
	vm1 =	veq.f32 v31, v36;
	vm2 =	vlt.s32 v32, v35;
	v28, v29, _ =	vpop (xrf1);
	[tilespmem:s19+$0xFFFFFFF0] =	vst v20;
	s19 =	smov.u32 s20  }
0x139: {  	vm3 =	vgt.f32 v31, v36;
	v20 =	vld [tilespmem:s25+$0xFFFFFF20];
	vm1 =	vmand vm1, vm2;
	v38, v39, _ =	vpop (xrf1);
	v46 =	vadd.f32 v37, v10  }
0x13a: {  	v40 =	vld [tilespmem:s25+$0xFFFFFF00];
	v38 =	vperm.xlane v38, v5;
	v39 =	vperm.xlane v39, v5;
	v41, _, _ =	vpop (xrf2);
	vm1 =	vmor vm3, vm1  }
0x13b: {  	vm2 =	veq.f32 v28, v30;
	v42 =	vld [tilespmem:s25+$0x0];
	v33 =	vadd.f32 v33, v11;
	v43, v44, _ =	vpop (xrf1);
	v31 =	vsel vm1, v31, v36  }
0x13c: {  	v45 =	vld [tilespmem:s25+$0x20];
	(xrf1) =	vsort.dscd.msk.f32 $0xffff, v46, v2;
	vm3 =	veq.f32 v43, v38;
	vm4 =	vlt.s32 v44, v39;
	s26 =	spop (v2sf);
	(v2sf) =	vpush v41, $0xF  }
0x13d: {  	v27 =	vadd.f32 v27, v11;
	vm5 =	vgt.f32 v43, v38;
	vm3 =	vmand vm3, vm4;
	v37, _, _ =	vpop (xrf2);
	s26 =	sadd.f32 $9.999999680e-21, s26  }
0x13e: {  	s24 =	sadd.s32 $0x2, s24;
	v41 =	vadd.f32 v15, v10;
	v20 =	vadd.f32 v20, v9;
	(xrf1) =	vsort.dscd.msk.f32 $0xffff, v33, v4;
	vm3 =	vmor vm5, vm3;
	s28 =	spop (v2sf)  }
0x13f: {  	s23 =	sadd.s32 $0x4, s23;
	p0 =	slt.u32 s24, $0x7E;
	v15 =	vmovc v17;
	(xrf1) =	vsort.dscd.msk.f32 $0xffff, v27, v4;
	v27 =	vsel vm3, v43, v38;
	v33 =	vsel vm3, v44, v39;
	s28 =	sadd.f32 $9.999999680e-21, s28;
	v38 =	vmov s26  }
0x140: {  	v39 =	vadd.f32 v40, v8;
	s26 =	sshll.u32 s23, $0x7;
	v40 =	vadd.f32 v42, v8;
	_, v42, _ =	vpop (xrf1);
	(xrf1) =	vsort.dscd.msk.f32 $0xffff, v27, v33;
	(erf) = vrcp.f32 v38  }
0x141: {  	v17 =	vmovc v16;
	s29 =	sadd.s32 $0x80, s26;
	s30 =	sadd.s32 $0x100, s26;
	v33 =	vadd.f32 v45, v9;
	(xrf1) =	vsort.dscd.msk.f32 $0xffff, v41, v2;
	v43 =	vand.u32 $0xFFFFFF80, v42;
	v38 =	vmov s28  }
0x142: {  	v16 =	vand.u32 $0x7F, v42;
	(xrf1) =	vsort.dscd.msk.f32 $0xffff, v20, v3;
	v41 =	vadd.s32 s30, v43;
	(erf) = vrcp.f32 v38;
	v20 =	vmovc v23  }
0x143: {  	vm3 =	vlt.s32 v29, v34;
	(xrf1) =	vsort.dscd.msk.f32 $0xffff, v40, v0;
	v23 =	vor.u32 v16, v41;
	(v2sf) =	vpush v37, $0xF;
	_, v27, _ =	vpop (xrf1)  }
0x144: {  	v32 =	vsel vm1, v32, v35;
	vm1 =	vgt.f32 v28, v30;
	vm2 =	vmand vm2, vm3;
	(xrf1) =	vsort.dscd.msk.f32 $0xffff, v33, v3  }
0x145: {  	vm1 =	vmor vm1, vm2;
	v33 =	vand.u32 $0xFFFFFF80, v27;
	v35 =	vand.u32 $0x7F, v27;
	v16 =	vmovc v24;
	(xrf1) =	vsort.dscd.msk.f32 $0xffff, v39, v0  }
0x146: {  	v37 =	vsel vm1, v28, v30;
	_, v24, _ =	vpop (xrf1);
	(xrf1) =	vsort.dscd.msk.f32 $0xffff, v31, v32;
	v31 =	vadd.s32 s22, v33;
	v32 =	vperm.xlane v27, v7;
	s22 =	smov.u32 s21;
	s21 =	smov.u32 s29  }
0x147: {  	v41 =	vperm.xlane v21, v7;
	v33 =	vand.u32 $0xFFFFFF80, v24;
	v36 =	vand.u32 $0x7F, v24  }
0x148: {  	v30 =	vadd.s32 s26, v33;
	v33 =	vld.idx.msk [tilespmem:v23+s3+$0x0], $0xffff;
	v23 =	vsel vm1, v29, v34;
	v29 =	vor.u32 v35, v31  }
0x149: {  	v30 =	vor.u32 v36, v30;
	[tilespmem:v42+s11+$0x0] =	vst.idx.add.f32.msk $0xff, v6;
	(xrf1) =	vsort.dscd.msk.f32 $0xffff, v37, v23;
	v28 =	vpop (erf)  }
0x14a: {  	v23 =	vsel vm0, v12, v32;
	v12 =	vmov v19;
	v31, v34, _ =	vpop (xrf1);
	v35 =	vld [tilespmem:s16+$0xB0];
	v26 =	vmul.f32 v28, v26  }
0x14b: {  	v19 =	vmov v24;
	v28 =	vperm.xlane v31, v5;
	v31 =	vperm.xlane v34, v5;
	v32 =	vld [tilespmem:s16+$0x90];
	v34 =	vpop (erf);
	s28 =	spop (v2sf)  }
0x14c: {  	v24, v36, _ =	vpop (xrf1);
	v37 =	vld [tilespmem:s16+$0xA0];
	v34 =	vmul.f32 v34, v14;
	v26 =	vperm.xlane v26, v7;
	s28 =	sadd.f32 $9.999999680e-21, s28;
	v14 =	vmov v22  }
0x14d: {  	v13 =	vsel vm0, v13, v41;
	v38 =	vperm.xlane v24, v5;
	v39, v40, _ =	vpop (xrf1);
	v22 =	vld [tilespmem:s16+$0x80]  }
0x14e: {  	s18 =	sadd.s32 $0x20, s18;
	v36 =	vperm.xlane v36, v5;
	[tilespmem:v21+s11+$0x0] =	vst.idx.add.f32.msk $0xff, v6;
	_, v21, _ =	vpop (xrf1);
	v26 =	vsel vm0, v34, v26;
	v34 =	vmov s28  }
0x14f: {  	s20 =	sadd.s32 $0x20, s20;
	s28 =	sadd.s32 $0x180, s17;
	s17 =	smov.u32 s26;
	v43, v44, _ =	vpop (xrf1);
	v24 =	vld.idx.msk [tilespmem:v30+s3+$0x0], $0xffff;
	v30 =	vadd.f32 v35, v11;
	v35 =	vand.u32 $0xFFFFFF80, v21;
	[tilespmem:s18+$0x0] =	vst v26;
	v48 =	vand.u32 $0x7F, v21  }
0x150: {  	v41, v45, _ =	vpop (xrf1);
	v26 =	vadd.f32 v32, v10;
	v35 =	vadd.s32 s28, v35;
	v29 =	vld.idx.msk [tilespmem:v29+s3+$0x0], $0xffff;
	[tilespmem:s20+$0x0] =	vst v13  }
0x151: {  	v46, v47, _ =	vpop (xrf1);
	v49 =	vadd.f32 v37, v9;
	(xrf1) =	vsort.dscd.msk.f32 $0xffff, v30, v4;
	v30 =	vor.u32 v48, v35;
	(erf) = vrcp.f32 v34  }
0x152: {  	v13 =	vmov v18;
	vm1 =	veq.f32 v46, v28;
	v32, v34, _ =	vpop (xrf1);
	v50 =	vadd.f32 v22, v8;
	(xrf1) =	vsort.dscd.msk.f32 $0xffff, v26, v2;
	s26 =	spop (v2sf)  }
0x153: {  	v18 =	vmov v42;
	vm2 =	veq.f32 v32, v38;
	vm3 =	vlt.s32 v34, v36;
	v35, v48, _ =	vpop (xrf1);
	(xrf1) =	vsort.dscd.msk.f32 $0xffff, v49, v3;
	s26 =	sadd.f32 $9.999999680e-21, s26  }
0x154: {  	vm4 =	vlt.s32 v47, v31;
	vm5 =	vgt.f32 v32, v38;
	vm2 =	vmand vm2, vm3;
	(xrf1) =	vsort.dscd.msk.f32 $0xffff, v50, v0;
	v37, v42, _ =	vpop (xrf1)  }
0x155: {  	v22 =	vmovc v33;
	vm1 =	vmand vm1, vm4;
	vm3 =	vgt.f32 v46, v28;
	vm2 =	vmor vm5, vm2;
	[tilespmem:v19+s11+$0x0] =	vst.idx.add.f32.msk $0xff, v6  }
0x156: {  	vm1 =	vmor vm3, vm1;
	v26 =	vsel vm2, v32, v38;
	v32 =	vsel vm2, v34, v36;
	v30 =	vld.idx.msk [tilespmem:v30+s3+$0x0], $0xffff  }
0x157: {  	v29 =	vnsel vm0, $0x0, v29;
	v28 =	vsel vm1, v46, v28;
	v31 =	vsel vm1, v47, v31;
	(xrf1) =	vsort.dscd.msk.f32 $0xffff, v26, v32;
	v32 =	vld [tilespmem:s16+$0xFFFFFFB0];
	v33, v34, _ =	vpop (xrf1)  }
0x158: {  	v36 =	vperm.xlane v39, v5;
	v38 =	vperm.xlane v40, v5;
	(xrf1) =	vsort.dscd.msk.f32 $0xffff, v28, v31;
	v31 =	vnsel vm0, $0x0, v24;
	v28 =	vld [tilespmem:s16+$0xFFFFFF90]  }
0x159: {  	v39 =	vperm.xlane v43, v5;
	v40 =	vperm.xlane v44, v5;
	v26 =	vnsel vm0, $0x0, v14;
	v43 =	vld [tilespmem:s16+$0xFFFFFFA0]  }
0x15a: {  	vm1 =	vgt.f32 v41, v36;
	vm2 =	veq.f32 v41, v36;
	vm3 =	vlt.s32 v45, v38;
	v44 =	vld [tilespmem:s16+$0xFFFFFF80];
	(xrf2) =	vadd.scan.msk.f32 $0xffff, v26;
	v46 =	vpop (erf);
	s16 =	smov.u32 s25  }
0x15b: {  	vm4 =	veq.f32 v35, v39;
	vm5 =	vlt.s32 v48, v40;
	vm2 =	vmand vm2, vm3;
	[tilespmem:v27+s11+$0x0] =	vst.idx.add.f32.msk $0xff, v6  }
0x15c: {  	vm3 =	vmand vm4, vm5;
	vm1 =	vmor vm1, vm2;
	v26 =	vnsel vm0, $0x0, v30  }
0x15d: {  	vm2 =	vgt.f32 v35, v39;
	v27 =	vsel vm1, v41, v36;
	v30 =	vsel vm1, v45, v38;
	(xrf2) =	vadd.scan.msk.f32 $0xffff, v26  }
0x15e: {  	vm1 =	vmor vm2, vm3;
	v45 =	vadd.f32 v32, v11;
	(xrf1) =	vsort.dscd.msk.f32 $0xffff, v27, v30;
	v27 =	vadd.f32 v28, v10  }
0x15f: {  	v32 =	vsel vm1, v48, v40;
	v30 =	vsel vm1, v35, v39;
	v35 =	vadd.f32 v43, v9;
	v36, v38, _ =	vpop (xrf1)  }
0x160: {  	v47 =	vmov s26;
	(xrf1) =	vsort.dscd.msk.f32 $0xffff, v30, v32;
	v30 =	vperm.xlane v36, v5;
	v32 =	vperm.xlane v38, v5;
	v36, v38, _ =	vpop (xrf1)  }
0x161: {  	v40 =	vadd.f32 v44, v8;
	v36 =	vperm.xlane v36, v5;
	(xrf1) =	vsort.dscd.msk.f32 $0xffff, v45, v4;
	v28, v41, _ =	vpop (xrf1);
	(erf) = vrcp.f32 v47  }
0x162: {  	v38 =	vperm.xlane v38, v5;
	vm1 =	veq.f32 v28, v30;
	vm2 =	vlt.s32 v41, v32;
	v39, v43, _ =	vpop (xrf1)  }
0x163: {  	vm4 =	vgt.f32 v28, v30;
	vm3 =	vgt.f32 v39, v36;
	vm1 =	vmand vm1, vm2;
	(xrf1) =	vsort.dscd.msk.f32 $0xffff, v27, v2  }
0x164: {  	vm2 =	veq.f32 v39, v36;
	vm5 =	vlt.s32 v43, v38;
	vm1 =	vmor vm4, vm1;
	(xrf1) =	vsort.dscd.msk.f32 $0xffff, v35, v3;
	v35, _, _ =	vpop (xrf2)  }
0x165: {  	v37 =	vperm.xlane v37, v5;
	vm2 =	vmand vm2, vm5;
	v27, v44, _ =	vpop (xrf1);
	v28 =	vsel vm1, v28, v30  }
0x166: {  	v30 =	vsel vm1, v41, v32;
	(xrf1) =	vsort.dscd.msk.f32 $0xffff, v40, v0;
	vm1 =	vmor vm3, vm2;
	v32 =	vperm.xlane v27, v5  }
0x167: {  	v40, v41, _ =	vpop (xrf1);
	(xrf1) =	vsort.dscd.msk.f32 $0xffff, v28, v30;
	v28 =	vperm.xlane v44, v5;
	v27 =	vsel vm1, v39, v36  }
0x168: {  	v30 =	vsel vm1, v43, v38;
	v38 =	vperm.xlane v42, v5;
	vm1 =	veq.f32 v33, v37;
	v36, _, _ =	vpop (xrf2)  }
0x169: {  	(xrf1) =	vsort.dscd.msk.f32 $0xffff, v27, v30;
	(v2sf) =	vpush v36, $0xF;
	vm2 =	veq.f32 v40, v32;
	vm3 =	vlt.s32 v41, v28  }
0x16a: {  	vm4 =	vgt.f32 v33, v37;
	vm5 =	vgt.f32 v40, v32;
	vm2 =	vmand vm2, vm3  }
0x16b: {  	v39 =	vmul.f32 v46, v25;
	v27 =	vpop (erf);
	(v2sf) =	vpush v35, $0xF;
	vm2 =	vmor vm5, vm2  }
.Ltmp0:
0x16c: {  	v25 =	vmovc v29;
	vm3 =	vlt.s32 v34, v38;
	(xrf2) =	vadd.scan.msk.f32 $0xffff, v29;
	v35 =	vsel vm2, v40, v32;
	(pc) =	sbr.rel @p0 .LBB2_2-.Ltmp0, $4  }
0x16d: {  	vm1 =	vmand vm1, vm3;
	v36 =	vsel vm2, v41, v28;
	v28, v29, _ =	vpop (xrf1)  }
0x16e: {  	vm1 =	vmor vm4, vm1;
	v28 =	vperm.xlane v28, v5;
	v29 =	vperm.xlane v29, v5;
	(xrf1) =	vsort.dscd.msk.f32 $0xffff, v35, v36  }
0x16f: {  	v33 =	vsel vm1, v33, v37;
	v34 =	vsel vm1, v34, v38;
	v32, v30, _ =	vpop (xrf1);
	(xrf2) =	vadd.scan.msk.f32 $0xffff, v31;
	v31 =	vperm.xlane v39, v7  }
0x170: {  	s25 =	sadd.s32 $0x200, s25;
	vm1 =	vgt.f32 v32, v28;
	vm2 =	veq.f32 v32, v28;
	vm3 =	vlt.s32 v30, v29;
	v36, v35, _ =	vpop (xrf1)  }
0x171: {  	_ =	sdelay $0x5  }
0x172: {  	v37, v38, _ =	vpop (xrf1)  }
0x173: {  	v39, v40, _ =	vpop (xrf1)  }
0x174: {  	v41, v42, _ =	vpop (xrf1)  }
0x175: {  	vm2 =	vmand vm2, vm3;
	v43, v44, _ =	vpop (xrf1)  }
0x176: {  	s23 =	sadd.s32 $0x4, s23;
	vm1 =	vmor vm1, vm2;
	v45, v46, _ =	vpop (xrf1)  }
0x177: {  	s23 =	sshll.u32 s23, $0x7;
	v32 =	vsel vm1, v32, v28;
	v29 =	vsel vm1, v30, v29;
	(xrf1) =	vsort.dscd.msk.f32 $0xffff, v33, v34;
	_, v28, _ =	vpop (xrf1)  }
0x178: {  	s24 =	sadd.s32 $0x100, s23;
	(xrf1) =	vsort.dscd.msk.f32 $0xffff, v32, v29;
	v47 =	vand.u32 $0xFFFFFF80, v28  }
0x179: {  	v48 =	vand.u32 $0x7F, v28;
	v29 =	vadd.s32 s24, v47  }
0x17a: {  	v29 =	vor.u32 v48, v29;
	_ =	sdelay $0x1  }
0x17b: {  	v49 =	vperm.xlane v36, v5;
	v50 =	vperm.xlane v35, v5  }
0x17c: {  	v53 =	vperm.xlane v37, v5;
	v54 =	vperm.xlane v38, v5  }
0x17d: {  	v51 =	vperm.xlane v43, v5;
	v52 =	vperm.xlane v44, v5  }
0x17e: {  	vm1 =	veq.f32 v39, v49;
	vm2 =	vlt.s32 v40, v50;
	vm5 =	vgt.f32 v39, v49;
	v30 =	vld.idx.msk [tilespmem:v29+s3+$0x0], $0xffff  }
0x17f: {  	vm1 =	vmand vm1, vm2;
	vm3 =	veq.f32 v45, v51;
	vm4 =	vlt.s32 v46, v52;
	[tilespmem:v28+s11+$0x0] =	vst.idx.add.f32.msk $0xff, v6  }
0x180: {  	vm1 =	vmor vm5, vm1;
	vm13 =	vgt.f32 v45, v51;
	vm3 =	vmand vm3, vm4;
	v55 =	vld [tilespmem:s16+$0xB0]  }
0x181: {  	vm2 =	veq.f32 v41, v53;
	v60 =	vsel vm1, v39, v49;
	vm3 =	vmor vm13, vm3;
	v58 =	vld [tilespmem:s16+$0x90]  }
0x182: {  	v56 =	vsel vm3, v45, v51;
	v57 =	vsel vm3, v46, v52;
	vm3 =	vlt.s32 v42, v54;
	v59 =	vld [tilespmem:s16+$0xA0]  }
0x183: {  	v61 =	vsel vm1, v40, v50;
	vm1 =	vgt.f32 v41, v53;
	(xrf1) =	vsort.dscd.msk.f32 $0xffff, v56, v57;
	vm2 =	vmand vm2, vm3;
	v62 =	vld [tilespmem:s16+$0x80]  }
0x184: {  	vm1 =	vmor vm1, vm2;
	(xrf1) =	vsort.dscd.msk.f32 $0xffff, v60, v61;
	_, v33, _ =	vpop (xrf1)  }
0x185: {  	v63 =	vsel vm1, v41, v53;
	v40 =	vsel vm1, v42, v54;
	_, v29, _ =	vpop (xrf1);
	v41 =	vadd.f32 v55, v11  }
0x186: {  	(xrf1) =	vsort.dscd.msk.f32 $0xffff, v63, v40;
	v42 =	vand.u32 $0xFFFFFF80, v29;
	v43 =	vadd.f32 v58, v10  }
0x187: {  	v44 =	vand.u32 $0x7F, v29;
	v45 =	vadd.s32 s23, v42;
	v34 =	vadd.f32 v59, v9;
	(xrf1) =	vsort.dscd.msk.f32 $0xffff, v41, v4  }
0x188: {  	v35 =	vor.u32 v44, v45;
	v46 =	vadd.f32 v62, v8;
	(xrf1) =	vsort.dscd.msk.f32 $0xffff, v43, v2  }
0x189: {  	(xrf1) =	vsort.dscd.msk.f32 $0xffff, v34, v3  }
0x18a: {  	(xrf1) =	vsort.dscd.msk.f32 $0xffff, v46, v0;
	_ =	sdelay $0x2  }
0x18b: {  	v32 =	vld.idx.msk [tilespmem:v35+s3+$0x0], $0xffff  }
0x18c: {  	[tilespmem:v29+s11+$0x0] =	vst.idx.add.f32.msk $0xff, v6  }
0x18d: {  	v47 =	vld [tilespmem:s16+$0xFFFFFFB0]  }
0x18e: {  	v48 =	vld [tilespmem:s16+$0xFFFFFF90]  }
0x18f: {  	v49 =	vld [tilespmem:s16+$0xFFFFFFA0]  }
0x190: {  	v50 =	vld [tilespmem:s16+$0xFFFFFF80];
	_, v34, _ =	vpop (xrf1)  }
0x191: {  	v52, v51, _ =	vpop (xrf1)  }
0x192: {  	v41, v42, _ =	vpop (xrf1)  }
0x193: {  	v53 =	vadd.f32 v48, v10;
	v54 =	vadd.f32 v47, v11;
	v56, v55, _ =	vpop (xrf1)  }
0x194: {  	v57 =	vadd.f32 v49, v9;
	v35 =	vperm.xlane v56, v5;
	v36 =	vperm.xlane v55, v5;
	v59, v58, _ =	vpop (xrf1)  }
0x195: {  	v8 =	vadd.f32 v50, v8;
	(xrf1) =	vsort.dscd.msk.f32 $0xffff, v54, v4;
	v37 =	vperm.xlane v59, v5;
	v61, v60, _ =	vpop (xrf1)  }
0x196: {  	v43 =	vperm.xlane v58, v5;
	vm1 =	veq.f32 v61, v35;
	vm2 =	vlt.s32 v60, v36;
	v62, v63, _ =	vpop (xrf1)  }
0x197: {  	(xrf1) =	vsort.dscd.msk.f32 $0xffff, v53, v2;
	vm3 =	vgt.f32 v62, v37;
	vm1 =	vmand vm1, vm2;
	vm2 =	vgt.f32 v61, v35  }
0x198: {  	(xrf1) =	vsort.dscd.msk.f32 $0xffff, v57, v3;
	vm14 =	vlt.s32 v63, v43;
	vm1 =	vmor vm2, vm1;
	vm2 =	veq.f32 v62, v37  }
0x199: {  	(xrf1) =	vsort.dscd.msk.f32 $0xffff, v8, v0;
	vm2 =	vmand vm2, vm14;
	v35 =	vsel vm1, v61, v35;
	v46 =	vsel vm1, v60, v36  }
0x19a: {  	vm1 =	vmor vm3, vm2;
	(xrf1) =	vsort.dscd.msk.f32 $0xffff, v35, v46  }
0x19b: {  	v8 =	vsel vm1, v62, v37;
	v47 =	vsel vm1, v63, v43  }
0x19c: {  	(xrf1) =	vsort.dscd.msk.f32 $0xffff, v8, v47;
	_ =	sdelay $0x7  }
0x19d: {  	v50, v49, _ =	vpop (xrf1)  }
0x19e: {  	v48 =	vperm.xlane v51, v5;
	v8 =	vperm.xlane v52, v5;
	v51, v52, _ =	vpop (xrf1)  }
0x19f: {  	v54, v53, _ =	vpop (xrf1)  }
0x1a0: {  	vm2 =	vlt.s32 v42, v48;
	vm1 =	veq.f32 v41, v8;
	v55, v56, _ =	vpop (xrf1)  }
0x1a1: {  	v10 =	vperm.xlane v50, v5;
	vm3 =	vgt.f32 v41, v8;
	vm1 =	vmand vm1, vm2;
	v58, v57, _ =	vpop (xrf1)  }
0x1a2: {  	vm1 =	vmor vm3, vm1;
	v59 =	vperm.xlane v58, v5;
	v60 =	vperm.xlane v57, v5  }
0x1a3: {  	v11 =	vperm.xlane v49, v5;
	v35 =	vperm.xlane v51, v5;
	v8 =	vsel vm1, v41, v8;
	v62, v61, _ =	vpop (xrf1)  }
0x1a4: {  	v9 =	vsel vm1, v42, v48;
	vm1 =	veq.f32 v62, v59;
	vm2 =	vlt.s32 v61, v60  }
0x1a5: {  	v36 =	vperm.xlane v52, v5;
	vm1 =	vmand vm1, vm2;
	vm2 =	vgt.f32 v62, v59  }
0x1a6: {  	vm3 =	veq.f32 v54, v10;
	vm1 =	vmor vm2, vm1;
	vm2 =	vlt.s32 v53, v11  }
0x1a7: {  	(xrf1) =	vsort.dscd.msk.f32 $0xffff, v8, v9;
	vm15 =	vlt.s32 v56, v36;
	v8 =	vsel vm1, v62, v59;
	vm2 =	vmand vm3, vm2  }
0x1a8: {  	vm3 =	vgt.f32 v54, v10;
	v63 =	vsel vm1, v61, v60;
	vm1 =	veq.f32 v55, v35  }
0x1a9: {  	vm2 =	vmor vm3, vm2;
	(xrf1) =	vsort.dscd.msk.f32 $0xffff, v8, v63;
	vm1 =	vmand vm1, vm15  }
0x1aa: {  	v8 =	vsel vm2, v54, v10;
	v38 =	vsel vm2, v53, v11;
	vm2 =	vgt.f32 v55, v35  }
0x1ab: {  	vm1 =	vmor vm2, vm1;
	(xrf1) =	vsort.dscd.msk.f32 $0xffff, v8, v38  }
0x1ac: {  	v8 =	vsel vm1, v55, v35;
	v40 =	vsel vm1, v56, v36  }
0x1ad: {  	(xrf1) =	vsort.dscd.msk.f32 $0xffff, v8, v40;
	_ =	sdelay $0x9  }
0x1ae: {  	_, v8, _ =	vpop (xrf1)  }
0x1af: {  	_, v9, _ =	vpop (xrf1)  }
0x1b0: {  	v41, v42, _ =	vpop (xrf1)  }
0x1b1: {  	v10 =	vperm.xlane v41, v5;
	v11 =	vperm.xlane v42, v5  }
0x1b2: {  	v43, v44, _ =	vpop (xrf1)  }
0x1b3: {  	vm1 =	veq.f32 v43, v10;
	vm2 =	vlt.s32 v44, v11  }
0x1b4: {  	vm3 =	vgt.f32 v43, v10;
	vm1 =	vmand vm1, vm2  }
0x1b5: {  	vm1 =	vmor vm3, vm1  }
0x1b6: {  	v10 =	vsel vm1, v43, v10;
	v11 =	vsel vm1, v44, v11  }
0x1b7: {  	(xrf1) =	vsort.dscd.msk.f32 $0xffff, v10, v11;
	_ =	sdelay $0x3  }
0x1b8: {  	s17 =	sadd.s32 $0x180, s17;
	v45 =	vand.u32 $0xFFFFFF80, v34  }
0x1b9: {  	v46 =	vand.u32 $0x7F, v34;
	v10 =	vadd.s32 s17, v45  }
0x1ba: {  	v10 =	vor.u32 v46, v10;
	_ =	sdelay $0x1  }
0x1bb: {  	v47 =	vand.u32 $0xFFFFFF80, v33  }
0x1bc: {  	v48 =	vand.u32 $0x7F, v33;
	v11 =	vadd.s32 s22, v47  }
0x1bd: {  	v11 =	vor.u32 v48, v11  }
0x1be: {  	v49 =	vand.u32 $0xFFFFFF80, v9;
	s22 =	sadd.s32 $0x180, s23;
	v50 =	vld.idx.msk [tilespmem:v10+s3+$0x0], $0xffff  }
0x1bf: {  	v51 =	vand.u32 $0x7F, v9;
	v35 =	vadd.s32 s22, v49  }
0x1c0: {  	v52 =	vand.u32 $0xFFFFFF80, v8;
	v35 =	vor.u32 v51, v35  }
0x1c1: {  	v53 =	vand.u32 $0x7F, v8;
	v54 =	vadd.s32 s21, v52;
	_, v10, _ =	vpop (xrf1)  }
0x1c2: {  	s24 =	sadd.s32 $0x80, s23;
	v55 =	vnsel vm0, $0x0, v22;
	v37 =	vor.u32 v53, v54;
	v11 =	vld.idx.msk [tilespmem:v11+s3+$0x0], $0xffff;
	v56 =	vand.u32 $0xFFFFFF80, v10  }
0x1c3: {  	(xrf2) =	vadd.scan.msk.f32 $0xffff, v55;
	v36 =	vnsel vm0, $0x0, v50;
	v57 =	vand.u32 $0x7F, v10;
	v38 =	vadd.s32 s24, v56  }
0x1c4: {  	(xrf2) =	vadd.scan.msk.f32 $0xffff, v36;
	v38 =	vor.u32 v57, v38  }
0x1c5: {  	v35 =	vld.idx.msk [tilespmem:v35+s3+$0x0], $0xffff;
	_ =	sdelay $0x1  }
0x1c6: {  	v37 =	vld.idx.msk [tilespmem:v37+s3+$0x0], $0xffff;
	v39 =	vnsel vm0, $0x0, v11  }
0x1c7: {  	v58 =	vnsel vm0, $0x0, v32;
	(xrf2) =	vadd.scan.msk.f32 $0xffff, v39  }
0x1c8: {  	v59 =	vnsel vm0, $0x0, v30;
	(xrf2) =	vadd.scan.msk.f32 $0xffff, v58;
	v60 =	vld.idx.msk [tilespmem:v38+s3+$0x0], $0xffff  }
0x1c9: {  	v35 =	vnsel vm0, $0x0, v35;
	(xrf2) =	vadd.scan.msk.f32 $0xffff, v59  }
0x1ca: {  	v61, _, _ =	vpop (xrf2);
	(xrf2) =	vadd.scan.msk.f32 $0xffff, v35  }
0x1cb: {  	v62, _, _ =	vpop (xrf2);
	v37 =	vnsel vm0, $0x0, v37  }
0x1cc: {  	(v2sf) =	vpush v61, $0xF;
	v63, _, _ =	vpop (xrf2);
	(xrf2) =	vadd.scan.msk.f32 $0xffff, v37  }
0x1cd: {  	(v2sf) =	vpush v62, $0xF;
	v44, _, _ =	vpop (xrf2);
	v11 =	vnsel vm0, $0x0, v60  }
0x1ce: {  	(v2sf) =	vpush v44, $0xF;
	(xrf2) =	vadd.scan.msk.f32 $0xffff, v11;
	_ =	sdelay $0x1  }
0x1cf: {  	(v2sf) =	vpush v63, $0xF  }
0x1d0: {  	v45, _, _ =	vpop (xrf2)  }
0x1d1: {  	v46, _, _ =	vpop (xrf2)  }
0x1d2: {  	(v2sf) =	vpush v45, $0xF;
	v47, _, _ =	vpop (xrf2)  }
0x1d3: {  	v48, _, _ =	vpop (xrf2);
	(v2sf) =	vpush v46, $0xF  }
0x1d4: {  	(v2sf) =	vpush v48, $0xF  }
0x1d5: {  	v49, _, _ =	vpop (xrf2);
	(v2sf) =	vpush v47, $0xF  }
0x1d6: {  	s25 =	spop (v2sf);
	(v2sf) =	vpush v49, $0xF  }
0x1d7: {  	v50, _, _ =	vpop (xrf2)  }
0x1d8: {  	s26 =	spop (v2sf);
	(v2sf) =	vpush v50, $0xF  }
0x1d9: {  	s16 =	sadd.f32 $9.999999680e-21, s25  }
0x1da: {  	s28 =	spop (v2sf);
	s17 =	sadd.f32 $9.999999680e-21, s26  }
0x1db: {  	s29 =	sadd.f32 $9.999999680e-21, s28;
	s30 =	spop (v2sf);
	v51 =	vmov s16  }
0x1dc: {  	v52 =	vmov s17;
	s17 =	sadd.f32 $9.999999680e-21, s30;
	(erf) = vrcp.f32 v51;
	s31 =	spop (v2sf)  }
0x1dd: {  	v53 =	vmov s29;
	(erf) = vrcp.f32 v52;
	s22 =	sadd.f32 $9.999999680e-21, s31  }
0x1de: {  	v54 =	vmov s17;
	(erf) = vrcp.f32 v53;
	s23 =	spop (v2sf)  }
0x1df: {  	(erf) = vrcp.f32 v54;
	s21 =	sadd.f32 $9.999999680e-21, s23;
	v55 =	vmov s22  }
0x1e0: {  	(erf) = vrcp.f32 v55  }
0x1e1: {  	s24 =	spop (v2sf);
	v56 =	vmov s21  }
0x1e2: {  	s16 =	sadd.f32 $9.999999680e-21, s24;
	s25 =	spop (v2sf);
	(erf) = vrcp.f32 v56  }
0x1e3: {  	s26 =	spop (v2sf);
	s28 =	sadd.f32 $9.999999680e-21, s25  }
0x1e4: {  	v57 =	vmov s16;
	s29 =	sadd.f32 $9.999999680e-21, s26;
	s30 =	spop (v2sf)  }
0x1e5: {  	v58 =	vpop (erf);
	(erf) = vrcp.f32 v57;
	v60 =	vmov s28;
	s31 =	sadd.f32 $9.999999680e-21, s30;
	s21 =	spop (v2sf)  }
0x1e6: {  	v15 =	vsel vm0, v15, v31;
	[tilespmem:v21+s11+$0x0] =	vst.idx.add.f32.msk $0xff, v6;
	v59 =	vpop (erf);
	(erf) = vrcp.f32 v60;
	v61 =	vmov s29;
	s22 =	sadd.f32 $9.999999680e-21, s21  }
0x1e7: {  	[tilespmem:s15+$0xFFFFFFF0] =	vst v15;
	v63 =	vpop (erf);
	(erf) = vrcp.f32 v61;
	v40 =	vmov s31;
	s23 =	spop (v2sf)  }
0x1e8: {  	[tilespmem:s19+$0xFFFFFFF0] =	vst v20;
	v26 =	vmul.f32 v58, v26;
	v41 =	vpop (erf);
	(erf) = vrcp.f32 v40;
	v42 =	vmov s22;
	s25 =	sadd.f32 $9.999999680e-21, s23  }
0x1e9: {  	[tilespmem:v8+s11+$0x0] =	vst.idx.add.f32.msk $0xff, v6;
	v44 =	vpop (erf);
	(erf) = vrcp.f32 v42  }
0x1ea: {  	[tilespmem:v33+s11+$0x0] =	vst.idx.add.f32.msk $0xff, v6;
	v14 =	vmul.f32 v59, v14;
	v62 =	vperm.xlane v26, v7;
	v46 =	vmov s25  }
0x1eb: {  	[tilespmem:v34+s11+$0x0] =	vst.idx.add.f32.msk $0xff, v6;
	v25 =	vmul.f32 v63, v25;
	v47 =	vpop (erf);
	(erf) = vrcp.f32 v46  }
0x1ec: {  	[tilespmem:v9+s11+$0x0] =	vst.idx.add.f32.msk $0xff, v6;
	v14 =	vsel vm0, v14, v62;
	v38 =	vperm.xlane v21, v7  }
0x1ed: {  	[tilespmem:v10+s11+$0x0] =	vst.idx.add.f32.msk $0xff, v6;
	v43 =	vperm.xlane v25, v7;
	s24 =	sadd.s32 $0x20, s18;
	v45 =	vmul.f32 v44, v36  }
0x1ee: {  	v13 =	vsel vm0, v13, v38;
	[tilespmem:s24+$0x0] =	vst v14;
	s26 =	sadd.s32 $0x20, s20;
	v48 =	vpop (erf);
	v49 =	vmul.f32 v47, v22  }
0x1ef: {  	v14 =	vsel vm0, v17, v43;
	[tilespmem:s26+$0x0] =	vst v13;
	v13 =	vperm.xlane v45, v7;
	v20 =	vmul.f32 v48, v39;
	v51 =	vpop (erf)  }
0x1f0: {  	v16 =	vmul.f32 v27, v16;
	v50 =	vperm.xlane v34, v7;
	[tilespmem:s18+$0xFFFFFFF0] =	vst v14;
	v52 =	vpop (erf)  }
0x1f1: {  	[tilespmem:s20+$0xFFFFFFF0] =	vst v23;
	s28 =	sadd.s32 $0x20, s24;
	v13 =	vsel vm0, v49, v13;
	v53 =	vperm.xlane v20, v7;
	v14 =	vmul.f32 v52, v35;
	v55 =	vpop (erf)  }
0x1f2: {  	v54 =	vperm.xlane v33, v7;
	v17 =	vsel vm0, v18, v50;
	s29 =	sadd.s32 $0x20, s26;
	[tilespmem:s28+$0x0] =	vst v13;
	v56 =	vmul.f32 v55, v30;
	v57 =	vpop (erf)  }
0x1f3: {  	[tilespmem:s29+$0x0] =	vst v17;
	v13 =	vsel vm0, v16, v53;
	v14 =	vperm.xlane v14, v7;
	v16 =	vmul.f32 v57, v37  }
0x1f4: {  	v12 =	vsel vm0, v12, v54;
	v58 =	vperm.xlane v9, v7;
	v15 =	vmul.f32 v41, v24;
	[tilespmem:s24+$0xFFFFFFF0] =	vst v13;
	v60 =	vpop (erf)  }
0x1f5: {  	s30 =	sadd.s32 $0x20, s28;
	[tilespmem:s26+$0xFFFFFFF0] =	vst v12;
	v59 =	vsel vm0, v56, v14;
	v61 =	vperm.xlane v16, v7;
	v11 =	vmul.f32 v60, v11  }
0x1f6: {  	v8 =	vperm.xlane v8, v7;
	s31 =	sadd.s32 $0x20, s29;
	v12 =	vsel vm0, v28, v58;
	[tilespmem:s30+$0x0] =	vst v59  }
0x1f7: {  	v62 =	vmul.f32 v51, v32;
	[tilespmem:s31+$0x0] =	vst v12;
	v9 =	vsel vm0, v15, v61;
	v11 =	vperm.xlane v11, v7  }
0x1f8: {  	v8 =	vsel vm0, v19, v8;
	v10 =	vperm.xlane v10, v7;
	[tilespmem:s28+$0xFFFFFFF0] =	vst v9  }
0x1f9: {  	[tilespmem:s29+$0xFFFFFFF0] =	vst v8;
	v8 =	vsel vm0, v62, v11  }
0x1fa: {  	v63 =	vsel vm0, v29, v10;
	[tilespmem:s30+$0xFFFFFFF0] =	vst v8  }
0x1fb: {  	[tilespmem:s31+$0xFFFFFFF0] =	vst v63  }
0x1fc: {  	[hbm4b:s5+s3] =	stream.linear.scatter [tilespmem:s12], [sflag:$0x1], $0x800, $0x38;
	[tilespmem:$0x9100] =	vst v63  }
0x1fd: {  	_ =	swait.ge [sflag:s10], $0x800  }
0x1fe: {  	[sflag:s10] =	ssyncset.done $0x0  }
0x1ff: {  	[sflag:s10] =	ssyncadd.s32 $0xFFFFF800  }
0x200: {  	[hbm4b:s6+s3] =	stream.linear.scatter [tilespmem:s13], [sflag:$0x1], $0x800, $0x38;
	[tilespmem:$0x9100] =	vst v63  }
0x201: {  	s14 =	sadd.s32 $0x1, s14;
	_ =	swait.ge [sflag:s10], $0x800  }
0x202: {  	p0 =	sne.s32 s14, s8;
	[sflag:s10] =	ssyncset.done $0x0  }
.Ltmp1:
0x203: {  	[sflag:s10] =	ssyncadd.s32 $0xFFFFF800;
	(pc) =	sbr.rel @p0 .LBB2_1-.Ltmp1, $4  }
0x204: {  	[hbm4b:s7+s3] =	stream.linear.scatter [tilespmem:s11], [sflag:$0x1], $0x80, $0x38;
	[tilespmem:$0x9100] =	vst v63  }
0x205: {  	_ =	swait.ge [sflag:s10], $0x80  }
0x206: {  	[sflag:s10] =	ssyncset.done $0x0  }
0x207: {  	[sflag:s10] =	ssyncadd.s32 $0xFFFFFF80  }
0x208: {  	_ =	sfence.sel $0x180000  }
0x209: {  	[bflag:$0x0] =	sbarrier.arrive $0xFFFF  }
0x20a: {  	p0 =	sne.s32 s0, $0x0;
	_ =	strace $0x90000047  }
0x20b: {  	s0 =	sadd.s32 @!p0 $0x100000, s1;
	[bflag:$0x2] =	sbarrier.arrive $0xFFFF  }
0x20c: {  	[sflag:s0] =	ssyncadd.tile.s32 @!p0 $0x1;
	_ =	shalt  }
.Lfunc_end2:
_tile_overlayer_lowered:
.L_overlay_start_2:
0x20d: {  	(tag) =	ssettag $0x2  }
0x20e: {  	s0 =	rddreg [dreg:$0x0];
	s2 =	stileid.u32  }
0x20f: {  	s1 =	rddreg [dreg:$0x1];
	p0 =	sne.s32 s2, $0x0  }
0x210: {  	s3 =	rddreg [dreg:$0x2];
	[bflag:$0x3] =	sbarrier.arrive $0xFFFF;
	s2 =	simm.s32 @!p0 $0x1C01  }
0x211: {  	[timem:s3], [sflag:s2] =	dma.local @!p0 [hbm:s0], s1  }
0x212: {  	s0 =	simm.s32 @!p0 $0x1  }
0x213: {  	_ =	swait.ge @!p0 [sflag:s0], s1  }
0x214: {  	s1 =	ssub.s32 @!p0 $0x0, s1;
	[sflag:s0] =	ssyncset.done @!p0 $0x0  }
0x215: {  	[sflag:s0] =	ssyncadd.s32 @!p0 s1  }
0x216: {  	[bflag:$0x3] =	sbarrier.arrive $0xFFFF  }
0x217: {  	_ =	shalt  }

</sc_bundles>
